<compile_context>
chip_gen: v7x
topology: tpu7x:2x2x1
jax: 0.10.2.dev20260603
libtpu: 0.0.44.dev20260713+nightly
codegen_flags: <defaults>
</compile_context>

<pallas_src>
import functools

import jax
import jax.numpy as jnp
from jax import lax
from jax.experimental import pallas as pl
from jax.experimental.pallas import tpu as pltpu
from jax.experimental.pallas import tpu_sc as plsc

HIDDEN = 64
SEQ = 2048
BATCH = 4
TOTAL = BATCH * SEQ
NC, NS = 2, 16
NW = NC * NS
B_PER_W = TOTAL // NW
TILE = 8


def _make_kernel():
    mesh = plsc.VectorSubcoreMesh(core_axis_name="c", subcore_axis_name="s")

    out_rows = B_PER_W * HIDDEN // 128

    @functools.partial(
        pl.kernel,
        mesh=mesh,
        compiler_params=pltpu.CompilerParams(needs_layout_passes=False),
        out_type=jax.ShapeDtypeStruct((TOTAL * HIDDEN // 128, 128), jnp.float32),
        scratch_types=[
            pltpu.VMEM((TOTAL // 128, 128), jnp.int32),
            pltpu.VMEM((32, TILE, HIDDEN), jnp.float32),
            pltpu.VMEM((out_rows, 128), jnp.float32),
            pltpu.SemaphoreType.DMA,
        ],
    )
    def body(x_hbm, emb_hbm, pos_hbm, out_hbm, idx_v, tiles_v, pos_v, sem):
        wid = lax.axis_index("s") * NC + lax.axis_index("c")

        pltpu.sync_copy(x_hbm, idx_v)
        pos_base = pl.multiple_of(
            lax.rem(wid, SEQ // B_PER_W) * out_rows, out_rows)
        pltpu.sync_copy(pos_hbm.at[pl.ds(pos_base, out_rows)], pos_v)

        scale = jnp.float32(8.0)

        def step(gi, carry):
            row = wid * 2 + (gi >> 2)
            col = (gi & 3) * 32
            xs = []
            for h in range(2):
                xg = idx_v[row, pl.ds(col + h * 16, 16)]
                xs += [xg[l] for l in range(16)]
            copies = [
                pltpu.async_copy(emb_hbm.at[xs[l] >> 3], tiles_v.at[l], sem)
                for l in range(32)
            ]
            for l in range(32):
                copies[l].wait()
                r7 = xs[l] & 7
                r = gi * 16 + (l >> 1)
                for j in range(HIDDEN // 16):
                    sl = pl.ds((l & 1) * HIDDEN + j * 16, 16)
                    g = tiles_v[l, r7, pl.ds(j * 16, 16)]
                    pos_v[r, sl] = g * scale + pos_v[r, sl]
            return carry

        lax.fori_loop(0, B_PER_W // 32, step, 0)

        out_base = pl.multiple_of(wid * out_rows, out_rows)
        pltpu.sync_copy(pos_v, out_hbm.at[pl.ds(out_base, out_rows)])

    return body


def kernel(x, emb_table, pos_table):
    xf = x.reshape(TOTAL // 128, 128).astype(jnp.int32)
    emb3 = emb_table.reshape(emb_table.shape[0] // TILE, TILE, HIDDEN)
    pos2 = pos_table.reshape(SEQ * HIDDEN // 128, 128)
    out = _make_kernel()(xf, emb3, pos2)
    return out.reshape(BATCH, SEQ, HIDDEN)

# --- scband reference (transcript-rebuilt; emitter-appended) ---
"""Pipeline reference for scband-position-embedding-57844619542904 (READ-ONLY COPY).

The authoritative reference and input builder live on the scoring server;
editing this copy changes nothing except your own understanding.
"""

import jax, jax.numpy as jnp
import numpy as np

VOCAB_SIZE = 1000000
HIDDEN_SIZE = 64
MAXLEN = 2048
BATCH = 4
SEQ_LEN = 2048


def setup_inputs(seed: int = 0) -> dict:
    key = jax.random.key(seed)
    k1, k2, k3 = jax.random.split(key, 3)
    x = jax.random.randint(k1, (BATCH, SEQ_LEN), 0, VOCAB_SIZE, dtype=jnp.int64 if jax.config.jax_enable_x64 else jnp.int32)
    # Keras Embedding default init: uniform(-0.05, 0.05)
    emb_table = jax.random.uniform(k2, (VOCAB_SIZE, HIDDEN_SIZE), dtype=jnp.float32, minval=-0.05, maxval=0.05)
    pos_table = jax.random.uniform(k3, (MAXLEN, HIDDEN_SIZE), dtype=jnp.float32, minval=-0.05, maxval=0.05)
    return {"x": x, "emb_table": emb_table, "pos_table": pos_table}


def reference(x, emb_table, pos_table):
    # maxlen = x.shape[1]; position = range(0, maxlen)
    seq_len = x.shape[1]
    position = jnp.arange(seq_len)
    pos = jnp.take(pos_table, position, axis=0)          # [S, H]
    tok = jnp.take(emb_table, x, axis=0)                  # [B, S, H]
    tok = tok * jnp.sqrt(jnp.asarray(HIDDEN_SIZE, dtype=jnp.float32))
    return tok + pos[None, :, :]

if __name__ == "__main__":
    import jax
    _d = setup_inputs()
    print(jax.jit(kernel)(*tuple(_d.values())))

</pallas_src>

<mosaic_0001>
#map = affine_map<(d0, d1) -> (0, 0)>
#map1 = affine_map<(d0, d1) -> (0, 0, 0)>
module attributes {stable_mosaic.version = 14 : i64} {
  func.func @body(%arg0: i32, %arg1: i32, %arg2: memref<64x128xi32, #tpu.memory_space<hbm>>, %arg3: memref<125000x8x64xf32, #tpu.memory_space<hbm>>, %arg4: memref<1024x128xf32, #tpu.memory_space<hbm>>, %arg5: memref<4096x128xf32, #tpu.memory_space<hbm>>, %arg6: memref<64x128xi32, #tpu.memory_space<vmem>>, %arg7: memref<32x8x64xf32, #tpu.memory_space<vmem>>, %arg8: memref<128x128xf32, #tpu.memory_space<vmem>>, %arg9: memref<!tpu.dma_semaphore, #tpu.memory_space<semaphore_mem>>) attributes {dimension_semantics = [#tpu.dimension_semantics<core_parallel>, #tpu.dimension_semantics<subcore_parallel>], iteration_bounds = array<i64: 2, 16>, scalar_prefetch = 0 : i64, scratch_operands = 4 : i64, tpu.core_type = #tpu.core_type<sc_vector_subcore>, window_params = [{transform_indices = #map}, {transform_indices = #map1}, {transform_indices = #map}, {transform_indices = #map}]} {
    %mul3A = arith.constant 2 : i32
    %mul3A_0 = arith.muli %arg1, %mul3A : i32
    %add3A = arith.addi %mul3A_0, %arg0 : i32
    "tpu.region"() ({
      %run_scoped3A = tpu.sem_alloc : memref<!tpu.dma_semaphore, #tpu.memory_space<semaphore_mem>>
      tpu.enqueue_dma source(%arg2 : memref<64x128xi32, #tpu.memory_space<hbm>>) target(%arg6 : memref<64x128xi32, #tpu.memory_space<vmem>>) target_semaphore(%run_scoped3A : memref<!tpu.dma_semaphore, #tpu.memory_space<semaphore_mem>>)
      tpu.wait_dma2 semaphore(%run_scoped3A : memref<!tpu.dma_semaphore, #tpu.memory_space<semaphore_mem>>) src(%arg2 : memref<64x128xi32, #tpu.memory_space<hbm>>) dst(%arg6 : memref<64x128xi32, #tpu.memory_space<vmem>>)
      tpu.yield
    }) : () -> ()
    %rem3A = arith.constant 8 : i32
    %rem3A_1 = arith.remsi %add3A, %rem3A : i32
    %mul3A_2 = arith.constant 128 : i32
    %mul3A_3 = arith.muli %rem3A_1, %mul3A_2 : i32
    %multiple_of3A = tpu.assume_multiple %mul3A_3, 128 : i32
    "tpu.region"() ({
      %run_scoped3A = tpu.sem_alloc : memref<!tpu.dma_semaphore, #tpu.memory_space<semaphore_mem>>
      %dma_start3A = arith.constant 0 : i32
      %dma_start3A_13 = tpu.memref_slice %arg4[%multiple_of3A, %dma_start3A] : memref<1024x128xf32, #tpu.memory_space<hbm>> -> memref<128x128xf32, #tpu.memory_space<hbm>>
      %dma_start3A_14 = arith.constant 0 : i32
      %dma_start3A_15 = tpu.memref_slice %arg4[%multiple_of3A, %dma_start3A_14] : memref<1024x128xf32, #tpu.memory_space<hbm>> -> memref<128x128xf32, #tpu.memory_space<hbm>>
      tpu.enqueue_dma source(%dma_start3A_15 : memref<128x128xf32, #tpu.memory_space<hbm>>) target(%arg8 : memref<128x128xf32, #tpu.memory_space<vmem>>) target_semaphore(%run_scoped3A : memref<!tpu.dma_semaphore, #tpu.memory_space<semaphore_mem>>)
      %dma_wait3A = arith.constant 0 : i32
      %dma_wait3A_16 = tpu.memref_slice %arg4[%multiple_of3A, %dma_wait3A] : memref<1024x128xf32, #tpu.memory_space<hbm>> -> memref<128x128xf32, #tpu.memory_space<hbm>>
      %dma_wait3A_17 = arith.constant 0 : i32
      %dma_wait3A_18 = tpu.memref_slice %arg4[%multiple_of3A, %dma_wait3A_17] : memref<1024x128xf32, #tpu.memory_space<hbm>> -> memref<128x128xf32, #tpu.memory_space<hbm>>
      tpu.wait_dma2 semaphore(%run_scoped3A : memref<!tpu.dma_semaphore, #tpu.memory_space<semaphore_mem>>) src(%dma_wait3A_18 : memref<128x128xf32, #tpu.memory_space<hbm>>) dst(%arg8 : memref<128x128xf32, #tpu.memory_space<vmem>>)
      tpu.yield
    }) : () -> ()
    %scan3A = arith.constant 0 : i32
    %scan3A_4 = arith.constant 8.000000e+00 : f32
    %scan3A_5 = arith.constant 0 : i32
    %scan3A_6 = arith.constant 8 : i32
    %scan3A_7 = arith.addi %scan3A_5, %scan3A_6 : i32
    %scan3A_8 = arith.constant 1 : i32
    scf.for %scan3A_13 = %scan3A_5 to %scan3A_7 step %scan3A_8  : i32 {
      %mul3A_14 = arith.constant 2 : i32
      %mul3A_15 = arith.muli %add3A, %mul3A_14 : i32
      %shift_right_arithmetic3A = arith.constant 2 : i32
      %shift_right_arithmetic3A_16 = arith.shrsi %scan3A_13, %shift_right_arithmetic3A : i32
      %add3A_17 = arith.addi %mul3A_15, %shift_right_arithmetic3A_16 : i32
      %and3A = arith.constant 3 : i32
      %and3A_18 = arith.andi %scan3A_13, %and3A : i32
      %mul3A_19 = arith.constant 32 : i32
      %mul3A_20 = arith.muli %and3A_18, %mul3A_19 : i32
      %add3A_21 = arith.constant 0 : i32
      %add3A_22 = arith.addi %mul3A_20, %add3A_21 : i32
      %get3A = arith.index_cast %add3A_17 : i32 to index
      %get3A_23 = arith.index_cast %add3A_22 : i32 to index
      %get3A_24 = tpu.vector_load %arg6[%get3A, %get3A_23] {strides = array<i32>} : memref<64x128xi32, #tpu.memory_space<vmem>>, vector<16xi32>,
      %slice3A = vector.extract_strided_slice %get3A_24 {offsets = [0], sizes = [1], strides = [1]} : vector<16xi32> to vector<1xi32>
      %squeeze3A = vector.extract %slice3A[0] : i32 from vector<1xi32>
      %slice3A_25 = vector.extract_strided_slice %get3A_24 {offsets = [1], sizes = [1], strides = [1]} : vector<16xi32> to vector<1xi32>
      %squeeze3A_26 = vector.extract %slice3A_25[0] : i32 from vector<1xi32>
      %slice3A_27 = vector.extract_strided_slice %get3A_24 {offsets = [2], sizes = [1], strides = [1]} : vector<16xi32> to vector<1xi32>
      %squeeze3A_28 = vector.extract %slice3A_27[0] : i32 from vector<1xi32>
      %slice3A_29 = vector.extract_strided_slice %get3A_24 {offsets = [3], sizes = [1], strides = [1]} : vector<16xi32> to vector<1xi32>
      %squeeze3A_30 = vector.extract %slice3A_29[0] : i32 from vector<1xi32>
      %slice3A_31 = vector.extract_strided_slice %get3A_24 {offsets = [4], sizes = [1], strides = [1]} : vector<16xi32> to vector<1xi32>
      %squeeze3A_32 = vector.extract %slice3A_31[0] : i32 from vector<1xi32>
      %slice3A_33 = vector.extract_strided_slice %get3A_24 {offsets = [5], sizes = [1], strides = [1]} : vector<16xi32> to vector<1xi32>
      %squeeze3A_34 = vector.extract %slice3A_33[0] : i32 from vector<1xi32>
      %slice3A_35 = vector.extract_strided_slice %get3A_24 {offsets = [6], sizes = [1], strides = [1]} : vector<16xi32> to vector<1xi32>
      %squeeze3A_36 = vector.extract %slice3A_35[0] : i32 from vector<1xi32>
      %slice3A_37 = vector.extract_strided_slice %get3A_24 {offsets = [7], sizes = [1], strides = [1]} : vector<16xi32> to vector<1xi32>
      %squeeze3A_38 = vector.extract %slice3A_37[0] : i32 from vector<1xi32>
      %slice3A_39 = vector.extract_strided_slice %get3A_24 {offsets = [8], sizes = [1], strides = [1]} : vector<16xi32> to vector<1xi32>
      %squeeze3A_40 = vector.extract %slice3A_39[0] : i32 from vector<1xi32>
      %slice3A_41 = vector.extract_strided_slice %get3A_24 {offsets = [9], sizes = [1], strides = [1]} : vector<16xi32> to vector<1xi32>
      %squeeze3A_42 = vector.extract %slice3A_41[0] : i32 from vector<1xi32>
      %slice3A_43 = vector.extract_strided_slice %get3A_24 {offsets = [10], sizes = [1], strides = [1]} : vector<16xi32> to vector<1xi32>
      %squeeze3A_44 = vector.extract %slice3A_43[0] : i32 from vector<1xi32>
      %slice3A_45 = vector.extract_strided_slice %get3A_24 {offsets = [11], sizes = [1], strides = [1]} : vector<16xi32> to vector<1xi32>
      %squeeze3A_46 = vector.extract %slice3A_45[0] : i32 from vector<1xi32>
      %slice3A_47 = vector.extract_strided_slice %get3A_24 {offsets = [12], sizes = [1], strides = [1]} : vector<16xi32> to vector<1xi32>
      %squeeze3A_48 = vector.extract %slice3A_47[0] : i32 from vector<1xi32>
      %slice3A_49 = vector.extract_strided_slice %get3A_24 {offsets = [13], sizes = [1], strides = [1]} : vector<16xi32> to vector<1xi32>
      %squeeze3A_50 = vector.extract %slice3A_49[0] : i32 from vector<1xi32>
      %slice3A_51 = vector.extract_strided_slice %get3A_24 {offsets = [14], sizes = [1], strides = [1]} : vector<16xi32> to vector<1xi32>
      %squeeze3A_52 = vector.extract %slice3A_51[0] : i32 from vector<1xi32>
      %slice3A_53 = vector.extract_strided_slice %get3A_24 {offsets = [15], sizes = [1], strides = [1]} : vector<16xi32> to vector<1xi32>
      %squeeze3A_54 = vector.extract %slice3A_53[0] : i32 from vector<1xi32>
      %add3A_55 = arith.constant 16 : i32
      %add3A_56 = arith.addi %mul3A_20, %add3A_55 : i32
      %get3A_57 = arith.index_cast %add3A_17 : i32 to index
      %get3A_58 = arith.index_cast %add3A_56 : i32 to index
      %get3A_59 = tpu.vector_load %arg6[%get3A_57, %get3A_58] {strides = array<i32>} : memref<64x128xi32, #tpu.memory_space<vmem>>, vector<16xi32>,
      %slice3A_60 = vector.extract_strided_slice %get3A_59 {offsets = [0], sizes = [1], strides = [1]} : vector<16xi32> to vector<1xi32>
      %squeeze3A_61 = vector.extract %slice3A_60[0] : i32 from vector<1xi32>
      %slice3A_62 = vector.extract_strided_slice %get3A_59 {offsets = [1], sizes = [1], strides = [1]} : vector<16xi32> to vector<1xi32>
      %squeeze3A_63 = vector.extract %slice3A_62[0] : i32 from vector<1xi32>
      %slice3A_64 = vector.extract_strided_slice %get3A_59 {offsets = [2], sizes = [1], strides = [1]} : vector<16xi32> to vector<1xi32>
      %squeeze3A_65 = vector.extract %slice3A_64[0] : i32 from vector<1xi32>
      %slice3A_66 = vector.extract_strided_slice %get3A_59 {offsets = [3], sizes = [1], strides = [1]} : vector<16xi32> to vector<1xi32>
      %squeeze3A_67 = vector.extract %slice3A_66[0] : i32 from vector<1xi32>
      %slice3A_68 = vector.extract_strided_slice %get3A_59 {offsets = [4], sizes = [1], strides = [1]} : vector<16xi32> to vector<1xi32>
      %squeeze3A_69 = vector.extract %slice3A_68[0] : i32 from vector<1xi32>
      %slice3A_70 = vector.extract_strided_slice %get3A_59 {offsets = [5], sizes = [1], strides = [1]} : vector<16xi32> to vector<1xi32>
      %squeeze3A_71 = vector.extract %slice3A_70[0] : i32 from vector<1xi32>
      %slice3A_72 = vector.extract_strided_slice %get3A_59 {offsets = [6], sizes = [1], strides = [1]} : vector<16xi32> to vector<1xi32>
      %squeeze3A_73 = vector.extract %slice3A_72[0] : i32 from vector<1xi32>
      %slice3A_74 = vector.extract_strided_slice %get3A_59 {offsets = [7], sizes = [1], strides = [1]} : vector<16xi32> to vector<1xi32>
      %squeeze3A_75 = vector.extract %slice3A_74[0] : i32 from vector<1xi32>
      %slice3A_76 = vector.extract_strided_slice %get3A_59 {offsets = [8], sizes = [1], strides = [1]} : vector<16xi32> to vector<1xi32>
      %squeeze3A_77 = vector.extract %slice3A_76[0] : i32 from vector<1xi32>
      %slice3A_78 = vector.extract_strided_slice %get3A_59 {offsets = [9], sizes = [1], strides = [1]} : vector<16xi32> to vector<1xi32>
      %squeeze3A_79 = vector.extract %slice3A_78[0] : i32 from vector<1xi32>
      %slice3A_80 = vector.extract_strided_slice %get3A_59 {offsets = [10], sizes = [1], strides = [1]} : vector<16xi32> to vector<1xi32>
      %squeeze3A_81 = vector.extract %slice3A_80[0] : i32 from vector<1xi32>
      %slice3A_82 = vector.extract_strided_slice %get3A_59 {offsets = [11], sizes = [1], strides = [1]} : vector<16xi32> to vector<1xi32>
      %squeeze3A_83 = vector.extract %slice3A_82[0] : i32 from vector<1xi32>
      %slice3A_84 = vector.extract_strided_slice %get3A_59 {offsets = [12], sizes = [1], strides = [1]} : vector<16xi32> to vector<1xi32>
      %squeeze3A_85 = vector.extract %slice3A_84[0] : i32 from vector<1xi32>
      %slice3A_86 = vector.extract_strided_slice %get3A_59 {offsets = [13], sizes = [1], strides = [1]} : vector<16xi32> to vector<1xi32>
      %squeeze3A_87 = vector.extract %slice3A_86[0] : i32 from vector<1xi32>
      %slice3A_88 = vector.extract_strided_slice %get3A_59 {offsets = [14], sizes = [1], strides = [1]} : vector<16xi32> to vector<1xi32>
      %squeeze3A_89 = vector.extract %slice3A_88[0] : i32 from vector<1xi32>
      %slice3A_90 = vector.extract_strided_slice %get3A_59 {offsets = [15], sizes = [1], strides = [1]} : vector<16xi32> to vector<1xi32>
      %squeeze3A_91 = vector.extract %slice3A_90[0] : i32 from vector<1xi32>
      %shift_right_arithmetic3A_92 = arith.constant 3 : i32
      %shift_right_arithmetic3A_93 = arith.shrsi %squeeze3A, %shift_right_arithmetic3A_92 : i32
      %dma_start3A = arith.constant 0 : i32
      %dma_start3A_94 = arith.constant 0 : i32
      %dma_start3A_95 = arith.constant 0 : i32
      %dma_start3A_96 = tpu.memref_slice %arg7[%dma_start3A, %dma_start3A_94, %dma_start3A_95] : memref<32x8x64xf32, #tpu.memory_space<vmem>> -> memref<1x8x64xf32, #tpu.memory_space<vmem>>
      %dma_start3A_97 = tpu.memref_squeeze %dma_start3A_96 : memref<1x8x64xf32, #tpu.memory_space<vmem>> -> memref<8x64xf32, #tpu.memory_space<vmem>>
      %dma_start3A_98 = arith.constant 0 : i32
      %dma_start3A_99 = arith.constant 0 : i32
      %dma_start3A_100 = tpu.memref_slice %arg3[%shift_right_arithmetic3A_93, %dma_start3A_98, %dma_start3A_99] : memref<125000x8x64xf32, #tpu.memory_space<hbm>> -> memref<1x8x64xf32, #tpu.memory_space<hbm>>
      %dma_start3A_101 = tpu.memref_squeeze %dma_start3A_100 : memref<1x8x64xf32, #tpu.memory_space<hbm>> -> memref<8x64xf32, #tpu.memory_space<hbm>>
      %dma_start3A_102 = arith.constant 0 : i32
      %dma_start3A_103 = arith.constant 0 : i32
      %dma_start3A_104 = tpu.memref_slice %arg7[%dma_start3A, %dma_start3A_102, %dma_start3A_103] : memref<32x8x64xf32, #tpu.memory_space<vmem>> -> memref<1x8x64xf32, #tpu.memory_space<vmem>>
      %dma_start3A_105 = tpu.memref_squeeze %dma_start3A_104 : memref<1x8x64xf32, #tpu.memory_space<vmem>> -> memref<8x64xf32, #tpu.memory_space<vmem>>
      %dma_start3A_106 = arith.constant 0 : i32
      %dma_start3A_107 = arith.constant 0 : i32
      %dma_start3A_108 = tpu.memref_slice %arg3[%shift_right_arithmetic3A_93, %dma_start3A_106, %dma_start3A_107] : memref<125000x8x64xf32, #tpu.memory_space<hbm>> -> memref<1x8x64xf32, #tpu.memory_space<hbm>>
      %dma_start3A_109 = tpu.memref_squeeze %dma_start3A_108 : memref<1x8x64xf32, #tpu.memory_space<hbm>> -> memref<8x64xf32, #tpu.memory_space<hbm>>
      tpu.enqueue_dma source(%dma_start3A_109 : memref<8x64xf32, #tpu.memory_space<hbm>>) target(%dma_start3A_105 : memref<8x64xf32, #tpu.memory_space<vmem>>) target_semaphore(%arg9 : memref<!tpu.dma_semaphore, #tpu.memory_space<semaphore_mem>>)
      %shift_right_arithmetic3A_110 = arith.constant 3 : i32
      %shift_right_arithmetic3A_111 = arith.shrsi %squeeze3A_26, %shift_right_arithmetic3A_110 : i32
      %dma_start3A_112 = arith.constant 1 : i32
      %dma_start3A_113 = arith.constant 0 : i32
      %dma_start3A_114 = arith.constant 0 : i32
      %dma_start3A_115 = tpu.memref_slice %arg7[%dma_start3A_112, %dma_start3A_113, %dma_start3A_114] : memref<32x8x64xf32, #tpu.memory_space<vmem>> -> memref<1x8x64xf32, #tpu.memory_space<vmem>>
      %dma_start3A_116 = tpu.memref_squeeze %dma_start3A_115 : memref<1x8x64xf32, #tpu.memory_space<vmem>> -> memref<8x64xf32, #tpu.memory_space<vmem>>
      %dma_start3A_117 = arith.constant 0 : i32
      %dma_start3A_118 = arith.constant 0 : i32
      %dma_start3A_119 = tpu.memref_slice %arg3[%shift_right_arithmetic3A_111, %dma_start3A_117, %dma_start3A_118] : memref<125000x8x64xf32, #tpu.memory_space<hbm>> -> memref<1x8x64xf32, #tpu.memory_space<hbm>>
      %dma_start3A_120 = tpu.memref_squeeze %dma_start3A_119 : memref<1x8x64xf32, #tpu.memory_space<hbm>> -> memref<8x64xf32, #tpu.memory_space<hbm>>
      %dma_start3A_121 = arith.constant 0 : i32
      %dma_start3A_122 = arith.constant 0 : i32
      %dma_start3A_123 = tpu.memref_slice %arg7[%dma_start3A_112, %dma_start3A_121, %dma_start3A_122] : memref<32x8x64xf32, #tpu.memory_space<vmem>> -> memref<1x8x64xf32, #tpu.memory_space<vmem>>
      %dma_start3A_124 = tpu.memref_squeeze %dma_start3A_123 : memref<1x8x64xf32, #tpu.memory_space<vmem>> -> memref<8x64xf32, #tpu.memory_space<vmem>>
      %dma_start3A_125 = arith.constant 0 : i32
      %dma_start3A_126 = arith.constant 0 : i32
      %dma_start3A_127 = tpu.memref_slice %arg3[%shift_right_arithmetic3A_111, %dma_start3A_125, %dma_start3A_126] : memref<125000x8x64xf32, #tpu.memory_space<hbm>> -> memref<1x8x64xf32, #tpu.memory_space<hbm>>
      %dma_start3A_128 = tpu.memref_squeeze %dma_start3A_127 : memref<1x8x64xf32, #tpu.memory_space<hbm>> -> memref<8x64xf32, #tpu.memory_space<hbm>>
      tpu.enqueue_dma source(%dma_start3A_128 : memref<8x64xf32, #tpu.memory_space<hbm>>) target(%dma_start3A_124 : memref<8x64xf32, #tpu.memory_space<vmem>>) target_semaphore(%arg9 : memref<!tpu.dma_semaphore, #tpu.memory_space<semaphore_mem>>)
      %shift_right_arithmetic3A_129 = arith.constant 3 : i32
      %shift_right_arithmetic3A_130 = arith.shrsi %squeeze3A_28, %shift_right_arithmetic3A_129 : i32
      %dma_start3A_131 = arith.constant 2 : i32
      %dma_start3A_132 = arith.constant 0 : i32
      %dma_start3A_133 = arith.constant 0 : i32
      %dma_start3A_134 = tpu.memref_slice %arg7[%dma_start3A_131, %dma_start3A_132, %dma_start3A_133] : memref<32x8x64xf32, #tpu.memory_space<vmem>> -> memref<1x8x64xf32, #tpu.memory_space<vmem>>
      %dma_start3A_135 = tpu.memref_squeeze %dma_start3A_134 : memref<1x8x64xf32, #tpu.memory_space<vmem>> -> memref<8x64xf32, #tpu.memory_space<vmem>>
      %dma_start3A_136 = arith.constant 0 : i32
      %dma_start3A_137 = arith.constant 0 : i32
      %dma_start3A_138 = tpu.memref_slice %arg3[%shift_right_arithmetic3A_130, %dma_start3A_136, %dma_start3A_137] : memref<125000x8x64xf32, #tpu.memory_space<hbm>> -> memref<1x8x64xf32, #tpu.memory_space<hbm>>
      %dma_start3A_139 = tpu.memref_squeeze %dma_start3A_138 : memref<1x8x64xf32, #tpu.memory_space<hbm>> -> memref<8x64xf32, #tpu.memory_space<hbm>>
      %dma_start3A_140 = arith.constant 0 : i32
      %dma_start3A_141 = arith.constant 0 : i32
      %dma_start3A_142 = tpu.memref_slice %arg7[%dma_start3A_131, %dma_start3A_140, %dma_start3A_141] : memref<32x8x64xf32, #tpu.memory_space<vmem>> -> memref<1x8x64xf32, #tpu.memory_space<vmem>>
      %dma_start3A_143 = tpu.memref_squeeze %dma_start3A_142 : memref<1x8x64xf32, #tpu.memory_space<vmem>> -> memref<8x64xf32, #tpu.memory_space<vmem>>
      %dma_start3A_144 = arith.constant 0 : i32
      %dma_start3A_145 = arith.constant 0 : i32
      %dma_start3A_146 = tpu.memref_slice %arg3[%shift_right_arithmetic3A_130, %dma_start3A_144, %dma_start3A_145] : memref<125000x8x64xf32, #tpu.memory_space<hbm>> -> memref<1x8x64xf32, #tpu.memory_space<hbm>>
      %dma_start3A_147 = tpu.memref_squeeze %dma_start3A_146 : memref<1x8x64xf32, #tpu.memory_space<hbm>> -> memref<8x64xf32, #tpu.memory_space<hbm>>
      tpu.enqueue_dma source(%dma_start3A_147 : memref<8x64xf32, #tpu.memory_space<hbm>>) target(%dma_start3A_143 : memref<8x64xf32, #tpu.memory_space<vmem>>) target_semaphore(%arg9 : memref<!tpu.dma_semaphore, #tpu.memory_space<semaphore_mem>>)
      %shift_right_arithmetic3A_148 = arith.constant 3 : i32
      %shift_right_arithmetic3A_149 = arith.shrsi %squeeze3A_30, %shift_right_arithmetic3A_148 : i32
      %dma_start3A_150 = arith.constant 3 : i32
      %dma_start3A_151 = arith.constant 0 : i32
      %dma_start3A_152 = arith.constant 0 : i32
      %dma_start3A_153 = tpu.memref_slice %arg7[%dma_start3A_150, %dma_start3A_151, %dma_start3A_152] : memref<32x8x64xf32, #tpu.memory_space<vmem>> -> memref<1x8x64xf32, #tpu.memory_space<vmem>>
      %dma_start3A_154 = tpu.memref_squeeze %dma_start3A_153 : memref<1x8x64xf32, #tpu.memory_space<vmem>> -> memref<8x64xf32, #tpu.memory_space<vmem>>
      %dma_start3A_155 = arith.constant 0 : i32
      %dma_start3A_156 = arith.constant 0 : i32
      %dma_start3A_157 = tpu.memref_slice %arg3[%shift_right_arithmetic3A_149, %dma_start3A_155, %dma_start3A_156] : memref<125000x8x64xf32, #tpu.memory_space<hbm>> -> memref<1x8x64xf32, #tpu.memory_space<hbm>>
      %dma_start3A_158 = tpu.memref_squeeze %dma_start3A_157 : memref<1x8x64xf32, #tpu.memory_space<hbm>> -> memref<8x64xf32, #tpu.memory_space<hbm>>
      %dma_start3A_159 = arith.constant 0 : i32
      %dma_start3A_160 = arith.constant 0 : i32
      %dma_start3A_161 = tpu.memref_slice %arg7[%dma_start3A_150, %dma_start3A_159, %dma_start3A_160] : memref<32x8x64xf32, #tpu.memory_space<vmem>> -> memref<1x8x64xf32, #tpu.memory_space<vmem>>
      %dma_start3A_162 = tpu.memref_squeeze %dma_start3A_161 : memref<1x8x64xf32, #tpu.memory_space<vmem>> -> memref<8x64xf32, #tpu.memory_space<vmem>>
      %dma_start3A_163 = arith.constant 0 : i32
      %dma_start3A_164 = arith.constant 0 : i32
      %dma_start3A_165 = tpu.memref_slice %arg3[%shift_right_arithmetic3A_149, %dma_start3A_163, %dma_start3A_164] : memref<125000x8x64xf32, #tpu.memory_space<hbm>> -> memref<1x8x64xf32, #tpu.memory_space<hbm>>
      %dma_start3A_166 = tpu.memref_squeeze %dma_start3A_165 : memref<1x8x64xf32, #tpu.memory_space<hbm>> -> memref<8x64xf32, #tpu.memory_space<hbm>>
      tpu.enqueue_dma source(%dma_start3A_166 : memref<8x64xf32, #tpu.memory_space<hbm>>) target(%dma_start3A_162 : memref<8x64xf32, #tpu.memory_space<vmem>>) target_semaphore(%arg9 : memref<!tpu.dma_semaphore, #tpu.memory_space<semaphore_mem>>)
      %shift_right_arithmetic3A_167 = arith.constant 3 : i32
      %shift_right_arithmetic3A_168 = arith.shrsi %squeeze3A_32, %shift_right_arithmetic3A_167 : i32
      %dma_start3A_169 = arith.constant 4 : i32
      %dma_start3A_170 = arith.constant 0 : i32
      %dma_start3A_171 = arith.constant 0 : i32
      %dma_start3A_172 = tpu.memref_slice %arg7[%dma_start3A_169, %dma_start3A_170, %dma_start3A_171] : memref<32x8x64xf32, #tpu.memory_space<vmem>> -> memref<1x8x64xf32, #tpu.memory_space<vmem>>
      %dma_start3A_173 = tpu.memref_squeeze %dma_start3A_172 : memref<1x8x64xf32, #tpu.memory_space<vmem>> -> memref<8x64xf32, #tpu.memory_space<vmem>>
      %dma_start3A_174 = arith.constant 0 : i32
      %dma_start3A_175 = arith.constant 0 : i32
      %dma_start3A_176 = tpu.memref_slice %arg3[%shift_right_arithmetic3A_168, %dma_start3A_174, %dma_start3A_175] : memref<125000x8x64xf32, #tpu.memory_space<hbm>> -> memref<1x8x64xf32, #tpu.memory_space<hbm>>
      %dma_start3A_177 = tpu.memref_squeeze %dma_start3A_176 : memref<1x8x64xf32, #tpu.memory_space<hbm>> -> memref<8x64xf32, #tpu.memory_space<hbm>>
      %dma_start3A_178 = arith.constant 0 : i32
      %dma_start3A_179 = arith.constant 0 : i32
      %dma_start3A_180 = tpu.memref_slice %arg7[%dma_start3A_169, %dma_start3A_178, %dma_start3A_179] : memref<32x8x64xf32, #tpu.memory_space<vmem>> -> memref<1x8x64xf32, #tpu.memory_space<vmem>>
      %dma_start3A_181 = tpu.memref_squeeze %dma_start3A_180 : memref<1x8x64xf32, #tpu.memory_space<vmem>> -> memref<8x64xf32, #tpu.memory_space<vmem>>
      %dma_start3A_182 = arith.constant 0 : i32
      %dma_start3A_183 = arith.constant 0 : i32
      %dma_start3A_184 = tpu.memref_slice %arg3[%shift_right_arithmetic3A_168, %dma_start3A_182, %dma_start3A_183] : memref<125000x8x64xf32, #tpu.memory_space<hbm>> -> memref<1x8x64xf32, #tpu.memory_space<hbm>>
      %dma_start3A_185 = tpu.memref_squeeze %dma_start3A_184 : memref<1x8x64xf32, #tpu.memory_space<hbm>> -> memref<8x64xf32, #tpu.memory_space<hbm>>
      tpu.enqueue_dma source(%dma_start3A_185 : memref<8x64xf32, #tpu.memory_space<hbm>>) target(%dma_start3A_181 : memref<8x64xf32, #tpu.memory_space<vmem>>) target_semaphore(%arg9 : memref<!tpu.dma_semaphore, #tpu.memory_space<semaphore_mem>>)
      %shift_right_arithmetic3A_186 = arith.constant 3 : i32
      %shift_right_arithmetic3A_187 = arith.shrsi %squeeze3A_34, %shift_right_arithmetic3A_186 : i32
      %dma_start3A_188 = arith.constant 5 : i32
      %dma_start3A_189 = arith.constant 0 : i32
      %dma_start3A_190 = arith.constant 0 : i32
      %dma_start3A_191 = tpu.memref_slice %arg7[%dma_start3A_188, %dma_start3A_189, %dma_start3A_190] : memref<32x8x64xf32, #tpu.memory_space<vmem>> -> memref<1x8x64xf32, #tpu.memory_space<vmem>>
      %dma_start3A_192 = tpu.memref_squeeze %dma_start3A_191 : memref<1x8x64xf32, #tpu.memory_space<vmem>> -> memref<8x64xf32, #tpu.memory_space<vmem>>
      %dma_start3A_193 = arith.constant 0 : i32
      %dma_start3A_194 = arith.constant 0 : i32
      %dma_start3A_195 = tpu.memref_slice %arg3[%shift_right_arithmetic3A_187, %dma_start3A_193, %dma_start3A_194] : memref<125000x8x64xf32, #tpu.memory_space<hbm>> -> memref<1x8x64xf32, #tpu.memory_space<hbm>>
      %dma_start3A_196 = tpu.memref_squeeze %dma_start3A_195 : memref<1x8x64xf32, #tpu.memory_space<hbm>> -> memref<8x64xf32, #tpu.memory_space<hbm>>
      %dma_start3A_197 = arith.constant 0 : i32
      %dma_start3A_198 = arith.constant 0 : i32
      %dma_start3A_199 = tpu.memref_slice %arg7[%dma_start3A_188, %dma_start3A_197, %dma_start3A_198] : memref<32x8x64xf32, #tpu.memory_space<vmem>> -> memref<1x8x64xf32, #tpu.memory_space<vmem>>
      %dma_start3A_200 = tpu.memref_squeeze %dma_start3A_199 : memref<1x8x64xf32, #tpu.memory_space<vmem>> -> memref<8x64xf32, #tpu.memory_space<vmem>>
      %dma_start3A_201 = arith.constant 0 : i32
      %dma_start3A_202 = arith.constant 0 : i32
      %dma_start3A_203 = tpu.memref_slice %arg3[%shift_right_arithmetic3A_187, %dma_start3A_201, %dma_start3A_202] : memref<125000x8x64xf32, #tpu.memory_space<hbm>> -> memref<1x8x64xf32, #tpu.memory_space<hbm>>
      %dma_start3A_204 = tpu.memref_squeeze %dma_start3A_203 : memref<1x8x64xf32, #tpu.memory_space<hbm>> -> memref<8x64xf32, #tpu.memory_space<hbm>>
      tpu.enqueue_dma source(%dma_start3A_204 : memref<8x64xf32, #tpu.memory_space<hbm>>) target(%dma_start3A_200 : memref<8x64xf32, #tpu.memory_space<vmem>>) target_semaphore(%arg9 : memref<!tpu.dma_semaphore, #tpu.memory_space<semaphore_mem>>)
      %shift_right_arithmetic3A_205 = arith.constant 3 : i32
      %shift_right_arithmetic3A_206 = arith.shrsi %squeeze3A_36, %shift_right_arithmetic3A_205 : i32
      %dma_start3A_207 = arith.constant 6 : i32
      %dma_start3A_208 = arith.constant 0 : i32
      %dma_start3A_209 = arith.constant 0 : i32
      %dma_start3A_210 = tpu.memref_slice %arg7[%dma_start3A_207, %dma_start3A_208, %dma_start3A_209] : memref<32x8x64xf32, #tpu.memory_space<vmem>> -> memref<1x8x64xf32, #tpu.memory_space<vmem>>
      %dma_start3A_211 = tpu.memref_squeeze %dma_start3A_210 : memref<1x8x64xf32, #tpu.memory_space<vmem>> -> memref<8x64xf32, #tpu.memory_space<vmem>>
      %dma_start3A_212 = arith.constant 0 : i32
      %dma_start3A_213 = arith.constant 0 : i32
      %dma_start3A_214 = tpu.memref_slice %arg3[%shift_right_arithmetic3A_206, %dma_start3A_212, %dma_start3A_213] : memref<125000x8x64xf32, #tpu.memory_space<hbm>> -> memref<1x8x64xf32, #tpu.memory_space<hbm>>
      %dma_start3A_215 = tpu.memref_squeeze %dma_start3A_214 : memref<1x8x64xf32, #tpu.memory_space<hbm>> -> memref<8x64xf32, #tpu.memory_space<hbm>>
      %dma_start3A_216 = arith.constant 0 : i32
      %dma_start3A_217 = arith.constant 0 : i32
      %dma_start3A_218 = tpu.memref_slice %arg7[%dma_start3A_207, %dma_start3A_216, %dma_start3A_217] : memref<32x8x64xf32, #tpu.memory_space<vmem>> -> memref<1x8x64xf32, #tpu.memory_space<vmem>>
      %dma_start3A_219 = tpu.memref_squeeze %dma_start3A_218 : memref<1x8x64xf32, #tpu.memory_space<vmem>> -> memref<8x64xf32, #tpu.memory_space<vmem>>
      %dma_start3A_220 = arith.constant 0 : i32
      %dma_start3A_221 = arith.constant 0 : i32
      %dma_start3A_222 = tpu.memref_slice %arg3[%shift_right_arithmetic3A_206, %dma_start3A_220, %dma_start3A_221] : memref<125000x8x64xf32, #tpu.memory_space<hbm>> -> memref<1x8x64xf32, #tpu.memory_space<hbm>>
      %dma_start3A_223 = tpu.memref_squeeze %dma_start3A_222 : memref<1x8x64xf32, #tpu.memory_space<hbm>> -> memref<8x64xf32, #tpu.memory_space<hbm>>
      tpu.enqueue_dma source(%dma_start3A_223 : memref<8x64xf32, #tpu.memory_space<hbm>>) target(%dma_start3A_219 : memref<8x64xf32, #tpu.memory_space<vmem>>) target_semaphore(%arg9 : memref<!tpu.dma_semaphore, #tpu.memory_space<semaphore_mem>>)
      %shift_right_arithmetic3A_224 = arith.constant 3 : i32
      %shift_right_arithmetic3A_225 = arith.shrsi %squeeze3A_38, %shift_right_arithmetic3A_224 : i32
      %dma_start3A_226 = arith.constant 7 : i32
      %dma_start3A_227 = arith.constant 0 : i32
      %dma_start3A_228 = arith.constant 0 : i32
      %dma_start3A_229 = tpu.memref_slice %arg7[%dma_start3A_226, %dma_start3A_227, %dma_start3A_228] : memref<32x8x64xf32, #tpu.memory_space<vmem>> -> memref<1x8x64xf32, #tpu.memory_space<vmem>>
      %dma_start3A_230 = tpu.memref_squeeze %dma_start3A_229 : memref<1x8x64xf32, #tpu.memory_space<vmem>> -> memref<8x64xf32, #tpu.memory_space<vmem>>
      %dma_start3A_231 = arith.constant 0 : i32
      %dma_start3A_232 = arith.constant 0 : i32
      %dma_start3A_233 = tpu.memref_slice %arg3[%shift_right_arithmetic3A_225, %dma_start3A_231, %dma_start3A_232] : memref<125000x8x64xf32, #tpu.memory_space<hbm>> -> memref<1x8x64xf32, #tpu.memory_space<hbm>>
      %dma_start3A_234 = tpu.memref_squeeze %dma_start3A_233 : memref<1x8x64xf32, #tpu.memory_space<hbm>> -> memref<8x64xf32, #tpu.memory_space<hbm>>
      %dma_start3A_235 = arith.constant 0 : i32
      %dma_start3A_236 = arith.constant 0 : i32
      %dma_start3A_237 = tpu.memref_slice %arg7[%dma_start3A_226, %dma_start3A_235, %dma_start3A_236] : memref<32x8x64xf32, #tpu.memory_space<vmem>> -> memref<1x8x64xf32, #tpu.memory_space<vmem>>
      %dma_start3A_238 = tpu.memref_squeeze %dma_start3A_237 : memref<1x8x64xf32, #tpu.memory_space<vmem>> -> memref<8x64xf32, #tpu.memory_space<vmem>>
      %dma_start3A_239 = arith.constant 0 : i32
      %dma_start3A_240 = arith.constant 0 : i32
      %dma_start3A_241 = tpu.memref_slice %arg3[%shift_right_arithmetic3A_225, %dma_start3A_239, %dma_start3A_240] : memref<125000x8x64xf32, #tpu.memory_space<hbm>> -> memref<1x8x64xf32, #tpu.memory_space<hbm>>
      %dma_start3A_242 = tpu.memref_squeeze %dma_start3A_241 : memref<1x8x64xf32, #tpu.memory_space<hbm>> -> memref<8x64xf32, #tpu.memory_space<hbm>>
      tpu.enqueue_dma source(%dma_start3A_242 : memref<8x64xf32, #tpu.memory_space<hbm>>) target(%dma_start3A_238 : memref<8x64xf32, #tpu.memory_space<vmem>>) target_semaphore(%arg9 : memref<!tpu.dma_semaphore, #tpu.memory_space<semaphore_mem>>)
      %shift_right_arithmetic3A_243 = arith.constant 3 : i32
      %shift_right_arithmetic3A_244 = arith.shrsi %squeeze3A_40, %shift_right_arithmetic3A_243 : i32
      %dma_start3A_245 = arith.constant 8 : i32
      %dma_start3A_246 = arith.constant 0 : i32
      %dma_start3A_247 = arith.constant 0 : i32
      %dma_start3A_248 = tpu.memref_slice %arg7[%dma_start3A_245, %dma_start3A_246, %dma_start3A_247] : memref<32x8x64xf32, #tpu.memory_space<vmem>> -> memref<1x8x64xf32, #tpu.memory_space<vmem>>
      %dma_start3A_249 = tpu.memref_squeeze %dma_start3A_248 : memref<1x8x64xf32, #tpu.memory_space<vmem>> -> memref<8x64xf32, #tpu.memory_space<vmem>>
      %dma_start3A_250 = arith.constant 0 : i32
      %dma_start3A_251 = arith.constant 0 : i32
      %dma_start3A_252 = tpu.memref_slice %arg3[%shift_right_arithmetic3A_244, %dma_start3A_250, %dma_start3A_251] : memref<125000x8x64xf32, #tpu.memory_space<hbm>> -> memref<1x8x64xf32, #tpu.memory_space<hbm>>
      %dma_start3A_253 = tpu.memref_squeeze %dma_start3A_252 : memref<1x8x64xf32, #tpu.memory_space<hbm>> -> memref<8x64xf32, #tpu.memory_space<hbm>>
      %dma_start3A_254 = arith.constant 0 : i32
      %dma_start3A_255 = arith.constant 0 : i32
      %dma_start3A_256 = tpu.memref_slice %arg7[%dma_start3A_245, %dma_start3A_254, %dma_start3A_255] : memref<32x8x64xf32, #tpu.memory_space<vmem>> -> memref<1x8x64xf32, #tpu.memory_space<vmem>>
      %dma_start3A_257 = tpu.memref_squeeze %dma_start3A_256 : memref<1x8x64xf32, #tpu.memory_space<vmem>> -> memref<8x64xf32, #tpu.memory_space<vmem>>
      %dma_start3A_258 = arith.constant 0 : i32
      %dma_start3A_259 = arith.constant 0 : i32
      %dma_start3A_260 = tpu.memref_slice %arg3[%shift_right_arithmetic3A_244, %dma_start3A_258, %dma_start3A_259] : memref<125000x8x64xf32, #tpu.memory_space<hbm>> -> memref<1x8x64xf32, #tpu.memory_space<hbm>>
      %dma_start3A_261 = tpu.memref_squeeze %dma_start3A_260 : memref<1x8x64xf32, #tpu.memory_space<hbm>> -> memref<8x64xf32, #tpu.memory_space<hbm>>
      tpu.enqueue_dma source(%dma_start3A_261 : memref<8x64xf32, #tpu.memory_space<hbm>>) target(%dma_start3A_257 : memref<8x64xf32, #tpu.memory_space<vmem>>) target_semaphore(%arg9 : memref<!tpu.dma_semaphore, #tpu.memory_space<semaphore_mem>>)
      %shift_right_arithmetic3A_262 = arith.constant 3 : i32
      %shift_right_arithmetic3A_263 = arith.shrsi %squeeze3A_42, %shift_right_arithmetic3A_262 : i32
      %dma_start3A_264 = arith.constant 9 : i32
      %dma_start3A_265 = arith.constant 0 : i32
      %dma_start3A_266 = arith.constant 0 : i32
      %dma_start3A_267 = tpu.memref_slice %arg7[%dma_start3A_264, %dma_start3A_265, %dma_start3A_266] : memref<32x8x64xf32, #tpu.memory_space<vmem>> -> memref<1x8x64xf32, #tpu.memory_space<vmem>>
      %dma_start3A_268 = tpu.memref_squeeze %dma_start3A_267 : memref<1x8x64xf32, #tpu.memory_space<vmem>> -> memref<8x64xf32, #tpu.memory_space<vmem>>
      %dma_start3A_269 = arith.constant 0 : i32
      %dma_start3A_270 = arith.constant 0 : i32
      %dma_start3A_271 = tpu.memref_slice %arg3[%shift_right_arithmetic3A_263, %dma_start3A_269, %dma_start3A_270] : memref<125000x8x64xf32, #tpu.memory_space<hbm>> -> memref<1x8x64xf32, #tpu.memory_space<hbm>>
      %dma_start3A_272 = tpu.memref_squeeze %dma_start3A_271 : memref<1x8x64xf32, #tpu.memory_space<hbm>> -> memref<8x64xf32, #tpu.memory_space<hbm>>
      %dma_start3A_273 = arith.constant 0 : i32
      %dma_start3A_274 = arith.constant 0 : i32
      %dma_start3A_275 = tpu.memref_slice %arg7[%dma_start3A_264, %dma_start3A_273, %dma_start3A_274] : memref<32x8x64xf32, #tpu.memory_space<vmem>> -> memref<1x8x64xf32, #tpu.memory_space<vmem>>
      %dma_start3A_276 = tpu.memref_squeeze %dma_start3A_275 : memref<1x8x64xf32, #tpu.memory_space<vmem>> -> memref<8x64xf32, #tpu.memory_space<vmem>>
      %dma_start3A_277 = arith.constant 0 : i32
      %dma_start3A_278 = arith.constant 0 : i32
      %dma_start3A_279 = tpu.memref_slice %arg3[%shift_right_arithmetic3A_263, %dma_start3A_277, %dma_start3A_278] : memref<125000x8x64xf32, #tpu.memory_space<hbm>> -> memref<1x8x64xf32, #tpu.memory_space<hbm>>
      %dma_start3A_280 = tpu.memref_squeeze %dma_start3A_279 : memref<1x8x64xf32, #tpu.memory_space<hbm>> -> memref<8x64xf32, #tpu.memory_space<hbm>>
      tpu.enqueue_dma source(%dma_start3A_280 : memref<8x64xf32, #tpu.memory_space<hbm>>) target(%dma_start3A_276 : memref<8x64xf32, #tpu.memory_space<vmem>>) target_semaphore(%arg9 : memref<!tpu.dma_semaphore, #tpu.memory_space<semaphore_mem>>)
      %shift_right_arithmetic3A_281 = arith.constant 3 : i32
      %shift_right_arithmetic3A_282 = arith.shrsi %squeeze3A_44, %shift_right_arithmetic3A_281 : i32
      %dma_start3A_283 = arith.constant 10 : i32
      %dma_start3A_284 = arith.constant 0 : i32
      %dma_start3A_285 = arith.constant 0 : i32
      %dma_start3A_286 = tpu.memref_slice %arg7[%dma_start3A_283, %dma_start3A_284, %dma_start3A_285] : memref<32x8x64xf32, #tpu.memory_space<vmem>> -> memref<1x8x64xf32, #tpu.memory_space<vmem>>
      %dma_start3A_287 = tpu.memref_squeeze %dma_start3A_286 : memref<1x8x64xf32, #tpu.memory_space<vmem>> -> memref<8x64xf32, #tpu.memory_space<vmem>>
      %dma_start3A_288 = arith.constant 0 : i32
      %dma_start3A_289 = arith.constant 0 : i32
      %dma_start3A_290 = tpu.memref_slice %arg3[%shift_right_arithmetic3A_282, %dma_start3A_288, %dma_start3A_289] : memref<125000x8x64xf32, #tpu.memory_space<hbm>> -> memref<1x8x64xf32, #tpu.memory_space<hbm>>
      %dma_start3A_291 = tpu.memref_squeeze %dma_start3A_290 : memref<1x8x64xf32, #tpu.memory_space<hbm>> -> memref<8x64xf32, #tpu.memory_space<hbm>>
      %dma_start3A_292 = arith.constant 0 : i32
      %dma_start3A_293 = arith.constant 0 : i32
      %dma_start3A_294 = tpu.memref_slice %arg7[%dma_start3A_283, %dma_start3A_292, %dma_start3A_293] : memref<32x8x64xf32, #tpu.memory_space<vmem>> -> memref<1x8x64xf32, #tpu.memory_space<vmem>>
      %dma_start3A_295 = tpu.memref_squeeze %dma_start3A_294 : memref<1x8x64xf32, #tpu.memory_space<vmem>> -> memref<8x64xf32, #tpu.memory_space<vmem>>
      %dma_start3A_296 = arith.constant 0 : i32
      %dma_start3A_297 = arith.constant 0 : i32
      %dma_start3A_298 = tpu.memref_slice %arg3[%shift_right_arithmetic3A_282, %dma_start3A_296, %dma_start3A_297] : memref<125000x8x64xf32, #tpu.memory_space<hbm>> -> memref<1x8x64xf32, #tpu.memory_space<hbm>>
      %dma_start3A_299 = tpu.memref_squeeze %dma_start3A_298 : memref<1x8x64xf32, #tpu.memory_space<hbm>> -> memref<8x64xf32, #tpu.memory_space<hbm>>
      tpu.enqueue_dma source(%dma_start3A_299 : memref<8x64xf32, #tpu.memory_space<hbm>>) target(%dma_start3A_295 : memref<8x64xf32, #tpu.memory_space<vmem>>) target_semaphore(%arg9 : memref<!tpu.dma_semaphore, #tpu.memory_space<semaphore_mem>>)
      %shift_right_arithmetic3A_300 = arith.constant 3 : i32
      %shift_right_arithmetic3A_301 = arith.shrsi %squeeze3A_46, %shift_right_arithmetic3A_300 : i32
      %dma_start3A_302 = arith.constant 11 : i32
      %dma_start3A_303 = arith.constant 0 : i32
      %dma_start3A_304 = arith.constant 0 : i32
      %dma_start3A_305 = tpu.memref_slice %arg7[%dma_start3A_302, %dma_start3A_303, %dma_start3A_304] : memref<32x8x64xf32, #tpu.memory_space<vmem>> -> memref<1x8x64xf32, #tpu.memory_space<vmem>>
      %dma_start3A_306 = tpu.memref_squeeze %dma_start3A_305 : memref<1x8x64xf32, #tpu.memory_space<vmem>> -> memref<8x64xf32, #tpu.memory_space<vmem>>
      %dma_start3A_307 = arith.constant 0 : i32
      %dma_start3A_308 = arith.constant 0 : i32
      %dma_start3A_309 = tpu.memref_slice %arg3[%shift_right_arithmetic3A_301, %dma_start3A_307, %dma_start3A_308] : memref<125000x8x64xf32, #tpu.memory_space<hbm>> -> memref<1x8x64xf32, #tpu.memory_space<hbm>>
      %dma_start3A_310 = tpu.memref_squeeze %dma_start3A_309 : memref<1x8x64xf32, #tpu.memory_space<hbm>> -> memref<8x64xf32, #tpu.memory_space<hbm>>
      %dma_start3A_311 = arith.constant 0 : i32
      %dma_start3A_312 = arith.constant 0 : i32
      %dma_start3A_313 = tpu.memref_slice %arg7[%dma_start3A_302, %dma_start3A_311, %dma_start3A_312] : memref<32x8x64xf32, #tpu.memory_space<vmem>> -> memref<1x8x64xf32, #tpu.memory_space<vmem>>
      %dma_start3A_314 = tpu.memref_squeeze %dma_start3A_313 : memref<1x8x64xf32, #tpu.memory_space<vmem>> -> memref<8x64xf32, #tpu.memory_space<vmem>>
      %dma_start3A_315 = arith.constant 0 : i32
      %dma_start3A_316 = arith.constant 0 : i32
      %dma_start3A_317 = tpu.memref_slice %arg3[%shift_right_arithmetic3A_301, %dma_start3A_315, %dma_start3A_316] : memref<125000x8x64xf32, #tpu.memory_space<hbm>> -> memref<1x8x64xf32, #tpu.memory_space<hbm>>
      %dma_start3A_318 = tpu.memref_squeeze %dma_start3A_317 : memref<1x8x64xf32, #tpu.memory_space<hbm>> -> memref<8x64xf32, #tpu.memory_space<hbm>>
      tpu.enqueue_dma source(%dma_start3A_318 : memref<8x64xf32, #tpu.memory_space<hbm>>) target(%dma_start3A_314 : memref<8x64xf32, #tpu.memory_space<vmem>>) target_semaphore(%arg9 : memref<!tpu.dma_semaphore, #tpu.memory_space<semaphore_mem>>)
      %shift_right_arithmetic3A_319 = arith.constant 3 : i32
      %shift_right_arithmetic3A_320 = arith.shrsi %squeeze3A_48, %shift_right_arithmetic3A_319 : i32
      %dma_start3A_321 = arith.constant 12 : i32
      %dma_start3A_322 = arith.constant 0 : i32
      %dma_start3A_323 = arith.constant 0 : i32
      %dma_start3A_324 = tpu.memref_slice %arg7[%dma_start3A_321, %dma_start3A_322, %dma_start3A_323] : memref<32x8x64xf32, #tpu.memory_space<vmem>> -> memref<1x8x64xf32, #tpu.memory_space<vmem>>
      %dma_start3A_325 = tpu.memref_squeeze %dma_start3A_324 : memref<1x8x64xf32, #tpu.memory_space<vmem>> -> memref<8x64xf32, #tpu.memory_space<vmem>>
      %dma_start3A_326 = arith.constant 0 : i32
      %dma_start3A_327 = arith.constant 0 : i32
      %dma_start3A_328 = tpu.memref_slice %arg3[%shift_right_arithmetic3A_320, %dma_start3A_326, %dma_start3A_327] : memref<125000x8x64xf32, #tpu.memory_space<hbm>> -> memref<1x8x64xf32, #tpu.memory_space<hbm>>
      %dma_start3A_329 = tpu.memref_squeeze %dma_start3A_328 : memref<1x8x64xf32, #tpu.memory_space<hbm>> -> memref<8x64xf32, #tpu.memory_space<hbm>>
      %dma_start3A_330 = arith.constant 0 : i32
      %dma_start3A_331 = arith.constant 0 : i32
      %dma_start3A_332 = tpu.memref_slice %arg7[%dma_start3A_321, %dma_start3A_330, %dma_start3A_331] : memref<32x8x64xf32, #tpu.memory_space<vmem>> -> memref<1x8x64xf32, #tpu.memory_space<vmem>>
      %dma_start3A_333 = tpu.memref_squeeze %dma_start3A_332 : memref<1x8x64xf32, #tpu.memory_space<vmem>> -> memref<8x64xf32, #tpu.memory_space<vmem>>
      %dma_start3A_334 = arith.constant 0 : i32
      %dma_start3A_335 = arith.constant 0 : i32
      %dma_start3A_336 = tpu.memref_slice %arg3[%shift_right_arithmetic3A_320, %dma_start3A_334, %dma_start3A_335] : memref<125000x8x64xf32, #tpu.memory_space<hbm>> -> memref<1x8x64xf32, #tpu.memory_space<hbm>>
      %dma_start3A_337 = tpu.memref_squeeze %dma_start3A_336 : memref<1x8x64xf32, #tpu.memory_space<hbm>> -> memref<8x64xf32, #tpu.memory_space<hbm>>
      tpu.enqueue_dma source(%dma_start3A_337 : memref<8x64xf32, #tpu.memory_space<hbm>>) target(%dma_start3A_333 : memref<8x64xf32, #tpu.memory_space<vmem>>) target_semaphore(%arg9 : memref<!tpu.dma_semaphore, #tpu.memory_space<semaphore_mem>>)
      %shift_right_arithmetic3A_338 = arith.constant 3 : i32
      %shift_right_arithmetic3A_339 = arith.shrsi %squeeze3A_50, %shift_right_arithmetic3A_338 : i32
      %dma_start3A_340 = arith.constant 13 : i32
      %dma_start3A_341 = arith.constant 0 : i32
      %dma_start3A_342 = arith.constant 0 : i32
      %dma_start3A_343 = tpu.memref_slice %arg7[%dma_start3A_340, %dma_start3A_341, %dma_start3A_342] : memref<32x8x64xf32, #tpu.memory_space<vmem>> -> memref<1x8x64xf32, #tpu.memory_space<vmem>>
      %dma_start3A_344 = tpu.memref_squeeze %dma_start3A_343 : memref<1x8x64xf32, #tpu.memory_space<vmem>> -> memref<8x64xf32, #tpu.memory_space<vmem>>
      %dma_start3A_345 = arith.constant 0 : i32
      %dma_start3A_346 = arith.constant 0 : i32
      %dma_start3A_347 = tpu.memref_slice %arg3[%shift_right_arithmetic3A_339, %dma_start3A_345, %dma_start3A_346] : memref<125000x8x64xf32, #tpu.memory_space<hbm>> -> memref<1x8x64xf32, #tpu.memory_space<hbm>>
      %dma_start3A_348 = tpu.memref_squeeze %dma_start3A_347 : memref<1x8x64xf32, #tpu.memory_space<hbm>> -> memref<8x64xf32, #tpu.memory_space<hbm>>
      %dma_start3A_349 = arith.constant 0 : i32
      %dma_start3A_350 = arith.constant 0 : i32
      %dma_start3A_351 = tpu.memref_slice %arg7[%dma_start3A_340, %dma_start3A_349, %dma_start3A_350] : memref<32x8x64xf32, #tpu.memory_space<vmem>> -> memref<1x8x64xf32, #tpu.memory_space<vmem>>
      %dma_start3A_352 = tpu.memref_squeeze %dma_start3A_351 : memref<1x8x64xf32, #tpu.memory_space<vmem>> -> memref<8x64xf32, #tpu.memory_space<vmem>>
      %dma_start3A_353 = arith.constant 0 : i32
      %dma_start3A_354 = arith.constant 0 : i32
      %dma_start3A_355 = tpu.memref_slice %arg3[%shift_right_arithmetic3A_339, %dma_start3A_353, %dma_start3A_354] : memref<125000x8x64xf32, #tpu.memory_space<hbm>> -> memref<1x8x64xf32, #tpu.memory_space<hbm>>
      %dma_start3A_356 = tpu.memref_squeeze %dma_start3A_355 : memref<1x8x64xf32, #tpu.memory_space<hbm>> -> memref<8x64xf32, #tpu.memory_space<hbm>>
      tpu.enqueue_dma source(%dma_start3A_356 : memref<8x64xf32, #tpu.memory_space<hbm>>) target(%dma_start3A_352 : memref<8x64xf32, #tpu.memory_space<vmem>>) target_semaphore(%arg9 : memref<!tpu.dma_semaphore, #tpu.memory_space<semaphore_mem>>)
      %shift_right_arithmetic3A_357 = arith.constant 3 : i32
      %shift_right_arithmetic3A_358 = arith.shrsi %squeeze3A_52, %shift_right_arithmetic3A_357 : i32
      %dma_start3A_359 = arith.constant 14 : i32
      %dma_start3A_360 = arith.constant 0 : i32
      %dma_start3A_361 = arith.constant 0 : i32
      %dma_start3A_362 = tpu.memref_slice %arg7[%dma_start3A_359, %dma_start3A_360, %dma_start3A_361] : memref<32x8x64xf32, #tpu.memory_space<vmem>> -> memref<1x8x64xf32, #tpu.memory_space<vmem>>
      %dma_start3A_363 = tpu.memref_squeeze %dma_start3A_362 : memref<1x8x64xf32, #tpu.memory_space<vmem>> -> memref<8x64xf32, #tpu.memory_space<vmem>>
      %dma_start3A_364 = arith.constant 0 : i32
      %dma_start3A_365 = arith.constant 0 : i32
      %dma_start3A_366 = tpu.memref_slice %arg3[%shift_right_arithmetic3A_358, %dma_start3A_364, %dma_start3A_365] : memref<125000x8x64xf32, #tpu.memory_space<hbm>> -> memref<1x8x64xf32, #tpu.memory_space<hbm>>
      %dma_start3A_367 = tpu.memref_squeeze %dma_start3A_366 : memref<1x8x64xf32, #tpu.memory_space<hbm>> -> memref<8x64xf32, #tpu.memory_space<hbm>>
      %dma_start3A_368 = arith.constant 0 : i32
      %dma_start3A_369 = arith.constant 0 : i32
      %dma_start3A_370 = tpu.memref_slice %arg7[%dma_start3A_359, %dma_start3A_368, %dma_start3A_369] : memref<32x8x64xf32, #tpu.memory_space<vmem>> -> memref<1x8x64xf32, #tpu.memory_space<vmem>>
      %dma_start3A_371 = tpu.memref_squeeze %dma_start3A_370 : memref<1x8x64xf32, #tpu.memory_space<vmem>> -> memref<8x64xf32, #tpu.memory_space<vmem>>
      %dma_start3A_372 = arith.constant 0 : i32
      %dma_start3A_373 = arith.constant 0 : i32
      %dma_start3A_374 = tpu.memref_slice %arg3[%shift_right_arithmetic3A_358, %dma_start3A_372, %dma_start3A_373] : memref<125000x8x64xf32, #tpu.memory_space<hbm>> -> memref<1x8x64xf32, #tpu.memory_space<hbm>>
      %dma_start3A_375 = tpu.memref_squeeze %dma_start3A_374 : memref<1x8x64xf32, #tpu.memory_space<hbm>> -> memref<8x64xf32, #tpu.memory_space<hbm>>
      tpu.enqueue_dma source(%dma_start3A_375 : memref<8x64xf32, #tpu.memory_space<hbm>>) target(%dma_start3A_371 : memref<8x64xf32, #tpu.memory_space<vmem>>) target_semaphore(%arg9 : memref<!tpu.dma_semaphore, #tpu.memory_space<semaphore_mem>>)
      %shift_right_arithmetic3A_376 = arith.constant 3 : i32
      %shift_right_arithmetic3A_377 = arith.shrsi %squeeze3A_54, %shift_right_arithmetic3A_376 : i32
      %dma_start3A_378 = arith.constant 15 : i32
      %dma_start3A_379 = arith.constant 0 : i32
      %dma_start3A_380 = arith.constant 0 : i32
      %dma_start3A_381 = tpu.memref_slice %arg7[%dma_start3A_378, %dma_start3A_379, %dma_start3A_380] : memref<32x8x64xf32, #tpu.memory_space<vmem>> -> memref<1x8x64xf32, #tpu.memory_space<vmem>>
      %dma_start3A_382 = tpu.memref_squeeze %dma_start3A_381 : memref<1x8x64xf32, #tpu.memory_space<vmem>> -> memref<8x64xf32, #tpu.memory_space<vmem>>
      %dma_start3A_383 = arith.constant 0 : i32
      %dma_start3A_384 = arith.constant 0 : i32
      %dma_start3A_385 = tpu.memref_slice %arg3[%shift_right_arithmetic3A_377, %dma_start3A_383, %dma_start3A_384] : memref<125000x8x64xf32, #tpu.memory_space<hbm>> -> memref<1x8x64xf32, #tpu.memory_space<hbm>>
      %dma_start3A_386 = tpu.memref_squeeze %dma_start3A_385 : memref<1x8x64xf32, #tpu.memory_space<hbm>> -> memref<8x64xf32, #tpu.memory_space<hbm>>
      %dma_start3A_387 = arith.constant 0 : i32
      %dma_start3A_388 = arith.constant 0 : i32
      %dma_start3A_389 = tpu.memref_slice %arg7[%dma_start3A_378, %dma_start3A_387, %dma_start3A_388] : memref<32x8x64xf32, #tpu.memory_space<vmem>> -> memref<1x8x64xf32, #tpu.memory_space<vmem>>
      %dma_start3A_390 = tpu.memref_squeeze %dma_start3A_389 : memref<1x8x64xf32, #tpu.memory_space<vmem>> -> memref<8x64xf32, #tpu.memory_space<vmem>>
      %dma_start3A_391 = arith.constant 0 : i32
      %dma_start3A_392 = arith.constant 0 : i32
      %dma_start3A_393 = tpu.memref_slice %arg3[%shift_right_arithmetic3A_377, %dma_start3A_391, %dma_start3A_392] : memref<125000x8x64xf32, #tpu.memory_space<hbm>> -> memref<1x8x64xf32, #tpu.memory_space<hbm>>
      %dma_start3A_394 = tpu.memref_squeeze %dma_start3A_393 : memref<1x8x64xf32, #tpu.memory_space<hbm>> -> memref<8x64xf32, #tpu.memory_space<hbm>>
      tpu.enqueue_dma source(%dma_start3A_394 : memref<8x64xf32, #tpu.memory_space<hbm>>) target(%dma_start3A_390 : memref<8x64xf32, #tpu.memory_space<vmem>>) target_semaphore(%arg9 : memref<!tpu.dma_semaphore, #tpu.memory_space<semaphore_mem>>)
      %shift_right_arithmetic3A_395 = arith.constant 3 : i32
      %shift_right_arithmetic3A_396 = arith.shrsi %squeeze3A_61, %shift_right_arithmetic3A_395 : i32
      %dma_start3A_397 = arith.constant 16 : i32
      %dma_start3A_398 = arith.constant 0 : i32
      %dma_start3A_399 = arith.constant 0 : i32
      %dma_start3A_400 = tpu.memref_slice %arg7[%dma_start3A_397, %dma_start3A_398, %dma_start3A_399] : memref<32x8x64xf32, #tpu.memory_space<vmem>> -> memref<1x8x64xf32, #tpu.memory_space<vmem>>
      %dma_start3A_401 = tpu.memref_squeeze %dma_start3A_400 : memref<1x8x64xf32, #tpu.memory_space<vmem>> -> memref<8x64xf32, #tpu.memory_space<vmem>>
      %dma_start3A_402 = arith.constant 0 : i32
      %dma_start3A_403 = arith.constant 0 : i32
      %dma_start3A_404 = tpu.memref_slice %arg3[%shift_right_arithmetic3A_396, %dma_start3A_402, %dma_start3A_403] : memref<125000x8x64xf32, #tpu.memory_space<hbm>> -> memref<1x8x64xf32, #tpu.memory_space<hbm>>
      %dma_start3A_405 = tpu.memref_squeeze %dma_start3A_404 : memref<1x8x64xf32, #tpu.memory_space<hbm>> -> memref<8x64xf32, #tpu.memory_space<hbm>>
      %dma_start3A_406 = arith.constant 0 : i32
      %dma_start3A_407 = arith.constant 0 : i32
      %dma_start3A_408 = tpu.memref_slice %arg7[%dma_start3A_397, %dma_start3A_406, %dma_start3A_407] : memref<32x8x64xf32, #tpu.memory_space<vmem>> -> memref<1x8x64xf32, #tpu.memory_space<vmem>>
      %dma_start3A_409 = tpu.memref_squeeze %dma_start3A_408 : memref<1x8x64xf32, #tpu.memory_space<vmem>> -> memref<8x64xf32, #tpu.memory_space<vmem>>
      %dma_start3A_410 = arith.constant 0 : i32
      %dma_start3A_411 = arith.constant 0 : i32
      %dma_start3A_412 = tpu.memref_slice %arg3[%shift_right_arithmetic3A_396, %dma_start3A_410, %dma_start3A_411] : memref<125000x8x64xf32, #tpu.memory_space<hbm>> -> memref<1x8x64xf32, #tpu.memory_space<hbm>>
      %dma_start3A_413 = tpu.memref_squeeze %dma_start3A_412 : memref<1x8x64xf32, #tpu.memory_space<hbm>> -> memref<8x64xf32, #tpu.memory_space<hbm>>
      tpu.enqueue_dma source(%dma_start3A_413 : memref<8x64xf32, #tpu.memory_space<hbm>>) target(%dma_start3A_409 : memref<8x64xf32, #tpu.memory_space<vmem>>) target_semaphore(%arg9 : memref<!tpu.dma_semaphore, #tpu.memory_space<semaphore_mem>>)
      %shift_right_arithmetic3A_414 = arith.constant 3 : i32
      %shift_right_arithmetic3A_415 = arith.shrsi %squeeze3A_63, %shift_right_arithmetic3A_414 : i32
      %dma_start3A_416 = arith.constant 17 : i32
      %dma_start3A_417 = arith.constant 0 : i32
      %dma_start3A_418 = arith.constant 0 : i32
      %dma_start3A_419 = tpu.memref_slice %arg7[%dma_start3A_416, %dma_start3A_417, %dma_start3A_418] : memref<32x8x64xf32, #tpu.memory_space<vmem>> -> memref<1x8x64xf32, #tpu.memory_space<vmem>>
      %dma_start3A_420 = tpu.memref_squeeze %dma_start3A_419 : memref<1x8x64xf32, #tpu.memory_space<vmem>> -> memref<8x64xf32, #tpu.memory_space<vmem>>
      %dma_start3A_421 = arith.constant 0 : i32
      %dma_start3A_422 = arith.constant 0 : i32
      %dma_start3A_423 = tpu.memref_slice %arg3[%shift_right_arithmetic3A_415, %dma_start3A_421, %dma_start3A_422] : memref<125000x8x64xf32, #tpu.memory_space<hbm>> -> memref<1x8x64xf32, #tpu.memory_space<hbm>>
      %dma_start3A_424 = tpu.memref_squeeze %dma_start3A_423 : memref<1x8x64xf32, #tpu.memory_space<hbm>> -> memref<8x64xf32, #tpu.memory_space<hbm>>
      %dma_start3A_425 = arith.constant 0 : i32
      %dma_start3A_426 = arith.constant 0 : i32
      %dma_start3A_427 = tpu.memref_slice %arg7[%dma_start3A_416, %dma_start3A_425, %dma_start3A_426] : memref<32x8x64xf32, #tpu.memory_space<vmem>> -> memref<1x8x64xf32, #tpu.memory_space<vmem>>
      %dma_start3A_428 = tpu.memref_squeeze %dma_start3A_427 : memref<1x8x64xf32, #tpu.memory_space<vmem>> -> memref<8x64xf32, #tpu.memory_space<vmem>>
      %dma_start3A_429 = arith.constant 0 : i32
      %dma_start3A_430 = arith.constant 0 : i32
      %dma_start3A_431 = tpu.memref_slice %arg3[%shift_right_arithmetic3A_415, %dma_start3A_429, %dma_start3A_430] : memref<125000x8x64xf32, #tpu.memory_space<hbm>> -> memref<1x8x64xf32, #tpu.memory_space<hbm>>
      %dma_start3A_432 = tpu.memref_squeeze %dma_start3A_431 : memref<1x8x64xf32, #tpu.memory_space<hbm>> -> memref<8x64xf32, #tpu.memory_space<hbm>>
      tpu.enqueue_dma source(%dma_start3A_432 : memref<8x64xf32, #tpu.memory_space<hbm>>) target(%dma_start3A_428 : memref<8x64xf32, #tpu.memory_space<vmem>>) target_semaphore(%arg9 : memref<!tpu.dma_semaphore, #tpu.memory_space<semaphore_mem>>)
      %shift_right_arithmetic3A_433 = arith.constant 3 : i32
      %shift_right_arithmetic3A_434 = arith.shrsi %squeeze3A_65, %shift_right_arithmetic3A_433 : i32
      %dma_start3A_435 = arith.constant 18 : i32
      %dma_start3A_436 = arith.constant 0 : i32
      %dma_start3A_437 = arith.constant 0 : i32
      %dma_start3A_438 = tpu.memref_slice %arg7[%dma_start3A_435, %dma_start3A_436, %dma_start3A_437] : memref<32x8x64xf32, #tpu.memory_space<vmem>> -> memref<1x8x64xf32, #tpu.memory_space<vmem>>
      %dma_start3A_439 = tpu.memref_squeeze %dma_start3A_438 : memref<1x8x64xf32, #tpu.memory_space<vmem>> -> memref<8x64xf32, #tpu.memory_space<vmem>>
      %dma_start3A_440 = arith.constant 0 : i32
      %dma_start3A_441 = arith.constant 0 : i32
      %dma_start3A_442 = tpu.memref_slice %arg3[%shift_right_arithmetic3A_434, %dma_start3A_440, %dma_start3A_441] : memref<125000x8x64xf32, #tpu.memory_space<hbm>> -> memref<1x8x64xf32, #tpu.memory_space<hbm>>
      %dma_start3A_443 = tpu.memref_squeeze %dma_start3A_442 : memref<1x8x64xf32, #tpu.memory_space<hbm>> -> memref<8x64xf32, #tpu.memory_space<hbm>>
      %dma_start3A_444 = arith.constant 0 : i32
      %dma_start3A_445 = arith.constant 0 : i32
      %dma_start3A_446 = tpu.memref_slice %arg7[%dma_start3A_435, %dma_start3A_444, %dma_start3A_445] : memref<32x8x64xf32, #tpu.memory_space<vmem>> -> memref<1x8x64xf32, #tpu.memory_space<vmem>>
      %dma_start3A_447 = tpu.memref_squeeze %dma_start3A_446 : memref<1x8x64xf32, #tpu.memory_space<vmem>> -> memref<8x64xf32, #tpu.memory_space<vmem>>
      %dma_start3A_448 = arith.constant 0 : i32
      %dma_start3A_449 = arith.constant 0 : i32
      %dma_start3A_450 = tpu.memref_slice %arg3[%shift_right_arithmetic3A_434, %dma_start3A_448, %dma_start3A_449] : memref<125000x8x64xf32, #tpu.memory_space<hbm>> -> memref<1x8x64xf32, #tpu.memory_space<hbm>>
      %dma_start3A_451 = tpu.memref_squeeze %dma_start3A_450 : memref<1x8x64xf32, #tpu.memory_space<hbm>> -> memref<8x64xf32, #tpu.memory_space<hbm>>
      tpu.enqueue_dma source(%dma_start3A_451 : memref<8x64xf32, #tpu.memory_space<hbm>>) target(%dma_start3A_447 : memref<8x64xf32, #tpu.memory_space<vmem>>) target_semaphore(%arg9 : memref<!tpu.dma_semaphore, #tpu.memory_space<semaphore_mem>>)
      %shift_right_arithmetic3A_452 = arith.constant 3 : i32
      %shift_right_arithmetic3A_453 = arith.shrsi %squeeze3A_67, %shift_right_arithmetic3A_452 : i32
      %dma_start3A_454 = arith.constant 19 : i32
      %dma_start3A_455 = arith.constant 0 : i32
      %dma_start3A_456 = arith.constant 0 : i32
      %dma_start3A_457 = tpu.memref_slice %arg7[%dma_start3A_454, %dma_start3A_455, %dma_start3A_456] : memref<32x8x64xf32, #tpu.memory_space<vmem>> -> memref<1x8x64xf32, #tpu.memory_space<vmem>>
      %dma_start3A_458 = tpu.memref_squeeze %dma_start3A_457 : memref<1x8x64xf32, #tpu.memory_space<vmem>> -> memref<8x64xf32, #tpu.memory_space<vmem>>
      %dma_start3A_459 = arith.constant 0 : i32
      %dma_start3A_460 = arith.constant 0 : i32
      %dma_start3A_461 = tpu.memref_slice %arg3[%shift_right_arithmetic3A_453, %dma_start3A_459, %dma_start3A_460] : memref<125000x8x64xf32, #tpu.memory_space<hbm>> -> memref<1x8x64xf32, #tpu.memory_space<hbm>>
      %dma_start3A_462 = tpu.memref_squeeze %dma_start3A_461 : memref<1x8x64xf32, #tpu.memory_space<hbm>> -> memref<8x64xf32, #tpu.memory_space<hbm>>
      %dma_start3A_463 = arith.constant 0 : i32
      %dma_start3A_464 = arith.constant 0 : i32
      %dma_start3A_465 = tpu.memref_slice %arg7[%dma_start3A_454, %dma_start3A_463, %dma_start3A_464] : memref<32x8x64xf32, #tpu.memory_space<vmem>> -> memref<1x8x64xf32, #tpu.memory_space<vmem>>
      %dma_start3A_466 = tpu.memref_squeeze %dma_start3A_465 : memref<1x8x64xf32, #tpu.memory_space<vmem>> -> memref<8x64xf32, #tpu.memory_space<vmem>>
      %dma_start3A_467 = arith.constant 0 : i32
      %dma_start3A_468 = arith.constant 0 : i32
      %dma_start3A_469 = tpu.memref_slice %arg3[%shift_right_arithmetic3A_453, %dma_start3A_467, %dma_start3A_468] : memref<125000x8x64xf32, #tpu.memory_space<hbm>> -> memref<1x8x64xf32, #tpu.memory_space<hbm>>
      %dma_start3A_470 = tpu.memref_squeeze %dma_start3A_469 : memref<1x8x64xf32, #tpu.memory_space<hbm>> -> memref<8x64xf32, #tpu.memory_space<hbm>>
      tpu.enqueue_dma source(%dma_start3A_470 : memref<8x64xf32, #tpu.memory_space<hbm>>) target(%dma_start3A_466 : memref<8x64xf32, #tpu.memory_space<vmem>>) target_semaphore(%arg9 : memref<!tpu.dma_semaphore, #tpu.memory_space<semaphore_mem>>)
      %shift_right_arithmetic3A_471 = arith.constant 3 : i32
      %shift_right_arithmetic3A_472 = arith.shrsi %squeeze3A_69, %shift_right_arithmetic3A_471 : i32
      %dma_start3A_473 = arith.constant 20 : i32
      %dma_start3A_474 = arith.constant 0 : i32
      %dma_start3A_475 = arith.constant 0 : i32
      %dma_start3A_476 = tpu.memref_slice %arg7[%dma_start3A_473, %dma_start3A_474, %dma_start3A_475] : memref<32x8x64xf32, #tpu.memory_space<vmem>> -> memref<1x8x64xf32, #tpu.memory_space<vmem>>
      %dma_start3A_477 = tpu.memref_squeeze %dma_start3A_476 : memref<1x8x64xf32, #tpu.memory_space<vmem>> -> memref<8x64xf32, #tpu.memory_space<vmem>>
      %dma_start3A_478 = arith.constant 0 : i32
      %dma_start3A_479 = arith.constant 0 : i32
      %dma_start3A_480 = tpu.memref_slice %arg3[%shift_right_arithmetic3A_472, %dma_start3A_478, %dma_start3A_479] : memref<125000x8x64xf32, #tpu.memory_space<hbm>> -> memref<1x8x64xf32, #tpu.memory_space<hbm>>
      %dma_start3A_481 = tpu.memref_squeeze %dma_start3A_480 : memref<1x8x64xf32, #tpu.memory_space<hbm>> -> memref<8x64xf32, #tpu.memory_space<hbm>>
      %dma_start3A_482 = arith.constant 0 : i32
      %dma_start3A_483 = arith.constant 0 : i32
      %dma_start3A_484 = tpu.memref_slice %arg7[%dma_start3A_473, %dma_start3A_482, %dma_start3A_483] : memref<32x8x64xf32, #tpu.memory_space<vmem>> -> memref<1x8x64xf32, #tpu.memory_space<vmem>>
      %dma_start3A_485 = tpu.memref_squeeze %dma_start3A_484 : memref<1x8x64xf32, #tpu.memory_space<vmem>> -> memref<8x64xf32, #tpu.memory_space<vmem>>
      %dma_start3A_486 = arith.constant 0 : i32
      %dma_start3A_487 = arith.constant 0 : i32
      %dma_start3A_488 = tpu.memref_slice %arg3[%shift_right_arithmetic3A_472, %dma_start3A_486, %dma_start3A_487] : memref<125000x8x64xf32, #tpu.memory_space<hbm>> -> memref<1x8x64xf32, #tpu.memory_space<hbm>>
      %dma_start3A_489 = tpu.memref_squeeze %dma_start3A_488 : memref<1x8x64xf32, #tpu.memory_space<hbm>> -> memref<8x64xf32, #tpu.memory_space<hbm>>
      tpu.enqueue_dma source(%dma_start3A_489 : memref<8x64xf32, #tpu.memory_space<hbm>>) target(%dma_start3A_485 : memref<8x64xf32, #tpu.memory_space<vmem>>) target_semaphore(%arg9 : memref<!tpu.dma_semaphore, #tpu.memory_space<semaphore_mem>>)
      %shift_right_arithmetic3A_490 = arith.constant 3 : i32
      %shift_right_arithmetic3A_491 = arith.shrsi %squeeze3A_71, %shift_right_arithmetic3A_490 : i32
      %dma_start3A_492 = arith.constant 21 : i32
      %dma_start3A_493 = arith.constant 0 : i32
      %dma_start3A_494 = arith.constant 0 : i32
      %dma_start3A_495 = tpu.memref_slice %arg7[%dma_start3A_492, %dma_start3A_493, %dma_start3A_494] : memref<32x8x64xf32, #tpu.memory_space<vmem>> -> memref<1x8x64xf32, #tpu.memory_space<vmem>>
      %dma_start3A_496 = tpu.memref_squeeze %dma_start3A_495 : memref<1x8x64xf32, #tpu.memory_space<vmem>> -> memref<8x64xf32, #tpu.memory_space<vmem>>
      %dma_start3A_497 = arith.constant 0 : i32
      %dma_start3A_498 = arith.constant 0 : i32
      %dma_start3A_499 = tpu.memref_slice %arg3[%shift_right_arithmetic3A_491, %dma_start3A_497, %dma_start3A_498] : memref<125000x8x64xf32, #tpu.memory_space<hbm>> -> memref<1x8x64xf32, #tpu.memory_space<hbm>>
      %dma_start3A_500 = tpu.memref_squeeze %dma_start3A_499 : memref<1x8x64xf32, #tpu.memory_space<hbm>> -> memref<8x64xf32, #tpu.memory_space<hbm>>
      %dma_start3A_501 = arith.constant 0 : i32
      %dma_start3A_502 = arith.constant 0 : i32
      %dma_start3A_503 = tpu.memref_slice %arg7[%dma_start3A_492, %dma_start3A_501, %dma_start3A_502] : memref<32x8x64xf32, #tpu.memory_space<vmem>> -> memref<1x8x64xf32, #tpu.memory_space<vmem>>
      %dma_start3A_504 = tpu.memref_squeeze %dma_start3A_503 : memref<1x8x64xf32, #tpu.memory_space<vmem>> -> memref<8x64xf32, #tpu.memory_space<vmem>>
      %dma_start3A_505 = arith.constant 0 : i32
      %dma_start3A_506 = arith.constant 0 : i32
      %dma_start3A_507 = tpu.memref_slice %arg3[%shift_right_arithmetic3A_491, %dma_start3A_505, %dma_start3A_506] : memref<125000x8x64xf32, #tpu.memory_space<hbm>> -> memref<1x8x64xf32, #tpu.memory_space<hbm>>
      %dma_start3A_508 = tpu.memref_squeeze %dma_start3A_507 : memref<1x8x64xf32, #tpu.memory_space<hbm>> -> memref<8x64xf32, #tpu.memory_space<hbm>>
      tpu.enqueue_dma source(%dma_start3A_508 : memref<8x64xf32, #tpu.memory_space<hbm>>) target(%dma_start3A_504 : memref<8x64xf32, #tpu.memory_space<vmem>>) target_semaphore(%arg9 : memref<!tpu.dma_semaphore, #tpu.memory_space<semaphore_mem>>)
      %shift_right_arithmetic3A_509 = arith.constant 3 : i32
      %shift_right_arithmetic3A_510 = arith.shrsi %squeeze3A_73, %shift_right_arithmetic3A_509 : i32
      %dma_start3A_511 = arith.constant 22 : i32
      %dma_start3A_512 = arith.constant 0 : i32
      %dma_start3A_513 = arith.constant 0 : i32
      %dma_start3A_514 = tpu.memref_slice %arg7[%dma_start3A_511, %dma_start3A_512, %dma_start3A_513] : memref<32x8x64xf32, #tpu.memory_space<vmem>> -> memref<1x8x64xf32, #tpu.memory_space<vmem>>
      %dma_start3A_515 = tpu.memref_squeeze %dma_start3A_514 : memref<1x8x64xf32, #tpu.memory_space<vmem>> -> memref<8x64xf32, #tpu.memory_space<vmem>>
      %dma_start3A_516 = arith.constant 0 : i32
      %dma_start3A_517 = arith.constant 0 : i32
      %dma_start3A_518 = tpu.memref_slice %arg3[%shift_right_arithmetic3A_510, %dma_start3A_516, %dma_start3A_517] : memref<125000x8x64xf32, #tpu.memory_space<hbm>> -> memref<1x8x64xf32, #tpu.memory_space<hbm>>
      %dma_start3A_519 = tpu.memref_squeeze %dma_start3A_518 : memref<1x8x64xf32, #tpu.memory_space<hbm>> -> memref<8x64xf32, #tpu.memory_space<hbm>>
      %dma_start3A_520 = arith.constant 0 : i32
      %dma_start3A_521 = arith.constant 0 : i32
      %dma_start3A_522 = tpu.memref_slice %arg7[%dma_start3A_511, %dma_start3A_520, %dma_start3A_521] : memref<32x8x64xf32, #tpu.memory_space<vmem>> -> memref<1x8x64xf32, #tpu.memory_space<vmem>>
      %dma_start3A_523 = tpu.memref_squeeze %dma_start3A_522 : memref<1x8x64xf32, #tpu.memory_space<vmem>> -> memref<8x64xf32, #tpu.memory_space<vmem>>
      %dma_start3A_524 = arith.constant 0 : i32
      %dma_start3A_525 = arith.constant 0 : i32
      %dma_start3A_526 = tpu.memref_slice %arg3[%shift_right_arithmetic3A_510, %dma_start3A_524, %dma_start3A_525] : memref<125000x8x64xf32, #tpu.memory_space<hbm>> -> memref<1x8x64xf32, #tpu.memory_space<hbm>>
      %dma_start3A_527 = tpu.memref_squeeze %dma_start3A_526 : memref<1x8x64xf32, #tpu.memory_space<hbm>> -> memref<8x64xf32, #tpu.memory_space<hbm>>
      tpu.enqueue_dma source(%dma_start3A_527 : memref<8x64xf32, #tpu.memory_space<hbm>>) target(%dma_start3A_523 : memref<8x64xf32, #tpu.memory_space<vmem>>) target_semaphore(%arg9 : memref<!tpu.dma_semaphore, #tpu.memory_space<semaphore_mem>>)
      %shift_right_arithmetic3A_528 = arith.constant 3 : i32
      %shift_right_arithmetic3A_529 = arith.shrsi %squeeze3A_75, %shift_right_arithmetic3A_528 : i32
      %dma_start3A_530 = arith.constant 23 : i32
      %dma_start3A_531 = arith.constant 0 : i32
      %dma_start3A_532 = arith.constant 0 : i32
      %dma_start3A_533 = tpu.memref_slice %arg7[%dma_start3A_530, %dma_start3A_531, %dma_start3A_532] : memref<32x8x64xf32, #tpu.memory_space<vmem>> -> memref<1x8x64xf32, #tpu.memory_space<vmem>>
      %dma_start3A_534 = tpu.memref_squeeze %dma_start3A_533 : memref<1x8x64xf32, #tpu.memory_space<vmem>> -> memref<8x64xf32, #tpu.memory_space<vmem>>
      %dma_start3A_535 = arith.constant 0 : i32
      %dma_start3A_536 = arith.constant 0 : i32
      %dma_start3A_537 = tpu.memref_slice %arg3[%shift_right_arithmetic3A_529, %dma_start3A_535, %dma_start3A_536] : memref<125000x8x64xf32, #tpu.memory_space<hbm>> -> memref<1x8x64xf32, #tpu.memory_space<hbm>>
      %dma_start3A_538 = tpu.memref_squeeze %dma_start3A_537 : memref<1x8x64xf32, #tpu.memory_space<hbm>> -> memref<8x64xf32, #tpu.memory_space<hbm>>
      %dma_start3A_539 = arith.constant 0 : i32
      %dma_start3A_540 = arith.constant 0 : i32
      %dma_start3A_541 = tpu.memref_slice %arg7[%dma_start3A_530, %dma_start3A_539, %dma_start3A_540] : memref<32x8x64xf32, #tpu.memory_space<vmem>> -> memref<1x8x64xf32, #tpu.memory_space<vmem>>
      %dma_start3A_542 = tpu.memref_squeeze %dma_start3A_541 : memref<1x8x64xf32, #tpu.memory_space<vmem>> -> memref<8x64xf32, #tpu.memory_space<vmem>>
      %dma_start3A_543 = arith.constant 0 : i32
      %dma_start3A_544 = arith.constant 0 : i32
      %dma_start3A_545 = tpu.memref_slice %arg3[%shift_right_arithmetic3A_529, %dma_start3A_543, %dma_start3A_544] : memref<125000x8x64xf32, #tpu.memory_space<hbm>> -> memref<1x8x64xf32, #tpu.memory_space<hbm>>
      %dma_start3A_546 = tpu.memref_squeeze %dma_start3A_545 : memref<1x8x64xf32, #tpu.memory_space<hbm>> -> memref<8x64xf32, #tpu.memory_space<hbm>>
      tpu.enqueue_dma source(%dma_start3A_546 : memref<8x64xf32, #tpu.memory_space<hbm>>) target(%dma_start3A_542 : memref<8x64xf32, #tpu.memory_space<vmem>>) target_semaphore(%arg9 : memref<!tpu.dma_semaphore, #tpu.memory_space<semaphore_mem>>)
      %shift_right_arithmetic3A_547 = arith.constant 3 : i32
      %shift_right_arithmetic3A_548 = arith.shrsi %squeeze3A_77, %shift_right_arithmetic3A_547 : i32
      %dma_start3A_549 = arith.constant 24 : i32
      %dma_start3A_550 = arith.constant 0 : i32
      %dma_start3A_551 = arith.constant 0 : i32
      %dma_start3A_552 = tpu.memref_slice %arg7[%dma_start3A_549, %dma_start3A_550, %dma_start3A_551] : memref<32x8x64xf32, #tpu.memory_space<vmem>> -> memref<1x8x64xf32, #tpu.memory_space<vmem>>
      %dma_start3A_553 = tpu.memref_squeeze %dma_start3A_552 : memref<1x8x64xf32, #tpu.memory_space<vmem>> -> memref<8x64xf32, #tpu.memory_space<vmem>>
      %dma_start3A_554 = arith.constant 0 : i32
      %dma_start3A_555 = arith.constant 0 : i32
      %dma_start3A_556 = tpu.memref_slice %arg3[%shift_right_arithmetic3A_548, %dma_start3A_554, %dma_start3A_555] : memref<125000x8x64xf32, #tpu.memory_space<hbm>> -> memref<1x8x64xf32, #tpu.memory_space<hbm>>
      %dma_start3A_557 = tpu.memref_squeeze %dma_start3A_556 : memref<1x8x64xf32, #tpu.memory_space<hbm>> -> memref<8x64xf32, #tpu.memory_space<hbm>>
      %dma_start3A_558 = arith.constant 0 : i32
      %dma_start3A_559 = arith.constant 0 : i32
      %dma_start3A_560 = tpu.memref_slice %arg7[%dma_start3A_549, %dma_start3A_558, %dma_start3A_559] : memref<32x8x64xf32, #tpu.memory_space<vmem>> -> memref<1x8x64xf32, #tpu.memory_space<vmem>>
      %dma_start3A_561 = tpu.memref_squeeze %dma_start3A_560 : memref<1x8x64xf32, #tpu.memory_space<vmem>> -> memref<8x64xf32, #tpu.memory_space<vmem>>
      %dma_start3A_562 = arith.constant 0 : i32
      %dma_start3A_563 = arith.constant 0 : i32
      %dma_start3A_564 = tpu.memref_slice %arg3[%shift_right_arithmetic3A_548, %dma_start3A_562, %dma_start3A_563] : memref<125000x8x64xf32, #tpu.memory_space<hbm>> -> memref<1x8x64xf32, #tpu.memory_space<hbm>>
      %dma_start3A_565 = tpu.memref_squeeze %dma_start3A_564 : memref<1x8x64xf32, #tpu.memory_space<hbm>> -> memref<8x64xf32, #tpu.memory_space<hbm>>
      tpu.enqueue_dma source(%dma_start3A_565 : memref<8x64xf32, #tpu.memory_space<hbm>>) target(%dma_start3A_561 : memref<8x64xf32, #tpu.memory_space<vmem>>) target_semaphore(%arg9 : memref<!tpu.dma_semaphore, #tpu.memory_space<semaphore_mem>>)
      %shift_right_arithmetic3A_566 = arith.constant 3 : i32
      %shift_right_arithmetic3A_567 = arith.shrsi %squeeze3A_79, %shift_right_arithmetic3A_566 : i32
      %dma_start3A_568 = arith.constant 25 : i32
      %dma_start3A_569 = arith.constant 0 : i32
      %dma_start3A_570 = arith.constant 0 : i32
      %dma_start3A_571 = tpu.memref_slice %arg7[%dma_start3A_568, %dma_start3A_569, %dma_start3A_570] : memref<32x8x64xf32, #tpu.memory_space<vmem>> -> memref<1x8x64xf32, #tpu.memory_space<vmem>>
      %dma_start3A_572 = tpu.memref_squeeze %dma_start3A_571 : memref<1x8x64xf32, #tpu.memory_space<vmem>> -> memref<8x64xf32, #tpu.memory_space<vmem>>
      %dma_start3A_573 = arith.constant 0 : i32
      %dma_start3A_574 = arith.constant 0 : i32
      %dma_start3A_575 = tpu.memref_slice %arg3[%shift_right_arithmetic3A_567, %dma_start3A_573, %dma_start3A_574] : memref<125000x8x64xf32, #tpu.memory_space<hbm>> -> memref<1x8x64xf32, #tpu.memory_space<hbm>>
      %dma_start3A_576 = tpu.memref_squeeze %dma_start3A_575 : memref<1x8x64xf32, #tpu.memory_space<hbm>> -> memref<8x64xf32, #tpu.memory_space<hbm>>
      %dma_start3A_577 = arith.constant 0 : i32
      %dma_start3A_578 = arith.constant 0 : i32
      %dma_start3A_579 = tpu.memref_slice %arg7[%dma_start3A_568, %dma_start3A_577, %dma_start3A_578] : memref<32x8x64xf32, #tpu.memory_space<vmem>> -> memref<1x8x64xf32, #tpu.memory_space<vmem>>
      %dma_start3A_580 = tpu.memref_squeeze %dma_start3A_579 : memref<1x8x64xf32, #tpu.memory_space<vmem>> -> memref<8x64xf32, #tpu.memory_space<vmem>>
      %dma_start3A_581 = arith.constant 0 : i32
      %dma_start3A_582 = arith.constant 0 : i32
      %dma_start3A_583 = tpu.memref_slice %arg3[%shift_right_arithmetic3A_567, %dma_start3A_581, %dma_start3A_582] : memref<125000x8x64xf32, #tpu.memory_space<hbm>> -> memref<1x8x64xf32, #tpu.memory_space<hbm>>
      %dma_start3A_584 = tpu.memref_squeeze %dma_start3A_583 : memref<1x8x64xf32, #tpu.memory_space<hbm>> -> memref<8x64xf32, #tpu.memory_space<hbm>>
      tpu.enqueue_dma source(%dma_start3A_584 : memref<8x64xf32, #tpu.memory_space<hbm>>) target(%dma_start3A_580 : memref<8x64xf32, #tpu.memory_space<vmem>>) target_semaphore(%arg9 : memref<!tpu.dma_semaphore, #tpu.memory_space<semaphore_mem>>)
      %shift_right_arithmetic3A_585 = arith.constant 3 : i32
      %shift_right_arithmetic3A_586 = arith.shrsi %squeeze3A_81, %shift_right_arithmetic3A_585 : i32
      %dma_start3A_587 = arith.constant 26 : i32
      %dma_start3A_588 = arith.constant 0 : i32
      %dma_start3A_589 = arith.constant 0 : i32
      %dma_start3A_590 = tpu.memref_slice %arg7[%dma_start3A_587, %dma_start3A_588, %dma_start3A_589] : memref<32x8x64xf32, #tpu.memory_space<vmem>> -> memref<1x8x64xf32, #tpu.memory_space<vmem>>
      %dma_start3A_591 = tpu.memref_squeeze %dma_start3A_590 : memref<1x8x64xf32, #tpu.memory_space<vmem>> -> memref<8x64xf32, #tpu.memory_space<vmem>>
      %dma_start3A_592 = arith.constant 0 : i32
      %dma_start3A_593 = arith.constant 0 : i32
      %dma_start3A_594 = tpu.memref_slice %arg3[%shift_right_arithmetic3A_586, %dma_start3A_592, %dma_start3A_593] : memref<125000x8x64xf32, #tpu.memory_space<hbm>> -> memref<1x8x64xf32, #tpu.memory_space<hbm>>
      %dma_start3A_595 = tpu.memref_squeeze %dma_start3A_594 : memref<1x8x64xf32, #tpu.memory_space<hbm>> -> memref<8x64xf32, #tpu.memory_space<hbm>>
      %dma_start3A_596 = arith.constant 0 : i32
      %dma_start3A_597 = arith.constant 0 : i32
      %dma_start3A_598 = tpu.memref_slice %arg7[%dma_start3A_587, %dma_start3A_596, %dma_start3A_597] : memref<32x8x64xf32, #tpu.memory_space<vmem>> -> memref<1x8x64xf32, #tpu.memory_space<vmem>>
      %dma_start3A_599 = tpu.memref_squeeze %dma_start3A_598 : memref<1x8x64xf32, #tpu.memory_space<vmem>> -> memref<8x64xf32, #tpu.memory_space<vmem>>
      %dma_start3A_600 = arith.constant 0 : i32
      %dma_start3A_601 = arith.constant 0 : i32
      %dma_start3A_602 = tpu.memref_slice %arg3[%shift_right_arithmetic3A_586, %dma_start3A_600, %dma_start3A_601] : memref<125000x8x64xf32, #tpu.memory_space<hbm>> -> memref<1x8x64xf32, #tpu.memory_space<hbm>>
      %dma_start3A_603 = tpu.memref_squeeze %dma_start3A_602 : memref<1x8x64xf32, #tpu.memory_space<hbm>> -> memref<8x64xf32, #tpu.memory_space<hbm>>
      tpu.enqueue_dma source(%dma_start3A_603 : memref<8x64xf32, #tpu.memory_space<hbm>>) target(%dma_start3A_599 : memref<8x64xf32, #tpu.memory_space<vmem>>) target_semaphore(%arg9 : memref<!tpu.dma_semaphore, #tpu.memory_space<semaphore_mem>>)
      %shift_right_arithmetic3A_604 = arith.constant 3 : i32
      %shift_right_arithmetic3A_605 = arith.shrsi %squeeze3A_83, %shift_right_arithmetic3A_604 : i32
      %dma_start3A_606 = arith.constant 27 : i32
      %dma_start3A_607 = arith.constant 0 : i32
      %dma_start3A_608 = arith.constant 0 : i32
      %dma_start3A_609 = tpu.memref_slice %arg7[%dma_start3A_606, %dma_start3A_607, %dma_start3A_608] : memref<32x8x64xf32, #tpu.memory_space<vmem>> -> memref<1x8x64xf32, #tpu.memory_space<vmem>>
      %dma_start3A_610 = tpu.memref_squeeze %dma_start3A_609 : memref<1x8x64xf32, #tpu.memory_space<vmem>> -> memref<8x64xf32, #tpu.memory_space<vmem>>
      %dma_start3A_611 = arith.constant 0 : i32
      %dma_start3A_612 = arith.constant 0 : i32
      %dma_start3A_613 = tpu.memref_slice %arg3[%shift_right_arithmetic3A_605, %dma_start3A_611, %dma_start3A_612] : memref<125000x8x64xf32, #tpu.memory_space<hbm>> -> memref<1x8x64xf32, #tpu.memory_space<hbm>>
      %dma_start3A_614 = tpu.memref_squeeze %dma_start3A_613 : memref<1x8x64xf32, #tpu.memory_space<hbm>> -> memref<8x64xf32, #tpu.memory_space<hbm>>
      %dma_start3A_615 = arith.constant 0 : i32
      %dma_start3A_616 = arith.constant 0 : i32
      %dma_start3A_617 = tpu.memref_slice %arg7[%dma_start3A_606, %dma_start3A_615, %dma_start3A_616] : memref<32x8x64xf32, #tpu.memory_space<vmem>> -> memref<1x8x64xf32, #tpu.memory_space<vmem>>
      %dma_start3A_618 = tpu.memref_squeeze %dma_start3A_617 : memref<1x8x64xf32, #tpu.memory_space<vmem>> -> memref<8x64xf32, #tpu.memory_space<vmem>>
      %dma_start3A_619 = arith.constant 0 : i32
      %dma_start3A_620 = arith.constant 0 : i32
      %dma_start3A_621 = tpu.memref_slice %arg3[%shift_right_arithmetic3A_605, %dma_start3A_619, %dma_start3A_620] : memref<125000x8x64xf32, #tpu.memory_space<hbm>> -> memref<1x8x64xf32, #tpu.memory_space<hbm>>
      %dma_start3A_622 = tpu.memref_squeeze %dma_start3A_621 : memref<1x8x64xf32, #tpu.memory_space<hbm>> -> memref<8x64xf32, #tpu.memory_space<hbm>>
      tpu.enqueue_dma source(%dma_start3A_622 : memref<8x64xf32, #tpu.memory_space<hbm>>) target(%dma_start3A_618 : memref<8x64xf32, #tpu.memory_space<vmem>>) target_semaphore(%arg9 : memref<!tpu.dma_semaphore, #tpu.memory_space<semaphore_mem>>)
      %shift_right_arithmetic3A_623 = arith.constant 3 : i32
      %shift_right_arithmetic3A_624 = arith.shrsi %squeeze3A_85, %shift_right_arithmetic3A_623 : i32
      %dma_start3A_625 = arith.constant 28 : i32
      %dma_start3A_626 = arith.constant 0 : i32
      %dma_start3A_627 = arith.constant 0 : i32
      %dma_start3A_628 = tpu.memref_slice %arg7[%dma_start3A_625, %dma_start3A_626, %dma_start3A_627] : memref<32x8x64xf32, #tpu.memory_space<vmem>> -> memref<1x8x64xf32, #tpu.memory_space<vmem>>
      %dma_start3A_629 = tpu.memref_squeeze %dma_start3A_628 : memref<1x8x64xf32, #tpu.memory_space<vmem>> -> memref<8x64xf32, #tpu.memory_space<vmem>>
      %dma_start3A_630 = arith.constant 0 : i32
      %dma_start3A_631 = arith.constant 0 : i32
      %dma_start3A_632 = tpu.memref_slice %arg3[%shift_right_arithmetic3A_624, %dma_start3A_630, %dma_start3A_631] : memref<125000x8x64xf32, #tpu.memory_space<hbm>> -> memref<1x8x64xf32, #tpu.memory_space<hbm>>
      %dma_start3A_633 = tpu.memref_squeeze %dma_start3A_632 : memref<1x8x64xf32, #tpu.memory_space<hbm>> -> memref<8x64xf32, #tpu.memory_space<hbm>>
      %dma_start3A_634 = arith.constant 0 : i32
      %dma_start3A_635 = arith.constant 0 : i32
      %dma_start3A_636 = tpu.memref_slice %arg7[%dma_start3A_625, %dma_start3A_634, %dma_start3A_635] : memref<32x8x64xf32, #tpu.memory_space<vmem>> -> memref<1x8x64xf32, #tpu.memory_space<vmem>>
      %dma_start3A_637 = tpu.memref_squeeze %dma_start3A_636 : memref<1x8x64xf32, #tpu.memory_space<vmem>> -> memref<8x64xf32, #tpu.memory_space<vmem>>
      %dma_start3A_638 = arith.constant 0 : i32
      %dma_start3A_639 = arith.constant 0 : i32
      %dma_start3A_640 = tpu.memref_slice %arg3[%shift_right_arithmetic3A_624, %dma_start3A_638, %dma_start3A_639] : memref<125000x8x64xf32, #tpu.memory_space<hbm>> -> memref<1x8x64xf32, #tpu.memory_space<hbm>>
      %dma_start3A_641 = tpu.memref_squeeze %dma_start3A_640 : memref<1x8x64xf32, #tpu.memory_space<hbm>> -> memref<8x64xf32, #tpu.memory_space<hbm>>
      tpu.enqueue_dma source(%dma_start3A_641 : memref<8x64xf32, #tpu.memory_space<hbm>>) target(%dma_start3A_637 : memref<8x64xf32, #tpu.memory_space<vmem>>) target_semaphore(%arg9 : memref<!tpu.dma_semaphore, #tpu.memory_space<semaphore_mem>>)
      %shift_right_arithmetic3A_642 = arith.constant 3 : i32
      %shift_right_arithmetic3A_643 = arith.shrsi %squeeze3A_87, %shift_right_arithmetic3A_642 : i32
      %dma_start3A_644 = arith.constant 29 : i32
      %dma_start3A_645 = arith.constant 0 : i32
      %dma_start3A_646 = arith.constant 0 : i32
      %dma_start3A_647 = tpu.memref_slice %arg7[%dma_start3A_644, %dma_start3A_645, %dma_start3A_646] : memref<32x8x64xf32, #tpu.memory_space<vmem>> -> memref<1x8x64xf32, #tpu.memory_space<vmem>>
      %dma_start3A_648 = tpu.memref_squeeze %dma_start3A_647 : memref<1x8x64xf32, #tpu.memory_space<vmem>> -> memref<8x64xf32, #tpu.memory_space<vmem>>
      %dma_start3A_649 = arith.constant 0 : i32
      %dma_start3A_650 = arith.constant 0 : i32
      %dma_start3A_651 = tpu.memref_slice %arg3[%shift_right_arithmetic3A_643, %dma_start3A_649, %dma_start3A_650] : memref<125000x8x64xf32, #tpu.memory_space<hbm>> -> memref<1x8x64xf32, #tpu.memory_space<hbm>>
      %dma_start3A_652 = tpu.memref_squeeze %dma_start3A_651 : memref<1x8x64xf32, #tpu.memory_space<hbm>> -> memref<8x64xf32, #tpu.memory_space<hbm>>
      %dma_start3A_653 = arith.constant 0 : i32
      %dma_start3A_654 = arith.constant 0 : i32
      %dma_start3A_655 = tpu.memref_slice %arg7[%dma_start3A_644, %dma_start3A_653, %dma_start3A_654] : memref<32x8x64xf32, #tpu.memory_space<vmem>> -> memref<1x8x64xf32, #tpu.memory_space<vmem>>
      %dma_start3A_656 = tpu.memref_squeeze %dma_start3A_655 : memref<1x8x64xf32, #tpu.memory_space<vmem>> -> memref<8x64xf32, #tpu.memory_space<vmem>>
      %dma_start3A_657 = arith.constant 0 : i32
      %dma_start3A_658 = arith.constant 0 : i32
      %dma_start3A_659 = tpu.memref_slice %arg3[%shift_right_arithmetic3A_643, %dma_start3A_657, %dma_start3A_658] : memref<125000x8x64xf32, #tpu.memory_space<hbm>> -> memref<1x8x64xf32, #tpu.memory_space<hbm>>
      %dma_start3A_660 = tpu.memref_squeeze %dma_start3A_659 : memref<1x8x64xf32, #tpu.memory_space<hbm>> -> memref<8x64xf32, #tpu.memory_space<hbm>>
      tpu.enqueue_dma source(%dma_start3A_660 : memref<8x64xf32, #tpu.memory_space<hbm>>) target(%dma_start3A_656 : memref<8x64xf32, #tpu.memory_space<vmem>>) target_semaphore(%arg9 : memref<!tpu.dma_semaphore, #tpu.memory_space<semaphore_mem>>)
      %shift_right_arithmetic3A_661 = arith.constant 3 : i32
      %shift_right_arithmetic3A_662 = arith.shrsi %squeeze3A_89, %shift_right_arithmetic3A_661 : i32
      %dma_start3A_663 = arith.constant 30 : i32
      %dma_start3A_664 = arith.constant 0 : i32
      %dma_start3A_665 = arith.constant 0 : i32
      %dma_start3A_666 = tpu.memref_slice %arg7[%dma_start3A_663, %dma_start3A_664, %dma_start3A_665] : memref<32x8x64xf32, #tpu.memory_space<vmem>> -> memref<1x8x64xf32, #tpu.memory_space<vmem>>
      %dma_start3A_667 = tpu.memref_squeeze %dma_start3A_666 : memref<1x8x64xf32, #tpu.memory_space<vmem>> -> memref<8x64xf32, #tpu.memory_space<vmem>>
      %dma_start3A_668 = arith.constant 0 : i32
      %dma_start3A_669 = arith.constant 0 : i32
      %dma_start3A_670 = tpu.memref_slice %arg3[%shift_right_arithmetic3A_662, %dma_start3A_668, %dma_start3A_669] : memref<125000x8x64xf32, #tpu.memory_space<hbm>> -> memref<1x8x64xf32, #tpu.memory_space<hbm>>
      %dma_start3A_671 = tpu.memref_squeeze %dma_start3A_670 : memref<1x8x64xf32, #tpu.memory_space<hbm>> -> memref<8x64xf32, #tpu.memory_space<hbm>>
      %dma_start3A_672 = arith.constant 0 : i32
      %dma_start3A_673 = arith.constant 0 : i32
      %dma_start3A_674 = tpu.memref_slice %arg7[%dma_start3A_663, %dma_start3A_672, %dma_start3A_673] : memref<32x8x64xf32, #tpu.memory_space<vmem>> -> memref<1x8x64xf32, #tpu.memory_space<vmem>>
      %dma_start3A_675 = tpu.memref_squeeze %dma_start3A_674 : memref<1x8x64xf32, #tpu.memory_space<vmem>> -> memref<8x64xf32, #tpu.memory_space<vmem>>
      %dma_start3A_676 = arith.constant 0 : i32
      %dma_start3A_677 = arith.constant 0 : i32
      %dma_start3A_678 = tpu.memref_slice %arg3[%shift_right_arithmetic3A_662, %dma_start3A_676, %dma_start3A_677] : memref<125000x8x64xf32, #tpu.memory_space<hbm>> -> memref<1x8x64xf32, #tpu.memory_space<hbm>>
      %dma_start3A_679 = tpu.memref_squeeze %dma_start3A_678 : memref<1x8x64xf32, #tpu.memory_space<hbm>> -> memref<8x64xf32, #tpu.memory_space<hbm>>
      tpu.enqueue_dma source(%dma_start3A_679 : memref<8x64xf32, #tpu.memory_space<hbm>>) target(%dma_start3A_675 : memref<8x64xf32, #tpu.memory_space<vmem>>) target_semaphore(%arg9 : memref<!tpu.dma_semaphore, #tpu.memory_space<semaphore_mem>>)
      %shift_right_arithmetic3A_680 = arith.constant 3 : i32
      %shift_right_arithmetic3A_681 = arith.shrsi %squeeze3A_91, %shift_right_arithmetic3A_680 : i32
      %dma_start3A_682 = arith.constant 31 : i32
      %dma_start3A_683 = arith.constant 0 : i32
      %dma_start3A_684 = arith.constant 0 : i32
      %dma_start3A_685 = tpu.memref_slice %arg7[%dma_start3A_682, %dma_start3A_683, %dma_start3A_684] : memref<32x8x64xf32, #tpu.memory_space<vmem>> -> memref<1x8x64xf32, #tpu.memory_space<vmem>>
      %dma_start3A_686 = tpu.memref_squeeze %dma_start3A_685 : memref<1x8x64xf32, #tpu.memory_space<vmem>> -> memref<8x64xf32, #tpu.memory_space<vmem>>
      %dma_start3A_687 = arith.constant 0 : i32
      %dma_start3A_688 = arith.constant 0 : i32
      %dma_start3A_689 = tpu.memref_slice %arg3[%shift_right_arithmetic3A_681, %dma_start3A_687, %dma_start3A_688] : memref<125000x8x64xf32, #tpu.memory_space<hbm>> -> memref<1x8x64xf32, #tpu.memory_space<hbm>>
      %dma_start3A_690 = tpu.memref_squeeze %dma_start3A_689 : memref<1x8x64xf32, #tpu.memory_space<hbm>> -> memref<8x64xf32, #tpu.memory_space<hbm>>
      %dma_start3A_691 = arith.constant 0 : i32
      %dma_start3A_692 = arith.constant 0 : i32
      %dma_start3A_693 = tpu.memref_slice %arg7[%dma_start3A_682, %dma_start3A_691, %dma_start3A_692] : memref<32x8x64xf32, #tpu.memory_space<vmem>> -> memref<1x8x64xf32, #tpu.memory_space<vmem>>
      %dma_start3A_694 = tpu.memref_squeeze %dma_start3A_693 : memref<1x8x64xf32, #tpu.memory_space<vmem>> -> memref<8x64xf32, #tpu.memory_space<vmem>>
      %dma_start3A_695 = arith.constant 0 : i32
      %dma_start3A_696 = arith.constant 0 : i32
      %dma_start3A_697 = tpu.memref_slice %arg3[%shift_right_arithmetic3A_681, %dma_start3A_695, %dma_start3A_696] : memref<125000x8x64xf32, #tpu.memory_space<hbm>> -> memref<1x8x64xf32, #tpu.memory_space<hbm>>
      %dma_start3A_698 = tpu.memref_squeeze %dma_start3A_697 : memref<1x8x64xf32, #tpu.memory_space<hbm>> -> memref<8x64xf32, #tpu.memory_space<hbm>>
      tpu.enqueue_dma source(%dma_start3A_698 : memref<8x64xf32, #tpu.memory_space<hbm>>) target(%dma_start3A_694 : memref<8x64xf32, #tpu.memory_space<vmem>>) target_semaphore(%arg9 : memref<!tpu.dma_semaphore, #tpu.memory_space<semaphore_mem>>)
      %dma_wait3A = arith.constant 0 : i32
      %dma_wait3A_699 = arith.constant 0 : i32
      %dma_wait3A_700 = arith.constant 0 : i32
      %dma_wait3A_701 = tpu.memref_slice %arg7[%dma_wait3A, %dma_wait3A_699, %dma_wait3A_700] : memref<32x8x64xf32, #tpu.memory_space<vmem>> -> memref<1x8x64xf32, #tpu.memory_space<vmem>>
      %dma_wait3A_702 = tpu.memref_squeeze %dma_wait3A_701 : memref<1x8x64xf32, #tpu.memory_space<vmem>> -> memref<8x64xf32, #tpu.memory_space<vmem>>
      %dma_wait3A_703 = arith.constant 0 : i32
      %dma_wait3A_704 = arith.constant 0 : i32
      %dma_wait3A_705 = tpu.memref_slice %arg3[%shift_right_arithmetic3A_93, %dma_wait3A_703, %dma_wait3A_704] : memref<125000x8x64xf32, #tpu.memory_space<hbm>> -> memref<1x8x64xf32, #tpu.memory_space<hbm>>
      %dma_wait3A_706 = tpu.memref_squeeze %dma_wait3A_705 : memref<1x8x64xf32, #tpu.memory_space<hbm>> -> memref<8x64xf32, #tpu.memory_space<hbm>>
      %dma_wait3A_707 = arith.constant 0 : i32
      %dma_wait3A_708 = arith.constant 0 : i32
      %dma_wait3A_709 = tpu.memref_slice %arg7[%dma_wait3A, %dma_wait3A_707, %dma_wait3A_708] : memref<32x8x64xf32, #tpu.memory_space<vmem>> -> memref<1x8x64xf32, #tpu.memory_space<vmem>>
      %dma_wait3A_710 = tpu.memref_squeeze %dma_wait3A_709 : memref<1x8x64xf32, #tpu.memory_space<vmem>> -> memref<8x64xf32, #tpu.memory_space<vmem>>
      %dma_wait3A_711 = arith.constant 0 : i32
      %dma_wait3A_712 = arith.constant 0 : i32
      %dma_wait3A_713 = tpu.memref_slice %arg3[%shift_right_arithmetic3A_93, %dma_wait3A_711, %dma_wait3A_712] : memref<125000x8x64xf32, #tpu.memory_space<hbm>> -> memref<1x8x64xf32, #tpu.memory_space<hbm>>
      %dma_wait3A_714 = tpu.memref_squeeze %dma_wait3A_713 : memref<1x8x64xf32, #tpu.memory_space<hbm>> -> memref<8x64xf32, #tpu.memory_space<hbm>>
      tpu.wait_dma2 semaphore(%arg9 : memref<!tpu.dma_semaphore, #tpu.memory_space<semaphore_mem>>) src(%dma_wait3A_714 : memref<8x64xf32, #tpu.memory_space<hbm>>) dst(%dma_wait3A_710 : memref<8x64xf32, #tpu.memory_space<vmem>>)
      %and3A_715 = arith.constant 7 : i32
      %and3A_716 = arith.andi %squeeze3A, %and3A_715 : i32
      %mul3A_717 = arith.constant 16 : i32
      %mul3A_718 = arith.muli %scan3A_13, %mul3A_717 : i32
      %add3A_719 = arith.constant 0 : i32
      %add3A_720 = arith.addi %mul3A_718, %add3A_719 : i32
      %get3A_721 = arith.constant 0 : i32
      %get3A_722 = arith.index_cast %get3A_721 : i32 to index
      %get3A_723 = arith.index_cast %and3A_716 : i32 to index
      %get3A_724 = arith.constant 0 : index
      %get3A_725 = tpu.vector_load %arg7[%get3A_722, %get3A_723, %get3A_724] {strides = array<i32>} : memref<32x8x64xf32, #tpu.memory_space<vmem>>, vector<16xf32>,
      %mul3A_726 = vector.broadcast %scan3A_4 : f32 to vector<16xf32>
      %mul3A_727 = arith.mulf %get3A_725, %mul3A_726 : vector<16xf32>
      %get3A_728 = arith.index_cast %add3A_720 : i32 to index
      %get3A_729 = arith.constant 0 : index
      %get3A_730 = tpu.vector_load %arg8[%get3A_728, %get3A_729] {strides = array<i32>} : memref<128x128xf32, #tpu.memory_space<vmem>>, vector<16xf32>,
      %add3A_731 = arith.addf %mul3A_727, %get3A_730 : vector<16xf32>
      %swap3A = arith.index_cast %add3A_720 : i32 to index
      %swap3A_732 = arith.constant 0 : index
      %swap3A_733 = tpu.vector_load %arg8[%swap3A, %swap3A_732] {strides = array<i32>} : memref<128x128xf32, #tpu.memory_space<vmem>>, vector<16xf32>,
      tpu.vector_store %arg8[%swap3A, %swap3A_732], %add3A_731 {strides = array<i32>} : memref<128x128xf32, #tpu.memory_space<vmem>>, vector<16xf32>,
      %get3A_734 = arith.constant 0 : i32
      %get3A_735 = arith.index_cast %get3A_734 : i32 to index
      %get3A_736 = arith.index_cast %and3A_716 : i32 to index
      %get3A_737 = arith.constant 16 : index
      %get3A_738 = tpu.vector_load %arg7[%get3A_735, %get3A_736, %get3A_737] {strides = array<i32>} : memref<32x8x64xf32, #tpu.memory_space<vmem>>, vector<16xf32>,
      %mul3A_739 = vector.broadcast %scan3A_4 : f32 to vector<16xf32>
      %mul3A_740 = arith.mulf %get3A_738, %mul3A_739 : vector<16xf32>
      %get3A_741 = arith.index_cast %add3A_720 : i32 to index
      %get3A_742 = arith.constant 16 : index
      %get3A_743 = tpu.vector_load %arg8[%get3A_741, %get3A_742] {strides = array<i32>} : memref<128x128xf32, #tpu.memory_space<vmem>>, vector<16xf32>,
      %add3A_744 = arith.addf %mul3A_740, %get3A_743 : vector<16xf32>
      %swap3A_745 = arith.index_cast %add3A_720 : i32 to index
      %swap3A_746 = arith.constant 16 : index
      %swap3A_747 = tpu.vector_load %arg8[%swap3A_745, %swap3A_746] {strides = array<i32>} : memref<128x128xf32, #tpu.memory_space<vmem>>, vector<16xf32>,
      tpu.vector_store %arg8[%swap3A_745, %swap3A_746], %add3A_744 {strides = array<i32>} : memref<128x128xf32, #tpu.memory_space<vmem>>, vector<16xf32>,
      %get3A_748 = arith.constant 0 : i32
      %get3A_749 = arith.index_cast %get3A_748 : i32 to index
      %get3A_750 = arith.index_cast %and3A_716 : i32 to index
      %get3A_751 = arith.constant 32 : index
      %get3A_752 = tpu.vector_load %arg7[%get3A_749, %get3A_750, %get3A_751] {strides = array<i32>} : memref<32x8x64xf32, #tpu.memory_space<vmem>>, vector<16xf32>,
      %mul3A_753 = vector.broadcast %scan3A_4 : f32 to vector<16xf32>
      %mul3A_754 = arith.mulf %get3A_752, %mul3A_753 : vector<16xf32>
      %get3A_755 = arith.index_cast %add3A_720 : i32 to index
      %get3A_756 = arith.constant 32 : index
      %get3A_757 = tpu.vector_load %arg8[%get3A_755, %get3A_756] {strides = array<i32>} : memref<128x128xf32, #tpu.memory_space<vmem>>, vector<16xf32>,
      %add3A_758 = arith.addf %mul3A_754, %get3A_757 : vector<16xf32>
      %swap3A_759 = arith.index_cast %add3A_720 : i32 to index
      %swap3A_760 = arith.constant 32 : index
      %swap3A_761 = tpu.vector_load %arg8[%swap3A_759, %swap3A_760] {strides = array<i32>} : memref<128x128xf32, #tpu.memory_space<vmem>>, vector<16xf32>,
      tpu.vector_store %arg8[%swap3A_759, %swap3A_760], %add3A_758 {strides = array<i32>} : memref<128x128xf32, #tpu.memory_space<vmem>>, vector<16xf32>,
      %get3A_762 = arith.constant 0 : i32
      %get3A_763 = arith.index_cast %get3A_762 : i32 to index
      %get3A_764 = arith.index_cast %and3A_716 : i32 to index
      %get3A_765 = arith.constant 48 : index
      %get3A_766 = tpu.vector_load %arg7[%get3A_763, %get3A_764, %get3A_765] {strides = array<i32>} : memref<32x8x64xf32, #tpu.memory_space<vmem>>, vector<16xf32>,
      %mul3A_767 = vector.broadcast %scan3A_4 : f32 to vector<16xf32>
      %mul3A_768 = arith.mulf %get3A_766, %mul3A_767 : vector<16xf32>
      %get3A_769 = arith.index_cast %add3A_720 : i32 to index
      %get3A_770 = arith.constant 48 : index
      %get3A_771 = tpu.vector_load %arg8[%get3A_769, %get3A_770] {strides = array<i32>} : memref<128x128xf32, #tpu.memory_space<vmem>>, vector<16xf32>,
      %add3A_772 = arith.addf %mul3A_768, %get3A_771 : vector<16xf32>
      %swap3A_773 = arith.index_cast %add3A_720 : i32 to index
      %swap3A_774 = arith.constant 48 : index
      %swap3A_775 = tpu.vector_load %arg8[%swap3A_773, %swap3A_774] {strides = array<i32>} : memref<128x128xf32, #tpu.memory_space<vmem>>, vector<16xf32>,
      tpu.vector_store %arg8[%swap3A_773, %swap3A_774], %add3A_772 {strides = array<i32>} : memref<128x128xf32, #tpu.memory_space<vmem>>, vector<16xf32>,
      %dma_wait3A_776 = arith.constant 1 : i32
      %dma_wait3A_777 = arith.constant 0 : i32
      %dma_wait3A_778 = arith.constant 0 : i32
      %dma_wait3A_779 = tpu.memref_slice %arg7[%dma_wait3A_776, %dma_wait3A_777, %dma_wait3A_778] : memref<32x8x64xf32, #tpu.memory_space<vmem>> -> memref<1x8x64xf32, #tpu.memory_space<vmem>>
      %dma_wait3A_780 = tpu.memref_squeeze %dma_wait3A_779 : memref<1x8x64xf32, #tpu.memory_space<vmem>> -> memref<8x64xf32, #tpu.memory_space<vmem>>
      %dma_wait3A_781 = arith.constant 0 : i32
      %dma_wait3A_782 = arith.constant 0 : i32
      %dma_wait3A_783 = tpu.memref_slice %arg3[%shift_right_arithmetic3A_111, %dma_wait3A_781, %dma_wait3A_782] : memref<125000x8x64xf32, #tpu.memory_space<hbm>> -> memref<1x8x64xf32, #tpu.memory_space<hbm>>
      %dma_wait3A_784 = tpu.memref_squeeze %dma_wait3A_783 : memref<1x8x64xf32, #tpu.memory_space<hbm>> -> memref<8x64xf32, #tpu.memory_space<hbm>>
      %dma_wait3A_785 = arith.constant 0 : i32
      %dma_wait3A_786 = arith.constant 0 : i32
      %dma_wait3A_787 = tpu.memref_slice %arg7[%dma_wait3A_776, %dma_wait3A_785, %dma_wait3A_786] : memref<32x8x64xf32, #tpu.memory_space<vmem>> -> memref<1x8x64xf32, #tpu.memory_space<vmem>>
      %dma_wait3A_788 = tpu.memref_squeeze %dma_wait3A_787 : memref<1x8x64xf32, #tpu.memory_space<vmem>> -> memref<8x64xf32, #tpu.memory_space<vmem>>
      %dma_wait3A_789 = arith.constant 0 : i32
      %dma_wait3A_790 = arith.constant 0 : i32
      %dma_wait3A_791 = tpu.memref_slice %arg3[%shift_right_arithmetic3A_111, %dma_wait3A_789, %dma_wait3A_790] : memref<125000x8x64xf32, #tpu.memory_space<hbm>> -> memref<1x8x64xf32, #tpu.memory_space<hbm>>
      %dma_wait3A_792 = tpu.memref_squeeze %dma_wait3A_791 : memref<1x8x64xf32, #tpu.memory_space<hbm>> -> memref<8x64xf32, #tpu.memory_space<hbm>>
      tpu.wait_dma2 semaphore(%arg9 : memref<!tpu.dma_semaphore, #tpu.memory_space<semaphore_mem>>) src(%dma_wait3A_792 : memref<8x64xf32, #tpu.memory_space<hbm>>) dst(%dma_wait3A_788 : memref<8x64xf32, #tpu.memory_space<vmem>>)
      %and3A_793 = arith.constant 7 : i32
      %and3A_794 = arith.andi %squeeze3A_26, %and3A_793 : i32
      %mul3A_795 = arith.constant 16 : i32
      %mul3A_796 = arith.muli %scan3A_13, %mul3A_795 : i32
      %add3A_797 = arith.constant 0 : i32
      %add3A_798 = arith.addi %mul3A_796, %add3A_797 : i32
      %get3A_799 = arith.constant 1 : i32
      %get3A_800 = arith.index_cast %get3A_799 : i32 to index
      %get3A_801 = arith.index_cast %and3A_794 : i32 to index
      %get3A_802 = arith.constant 0 : index
      %get3A_803 = tpu.vector_load %arg7[%get3A_800, %get3A_801, %get3A_802] {strides = array<i32>} : memref<32x8x64xf32, #tpu.memory_space<vmem>>, vector<16xf32>,
      %mul3A_804 = vector.broadcast %scan3A_4 : f32 to vector<16xf32>
      %mul3A_805 = arith.mulf %get3A_803, %mul3A_804 : vector<16xf32>
      %get3A_806 = arith.index_cast %add3A_798 : i32 to index
      %get3A_807 = arith.constant 64 : index
      %get3A_808 = tpu.vector_load %arg8[%get3A_806, %get3A_807] {strides = array<i32>} : memref<128x128xf32, #tpu.memory_space<vmem>>, vector<16xf32>,
      %add3A_809 = arith.addf %mul3A_805, %get3A_808 : vector<16xf32>
      %swap3A_810 = arith.index_cast %add3A_798 : i32 to index
      %swap3A_811 = arith.constant 64 : index
      %swap3A_812 = tpu.vector_load %arg8[%swap3A_810, %swap3A_811] {strides = array<i32>} : memref<128x128xf32, #tpu.memory_space<vmem>>, vector<16xf32>,
      tpu.vector_store %arg8[%swap3A_810, %swap3A_811], %add3A_809 {strides = array<i32>} : memref<128x128xf32, #tpu.memory_space<vmem>>, vector<16xf32>,
      %get3A_813 = arith.constant 1 : i32
      %get3A_814 = arith.index_cast %get3A_813 : i32 to index
      %get3A_815 = arith.index_cast %and3A_794 : i32 to index
      %get3A_816 = arith.constant 16 : index
      %get3A_817 = tpu.vector_load %arg7[%get3A_814, %get3A_815, %get3A_816] {strides = array<i32>} : memref<32x8x64xf32, #tpu.memory_space<vmem>>, vector<16xf32>,
      %mul3A_818 = vector.broadcast %scan3A_4 : f32 to vector<16xf32>
      %mul3A_819 = arith.mulf %get3A_817, %mul3A_818 : vector<16xf32>
      %get3A_820 = arith.index_cast %add3A_798 : i32 to index
      %get3A_821 = arith.constant 80 : index
      %get3A_822 = tpu.vector_load %arg8[%get3A_820, %get3A_821] {strides = array<i32>} : memref<128x128xf32, #tpu.memory_space<vmem>>, vector<16xf32>,
      %add3A_823 = arith.addf %mul3A_819, %get3A_822 : vector<16xf32>
      %swap3A_824 = arith.index_cast %add3A_798 : i32 to index
      %swap3A_825 = arith.constant 80 : index
      %swap3A_826 = tpu.vector_load %arg8[%swap3A_824, %swap3A_825] {strides = array<i32>} : memref<128x128xf32, #tpu.memory_space<vmem>>, vector<16xf32>,
      tpu.vector_store %arg8[%swap3A_824, %swap3A_825], %add3A_823 {strides = array<i32>} : memref<128x128xf32, #tpu.memory_space<vmem>>, vector<16xf32>,
      %get3A_827 = arith.constant 1 : i32
      %get3A_828 = arith.index_cast %get3A_827 : i32 to index
      %get3A_829 = arith.index_cast %and3A_794 : i32 to index
      %get3A_830 = arith.constant 32 : index
      %get3A_831 = tpu.vector_load %arg7[%get3A_828, %get3A_829, %get3A_830] {strides = array<i32>} : memref<32x8x64xf32, #tpu.memory_space<vmem>>, vector<16xf32>,
      %mul3A_832 = vector.broadcast %scan3A_4 : f32 to vector<16xf32>
      %mul3A_833 = arith.mulf %get3A_831, %mul3A_832 : vector<16xf32>
      %get3A_834 = arith.index_cast %add3A_798 : i32 to index
      %get3A_835 = arith.constant 96 : index
      %get3A_836 = tpu.vector_load %arg8[%get3A_834, %get3A_835] {strides = array<i32>} : memref<128x128xf32, #tpu.memory_space<vmem>>, vector<16xf32>,
      %add3A_837 = arith.addf %mul3A_833, %get3A_836 : vector<16xf32>
      %swap3A_838 = arith.index_cast %add3A_798 : i32 to index
      %swap3A_839 = arith.constant 96 : index
      %swap3A_840 = tpu.vector_load %arg8[%swap3A_838, %swap3A_839] {strides = array<i32>} : memref<128x128xf32, #tpu.memory_space<vmem>>, vector<16xf32>,
      tpu.vector_store %arg8[%swap3A_838, %swap3A_839], %add3A_837 {strides = array<i32>} : memref<128x128xf32, #tpu.memory_space<vmem>>, vector<16xf32>,
      %get3A_841 = arith.constant 1 : i32
      %get3A_842 = arith.index_cast %get3A_841 : i32 to index
      %get3A_843 = arith.index_cast %and3A_794 : i32 to index
      %get3A_844 = arith.constant 48 : index
      %get3A_845 = tpu.vector_load %arg7[%get3A_842, %get3A_843, %get3A_844] {strides = array<i32>} : memref<32x8x64xf32, #tpu.memory_space<vmem>>, vector<16xf32>,
      %mul3A_846 = vector.broadcast %scan3A_4 : f32 to vector<16xf32>
      %mul3A_847 = arith.mulf %get3A_845, %mul3A_846 : vector<16xf32>
      %get3A_848 = arith.index_cast %add3A_798 : i32 to index
      %get3A_849 = arith.constant 112 : index
      %get3A_850 = tpu.vector_load %arg8[%get3A_848, %get3A_849] {strides = array<i32>} : memref<128x128xf32, #tpu.memory_space<vmem>>, vector<16xf32>,
      %add3A_851 = arith.addf %mul3A_847, %get3A_850 : vector<16xf32>
      %swap3A_852 = arith.index_cast %add3A_798 : i32 to index
      %swap3A_853 = arith.constant 112 : index
      %swap3A_854 = tpu.vector_load %arg8[%swap3A_852, %swap3A_853] {strides = array<i32>} : memref<128x128xf32, #tpu.memory_space<vmem>>, vector<16xf32>,
      tpu.vector_store %arg8[%swap3A_852, %swap3A_853], %add3A_851 {strides = array<i32>} : memref<128x128xf32, #tpu.memory_space<vmem>>, vector<16xf32>,
      %dma_wait3A_855 = arith.constant 2 : i32
      %dma_wait3A_856 = arith.constant 0 : i32
      %dma_wait3A_857 = arith.constant 0 : i32
      %dma_wait3A_858 = tpu.memref_slice %arg7[%dma_wait3A_855, %dma_wait3A_856, %dma_wait3A_857] : memref<32x8x64xf32, #tpu.memory_space<vmem>> -> memref<1x8x64xf32, #tpu.memory_space<vmem>>
      %dma_wait3A_859 = tpu.memref_squeeze %dma_wait3A_858 : memref<1x8x64xf32, #tpu.memory_space<vmem>> -> memref<8x64xf32, #tpu.memory_space<vmem>>
      %dma_wait3A_860 = arith.constant 0 : i32
      %dma_wait3A_861 = arith.constant 0 : i32
      %dma_wait3A_862 = tpu.memref_slice %arg3[%shift_right_arithmetic3A_130, %dma_wait3A_860, %dma_wait3A_861] : memref<125000x8x64xf32, #tpu.memory_space<hbm>> -> memref<1x8x64xf32, #tpu.memory_space<hbm>>
      %dma_wait3A_863 = tpu.memref_squeeze %dma_wait3A_862 : memref<1x8x64xf32, #tpu.memory_space<hbm>> -> memref<8x64xf32, #tpu.memory_space<hbm>>
      %dma_wait3A_864 = arith.constant 0 : i32
      %dma_wait3A_865 = arith.constant 0 : i32
      %dma_wait3A_866 = tpu.memref_slice %arg7[%dma_wait3A_855, %dma_wait3A_864, %dma_wait3A_865] : memref<32x8x64xf32, #tpu.memory_space<vmem>> -> memref<1x8x64xf32, #tpu.memory_space<vmem>>
      %dma_wait3A_867 = tpu.memref_squeeze %dma_wait3A_866 : memref<1x8x64xf32, #tpu.memory_space<vmem>> -> memref<8x64xf32, #tpu.memory_space<vmem>>
      %dma_wait3A_868 = arith.constant 0 : i32
      %dma_wait3A_869 = arith.constant 0 : i32
      %dma_wait3A_870 = tpu.memref_slice %arg3[%shift_right_arithmetic3A_130, %dma_wait3A_868, %dma_wait3A_869] : memref<125000x8x64xf32, #tpu.memory_space<hbm>> -> memref<1x8x64xf32, #tpu.memory_space<hbm>>
      %dma_wait3A_871 = tpu.memref_squeeze %dma_wait3A_870 : memref<1x8x64xf32, #tpu.memory_space<hbm>> -> memref<8x64xf32, #tpu.memory_space<hbm>>
      tpu.wait_dma2 semaphore(%arg9 : memref<!tpu.dma_semaphore, #tpu.memory_space<semaphore_mem>>) src(%dma_wait3A_871 : memref<8x64xf32, #tpu.memory_space<hbm>>) dst(%dma_wait3A_867 : memref<8x64xf32, #tpu.memory_space<vmem>>)
      %and3A_872 = arith.constant 7 : i32
      %and3A_873 = arith.andi %squeeze3A_28, %and3A_872 : i32
      %mul3A_874 = arith.constant 16 : i32
      %mul3A_875 = arith.muli %scan3A_13, %mul3A_874 : i32
      %add3A_876 = arith.constant 1 : i32
      %add3A_877 = arith.addi %mul3A_875, %add3A_876 : i32
      %get3A_878 = arith.constant 2 : i32
      %get3A_879 = arith.index_cast %get3A_878 : i32 to index
      %get3A_880 = arith.index_cast %and3A_873 : i32 to index
      %get3A_881 = arith.constant 0 : index
      %get3A_882 = tpu.vector_load %arg7[%get3A_879, %get3A_880, %get3A_881] {strides = array<i32>} : memref<32x8x64xf32, #tpu.memory_space<vmem>>, vector<16xf32>,
      %mul3A_883 = vector.broadcast %scan3A_4 : f32 to vector<16xf32>
      %mul3A_884 = arith.mulf %get3A_882, %mul3A_883 : vector<16xf32>
      %get3A_885 = arith.index_cast %add3A_877 : i32 to index
      %get3A_886 = arith.constant 0 : index
      %get3A_887 = tpu.vector_load %arg8[%get3A_885, %get3A_886] {strides = array<i32>} : memref<128x128xf32, #tpu.memory_space<vmem>>, vector<16xf32>,
      %add3A_888 = arith.addf %mul3A_884, %get3A_887 : vector<16xf32>
      %swap3A_889 = arith.index_cast %add3A_877 : i32 to index
      %swap3A_890 = arith.constant 0 : index
      %swap3A_891 = tpu.vector_load %arg8[%swap3A_889, %swap3A_890] {strides = array<i32>} : memref<128x128xf32, #tpu.memory_space<vmem>>, vector<16xf32>,
      tpu.vector_store %arg8[%swap3A_889, %swap3A_890], %add3A_888 {strides = array<i32>} : memref<128x128xf32, #tpu.memory_space<vmem>>, vector<16xf32>,
      %get3A_892 = arith.constant 2 : i32
      %get3A_893 = arith.index_cast %get3A_892 : i32 to index
      %get3A_894 = arith.index_cast %and3A_873 : i32 to index
      %get3A_895 = arith.constant 16 : index
      %get3A_896 = tpu.vector_load %arg7[%get3A_893, %get3A_894, %get3A_895] {strides = array<i32>} : memref<32x8x64xf32, #tpu.memory_space<vmem>>, vector<16xf32>,
      %mul3A_897 = vector.broadcast %scan3A_4 : f32 to vector<16xf32>
      %mul3A_898 = arith.mulf %get3A_896, %mul3A_897 : vector<16xf32>
      %get3A_899 = arith.index_cast %add3A_877 : i32 to index
      %get3A_900 = arith.constant 16 : index
      %get3A_901 = tpu.vector_load %arg8[%get3A_899, %get3A_900] {strides = array<i32>} : memref<128x128xf32, #tpu.memory_space<vmem>>, vector<16xf32>,
      %add3A_902 = arith.addf %mul3A_898, %get3A_901 : vector<16xf32>
      %swap3A_903 = arith.index_cast %add3A_877 : i32 to index
      %swap3A_904 = arith.constant 16 : index
      %swap3A_905 = tpu.vector_load %arg8[%swap3A_903, %swap3A_904] {strides = array<i32>} : memref<128x128xf32, #tpu.memory_space<vmem>>, vector<16xf32>,
      tpu.vector_store %arg8[%swap3A_903, %swap3A_904], %add3A_902 {strides = array<i32>} : memref<128x128xf32, #tpu.memory_space<vmem>>, vector<16xf32>,
      %get3A_906 = arith.constant 2 : i32
      %get3A_907 = arith.index_cast %get3A_906 : i32 to index
      %get3A_908 = arith.index_cast %and3A_873 : i32 to index
      %get3A_909 = arith.constant 32 : index
      %get3A_910 = tpu.vector_load %arg7[%get3A_907, %get3A_908, %get3A_909] {strides = array<i32>} : memref<32x8x64xf32, #tpu.memory_space<vmem>>, vector<16xf32>,
      %mul3A_911 = vector.broadcast %scan3A_4 : f32 to vector<16xf32>
      %mul3A_912 = arith.mulf %get3A_910, %mul3A_911 : vector<16xf32>
      %get3A_913 = arith.index_cast %add3A_877 : i32 to index
      %get3A_914 = arith.constant 32 : index
      %get3A_915 = tpu.vector_load %arg8[%get3A_913, %get3A_914] {strides = array<i32>} : memref<128x128xf32, #tpu.memory_space<vmem>>, vector<16xf32>,
      %add3A_916 = arith.addf %mul3A_912, %get3A_915 : vector<16xf32>
      %swap3A_917 = arith.index_cast %add3A_877 : i32 to index
      %swap3A_918 = arith.constant 32 : index
      %swap3A_919 = tpu.vector_load %arg8[%swap3A_917, %swap3A_918] {strides = array<i32>} : memref<128x128xf32, #tpu.memory_space<vmem>>, vector<16xf32>,
      tpu.vector_store %arg8[%swap3A_917, %swap3A_918], %add3A_916 {strides = array<i32>} : memref<128x128xf32, #tpu.memory_space<vmem>>, vector<16xf32>,
      %get3A_920 = arith.constant 2 : i32
      %get3A_921 = arith.index_cast %get3A_920 : i32 to index
      %get3A_922 = arith.index_cast %and3A_873 : i32 to index
      %get3A_923 = arith.constant 48 : index
      %get3A_924 = tpu.vector_load %arg7[%get3A_921, %get3A_922, %get3A_923] {strides = array<i32>} : memref<32x8x64xf32, #tpu.memory_space<vmem>>, vector<16xf32>,
      %mul3A_925 = vector.broadcast %scan3A_4 : f32 to vector<16xf32>
      %mul3A_926 = arith.mulf %get3A_924, %mul3A_925 : vector<16xf32>
      %get3A_927 = arith.index_cast %add3A_877 : i32 to index
      %get3A_928 = arith.constant 48 : index
      %get3A_929 = tpu.vector_load %arg8[%get3A_927, %get3A_928] {strides = array<i32>} : memref<128x128xf32, #tpu.memory_space<vmem>>, vector<16xf32>,
      %add3A_930 = arith.addf %mul3A_926, %get3A_929 : vector<16xf32>
      %swap3A_931 = arith.index_cast %add3A_877 : i32 to index
      %swap3A_932 = arith.constant 48 : index
      %swap3A_933 = tpu.vector_load %arg8[%swap3A_931, %swap3A_932] {strides = array<i32>} : memref<128x128xf32, #tpu.memory_space<vmem>>, vector<16xf32>,
      tpu.vector_store %arg8[%swap3A_931, %swap3A_932], %add3A_930 {strides = array<i32>} : memref<128x128xf32, #tpu.memory_space<vmem>>, vector<16xf32>,
      %dma_wait3A_934 = arith.constant 3 : i32
      %dma_wait3A_935 = arith.constant 0 : i32
      %dma_wait3A_936 = arith.constant 0 : i32
      %dma_wait3A_937 = tpu.memref_slice %arg7[%dma_wait3A_934, %dma_wait3A_935, %dma_wait3A_936] : memref<32x8x64xf32, #tpu.memory_space<vmem>> -> memref<1x8x64xf32, #tpu.memory_space<vmem>>
      %dma_wait3A_938 = tpu.memref_squeeze %dma_wait3A_937 : memref<1x8x64xf32, #tpu.memory_space<vmem>> -> memref<8x64xf32, #tpu.memory_space<vmem>>
      %dma_wait3A_939 = arith.constant 0 : i32
      %dma_wait3A_940 = arith.constant 0 : i32
      %dma_wait3A_941 = tpu.memref_slice %arg3[%shift_right_arithmetic3A_149, %dma_wait3A_939, %dma_wait3A_940] : memref<125000x8x64xf32, #tpu.memory_space<hbm>> -> memref<1x8x64xf32, #tpu.memory_space<hbm>>
      %dma_wait3A_942 = tpu.memref_squeeze %dma_wait3A_941 : memref<1x8x64xf32, #tpu.memory_space<hbm>> -> memref<8x64xf32, #tpu.memory_space<hbm>>
      %dma_wait3A_943 = arith.constant 0 : i32
      %dma_wait3A_944 = arith.constant 0 : i32
      %dma_wait3A_945 = tpu.memref_slice %arg7[%dma_wait3A_934, %dma_wait3A_943, %dma_wait3A_944] : memref<32x8x64xf32, #tpu.memory_space<vmem>> -> memref<1x8x64xf32, #tpu.memory_space<vmem>>
      %dma_wait3A_946 = tpu.memref_squeeze %dma_wait3A_945 : memref<1x8x64xf32, #tpu.memory_space<vmem>> -> memref<8x64xf32, #tpu.memory_space<vmem>>
      %dma_wait3A_947 = arith.constant 0 : i32
      %dma_wait3A_948 = arith.constant 0 : i32
      %dma_wait3A_949 = tpu.memref_slice %arg3[%shift_right_arithmetic3A_149, %dma_wait3A_947, %dma_wait3A_948] : memref<125000x8x64xf32, #tpu.memory_space<hbm>> -> memref<1x8x64xf32, #tpu.memory_space<hbm>>
      %dma_wait3A_950 = tpu.memref_squeeze %dma_wait3A_949 : memref<1x8x64xf32, #tpu.memory_space<hbm>> -> memref<8x64xf32, #tpu.memory_space<hbm>>
      tpu.wait_dma2 semaphore(%arg9 : memref<!tpu.dma_semaphore, #tpu.memory_space<semaphore_mem>>) src(%dma_wait3A_950 : memref<8x64xf32, #tpu.memory_space<hbm>>) dst(%dma_wait3A_946 : memref<8x64xf32, #tpu.memory_space<vmem>>)
      %and3A_951 = arith.constant 7 : i32
      %and3A_952 = arith.andi %squeeze3A_30, %and3A_951 : i32
      %mul3A_953 = arith.constant 16 : i32
      %mul3A_954 = arith.muli %scan3A_13, %mul3A_953 : i32
      %add3A_955 = arith.constant 1 : i32
      %add3A_956 = arith.addi %mul3A_954, %add3A_955 : i32
      %get3A_957 = arith.constant 3 : i32
      %get3A_958 = arith.index_cast %get3A_957 : i32 to index
      %get3A_959 = arith.index_cast %and3A_952 : i32 to index
      %get3A_960 = arith.constant 0 : index
      %get3A_961 = tpu.vector_load %arg7[%get3A_958, %get3A_959, %get3A_960] {strides = array<i32>} : memref<32x8x64xf32, #tpu.memory_space<vmem>>, vector<16xf32>,
      %mul3A_962 = vector.broadcast %scan3A_4 : f32 to vector<16xf32>
      %mul3A_963 = arith.mulf %get3A_961, %mul3A_962 : vector<16xf32>
      %get3A_964 = arith.index_cast %add3A_956 : i32 to index
      %get3A_965 = arith.constant 64 : index
      %get3A_966 = tpu.vector_load %arg8[%get3A_964, %get3A_965] {strides = array<i32>} : memref<128x128xf32, #tpu.memory_space<vmem>>, vector<16xf32>,
      %add3A_967 = arith.addf %mul3A_963, %get3A_966 : vector<16xf32>
      %swap3A_968 = arith.index_cast %add3A_956 : i32 to index
      %swap3A_969 = arith.constant 64 : index
      %swap3A_970 = tpu.vector_load %arg8[%swap3A_968, %swap3A_969] {strides = array<i32>} : memref<128x128xf32, #tpu.memory_space<vmem>>, vector<16xf32>,
      tpu.vector_store %arg8[%swap3A_968, %swap3A_969], %add3A_967 {strides = array<i32>} : memref<128x128xf32, #tpu.memory_space<vmem>>, vector<16xf32>,
      %get3A_971 = arith.constant 3 : i32
      %get3A_972 = arith.index_cast %get3A_971 : i32 to index
      %get3A_973 = arith.index_cast %and3A_952 : i32 to index
      %get3A_974 = arith.constant 16 : index
      %get3A_975 = tpu.vector_load %arg7[%get3A_972, %get3A_973, %get3A_974] {strides = array<i32>} : memref<32x8x64xf32, #tpu.memory_space<vmem>>, vector<16xf32>,
      %mul3A_976 = vector.broadcast %scan3A_4 : f32 to vector<16xf32>
      %mul3A_977 = arith.mulf %get3A_975, %mul3A_976 : vector<16xf32>
      %get3A_978 = arith.index_cast %add3A_956 : i32 to index
      %get3A_979 = arith.constant 80 : index
      %get3A_980 = tpu.vector_load %arg8[%get3A_978, %get3A_979] {strides = array<i32>} : memref<128x128xf32, #tpu.memory_space<vmem>>, vector<16xf32>,
      %add3A_981 = arith.addf %mul3A_977, %get3A_980 : vector<16xf32>
      %swap3A_982 = arith.index_cast %add3A_956 : i32 to index
      %swap3A_983 = arith.constant 80 : index
      %swap3A_984 = tpu.vector_load %arg8[%swap3A_982, %swap3A_983] {strides = array<i32>} : memref<128x128xf32, #tpu.memory_space<vmem>>, vector<16xf32>,
      tpu.vector_store %arg8[%swap3A_982, %swap3A_983], %add3A_981 {strides = array<i32>} : memref<128x128xf32, #tpu.memory_space<vmem>>, vector<16xf32>,
      %get3A_985 = arith.constant 3 : i32
      %get3A_986 = arith.index_cast %get3A_985 : i32 to index
      %get3A_987 = arith.index_cast %and3A_952 : i32 to index
      %get3A_988 = arith.constant 32 : index
      %get3A_989 = tpu.vector_load %arg7[%get3A_986, %get3A_987, %get3A_988] {strides = array<i32>} : memref<32x8x64xf32, #tpu.memory_space<vmem>>, vector<16xf32>,
      %mul3A_990 = vector.broadcast %scan3A_4 : f32 to vector<16xf32>
      %mul3A_991 = arith.mulf %get3A_989, %mul3A_990 : vector<16xf32>
      %get3A_992 = arith.index_cast %add3A_956 : i32 to index
      %get3A_993 = arith.constant 96 : index
      %get3A_994 = tpu.vector_load %arg8[%get3A_992, %get3A_993] {strides = array<i32>} : memref<128x128xf32, #tpu.memory_space<vmem>>, vector<16xf32>,
      %add3A_995 = arith.addf %mul3A_991, %get3A_994 : vector<16xf32>
      %swap3A_996 = arith.index_cast %add3A_956 : i32 to index
      %swap3A_997 = arith.constant 96 : index
      %swap3A_998 = tpu.vector_load %arg8[%swap3A_996, %swap3A_997] {strides = array<i32>} : memref<128x128xf32, #tpu.memory_space<vmem>>, vector<16xf32>,
      tpu.vector_store %arg8[%swap3A_996, %swap3A_997], %add3A_995 {strides = array<i32>} : memref<128x128xf32, #tpu.memory_space<vmem>>, vector<16xf32>,
      %get3A_999 = arith.constant 3 : i32
      %get3A_1000 = arith.index_cast %get3A_999 : i32 to index
      %get3A_1001 = arith.index_cast %and3A_952 : i32 to index
      %get3A_1002 = arith.constant 48 : index
      %get3A_1003 = tpu.vector_load %arg7[%get3A_1000, %get3A_1001, %get3A_1002] {strides = array<i32>} : memref<32x8x64xf32, #tpu.memory_space<vmem>>, vector<16xf32>,
      %mul3A_1004 = vector.broadcast %scan3A_4 : f32 to vector<16xf32>
      %mul3A_1005 = arith.mulf %get3A_1003, %mul3A_1004 : vector<16xf32>
      %get3A_1006 = arith.index_cast %add3A_956 : i32 to index
      %get3A_1007 = arith.constant 112 : index
      %get3A_1008 = tpu.vector_load %arg8[%get3A_1006, %get3A_1007] {strides = array<i32>} : memref<128x128xf32, #tpu.memory_space<vmem>>, vector<16xf32>,
      %add3A_1009 = arith.addf %mul3A_1005, %get3A_1008 : vector<16xf32>
      %swap3A_1010 = arith.index_cast %add3A_956 : i32 to index
      %swap3A_1011 = arith.constant 112 : index
      %swap3A_1012 = tpu.vector_load %arg8[%swap3A_1010, %swap3A_1011] {strides = array<i32>} : memref<128x128xf32, #tpu.memory_space<vmem>>, vector<16xf32>,
      tpu.vector_store %arg8[%swap3A_1010, %swap3A_1011], %add3A_1009 {strides = array<i32>} : memref<128x128xf32, #tpu.memory_space<vmem>>, vector<16xf32>,
      %dma_wait3A_1013 = arith.constant 4 : i32
      %dma_wait3A_1014 = arith.constant 0 : i32
      %dma_wait3A_1015 = arith.constant 0 : i32
      %dma_wait3A_1016 = tpu.memref_slice %arg7[%dma_wait3A_1013, %dma_wait3A_1014, %dma_wait3A_1015] : memref<32x8x64xf32, #tpu.memory_space<vmem>> -> memref<1x8x64xf32, #tpu.memory_space<vmem>>
      %dma_wait3A_1017 = tpu.memref_squeeze %dma_wait3A_1016 : memref<1x8x64xf32, #tpu.memory_space<vmem>> -> memref<8x64xf32, #tpu.memory_space<vmem>>
      %dma_wait3A_1018 = arith.constant 0 : i32
      %dma_wait3A_1019 = arith.constant 0 : i32
      %dma_wait3A_1020 = tpu.memref_slice %arg3[%shift_right_arithmetic3A_168, %dma_wait3A_1018, %dma_wait3A_1019] : memref<125000x8x64xf32, #tpu.memory_space<hbm>> -> memref<1x8x64xf32, #tpu.memory_space<hbm>>
      %dma_wait3A_1021 = tpu.memref_squeeze %dma_wait3A_1020 : memref<1x8x64xf32, #tpu.memory_space<hbm>> -> memref<8x64xf32, #tpu.memory_space<hbm>>
      %dma_wait3A_1022 = arith.constant 0 : i32
      %dma_wait3A_1023 = arith.constant 0 : i32
      %dma_wait3A_1024 = tpu.memref_slice %arg7[%dma_wait3A_1013, %dma_wait3A_1022, %dma_wait3A_1023] : memref<32x8x64xf32, #tpu.memory_space<vmem>> -> memref<1x8x64xf32, #tpu.memory_space<vmem>>
      %dma_wait3A_1025 = tpu.memref_squeeze %dma_wait3A_1024 : memref<1x8x64xf32, #tpu.memory_space<vmem>> -> memref<8x64xf32, #tpu.memory_space<vmem>>
      %dma_wait3A_1026 = arith.constant 0 : i32
      %dma_wait3A_1027 = arith.constant 0 : i32
      %dma_wait3A_1028 = tpu.memref_slice %arg3[%shift_right_arithmetic3A_168, %dma_wait3A_1026, %dma_wait3A_1027] : memref<125000x8x64xf32, #tpu.memory_space<hbm>> -> memref<1x8x64xf32, #tpu.memory_space<hbm>>
      %dma_wait3A_1029 = tpu.memref_squeeze %dma_wait3A_1028 : memref<1x8x64xf32, #tpu.memory_space<hbm>> -> memref<8x64xf32, #tpu.memory_space<hbm>>
      tpu.wait_dma2 semaphore(%arg9 : memref<!tpu.dma_semaphore, #tpu.memory_space<semaphore_mem>>) src(%dma_wait3A_1029 : memref<8x64xf32, #tpu.memory_space<hbm>>) dst(%dma_wait3A_1025 : memref<8x64xf32, #tpu.memory_space<vmem>>)
      %and3A_1030 = arith.constant 7 : i32
      %and3A_1031 = arith.andi %squeeze3A_32, %and3A_1030 : i32
      %mul3A_1032 = arith.constant 16 : i32
      %mul3A_1033 = arith.muli %scan3A_13, %mul3A_1032 : i32
      %add3A_1034 = arith.constant 2 : i32
      %add3A_1035 = arith.addi %mul3A_1033, %add3A_1034 : i32
      %get3A_1036 = arith.constant 4 : i32
      %get3A_1037 = arith.index_cast %get3A_1036 : i32 to index
      %get3A_1038 = arith.index_cast %and3A_1031 : i32 to index
      %get3A_1039 = arith.constant 0 : index
      %get3A_1040 = tpu.vector_load %arg7[%get3A_1037, %get3A_1038, %get3A_1039] {strides = array<i32>} : memref<32x8x64xf32, #tpu.memory_space<vmem>>, vector<16xf32>,
      %mul3A_1041 = vector.broadcast %scan3A_4 : f32 to vector<16xf32>
      %mul3A_1042 = arith.mulf %get3A_1040, %mul3A_1041 : vector<16xf32>
      %get3A_1043 = arith.index_cast %add3A_1035 : i32 to index
      %get3A_1044 = arith.constant 0 : index
      %get3A_1045 = tpu.vector_load %arg8[%get3A_1043, %get3A_1044] {strides = array<i32>} : memref<128x128xf32, #tpu.memory_space<vmem>>, vector<16xf32>,
      %add3A_1046 = arith.addf %mul3A_1042, %get3A_1045 : vector<16xf32>
      %swap3A_1047 = arith.index_cast %add3A_1035 : i32 to index
      %swap3A_1048 = arith.constant 0 : index
      %swap3A_1049 = tpu.vector_load %arg8[%swap3A_1047, %swap3A_1048] {strides = array<i32>} : memref<128x128xf32, #tpu.memory_space<vmem>>, vector<16xf32>,
      tpu.vector_store %arg8[%swap3A_1047, %swap3A_1048], %add3A_1046 {strides = array<i32>} : memref<128x128xf32, #tpu.memory_space<vmem>>, vector<16xf32>,
      %get3A_1050 = arith.constant 4 : i32
      %get3A_1051 = arith.index_cast %get3A_1050 : i32 to index
      %get3A_1052 = arith.index_cast %and3A_1031 : i32 to index
      %get3A_1053 = arith.constant 16 : index
      %get3A_1054 = tpu.vector_load %arg7[%get3A_1051, %get3A_1052, %get3A_1053] {strides = array<i32>} : memref<32x8x64xf32, #tpu.memory_space<vmem>>, vector<16xf32>,
      %mul3A_1055 = vector.broadcast %scan3A_4 : f32 to vector<16xf32>
      %mul3A_1056 = arith.mulf %get3A_1054, %mul3A_1055 : vector<16xf32>
      %get3A_1057 = arith.index_cast %add3A_1035 : i32 to index
      %get3A_1058 = arith.constant 16 : index
      %get3A_1059 = tpu.vector_load %arg8[%get3A_1057, %get3A_1058] {strides = array<i32>} : memref<128x128xf32, #tpu.memory_space<vmem>>, vector<16xf32>,
      %add3A_1060 = arith.addf %mul3A_1056, %get3A_1059 : vector<16xf32>
      %swap3A_1061 = arith.index_cast %add3A_1035 : i32 to index
      %swap3A_1062 = arith.constant 16 : index
      %swap3A_1063 = tpu.vector_load %arg8[%swap3A_1061, %swap3A_1062] {strides = array<i32>} : memref<128x128xf32, #tpu.memory_space<vmem>>, vector<16xf32>,
      tpu.vector_store %arg8[%swap3A_1061, %swap3A_1062], %add3A_1060 {strides = array<i32>} : memref<128x128xf32, #tpu.memory_space<vmem>>, vector<16xf32>,
      %get3A_1064 = arith.constant 4 : i32
      %get3A_1065 = arith.index_cast %get3A_1064 : i32 to index
      %get3A_1066 = arith.index_cast %and3A_1031 : i32 to index
      %get3A_1067 = arith.constant 32 : index
      %get3A_1068 = tpu.vector_load %arg7[%get3A_1065, %get3A_1066, %get3A_1067] {strides = array<i32>} : memref<32x8x64xf32, #tpu.memory_space<vmem>>, vector<16xf32>,
      %mul3A_1069 = vector.broadcast %scan3A_4 : f32 to vector<16xf32>
      %mul3A_1070 = arith.mulf %get3A_1068, %mul3A_1069 : vector<16xf32>
      %get3A_1071 = arith.index_cast %add3A_1035 : i32 to index
      %get3A_1072 = arith.constant 32 : index
      %get3A_1073 = tpu.vector_load %arg8[%get3A_1071, %get3A_1072] {strides = array<i32>} : memref<128x128xf32, #tpu.memory_space<vmem>>, vector<16xf32>,
      %add3A_1074 = arith.addf %mul3A_1070, %get3A_1073 : vector<16xf32>
      %swap3A_1075 = arith.index_cast %add3A_1035 : i32 to index
      %swap3A_1076 = arith.constant 32 : index
      %swap3A_1077 = tpu.vector_load %arg8[%swap3A_1075, %swap3A_1076] {strides = array<i32>} : memref<128x128xf32, #tpu.memory_space<vmem>>, vector<16xf32>,
      tpu.vector_store %arg8[%swap3A_1075, %swap3A_1076], %add3A_1074 {strides = array<i32>} : memref<128x128xf32, #tpu.memory_space<vmem>>, vector<16xf32>,
      %get3A_1078 = arith.constant 4 : i32
      %get3A_1079 = arith.index_cast %get3A_1078 : i32 to index
      %get3A_1080 = arith.index_cast %and3A_1031 : i32 to index
      %get3A_1081 = arith.constant 48 : index
      %get3A_1082 = tpu.vector_load %arg7[%get3A_1079, %get3A_1080, %get3A_1081] {strides = array<i32>} : memref<32x8x64xf32, #tpu.memory_space<vmem>>, vector<16xf32>,
      %mul3A_1083 = vector.broadcast %scan3A_4 : f32 to vector<16xf32>
      %mul3A_1084 = arith.mulf %get3A_1082, %mul3A_1083 : vector<16xf32>
      %get3A_1085 = arith.index_cast %add3A_1035 : i32 to index
      %get3A_1086 = arith.constant 48 : index
      %get3A_1087 = tpu.vector_load %arg8[%get3A_1085, %get3A_1086] {strides = array<i32>} : memref<128x128xf32, #tpu.memory_space<vmem>>, vector<16xf32>,
      %add3A_1088 = arith.addf %mul3A_1084, %get3A_1087 : vector<16xf32>
      %swap3A_1089 = arith.index_cast %add3A_1035 : i32 to index
      %swap3A_1090 = arith.constant 48 : index
      %swap3A_1091 = tpu.vector_load %arg8[%swap3A_1089, %swap3A_1090] {strides = array<i32>} : memref<128x128xf32, #tpu.memory_space<vmem>>, vector<16xf32>,
      tpu.vector_store %arg8[%swap3A_1089, %swap3A_1090], %add3A_1088 {strides = array<i32>} : memref<128x128xf32, #tpu.memory_space<vmem>>, vector<16xf32>,
      %dma_wait3A_1092 = arith.constant 5 : i32
      %dma_wait3A_1093 = arith.constant 0 : i32
      %dma_wait3A_1094 = arith.constant 0 : i32
      %dma_wait3A_1095 = tpu.memref_slice %arg7[%dma_wait3A_1092, %dma_wait3A_1093, %dma_wait3A_1094] : memref<32x8x64xf32, #tpu.memory_space<vmem>> -> memref<1x8x64xf32, #tpu.memory_space<vmem>>
      %dma_wait3A_1096 = tpu.memref_squeeze %dma_wait3A_1095 : memref<1x8x64xf32, #tpu.memory_space<vmem>> -> memref<8x64xf32, #tpu.memory_space<vmem>>
      %dma_wait3A_1097 = arith.constant 0 : i32
      %dma_wait3A_1098 = arith.constant 0 : i32
      %dma_wait3A_1099 = tpu.memref_slice %arg3[%shift_right_arithmetic3A_187, %dma_wait3A_1097, %dma_wait3A_1098] : memref<125000x8x64xf32, #tpu.memory_space<hbm>> -> memref<1x8x64xf32, #tpu.memory_space<hbm>>
      %dma_wait3A_1100 = tpu.memref_squeeze %dma_wait3A_1099 : memref<1x8x64xf32, #tpu.memory_space<hbm>> -> memref<8x64xf32, #tpu.memory_space<hbm>>
      %dma_wait3A_1101 = arith.constant 0 : i32
      %dma_wait3A_1102 = arith.constant 0 : i32
      %dma_wait3A_1103 = tpu.memref_slice %arg7[%dma_wait3A_1092, %dma_wait3A_1101, %dma_wait3A_1102] : memref<32x8x64xf32, #tpu.memory_space<vmem>> -> memref<1x8x64xf32, #tpu.memory_space<vmem>>
      %dma_wait3A_1104 = tpu.memref_squeeze %dma_wait3A_1103 : memref<1x8x64xf32, #tpu.memory_space<vmem>> -> memref<8x64xf32, #tpu.memory_space<vmem>>
      %dma_wait3A_1105 = arith.constant 0 : i32
      %dma_wait3A_1106 = arith.constant 0 : i32
      %dma_wait3A_1107 = tpu.memref_slice %arg3[%shift_right_arithmetic3A_187, %dma_wait3A_1105, %dma_wait3A_1106] : memref<125000x8x64xf32, #tpu.memory_space<hbm>> -> memref<1x8x64xf32, #tpu.memory_space<hbm>>
      %dma_wait3A_1108 = tpu.memref_squeeze %dma_wait3A_1107 : memref<1x8x64xf32, #tpu.memory_space<hbm>> -> memref<8x64xf32, #tpu.memory_space<hbm>>
      tpu.wait_dma2 semaphore(%arg9 : memref<!tpu.dma_semaphore, #tpu.memory_space<semaphore_mem>>) src(%dma_wait3A_1108 : memref<8x64xf32, #tpu.memory_space<hbm>>) dst(%dma_wait3A_1104 : memref<8x64xf32, #tpu.memory_space<vmem>>)
      %and3A_1109 = arith.constant 7 : i32
      %and3A_1110 = arith.andi %squeeze3A_34, %and3A_1109 : i32
      %mul3A_1111 = arith.constant 16 : i32
      %mul3A_1112 = arith.muli %scan3A_13, %mul3A_1111 : i32
      %add3A_1113 = arith.constant 2 : i32
      %add3A_1114 = arith.addi %mul3A_1112, %add3A_1113 : i32
      %get3A_1115 = arith.constant 5 : i32
      %get3A_1116 = arith.index_cast %get3A_1115 : i32 to index
      %get3A_1117 = arith.index_cast %and3A_1110 : i32 to index
      %get3A_1118 = arith.constant 0 : index
      %get3A_1119 = tpu.vector_load %arg7[%get3A_1116, %get3A_1117, %get3A_1118] {strides = array<i32>} : memref<32x8x64xf32, #tpu.memory_space<vmem>>, vector<16xf32>,
      %mul3A_1120 = vector.broadcast %scan3A_4 : f32 to vector<16xf32>
      %mul3A_1121 = arith.mulf %get3A_1119, %mul3A_1120 : vector<16xf32>
      %get3A_1122 = arith.index_cast %add3A_1114 : i32 to index
      %get3A_1123 = arith.constant 64 : index
      %get3A_1124 = tpu.vector_load %arg8[%get3A_1122, %get3A_1123] {strides = array<i32>} : memref<128x128xf32, #tpu.memory_space<vmem>>, vector<16xf32>,
      %add3A_1125 = arith.addf %mul3A_1121, %get3A_1124 : vector<16xf32>
      %swap3A_1126 = arith.index_cast %add3A_1114 : i32 to index
      %swap3A_1127 = arith.constant 64 : index
      %swap3A_1128 = tpu.vector_load %arg8[%swap3A_1126, %swap3A_1127] {strides = array<i32>} : memref<128x128xf32, #tpu.memory_space<vmem>>, vector<16xf32>,
      tpu.vector_store %arg8[%swap3A_1126, %swap3A_1127], %add3A_1125 {strides = array<i32>} : memref<128x128xf32, #tpu.memory_space<vmem>>, vector<16xf32>,
      %get3A_1129 = arith.constant 5 : i32
      %get3A_1130 = arith.index_cast %get3A_1129 : i32 to index
      %get3A_1131 = arith.index_cast %and3A_1110 : i32 to index
      %get3A_1132 = arith.constant 16 : index
      %get3A_1133 = tpu.vector_load %arg7[%get3A_1130, %get3A_1131, %get3A_1132] {strides = array<i32>} : memref<32x8x64xf32, #tpu.memory_space<vmem>>, vector<16xf32>,
      %mul3A_1134 = vector.broadcast %scan3A_4 : f32 to vector<16xf32>
      %mul3A_1135 = arith.mulf %get3A_1133, %mul3A_1134 : vector<16xf32>
      %get3A_1136 = arith.index_cast %add3A_1114 : i32 to index
      %get3A_1137 = arith.constant 80 : index
      %get3A_1138 = tpu.vector_load %arg8[%get3A_1136, %get3A_1137] {strides = array<i32>} : memref<128x128xf32, #tpu.memory_space<vmem>>, vector<16xf32>,
      %add3A_1139 = arith.addf %mul3A_1135, %get3A_1138 : vector<16xf32>
      %swap3A_1140 = arith.index_cast %add3A_1114 : i32 to index
      %swap3A_1141 = arith.constant 80 : index
      %swap3A_1142 = tpu.vector_load %arg8[%swap3A_1140, %swap3A_1141] {strides = array<i32>} : memref<128x128xf32, #tpu.memory_space<vmem>>, vector<16xf32>,
      tpu.vector_store %arg8[%swap3A_1140, %swap3A_1141], %add3A_1139 {strides = array<i32>} : memref<128x128xf32, #tpu.memory_space<vmem>>, vector<16xf32>,
      %get3A_1143 = arith.constant 5 : i32
      %get3A_1144 = arith.index_cast %get3A_1143 : i32 to index
      %get3A_1145 = arith.index_cast %and3A_1110 : i32 to index
      %get3A_1146 = arith.constant 32 : index
      %get3A_1147 = tpu.vector_load %arg7[%get3A_1144, %get3A_1145, %get3A_1146] {strides = array<i32>} : memref<32x8x64xf32, #tpu.memory_space<vmem>>, vector<16xf32>,
      %mul3A_1148 = vector.broadcast %scan3A_4 : f32 to vector<16xf32>
      %mul3A_1149 = arith.mulf %get3A_1147, %mul3A_1148 : vector<16xf32>
      %get3A_1150 = arith.index_cast %add3A_1114 : i32 to index
      %get3A_1151 = arith.constant 96 : index
      %get3A_1152 = tpu.vector_load %arg8[%get3A_1150, %get3A_1151] {strides = array<i32>} : memref<128x128xf32, #tpu.memory_space<vmem>>, vector<16xf32>,
      %add3A_1153 = arith.addf %mul3A_1149, %get3A_1152 : vector<16xf32>
      %swap3A_1154 = arith.index_cast %add3A_1114 : i32 to index
      %swap3A_1155 = arith.constant 96 : index
      %swap3A_1156 = tpu.vector_load %arg8[%swap3A_1154, %swap3A_1155] {strides = array<i32>} : memref<128x128xf32, #tpu.memory_space<vmem>>, vector<16xf32>,
      tpu.vector_store %arg8[%swap3A_1154, %swap3A_1155], %add3A_1153 {strides = array<i32>} : memref<128x128xf32, #tpu.memory_space<vmem>>, vector<16xf32>,
      %get3A_1157 = arith.constant 5 : i32
      %get3A_1158 = arith.index_cast %get3A_1157 : i32 to index
      %get3A_1159 = arith.index_cast %and3A_1110 : i32 to index
      %get3A_1160 = arith.constant 48 : index
      %get3A_1161 = tpu.vector_load %arg7[%get3A_1158, %get3A_1159, %get3A_1160] {strides = array<i32>} : memref<32x8x64xf32, #tpu.memory_space<vmem>>, vector<16xf32>,
      %mul3A_1162 = vector.broadcast %scan3A_4 : f32 to vector<16xf32>
      %mul3A_1163 = arith.mulf %get3A_1161, %mul3A_1162 : vector<16xf32>
      %get3A_1164 = arith.index_cast %add3A_1114 : i32 to index
      %get3A_1165 = arith.constant 112 : index
      %get3A_1166 = tpu.vector_load %arg8[%get3A_1164, %get3A_1165] {strides = array<i32>} : memref<128x128xf32, #tpu.memory_space<vmem>>, vector<16xf32>,
      %add3A_1167 = arith.addf %mul3A_1163, %get3A_1166 : vector<16xf32>
      %swap3A_1168 = arith.index_cast %add3A_1114 : i32 to index
      %swap3A_1169 = arith.constant 112 : index
      %swap3A_1170 = tpu.vector_load %arg8[%swap3A_1168, %swap3A_1169] {strides = array<i32>} : memref<128x128xf32, #tpu.memory_space<vmem>>, vector<16xf32>,
      tpu.vector_store %arg8[%swap3A_1168, %swap3A_1169], %add3A_1167 {strides = array<i32>} : memref<128x128xf32, #tpu.memory_space<vmem>>, vector<16xf32>,
      %dma_wait3A_1171 = arith.constant 6 : i32
      %dma_wait3A_1172 = arith.constant 0 : i32
      %dma_wait3A_1173 = arith.constant 0 : i32
      %dma_wait3A_1174 = tpu.memref_slice %arg7[%dma_wait3A_1171, %dma_wait3A_1172, %dma_wait3A_1173] : memref<32x8x64xf32, #tpu.memory_space<vmem>> -> memref<1x8x64xf32, #tpu.memory_space<vmem>>
      %dma_wait3A_1175 = tpu.memref_squeeze %dma_wait3A_1174 : memref<1x8x64xf32, #tpu.memory_space<vmem>> -> memref<8x64xf32, #tpu.memory_space<vmem>>
      %dma_wait3A_1176 = arith.constant 0 : i32
      %dma_wait3A_1177 = arith.constant 0 : i32
      %dma_wait3A_1178 = tpu.memref_slice %arg3[%shift_right_arithmetic3A_206, %dma_wait3A_1176, %dma_wait3A_1177] : memref<125000x8x64xf32, #tpu.memory_space<hbm>> -> memref<1x8x64xf32, #tpu.memory_space<hbm>>
      %dma_wait3A_1179 = tpu.memref_squeeze %dma_wait3A_1178 : memref<1x8x64xf32, #tpu.memory_space<hbm>> -> memref<8x64xf32, #tpu.memory_space<hbm>>
      %dma_wait3A_1180 = arith.constant 0 : i32
      %dma_wait3A_1181 = arith.constant 0 : i32
      %dma_wait3A_1182 = tpu.memref_slice %arg7[%dma_wait3A_1171, %dma_wait3A_1180, %dma_wait3A_1181] : memref<32x8x64xf32, #tpu.memory_space<vmem>> -> memref<1x8x64xf32, #tpu.memory_space<vmem>>
      %dma_wait3A_1183 = tpu.memref_squeeze %dma_wait3A_1182 : memref<1x8x64xf32, #tpu.memory_space<vmem>> -> memref<8x64xf32, #tpu.memory_space<vmem>>
      %dma_wait3A_1184 = arith.constant 0 : i32
      %dma_wait3A_1185 = arith.constant 0 : i32
      %dma_wait3A_1186 = tpu.memref_slice %arg3[%shift_right_arithmetic3A_206, %dma_wait3A_1184, %dma_wait3A_1185] : memref<125000x8x64xf32, #tpu.memory_space<hbm>> -> memref<1x8x64xf32, #tpu.memory_space<hbm>>
      %dma_wait3A_1187 = tpu.memref_squeeze %dma_wait3A_1186 : memref<1x8x64xf32, #tpu.memory_space<hbm>> -> memref<8x64xf32, #tpu.memory_space<hbm>>
      tpu.wait_dma2 semaphore(%arg9 : memref<!tpu.dma_semaphore, #tpu.memory_space<semaphore_mem>>) src(%dma_wait3A_1187 : memref<8x64xf32, #tpu.memory_space<hbm>>) dst(%dma_wait3A_1183 : memref<8x64xf32, #tpu.memory_space<vmem>>)
      %and3A_1188 = arith.constant 7 : i32
      %and3A_1189 = arith.andi %squeeze3A_36, %and3A_1188 : i32
      %mul3A_1190 = arith.constant 16 : i32
      %mul3A_1191 = arith.muli %scan3A_13, %mul3A_1190 : i32
      %add3A_1192 = arith.constant 3 : i32
      %add3A_1193 = arith.addi %mul3A_1191, %add3A_1192 : i32
      %get3A_1194 = arith.constant 6 : i32
      %get3A_1195 = arith.index_cast %get3A_1194 : i32 to index
      %get3A_1196 = arith.index_cast %and3A_1189 : i32 to index
      %get3A_1197 = arith.constant 0 : index
      %get3A_1198 = tpu.vector_load %arg7[%get3A_1195, %get3A_1196, %get3A_1197] {strides = array<i32>} : memref<32x8x64xf32, #tpu.memory_space<vmem>>, vector<16xf32>,
      %mul3A_1199 = vector.broadcast %scan3A_4 : f32 to vector<16xf32>
      %mul3A_1200 = arith.mulf %get3A_1198, %mul3A_1199 : vector<16xf32>
      %get3A_1201 = arith.index_cast %add3A_1193 : i32 to index
      %get3A_1202 = arith.constant 0 : index
      %get3A_1203 = tpu.vector_load %arg8[%get3A_1201, %get3A_1202] {strides = array<i32>} : memref<128x128xf32, #tpu.memory_space<vmem>>, vector<16xf32>,
      %add3A_1204 = arith.addf %mul3A_1200, %get3A_1203 : vector<16xf32>
      %swap3A_1205 = arith.index_cast %add3A_1193 : i32 to index
      %swap3A_1206 = arith.constant 0 : index
      %swap3A_1207 = tpu.vector_load %arg8[%swap3A_1205, %swap3A_1206] {strides = array<i32>} : memref<128x128xf32, #tpu.memory_space<vmem>>, vector<16xf32>,
      tpu.vector_store %arg8[%swap3A_1205, %swap3A_1206], %add3A_1204 {strides = array<i32>} : memref<128x128xf32, #tpu.memory_space<vmem>>, vector<16xf32>,
      %get3A_1208 = arith.constant 6 : i32
      %get3A_1209 = arith.index_cast %get3A_1208 : i32 to index
      %get3A_1210 = arith.index_cast %and3A_1189 : i32 to index
      %get3A_1211 = arith.constant 16 : index
      %get3A_1212 = tpu.vector_load %arg7[%get3A_1209, %get3A_1210, %get3A_1211] {strides = array<i32>} : memref<32x8x64xf32, #tpu.memory_space<vmem>>, vector<16xf32>,
      %mul3A_1213 = vector.broadcast %scan3A_4 : f32 to vector<16xf32>
      %mul3A_1214 = arith.mulf %get3A_1212, %mul3A_1213 : vector<16xf32>
      %get3A_1215 = arith.index_cast %add3A_1193 : i32 to index
      %get3A_1216 = arith.constant 16 : index
      %get3A_1217 = tpu.vector_load %arg8[%get3A_1215, %get3A_1216] {strides = array<i32>} : memref<128x128xf32, #tpu.memory_space<vmem>>, vector<16xf32>,
      %add3A_1218 = arith.addf %mul3A_1214, %get3A_1217 : vector<16xf32>
      %swap3A_1219 = arith.index_cast %add3A_1193 : i32 to index
      %swap3A_1220 = arith.constant 16 : index
      %swap3A_1221 = tpu.vector_load %arg8[%swap3A_1219, %swap3A_1220] {strides = array<i32>} : memref<128x128xf32, #tpu.memory_space<vmem>>, vector<16xf32>,
      tpu.vector_store %arg8[%swap3A_1219, %swap3A_1220], %add3A_1218 {strides = array<i32>} : memref<128x128xf32, #tpu.memory_space<vmem>>, vector<16xf32>,
      %get3A_1222 = arith.constant 6 : i32
      %get3A_1223 = arith.index_cast %get3A_1222 : i32 to index
      %get3A_1224 = arith.index_cast %and3A_1189 : i32 to index
      %get3A_1225 = arith.constant 32 : index
      %get3A_1226 = tpu.vector_load %arg7[%get3A_1223, %get3A_1224, %get3A_1225] {strides = array<i32>} : memref<32x8x64xf32, #tpu.memory_space<vmem>>, vector<16xf32>,
      %mul3A_1227 = vector.broadcast %scan3A_4 : f32 to vector<16xf32>
      %mul3A_1228 = arith.mulf %get3A_1226, %mul3A_1227 : vector<16xf32>
      %get3A_1229 = arith.index_cast %add3A_1193 : i32 to index
      %get3A_1230 = arith.constant 32 : index
      %get3A_1231 = tpu.vector_load %arg8[%get3A_1229, %get3A_1230] {strides = array<i32>} : memref<128x128xf32, #tpu.memory_space<vmem>>, vector<16xf32>,
      %add3A_1232 = arith.addf %mul3A_1228, %get3A_1231 : vector<16xf32>
      %swap3A_1233 = arith.index_cast %add3A_1193 : i32 to index
      %swap3A_1234 = arith.constant 32 : index
      %swap3A_1235 = tpu.vector_load %arg8[%swap3A_1233, %swap3A_1234] {strides = array<i32>} : memref<128x128xf32, #tpu.memory_space<vmem>>, vector<16xf32>,
      tpu.vector_store %arg8[%swap3A_1233, %swap3A_1234], %add3A_1232 {strides = array<i32>} : memref<128x128xf32, #tpu.memory_space<vmem>>, vector<16xf32>,
      %get3A_1236 = arith.constant 6 : i32
      %get3A_1237 = arith.index_cast %get3A_1236 : i32 to index
      %get3A_1238 = arith.index_cast %and3A_1189 : i32 to index
      %get3A_1239 = arith.constant 48 : index
      %get3A_1240 = tpu.vector_load %arg7[%get3A_1237, %get3A_1238, %get3A_1239] {strides = array<i32>} : memref<32x8x64xf32, #tpu.memory_space<vmem>>, vector<16xf32>,
      %mul3A_1241 = vector.broadcast %scan3A_4 : f32 to vector<16xf32>
      %mul3A_1242 = arith.mulf %get3A_1240, %mul3A_1241 : vector<16xf32>
      %get3A_1243 = arith.index_cast %add3A_1193 : i32 to index
      %get3A_1244 = arith.constant 48 : index
      %get3A_1245 = tpu.vector_load %arg8[%get3A_1243, %get3A_1244] {strides = array<i32>} : memref<128x128xf32, #tpu.memory_space<vmem>>, vector<16xf32>,
      %add3A_1246 = arith.addf %mul3A_1242, %get3A_1245 : vector<16xf32>
      %swap3A_1247 = arith.index_cast %add3A_1193 : i32 to index
      %swap3A_1248 = arith.constant 48 : index
      %swap3A_1249 = tpu.vector_load %arg8[%swap3A_1247, %swap3A_1248] {strides = array<i32>} : memref<128x128xf32, #tpu.memory_space<vmem>>, vector<16xf32>,
      tpu.vector_store %arg8[%swap3A_1247, %swap3A_1248], %add3A_1246 {strides = array<i32>} : memref<128x128xf32, #tpu.memory_space<vmem>>, vector<16xf32>,
      %dma_wait3A_1250 = arith.constant 7 : i32
      %dma_wait3A_1251 = arith.constant 0 : i32
      %dma_wait3A_1252 = arith.constant 0 : i32
      %dma_wait3A_1253 = tpu.memref_slice %arg7[%dma_wait3A_1250, %dma_wait3A_1251, %dma_wait3A_1252] : memref<32x8x64xf32, #tpu.memory_space<vmem>> -> memref<1x8x64xf32, #tpu.memory_space<vmem>>
      %dma_wait3A_1254 = tpu.memref_squeeze %dma_wait3A_1253 : memref<1x8x64xf32, #tpu.memory_space<vmem>> -> memref<8x64xf32, #tpu.memory_space<vmem>>
      %dma_wait3A_1255 = arith.constant 0 : i32
      %dma_wait3A_1256 = arith.constant 0 : i32
      %dma_wait3A_1257 = tpu.memref_slice %arg3[%shift_right_arithmetic3A_225, %dma_wait3A_1255, %dma_wait3A_1256] : memref<125000x8x64xf32, #tpu.memory_space<hbm>> -> memref<1x8x64xf32, #tpu.memory_space<hbm>>
      %dma_wait3A_1258 = tpu.memref_squeeze %dma_wait3A_1257 : memref<1x8x64xf32, #tpu.memory_space<hbm>> -> memref<8x64xf32, #tpu.memory_space<hbm>>
      %dma_wait3A_1259 = arith.constant 0 : i32
      %dma_wait3A_1260 = arith.constant 0 : i32
      %dma_wait3A_1261 = tpu.memref_slice %arg7[%dma_wait3A_1250, %dma_wait3A_1259, %dma_wait3A_1260] : memref<32x8x64xf32, #tpu.memory_space<vmem>> -> memref<1x8x64xf32, #tpu.memory_space<vmem>>
      %dma_wait3A_1262 = tpu.memref_squeeze %dma_wait3A_1261 : memref<1x8x64xf32, #tpu.memory_space<vmem>> -> memref<8x64xf32, #tpu.memory_space<vmem>>
      %dma_wait3A_1263 = arith.constant 0 : i32
      %dma_wait3A_1264 = arith.constant 0 : i32
      %dma_wait3A_1265 = tpu.memref_slice %arg3[%shift_right_arithmetic3A_225, %dma_wait3A_1263, %dma_wait3A_1264] : memref<125000x8x64xf32, #tpu.memory_space<hbm>> -> memref<1x8x64xf32, #tpu.memory_space<hbm>>
      %dma_wait3A_1266 = tpu.memref_squeeze %dma_wait3A_1265 : memref<1x8x64xf32, #tpu.memory_space<hbm>> -> memref<8x64xf32, #tpu.memory_space<hbm>>
      tpu.wait_dma2 semaphore(%arg9 : memref<!tpu.dma_semaphore, #tpu.memory_space<semaphore_mem>>) src(%dma_wait3A_1266 : memref<8x64xf32, #tpu.memory_space<hbm>>) dst(%dma_wait3A_1262 : memref<8x64xf32, #tpu.memory_space<vmem>>)
      %and3A_1267 = arith.constant 7 : i32
      %and3A_1268 = arith.andi %squeeze3A_38, %and3A_1267 : i32
      %mul3A_1269 = arith.constant 16 : i32
      %mul3A_1270 = arith.muli %scan3A_13, %mul3A_1269 : i32
      %add3A_1271 = arith.constant 3 : i32
      %add3A_1272 = arith.addi %mul3A_1270, %add3A_1271 : i32
      %get3A_1273 = arith.constant 7 : i32
      %get3A_1274 = arith.index_cast %get3A_1273 : i32 to index
      %get3A_1275 = arith.index_cast %and3A_1268 : i32 to index
      %get3A_1276 = arith.constant 0 : index
      %get3A_1277 = tpu.vector_load %arg7[%get3A_1274, %get3A_1275, %get3A_1276] {strides = array<i32>} : memref<32x8x64xf32, #tpu.memory_space<vmem>>, vector<16xf32>,
      %mul3A_1278 = vector.broadcast %scan3A_4 : f32 to vector<16xf32>
      %mul3A_1279 = arith.mulf %get3A_1277, %mul3A_1278 : vector<16xf32>
      %get3A_1280 = arith.index_cast %add3A_1272 : i32 to index
      %get3A_1281 = arith.constant 64 : index
      %get3A_1282 = tpu.vector_load %arg8[%get3A_1280, %get3A_1281] {strides = array<i32>} : memref<128x128xf32, #tpu.memory_space<vmem>>, vector<16xf32>,
      %add3A_1283 = arith.addf %mul3A_1279, %get3A_1282 : vector<16xf32>
      %swap3A_1284 = arith.index_cast %add3A_1272 : i32 to index
      %swap3A_1285 = arith.constant 64 : index
      %swap3A_1286 = tpu.vector_load %arg8[%swap3A_1284, %swap3A_1285] {strides = array<i32>} : memref<128x128xf32, #tpu.memory_space<vmem>>, vector<16xf32>,
      tpu.vector_store %arg8[%swap3A_1284, %swap3A_1285], %add3A_1283 {strides = array<i32>} : memref<128x128xf32, #tpu.memory_space<vmem>>, vector<16xf32>,
      %get3A_1287 = arith.constant 7 : i32
      %get3A_1288 = arith.index_cast %get3A_1287 : i32 to index
      %get3A_1289 = arith.index_cast %and3A_1268 : i32 to index
      %get3A_1290 = arith.constant 16 : index
      %get3A_1291 = tpu.vector_load %arg7[%get3A_1288, %get3A_1289, %get3A_1290] {strides = array<i32>} : memref<32x8x64xf32, #tpu.memory_space<vmem>>, vector<16xf32>,
      %mul3A_1292 = vector.broadcast %scan3A_4 : f32 to vector<16xf32>
      %mul3A_1293 = arith.mulf %get3A_1291, %mul3A_1292 : vector<16xf32>
      %get3A_1294 = arith.index_cast %add3A_1272 : i32 to index
      %get3A_1295 = arith.constant 80 : index
      %get3A_1296 = tpu.vector_load %arg8[%get3A_1294, %get3A_1295] {strides = array<i32>} : memref<128x128xf32, #tpu.memory_space<vmem>>, vector<16xf32>,
      %add3A_1297 = arith.addf %mul3A_1293, %get3A_1296 : vector<16xf32>
      %swap3A_1298 = arith.index_cast %add3A_1272 : i32 to index
      %swap3A_1299 = arith.constant 80 : index
      %swap3A_1300 = tpu.vector_load %arg8[%swap3A_1298, %swap3A_1299] {strides = array<i32>} : memref<128x128xf32, #tpu.memory_space<vmem>>, vector<16xf32>,
      tpu.vector_store %arg8[%swap3A_1298, %swap3A_1299], %add3A_1297 {strides = array<i32>} : memref<128x128xf32, #tpu.memory_space<vmem>>, vector<16xf32>,
      %get3A_1301 = arith.constant 7 : i32
      %get3A_1302 = arith.index_cast %get3A_1301 : i32 to index
      %get3A_1303 = arith.index_cast %and3A_1268 : i32 to index
      %get3A_1304 = arith.constant 32 : index
      %get3A_1305 = tpu.vector_load %arg7[%get3A_1302, %get3A_1303, %get3A_1304] {strides = array<i32>} : memref<32x8x64xf32, #tpu.memory_space<vmem>>, vector<16xf32>,
      %mul3A_1306 = vector.broadcast %scan3A_4 : f32 to vector<16xf32>
      %mul3A_1307 = arith.mulf %get3A_1305, %mul3A_1306 : vector<16xf32>
      %get3A_1308 = arith.index_cast %add3A_1272 : i32 to index
      %get3A_1309 = arith.constant 96 : index
      %get3A_1310 = tpu.vector_load %arg8[%get3A_1308, %get3A_1309] {strides = array<i32>} : memref<128x128xf32, #tpu.memory_space<vmem>>, vector<16xf32>,
      %add3A_1311 = arith.addf %mul3A_1307, %get3A_1310 : vector<16xf32>
      %swap3A_1312 = arith.index_cast %add3A_1272 : i32 to index
      %swap3A_1313 = arith.constant 96 : index
      %swap3A_1314 = tpu.vector_load %arg8[%swap3A_1312, %swap3A_1313] {strides = array<i32>} : memref<128x128xf32, #tpu.memory_space<vmem>>, vector<16xf32>,
      tpu.vector_store %arg8[%swap3A_1312, %swap3A_1313], %add3A_1311 {strides = array<i32>} : memref<128x128xf32, #tpu.memory_space<vmem>>, vector<16xf32>,
      %get3A_1315 = arith.constant 7 : i32
      %get3A_1316 = arith.index_cast %get3A_1315 : i32 to index
      %get3A_1317 = arith.index_cast %and3A_1268 : i32 to index
      %get3A_1318 = arith.constant 48 : index
      %get3A_1319 = tpu.vector_load %arg7[%get3A_1316, %get3A_1317, %get3A_1318] {strides = array<i32>} : memref<32x8x64xf32, #tpu.memory_space<vmem>>, vector<16xf32>,
      %mul3A_1320 = vector.broadcast %scan3A_4 : f32 to vector<16xf32>
      %mul3A_1321 = arith.mulf %get3A_1319, %mul3A_1320 : vector<16xf32>
      %get3A_1322 = arith.index_cast %add3A_1272 : i32 to index
      %get3A_1323 = arith.constant 112 : index
      %get3A_1324 = tpu.vector_load %arg8[%get3A_1322, %get3A_1323] {strides = array<i32>} : memref<128x128xf32, #tpu.memory_space<vmem>>, vector<16xf32>,
      %add3A_1325 = arith.addf %mul3A_1321, %get3A_1324 : vector<16xf32>
      %swap3A_1326 = arith.index_cast %add3A_1272 : i32 to index
      %swap3A_1327 = arith.constant 112 : index
      %swap3A_1328 = tpu.vector_load %arg8[%swap3A_1326, %swap3A_1327] {strides = array<i32>} : memref<128x128xf32, #tpu.memory_space<vmem>>, vector<16xf32>,
      tpu.vector_store %arg8[%swap3A_1326, %swap3A_1327], %add3A_1325 {strides = array<i32>} : memref<128x128xf32, #tpu.memory_space<vmem>>, vector<16xf32>,
      %dma_wait3A_1329 = arith.constant 8 : i32
      %dma_wait3A_1330 = arith.constant 0 : i32
      %dma_wait3A_1331 = arith.constant 0 : i32
      %dma_wait3A_1332 = tpu.memref_slice %arg7[%dma_wait3A_1329, %dma_wait3A_1330, %dma_wait3A_1331] : memref<32x8x64xf32, #tpu.memory_space<vmem>> -> memref<1x8x64xf32, #tpu.memory_space<vmem>>
      %dma_wait3A_1333 = tpu.memref_squeeze %dma_wait3A_1332 : memref<1x8x64xf32, #tpu.memory_space<vmem>> -> memref<8x64xf32, #tpu.memory_space<vmem>>
      %dma_wait3A_1334 = arith.constant 0 : i32
      %dma_wait3A_1335 = arith.constant 0 : i32
      %dma_wait3A_1336 = tpu.memref_slice %arg3[%shift_right_arithmetic3A_244, %dma_wait3A_1334, %dma_wait3A_1335] : memref<125000x8x64xf32, #tpu.memory_space<hbm>> -> memref<1x8x64xf32, #tpu.memory_space<hbm>>
      %dma_wait3A_1337 = tpu.memref_squeeze %dma_wait3A_1336 : memref<1x8x64xf32, #tpu.memory_space<hbm>> -> memref<8x64xf32, #tpu.memory_space<hbm>>
      %dma_wait3A_1338 = arith.constant 0 : i32
      %dma_wait3A_1339 = arith.constant 0 : i32
      %dma_wait3A_1340 = tpu.memref_slice %arg7[%dma_wait3A_1329, %dma_wait3A_1338, %dma_wait3A_1339] : memref<32x8x64xf32, #tpu.memory_space<vmem>> -> memref<1x8x64xf32, #tpu.memory_space<vmem>>
      %dma_wait3A_1341 = tpu.memref_squeeze %dma_wait3A_1340 : memref<1x8x64xf32, #tpu.memory_space<vmem>> -> memref<8x64xf32, #tpu.memory_space<vmem>>
      %dma_wait3A_1342 = arith.constant 0 : i32
      %dma_wait3A_1343 = arith.constant 0 : i32
      %dma_wait3A_1344 = tpu.memref_slice %arg3[%shift_right_arithmetic3A_244, %dma_wait3A_1342, %dma_wait3A_1343] : memref<125000x8x64xf32, #tpu.memory_space<hbm>> -> memref<1x8x64xf32, #tpu.memory_space<hbm>>
      %dma_wait3A_1345 = tpu.memref_squeeze %dma_wait3A_1344 : memref<1x8x64xf32, #tpu.memory_space<hbm>> -> memref<8x64xf32, #tpu.memory_space<hbm>>
      tpu.wait_dma2 semaphore(%arg9 : memref<!tpu.dma_semaphore, #tpu.memory_space<semaphore_mem>>) src(%dma_wait3A_1345 : memref<8x64xf32, #tpu.memory_space<hbm>>) dst(%dma_wait3A_1341 : memref<8x64xf32, #tpu.memory_space<vmem>>)
      %and3A_1346 = arith.constant 7 : i32
      %and3A_1347 = arith.andi %squeeze3A_40, %and3A_1346 : i32
      %mul3A_1348 = arith.constant 16 : i32
      %mul3A_1349 = arith.muli %scan3A_13, %mul3A_1348 : i32
      %add3A_1350 = arith.constant 4 : i32
      %add3A_1351 = arith.addi %mul3A_1349, %add3A_1350 : i32
      %get3A_1352 = arith.constant 8 : i32
      %get3A_1353 = arith.index_cast %get3A_1352 : i32 to index
      %get3A_1354 = arith.index_cast %and3A_1347 : i32 to index
      %get3A_1355 = arith.constant 0 : index
      %get3A_1356 = tpu.vector_load %arg7[%get3A_1353, %get3A_1354, %get3A_1355] {strides = array<i32>} : memref<32x8x64xf32, #tpu.memory_space<vmem>>, vector<16xf32>,
      %mul3A_1357 = vector.broadcast %scan3A_4 : f32 to vector<16xf32>
      %mul3A_1358 = arith.mulf %get3A_1356, %mul3A_1357 : vector<16xf32>
      %get3A_1359 = arith.index_cast %add3A_1351 : i32 to index
      %get3A_1360 = arith.constant 0 : index
      %get3A_1361 = tpu.vector_load %arg8[%get3A_1359, %get3A_1360] {strides = array<i32>} : memref<128x128xf32, #tpu.memory_space<vmem>>, vector<16xf32>,
      %add3A_1362 = arith.addf %mul3A_1358, %get3A_1361 : vector<16xf32>
      %swap3A_1363 = arith.index_cast %add3A_1351 : i32 to index
      %swap3A_1364 = arith.constant 0 : index
      %swap3A_1365 = tpu.vector_load %arg8[%swap3A_1363, %swap3A_1364] {strides = array<i32>} : memref<128x128xf32, #tpu.memory_space<vmem>>, vector<16xf32>,
      tpu.vector_store %arg8[%swap3A_1363, %swap3A_1364], %add3A_1362 {strides = array<i32>} : memref<128x128xf32, #tpu.memory_space<vmem>>, vector<16xf32>,
      %get3A_1366 = arith.constant 8 : i32
      %get3A_1367 = arith.index_cast %get3A_1366 : i32 to index
      %get3A_1368 = arith.index_cast %and3A_1347 : i32 to index
      %get3A_1369 = arith.constant 16 : index
      %get3A_1370 = tpu.vector_load %arg7[%get3A_1367, %get3A_1368, %get3A_1369] {strides = array<i32>} : memref<32x8x64xf32, #tpu.memory_space<vmem>>, vector<16xf32>,
      %mul3A_1371 = vector.broadcast %scan3A_4 : f32 to vector<16xf32>
      %mul3A_1372 = arith.mulf %get3A_1370, %mul3A_1371 : vector<16xf32>
      %get3A_1373 = arith.index_cast %add3A_1351 : i32 to index
      %get3A_1374 = arith.constant 16 : index
      %get3A_1375 = tpu.vector_load %arg8[%get3A_1373, %get3A_1374] {strides = array<i32>} : memref<128x128xf32, #tpu.memory_space<vmem>>, vector<16xf32>,
      %add3A_1376 = arith.addf %mul3A_1372, %get3A_1375 : vector<16xf32>
      %swap3A_1377 = arith.index_cast %add3A_1351 : i32 to index
      %swap3A_1378 = arith.constant 16 : index
      %swap3A_1379 = tpu.vector_load %arg8[%swap3A_1377, %swap3A_1378] {strides = array<i32>} : memref<128x128xf32, #tpu.memory_space<vmem>>, vector<16xf32>,
      tpu.vector_store %arg8[%swap3A_1377, %swap3A_1378], %add3A_1376 {strides = array<i32>} : memref<128x128xf32, #tpu.memory_space<vmem>>, vector<16xf32>,
      %get3A_1380 = arith.constant 8 : i32
      %get3A_1381 = arith.index_cast %get3A_1380 : i32 to index
      %get3A_1382 = arith.index_cast %and3A_1347 : i32 to index
      %get3A_1383 = arith.constant 32 : index
      %get3A_1384 = tpu.vector_load %arg7[%get3A_1381, %get3A_1382, %get3A_1383] {strides = array<i32>} : memref<32x8x64xf32, #tpu.memory_space<vmem>>, vector<16xf32>,
      %mul3A_1385 = vector.broadcast %scan3A_4 : f32 to vector<16xf32>
      %mul3A_1386 = arith.mulf %get3A_1384, %mul3A_1385 : vector<16xf32>
      %get3A_1387 = arith.index_cast %add3A_1351 : i32 to index
      %get3A_1388 = arith.constant 32 : index
      %get3A_1389 = tpu.vector_load %arg8[%get3A_1387, %get3A_1388] {strides = array<i32>} : memref<128x128xf32, #tpu.memory_space<vmem>>, vector<16xf32>,
      %add3A_1390 = arith.addf %mul3A_1386, %get3A_1389 : vector<16xf32>
      %swap3A_1391 = arith.index_cast %add3A_1351 : i32 to index
      %swap3A_1392 = arith.constant 32 : index
      %swap3A_1393 = tpu.vector_load %arg8[%swap3A_1391, %swap3A_1392] {strides = array<i32>} : memref<128x128xf32, #tpu.memory_space<vmem>>, vector<16xf32>,
      tpu.vector_store %arg8[%swap3A_1391, %swap3A_1392], %add3A_1390 {strides = array<i32>} : memref<128x128xf32, #tpu.memory_space<vmem>>, vector<16xf32>,
      %get3A_1394 = arith.constant 8 : i32
      %get3A_1395 = arith.index_cast %get3A_1394 : i32 to index
      %get3A_1396 = arith.index_cast %and3A_1347 : i32 to index
      %get3A_1397 = arith.constant 48 : index
      %get3A_1398 = tpu.vector_load %arg7[%get3A_1395, %get3A_1396, %get3A_1397] {strides = array<i32>} : memref<32x8x64xf32, #tpu.memory_space<vmem>>, vector<16xf32>,
      %mul3A_1399 = vector.broadcast %scan3A_4 : f32 to vector<16xf32>
      %mul3A_1400 = arith.mulf %get3A_1398, %mul3A_1399 : vector<16xf32>
      %get3A_1401 = arith.index_cast %add3A_1351 : i32 to index
      %get3A_1402 = arith.constant 48 : index
      %get3A_1403 = tpu.vector_load %arg8[%get3A_1401, %get3A_1402] {strides = array<i32>} : memref<128x128xf32, #tpu.memory_space<vmem>>, vector<16xf32>,
      %add3A_1404 = arith.addf %mul3A_1400, %get3A_1403 : vector<16xf32>
      %swap3A_1405 = arith.index_cast %add3A_1351 : i32 to index
      %swap3A_1406 = arith.constant 48 : index
      %swap3A_1407 = tpu.vector_load %arg8[%swap3A_1405, %swap3A_1406] {strides = array<i32>} : memref<128x128xf32, #tpu.memory_space<vmem>>, vector<16xf32>,
      tpu.vector_store %arg8[%swap3A_1405, %swap3A_1406], %add3A_1404 {strides = array<i32>} : memref<128x128xf32, #tpu.memory_space<vmem>>, vector<16xf32>,
      %dma_wait3A_1408 = arith.constant 9 : i32
      %dma_wait3A_1409 = arith.constant 0 : i32
      %dma_wait3A_1410 = arith.constant 0 : i32
      %dma_wait3A_1411 = tpu.memref_slice %arg7[%dma_wait3A_1408, %dma_wait3A_1409, %dma_wait3A_1410] : memref<32x8x64xf32, #tpu.memory_space<vmem>> -> memref<1x8x64xf32, #tpu.memory_space<vmem>>
      %dma_wait3A_1412 = tpu.memref_squeeze %dma_wait3A_1411 : memref<1x8x64xf32, #tpu.memory_space<vmem>> -> memref<8x64xf32, #tpu.memory_space<vmem>>
      %dma_wait3A_1413 = arith.constant 0 : i32
      %dma_wait3A_1414 = arith.constant 0 : i32
      %dma_wait3A_1415 = tpu.memref_slice %arg3[%shift_right_arithmetic3A_263, %dma_wait3A_1413, %dma_wait3A_1414] : memref<125000x8x64xf32, #tpu.memory_space<hbm>> -> memref<1x8x64xf32, #tpu.memory_space<hbm>>
      %dma_wait3A_1416 = tpu.memref_squeeze %dma_wait3A_1415 : memref<1x8x64xf32, #tpu.memory_space<hbm>> -> memref<8x64xf32, #tpu.memory_space<hbm>>
      %dma_wait3A_1417 = arith.constant 0 : i32
      %dma_wait3A_1418 = arith.constant 0 : i32
      %dma_wait3A_1419 = tpu.memref_slice %arg7[%dma_wait3A_1408, %dma_wait3A_1417, %dma_wait3A_1418] : memref<32x8x64xf32, #tpu.memory_space<vmem>> -> memref<1x8x64xf32, #tpu.memory_space<vmem>>
      %dma_wait3A_1420 = tpu.memref_squeeze %dma_wait3A_1419 : memref<1x8x64xf32, #tpu.memory_space<vmem>> -> memref<8x64xf32, #tpu.memory_space<vmem>>
      %dma_wait3A_1421 = arith.constant 0 : i32
      %dma_wait3A_1422 = arith.constant 0 : i32
      %dma_wait3A_1423 = tpu.memref_slice %arg3[%shift_right_arithmetic3A_263, %dma_wait3A_1421, %dma_wait3A_1422] : memref<125000x8x64xf32, #tpu.memory_space<hbm>> -> memref<1x8x64xf32, #tpu.memory_space<hbm>>
      %dma_wait3A_1424 = tpu.memref_squeeze %dma_wait3A_1423 : memref<1x8x64xf32, #tpu.memory_space<hbm>> -> memref<8x64xf32, #tpu.memory_space<hbm>>
      tpu.wait_dma2 semaphore(%arg9 : memref<!tpu.dma_semaphore, #tpu.memory_space<semaphore_mem>>) src(%dma_wait3A_1424 : memref<8x64xf32, #tpu.memory_space<hbm>>) dst(%dma_wait3A_1420 : memref<8x64xf32, #tpu.memory_space<vmem>>)
      %and3A_1425 = arith.constant 7 : i32
      %and3A_1426 = arith.andi %squeeze3A_42, %and3A_1425 : i32
      %mul3A_1427 = arith.constant 16 : i32
      %mul3A_1428 = arith.muli %scan3A_13, %mul3A_1427 : i32
      %add3A_1429 = arith.constant 4 : i32
      %add3A_1430 = arith.addi %mul3A_1428, %add3A_1429 : i32
      %get3A_1431 = arith.constant 9 : i32
      %get3A_1432 = arith.index_cast %get3A_1431 : i32 to index
      %get3A_1433 = arith.index_cast %and3A_1426 : i32 to index
      %get3A_1434 = arith.constant 0 : index
      %get3A_1435 = tpu.vector_load %arg7[%get3A_1432, %get3A_1433, %get3A_1434] {strides = array<i32>} : memref<32x8x64xf32, #tpu.memory_space<vmem>>, vector<16xf32>,
      %mul3A_1436 = vector.broadcast %scan3A_4 : f32 to vector<16xf32>
      %mul3A_1437 = arith.mulf %get3A_1435, %mul3A_1436 : vector<16xf32>
      %get3A_1438 = arith.index_cast %add3A_1430 : i32 to index
      %get3A_1439 = arith.constant 64 : index
      %get3A_1440 = tpu.vector_load %arg8[%get3A_1438, %get3A_1439] {strides = array<i32>} : memref<128x128xf32, #tpu.memory_space<vmem>>, vector<16xf32>,
      %add3A_1441 = arith.addf %mul3A_1437, %get3A_1440 : vector<16xf32>
      %swap3A_1442 = arith.index_cast %add3A_1430 : i32 to index
      %swap3A_1443 = arith.constant 64 : index
      %swap3A_1444 = tpu.vector_load %arg8[%swap3A_1442, %swap3A_1443] {strides = array<i32>} : memref<128x128xf32, #tpu.memory_space<vmem>>, vector<16xf32>,
      tpu.vector_store %arg8[%swap3A_1442, %swap3A_1443], %add3A_1441 {strides = array<i32>} : memref<128x128xf32, #tpu.memory_space<vmem>>, vector<16xf32>,
      %get3A_1445 = arith.constant 9 : i32
      %get3A_1446 = arith.index_cast %get3A_1445 : i32 to index
      %get3A_1447 = arith.index_cast %and3A_1426 : i32 to index
      %get3A_1448 = arith.constant 16 : index
      %get3A_1449 = tpu.vector_load %arg7[%get3A_1446, %get3A_1447, %get3A_1448] {strides = array<i32>} : memref<32x8x64xf32, #tpu.memory_space<vmem>>, vector<16xf32>,
      %mul3A_1450 = vector.broadcast %scan3A_4 : f32 to vector<16xf32>
      %mul3A_1451 = arith.mulf %get3A_1449, %mul3A_1450 : vector<16xf32>
      %get3A_1452 = arith.index_cast %add3A_1430 : i32 to index
      %get3A_1453 = arith.constant 80 : index
      %get3A_1454 = tpu.vector_load %arg8[%get3A_1452, %get3A_1453] {strides = array<i32>} : memref<128x128xf32, #tpu.memory_space<vmem>>, vector<16xf32>,
      %add3A_1455 = arith.addf %mul3A_1451, %get3A_1454 : vector<16xf32>
      %swap3A_1456 = arith.index_cast %add3A_1430 : i32 to index
      %swap3A_1457 = arith.constant 80 : index
      %swap3A_1458 = tpu.vector_load %arg8[%swap3A_1456, %swap3A_1457] {strides = array<i32>} : memref<128x128xf32, #tpu.memory_space<vmem>>, vector<16xf32>,
      tpu.vector_store %arg8[%swap3A_1456, %swap3A_1457], %add3A_1455 {strides = array<i32>} : memref<128x128xf32, #tpu.memory_space<vmem>>, vector<16xf32>,
      %get3A_1459 = arith.constant 9 : i32
      %get3A_1460 = arith.index_cast %get3A_1459 : i32 to index
      %get3A_1461 = arith.index_cast %and3A_1426 : i32 to index
      %get3A_1462 = arith.constant 32 : index
      %get3A_1463 = tpu.vector_load %arg7[%get3A_1460, %get3A_1461, %get3A_1462] {strides = array<i32>} : memref<32x8x64xf32, #tpu.memory_space<vmem>>, vector<16xf32>,
      %mul3A_1464 = vector.broadcast %scan3A_4 : f32 to vector<16xf32>
      %mul3A_1465 = arith.mulf %get3A_1463, %mul3A_1464 : vector<16xf32>
      %get3A_1466 = arith.index_cast %add3A_1430 : i32 to index
      %get3A_1467 = arith.constant 96 : index
      %get3A_1468 = tpu.vector_load %arg8[%get3A_1466, %get3A_1467] {strides = array<i32>} : memref<128x128xf32, #tpu.memory_space<vmem>>, vector<16xf32>,
      %add3A_1469 = arith.addf %mul3A_1465, %get3A_1468 : vector<16xf32>
      %swap3A_1470 = arith.index_cast %add3A_1430 : i32 to index
      %swap3A_1471 = arith.constant 96 : index
      %swap3A_1472 = tpu.vector_load %arg8[%swap3A_1470, %swap3A_1471] {strides = array<i32>} : memref<128x128xf32, #tpu.memory_space<vmem>>, vector<16xf32>,
      tpu.vector_store %arg8[%swap3A_1470, %swap3A_1471], %add3A_1469 {strides = array<i32>} : memref<128x128xf32, #tpu.memory_space<vmem>>, vector<16xf32>,
      %get3A_1473 = arith.constant 9 : i32
      %get3A_1474 = arith.index_cast %get3A_1473 : i32 to index
      %get3A_1475 = arith.index_cast %and3A_1426 : i32 to index
      %get3A_1476 = arith.constant 48 : index
      %get3A_1477 = tpu.vector_load %arg7[%get3A_1474, %get3A_1475, %get3A_1476] {strides = array<i32>} : memref<32x8x64xf32, #tpu.memory_space<vmem>>, vector<16xf32>,
      %mul3A_1478 = vector.broadcast %scan3A_4 : f32 to vector<16xf32>
      %mul3A_1479 = arith.mulf %get3A_1477, %mul3A_1478 : vector<16xf32>
      %get3A_1480 = arith.index_cast %add3A_1430 : i32 to index
      %get3A_1481 = arith.constant 112 : index
      %get3A_1482 = tpu.vector_load %arg8[%get3A_1480, %get3A_1481] {strides = array<i32>} : memref<128x128xf32, #tpu.memory_space<vmem>>, vector<16xf32>,
      %add3A_1483 = arith.addf %mul3A_1479, %get3A_1482 : vector<16xf32>
      %swap3A_1484 = arith.index_cast %add3A_1430 : i32 to index
      %swap3A_1485 = arith.constant 112 : index
      %swap3A_1486 = tpu.vector_load %arg8[%swap3A_1484, %swap3A_1485] {strides = array<i32>} : memref<128x128xf32, #tpu.memory_space<vmem>>, vector<16xf32>,
      tpu.vector_store %arg8[%swap3A_1484, %swap3A_1485], %add3A_1483 {strides = array<i32>} : memref<128x128xf32, #tpu.memory_space<vmem>>, vector<16xf32>,
      %dma_wait3A_1487 = arith.constant 10 : i32
      %dma_wait3A_1488 = arith.constant 0 : i32
      %dma_wait3A_1489 = arith.constant 0 : i32
      %dma_wait3A_1490 = tpu.memref_slice %arg7[%dma_wait3A_1487, %dma_wait3A_1488, %dma_wait3A_1489] : memref<32x8x64xf32, #tpu.memory_space<vmem>> -> memref<1x8x64xf32, #tpu.memory_space<vmem>>
      %dma_wait3A_1491 = tpu.memref_squeeze %dma_wait3A_1490 : memref<1x8x64xf32, #tpu.memory_space<vmem>> -> memref<8x64xf32, #tpu.memory_space<vmem>>
      %dma_wait3A_1492 = arith.constant 0 : i32
      %dma_wait3A_1493 = arith.constant 0 : i32
      %dma_wait3A_1494 = tpu.memref_slice %arg3[%shift_right_arithmetic3A_282, %dma_wait3A_1492, %dma_wait3A_1493] : memref<125000x8x64xf32, #tpu.memory_space<hbm>> -> memref<1x8x64xf32, #tpu.memory_space<hbm>>
      %dma_wait3A_1495 = tpu.memref_squeeze %dma_wait3A_1494 : memref<1x8x64xf32, #tpu.memory_space<hbm>> -> memref<8x64xf32, #tpu.memory_space<hbm>>
      %dma_wait3A_1496 = arith.constant 0 : i32
      %dma_wait3A_1497 = arith.constant 0 : i32
      %dma_wait3A_1498 = tpu.memref_slice %arg7[%dma_wait3A_1487, %dma_wait3A_1496, %dma_wait3A_1497] : memref<32x8x64xf32, #tpu.memory_space<vmem>> -> memref<1x8x64xf32, #tpu.memory_space<vmem>>
      %dma_wait3A_1499 = tpu.memref_squeeze %dma_wait3A_1498 : memref<1x8x64xf32, #tpu.memory_space<vmem>> -> memref<8x64xf32, #tpu.memory_space<vmem>>
      %dma_wait3A_1500 = arith.constant 0 : i32
      %dma_wait3A_1501 = arith.constant 0 : i32
      %dma_wait3A_1502 = tpu.memref_slice %arg3[%shift_right_arithmetic3A_282, %dma_wait3A_1500, %dma_wait3A_1501] : memref<125000x8x64xf32, #tpu.memory_space<hbm>> -> memref<1x8x64xf32, #tpu.memory_space<hbm>>
      %dma_wait3A_1503 = tpu.memref_squeeze %dma_wait3A_1502 : memref<1x8x64xf32, #tpu.memory_space<hbm>> -> memref<8x64xf32, #tpu.memory_space<hbm>>
      tpu.wait_dma2 semaphore(%arg9 : memref<!tpu.dma_semaphore, #tpu.memory_space<semaphore_mem>>) src(%dma_wait3A_1503 : memref<8x64xf32, #tpu.memory_space<hbm>>) dst(%dma_wait3A_1499 : memref<8x64xf32, #tpu.memory_space<vmem>>)
      %and3A_1504 = arith.constant 7 : i32
      %and3A_1505 = arith.andi %squeeze3A_44, %and3A_1504 : i32
      %mul3A_1506 = arith.constant 16 : i32
      %mul3A_1507 = arith.muli %scan3A_13, %mul3A_1506 : i32
      %add3A_1508 = arith.constant 5 : i32
      %add3A_1509 = arith.addi %mul3A_1507, %add3A_1508 : i32
      %get3A_1510 = arith.constant 10 : i32
      %get3A_1511 = arith.index_cast %get3A_1510 : i32 to index
      %get3A_1512 = arith.index_cast %and3A_1505 : i32 to index
      %get3A_1513 = arith.constant 0 : index
      %get3A_1514 = tpu.vector_load %arg7[%get3A_1511, %get3A_1512, %get3A_1513] {strides = array<i32>} : memref<32x8x64xf32, #tpu.memory_space<vmem>>, vector<16xf32>,
      %mul3A_1515 = vector.broadcast %scan3A_4 : f32 to vector<16xf32>
      %mul3A_1516 = arith.mulf %get3A_1514, %mul3A_1515 : vector<16xf32>
      %get3A_1517 = arith.index_cast %add3A_1509 : i32 to index
      %get3A_1518 = arith.constant 0 : index
      %get3A_1519 = tpu.vector_load %arg8[%get3A_1517, %get3A_1518] {strides = array<i32>} : memref<128x128xf32, #tpu.memory_space<vmem>>, vector<16xf32>,
      %add3A_1520 = arith.addf %mul3A_1516, %get3A_1519 : vector<16xf32>
      %swap3A_1521 = arith.index_cast %add3A_1509 : i32 to index
      %swap3A_1522 = arith.constant 0 : index
      %swap3A_1523 = tpu.vector_load %arg8[%swap3A_1521, %swap3A_1522] {strides = array<i32>} : memref<128x128xf32, #tpu.memory_space<vmem>>, vector<16xf32>,
      tpu.vector_store %arg8[%swap3A_1521, %swap3A_1522], %add3A_1520 {strides = array<i32>} : memref<128x128xf32, #tpu.memory_space<vmem>>, vector<16xf32>,
      %get3A_1524 = arith.constant 10 : i32
      %get3A_1525 = arith.index_cast %get3A_1524 : i32 to index
      %get3A_1526 = arith.index_cast %and3A_1505 : i32 to index
      %get3A_1527 = arith.constant 16 : index
      %get3A_1528 = tpu.vector_load %arg7[%get3A_1525, %get3A_1526, %get3A_1527] {strides = array<i32>} : memref<32x8x64xf32, #tpu.memory_space<vmem>>, vector<16xf32>,
      %mul3A_1529 = vector.broadcast %scan3A_4 : f32 to vector<16xf32>
      %mul3A_1530 = arith.mulf %get3A_1528, %mul3A_1529 : vector<16xf32>
      %get3A_1531 = arith.index_cast %add3A_1509 : i32 to index
      %get3A_1532 = arith.constant 16 : index
      %get3A_1533 = tpu.vector_load %arg8[%get3A_1531, %get3A_1532] {strides = array<i32>} : memref<128x128xf32, #tpu.memory_space<vmem>>, vector<16xf32>,
      %add3A_1534 = arith.addf %mul3A_1530, %get3A_1533 : vector<16xf32>
      %swap3A_1535 = arith.index_cast %add3A_1509 : i32 to index
      %swap3A_1536 = arith.constant 16 : index
      %swap3A_1537 = tpu.vector_load %arg8[%swap3A_1535, %swap3A_1536] {strides = array<i32>} : memref<128x128xf32, #tpu.memory_space<vmem>>, vector<16xf32>,
      tpu.vector_store %arg8[%swap3A_1535, %swap3A_1536], %add3A_1534 {strides = array<i32>} : memref<128x128xf32, #tpu.memory_space<vmem>>, vector<16xf32>,
      %get3A_1538 = arith.constant 10 : i32
      %get3A_1539 = arith.index_cast %get3A_1538 : i32 to index
      %get3A_1540 = arith.index_cast %and3A_1505 : i32 to index
      %get3A_1541 = arith.constant 32 : index
      %get3A_1542 = tpu.vector_load %arg7[%get3A_1539, %get3A_1540, %get3A_1541] {strides = array<i32>} : memref<32x8x64xf32, #tpu.memory_space<vmem>>, vector<16xf32>,
      %mul3A_1543 = vector.broadcast %scan3A_4 : f32 to vector<16xf32>
      %mul3A_1544 = arith.mulf %get3A_1542, %mul3A_1543 : vector<16xf32>
      %get3A_1545 = arith.index_cast %add3A_1509 : i32 to index
      %get3A_1546 = arith.constant 32 : index
      %get3A_1547 = tpu.vector_load %arg8[%get3A_1545, %get3A_1546] {strides = array<i32>} : memref<128x128xf32, #tpu.memory_space<vmem>>, vector<16xf32>,
      %add3A_1548 = arith.addf %mul3A_1544, %get3A_1547 : vector<16xf32>
      %swap3A_1549 = arith.index_cast %add3A_1509 : i32 to index
      %swap3A_1550 = arith.constant 32 : index
      %swap3A_1551 = tpu.vector_load %arg8[%swap3A_1549, %swap3A_1550] {strides = array<i32>} : memref<128x128xf32, #tpu.memory_space<vmem>>, vector<16xf32>,
      tpu.vector_store %arg8[%swap3A_1549, %swap3A_1550], %add3A_1548 {strides = array<i32>} : memref<128x128xf32, #tpu.memory_space<vmem>>, vector<16xf32>,
      %get3A_1552 = arith.constant 10 : i32
      %get3A_1553 = arith.index_cast %get3A_1552 : i32 to index
      %get3A_1554 = arith.index_cast %and3A_1505 : i32 to index
      %get3A_1555 = arith.constant 48 : index
      %get3A_1556 = tpu.vector_load %arg7[%get3A_1553, %get3A_1554, %get3A_1555] {strides = array<i32>} : memref<32x8x64xf32, #tpu.memory_space<vmem>>, vector<16xf32>,
      %mul3A_1557 = vector.broadcast %scan3A_4 : f32 to vector<16xf32>
      %mul3A_1558 = arith.mulf %get3A_1556, %mul3A_1557 : vector<16xf32>
      %get3A_1559 = arith.index_cast %add3A_1509 : i32 to index
      %get3A_1560 = arith.constant 48 : index
      %get3A_1561 = tpu.vector_load %arg8[%get3A_1559, %get3A_1560] {strides = array<i32>} : memref<128x128xf32, #tpu.memory_space<vmem>>, vector<16xf32>,
      %add3A_1562 = arith.addf %mul3A_1558, %get3A_1561 : vector<16xf32>
      %swap3A_1563 = arith.index_cast %add3A_1509 : i32 to index
      %swap3A_1564 = arith.constant 48 : index
      %swap3A_1565 = tpu.vector_load %arg8[%swap3A_1563, %swap3A_1564] {strides = array<i32>} : memref<128x128xf32, #tpu.memory_space<vmem>>, vector<16xf32>,
      tpu.vector_store %arg8[%swap3A_1563, %swap3A_1564], %add3A_1562 {strides = array<i32>} : memref<128x128xf32, #tpu.memory_space<vmem>>, vector<16xf32>,
      %dma_wait3A_1566 = arith.constant 11 : i32
      %dma_wait3A_1567 = arith.constant 0 : i32
      %dma_wait3A_1568 = arith.constant 0 : i32
      %dma_wait3A_1569 = tpu.memref_slice %arg7[%dma_wait3A_1566, %dma_wait3A_1567, %dma_wait3A_1568] : memref<32x8x64xf32, #tpu.memory_space<vmem>> -> memref<1x8x64xf32, #tpu.memory_space<vmem>>
      %dma_wait3A_1570 = tpu.memref_squeeze %dma_wait3A_1569 : memref<1x8x64xf32, #tpu.memory_space<vmem>> -> memref<8x64xf32, #tpu.memory_space<vmem>>
      %dma_wait3A_1571 = arith.constant 0 : i32
      %dma_wait3A_1572 = arith.constant 0 : i32
      %dma_wait3A_1573 = tpu.memref_slice %arg3[%shift_right_arithmetic3A_301, %dma_wait3A_1571, %dma_wait3A_1572] : memref<125000x8x64xf32, #tpu.memory_space<hbm>> -> memref<1x8x64xf32, #tpu.memory_space<hbm>>
      %dma_wait3A_1574 = tpu.memref_squeeze %dma_wait3A_1573 : memref<1x8x64xf32, #tpu.memory_space<hbm>> -> memref<8x64xf32, #tpu.memory_space<hbm>>
      %dma_wait3A_1575 = arith.constant 0 : i32
      %dma_wait3A_1576 = arith.constant 0 : i32
      %dma_wait3A_1577 = tpu.memref_slice %arg7[%dma_wait3A_1566, %dma_wait3A_1575, %dma_wait3A_1576] : memref<32x8x64xf32, #tpu.memory_space<vmem>> -> memref<1x8x64xf32, #tpu.memory_space<vmem>>
      %dma_wait3A_1578 = tpu.memref_squeeze %dma_wait3A_1577 : memref<1x8x64xf32, #tpu.memory_space<vmem>> -> memref<8x64xf32, #tpu.memory_space<vmem>>
      %dma_wait3A_1579 = arith.constant 0 : i32
      %dma_wait3A_1580 = arith.constant 0 : i32
      %dma_wait3A_1581 = tpu.memref_slice %arg3[%shift_right_arithmetic3A_301, %dma_wait3A_1579, %dma_wait3A_1580] : memref<125000x8x64xf32, #tpu.memory_space<hbm>> -> memref<1x8x64xf32, #tpu.memory_space<hbm>>
      %dma_wait3A_1582 = tpu.memref_squeeze %dma_wait3A_1581 : memref<1x8x64xf32, #tpu.memory_space<hbm>> -> memref<8x64xf32, #tpu.memory_space<hbm>>
      tpu.wait_dma2 semaphore(%arg9 : memref<!tpu.dma_semaphore, #tpu.memory_space<semaphore_mem>>) src(%dma_wait3A_1582 : memref<8x64xf32, #tpu.memory_space<hbm>>) dst(%dma_wait3A_1578 : memref<8x64xf32, #tpu.memory_space<vmem>>)
      %and3A_1583 = arith.constant 7 : i32
      %and3A_1584 = arith.andi %squeeze3A_46, %and3A_1583 : i32
      %mul3A_1585 = arith.constant 16 : i32
      %mul3A_1586 = arith.muli %scan3A_13, %mul3A_1585 : i32
      %add3A_1587 = arith.constant 5 : i32
      %add3A_1588 = arith.addi %mul3A_1586, %add3A_1587 : i32
      %get3A_1589 = arith.constant 11 : i32
      %get3A_1590 = arith.index_cast %get3A_1589 : i32 to index
      %get3A_1591 = arith.index_cast %and3A_1584 : i32 to index
      %get3A_1592 = arith.constant 0 : index
      %get3A_1593 = tpu.vector_load %arg7[%get3A_1590, %get3A_1591, %get3A_1592] {strides = array<i32>} : memref<32x8x64xf32, #tpu.memory_space<vmem>>, vector<16xf32>,
      %mul3A_1594 = vector.broadcast %scan3A_4 : f32 to vector<16xf32>
      %mul3A_1595 = arith.mulf %get3A_1593, %mul3A_1594 : vector<16xf32>
      %get3A_1596 = arith.index_cast %add3A_1588 : i32 to index
      %get3A_1597 = arith.constant 64 : index
      %get3A_1598 = tpu.vector_load %arg8[%get3A_1596, %get3A_1597] {strides = array<i32>} : memref<128x128xf32, #tpu.memory_space<vmem>>, vector<16xf32>,
      %add3A_1599 = arith.addf %mul3A_1595, %get3A_1598 : vector<16xf32>
      %swap3A_1600 = arith.index_cast %add3A_1588 : i32 to index
      %swap3A_1601 = arith.constant 64 : index
      %swap3A_1602 = tpu.vector_load %arg8[%swap3A_1600, %swap3A_1601] {strides = array<i32>} : memref<128x128xf32, #tpu.memory_space<vmem>>, vector<16xf32>,
      tpu.vector_store %arg8[%swap3A_1600, %swap3A_1601], %add3A_1599 {strides = array<i32>} : memref<128x128xf32, #tpu.memory_space<vmem>>, vector<16xf32>,
      %get3A_1603 = arith.constant 11 : i32
      %get3A_1604 = arith.index_cast %get3A_1603 : i32 to index
      %get3A_1605 = arith.index_cast %and3A_1584 : i32 to index
      %get3A_1606 = arith.constant 16 : index
      %get3A_1607 = tpu.vector_load %arg7[%get3A_1604, %get3A_1605, %get3A_1606] {strides = array<i32>} : memref<32x8x64xf32, #tpu.memory_space<vmem>>, vector<16xf32>,
      %mul3A_1608 = vector.broadcast %scan3A_4 : f32 to vector<16xf32>
      %mul3A_1609 = arith.mulf %get3A_1607, %mul3A_1608 : vector<16xf32>
      %get3A_1610 = arith.index_cast %add3A_1588 : i32 to index
      %get3A_1611 = arith.constant 80 : index
      %get3A_1612 = tpu.vector_load %arg8[%get3A_1610, %get3A_1611] {strides = array<i32>} : memref<128x128xf32, #tpu.memory_space<vmem>>, vector<16xf32>,
      %add3A_1613 = arith.addf %mul3A_1609, %get3A_1612 : vector<16xf32>
      %swap3A_1614 = arith.index_cast %add3A_1588 : i32 to index
      %swap3A_1615 = arith.constant 80 : index
      %swap3A_1616 = tpu.vector_load %arg8[%swap3A_1614, %swap3A_1615] {strides = array<i32>} : memref<128x128xf32, #tpu.memory_space<vmem>>, vector<16xf32>,
      tpu.vector_store %arg8[%swap3A_1614, %swap3A_1615], %add3A_1613 {strides = array<i32>} : memref<128x128xf32, #tpu.memory_space<vmem>>, vector<16xf32>,
      %get3A_1617 = arith.constant 11 : i32
      %get3A_1618 = arith.index_cast %get3A_1617 : i32 to index
      %get3A_1619 = arith.index_cast %and3A_1584 : i32 to index
      %get3A_1620 = arith.constant 32 : index
      %get3A_1621 = tpu.vector_load %arg7[%get3A_1618, %get3A_1619, %get3A_1620] {strides = array<i32>} : memref<32x8x64xf32, #tpu.memory_space<vmem>>, vector<16xf32>,
      %mul3A_1622 = vector.broadcast %scan3A_4 : f32 to vector<16xf32>
      %mul3A_1623 = arith.mulf %get3A_1621, %mul3A_1622 : vector<16xf32>
      %get3A_1624 = arith.index_cast %add3A_1588 : i32 to index
      %get3A_1625 = arith.constant 96 : index
      %get3A_1626 = tpu.vector_load %arg8[%get3A_1624, %get3A_1625] {strides = array<i32>} : memref<128x128xf32, #tpu.memory_space<vmem>>, vector<16xf32>,
      %add3A_1627 = arith.addf %mul3A_1623, %get3A_1626 : vector<16xf32>
      %swap3A_1628 = arith.index_cast %add3A_1588 : i32 to index
      %swap3A_1629 = arith.constant 96 : index
      %swap3A_1630 = tpu.vector_load %arg8[%swap3A_1628, %swap3A_1629] {strides = array<i32>} : memref<128x128xf32, #tpu.memory_space<vmem>>, vector<16xf32>,
      tpu.vector_store %arg8[%swap3A_1628, %swap3A_1629], %add3A_1627 {strides = array<i32>} : memref<128x128xf32, #tpu.memory_space<vmem>>, vector<16xf32>,
      %get3A_1631 = arith.constant 11 : i32
      %get3A_1632 = arith.index_cast %get3A_1631 : i32 to index
      %get3A_1633 = arith.index_cast %and3A_1584 : i32 to index
      %get3A_1634 = arith.constant 48 : index
      %get3A_1635 = tpu.vector_load %arg7[%get3A_1632, %get3A_1633, %get3A_1634] {strides = array<i32>} : memref<32x8x64xf32, #tpu.memory_space<vmem>>, vector<16xf32>,
      %mul3A_1636 = vector.broadcast %scan3A_4 : f32 to vector<16xf32>
      %mul3A_1637 = arith.mulf %get3A_1635, %mul3A_1636 : vector<16xf32>
      %get3A_1638 = arith.index_cast %add3A_1588 : i32 to index
      %get3A_1639 = arith.constant 112 : index
      %get3A_1640 = tpu.vector_load %arg8[%get3A_1638, %get3A_1639] {strides = array<i32>} : memref<128x128xf32, #tpu.memory_space<vmem>>, vector<16xf32>,
      %add3A_1641 = arith.addf %mul3A_1637, %get3A_1640 : vector<16xf32>
      %swap3A_1642 = arith.index_cast %add3A_1588 : i32 to index
      %swap3A_1643 = arith.constant 112 : index
      %swap3A_1644 = tpu.vector_load %arg8[%swap3A_1642, %swap3A_1643] {strides = array<i32>} : memref<128x128xf32, #tpu.memory_space<vmem>>, vector<16xf32>,
      tpu.vector_store %arg8[%swap3A_1642, %swap3A_1643], %add3A_1641 {strides = array<i32>} : memref<128x128xf32, #tpu.memory_space<vmem>>, vector<16xf32>,
      %dma_wait3A_1645 = arith.constant 12 : i32
      %dma_wait3A_1646 = arith.constant 0 : i32
      %dma_wait3A_1647 = arith.constant 0 : i32
      %dma_wait3A_1648 = tpu.memref_slice %arg7[%dma_wait3A_1645, %dma_wait3A_1646, %dma_wait3A_1647] : memref<32x8x64xf32, #tpu.memory_space<vmem>> -> memref<1x8x64xf32, #tpu.memory_space<vmem>>
      %dma_wait3A_1649 = tpu.memref_squeeze %dma_wait3A_1648 : memref<1x8x64xf32, #tpu.memory_space<vmem>> -> memref<8x64xf32, #tpu.memory_space<vmem>>
      %dma_wait3A_1650 = arith.constant 0 : i32
      %dma_wait3A_1651 = arith.constant 0 : i32
      %dma_wait3A_1652 = tpu.memref_slice %arg3[%shift_right_arithmetic3A_320, %dma_wait3A_1650, %dma_wait3A_1651] : memref<125000x8x64xf32, #tpu.memory_space<hbm>> -> memref<1x8x64xf32, #tpu.memory_space<hbm>>
      %dma_wait3A_1653 = tpu.memref_squeeze %dma_wait3A_1652 : memref<1x8x64xf32, #tpu.memory_space<hbm>> -> memref<8x64xf32, #tpu.memory_space<hbm>>
      %dma_wait3A_1654 = arith.constant 0 : i32
      %dma_wait3A_1655 = arith.constant 0 : i32
      %dma_wait3A_1656 = tpu.memref_slice %arg7[%dma_wait3A_1645, %dma_wait3A_1654, %dma_wait3A_1655] : memref<32x8x64xf32, #tpu.memory_space<vmem>> -> memref<1x8x64xf32, #tpu.memory_space<vmem>>
      %dma_wait3A_1657 = tpu.memref_squeeze %dma_wait3A_1656 : memref<1x8x64xf32, #tpu.memory_space<vmem>> -> memref<8x64xf32, #tpu.memory_space<vmem>>
      %dma_wait3A_1658 = arith.constant 0 : i32
      %dma_wait3A_1659 = arith.constant 0 : i32
      %dma_wait3A_1660 = tpu.memref_slice %arg3[%shift_right_arithmetic3A_320, %dma_wait3A_1658, %dma_wait3A_1659] : memref<125000x8x64xf32, #tpu.memory_space<hbm>> -> memref<1x8x64xf32, #tpu.memory_space<hbm>>
      %dma_wait3A_1661 = tpu.memref_squeeze %dma_wait3A_1660 : memref<1x8x64xf32, #tpu.memory_space<hbm>> -> memref<8x64xf32, #tpu.memory_space<hbm>>
      tpu.wait_dma2 semaphore(%arg9 : memref<!tpu.dma_semaphore, #tpu.memory_space<semaphore_mem>>) src(%dma_wait3A_1661 : memref<8x64xf32, #tpu.memory_space<hbm>>) dst(%dma_wait3A_1657 : memref<8x64xf32, #tpu.memory_space<vmem>>)
      %and3A_1662 = arith.constant 7 : i32
      %and3A_1663 = arith.andi %squeeze3A_48, %and3A_1662 : i32
      %mul3A_1664 = arith.constant 16 : i32
      %mul3A_1665 = arith.muli %scan3A_13, %mul3A_1664 : i32
      %add3A_1666 = arith.constant 6 : i32
      %add3A_1667 = arith.addi %mul3A_1665, %add3A_1666 : i32
      %get3A_1668 = arith.constant 12 : i32
      %get3A_1669 = arith.index_cast %get3A_1668 : i32 to index
      %get3A_1670 = arith.index_cast %and3A_1663 : i32 to index
      %get3A_1671 = arith.constant 0 : index
      %get3A_1672 = tpu.vector_load %arg7[%get3A_1669, %get3A_1670, %get3A_1671] {strides = array<i32>} : memref<32x8x64xf32, #tpu.memory_space<vmem>>, vector<16xf32>,
      %mul3A_1673 = vector.broadcast %scan3A_4 : f32 to vector<16xf32>
      %mul3A_1674 = arith.mulf %get3A_1672, %mul3A_1673 : vector<16xf32>
      %get3A_1675 = arith.index_cast %add3A_1667 : i32 to index
      %get3A_1676 = arith.constant 0 : index
      %get3A_1677 = tpu.vector_load %arg8[%get3A_1675, %get3A_1676] {strides = array<i32>} : memref<128x128xf32, #tpu.memory_space<vmem>>, vector<16xf32>,
      %add3A_1678 = arith.addf %mul3A_1674, %get3A_1677 : vector<16xf32>
      %swap3A_1679 = arith.index_cast %add3A_1667 : i32 to index
      %swap3A_1680 = arith.constant 0 : index
      %swap3A_1681 = tpu.vector_load %arg8[%swap3A_1679, %swap3A_1680] {strides = array<i32>} : memref<128x128xf32, #tpu.memory_space<vmem>>, vector<16xf32>,
      tpu.vector_store %arg8[%swap3A_1679, %swap3A_1680], %add3A_1678 {strides = array<i32>} : memref<128x128xf32, #tpu.memory_space<vmem>>, vector<16xf32>,
      %get3A_1682 = arith.constant 12 : i32
      %get3A_1683 = arith.index_cast %get3A_1682 : i32 to index
      %get3A_1684 = arith.index_cast %and3A_1663 : i32 to index
      %get3A_1685 = arith.constant 16 : index
      %get3A_1686 = tpu.vector_load %arg7[%get3A_1683, %get3A_1684, %get3A_1685] {strides = array<i32>} : memref<32x8x64xf32, #tpu.memory_space<vmem>>, vector<16xf32>,
      %mul3A_1687 = vector.broadcast %scan3A_4 : f32 to vector<16xf32>
      %mul3A_1688 = arith.mulf %get3A_1686, %mul3A_1687 : vector<16xf32>
      %get3A_1689 = arith.index_cast %add3A_1667 : i32 to index
      %get3A_1690 = arith.constant 16 : index
      %get3A_1691 = tpu.vector_load %arg8[%get3A_1689, %get3A_1690] {strides = array<i32>} : memref<128x128xf32, #tpu.memory_space<vmem>>, vector<16xf32>,
      %add3A_1692 = arith.addf %mul3A_1688, %get3A_1691 : vector<16xf32>
      %swap3A_1693 = arith.index_cast %add3A_1667 : i32 to index
      %swap3A_1694 = arith.constant 16 : index
      %swap3A_1695 = tpu.vector_load %arg8[%swap3A_1693, %swap3A_1694] {strides = array<i32>} : memref<128x128xf32, #tpu.memory_space<vmem>>, vector<16xf32>,
      tpu.vector_store %arg8[%swap3A_1693, %swap3A_1694], %add3A_1692 {strides = array<i32>} : memref<128x128xf32, #tpu.memory_space<vmem>>, vector<16xf32>,
      %get3A_1696 = arith.constant 12 : i32
      %get3A_1697 = arith.index_cast %get3A_1696 : i32 to index
      %get3A_1698 = arith.index_cast %and3A_1663 : i32 to index
      %get3A_1699 = arith.constant 32 : index
      %get3A_1700 = tpu.vector_load %arg7[%get3A_1697, %get3A_1698, %get3A_1699] {strides = array<i32>} : memref<32x8x64xf32, #tpu.memory_space<vmem>>, vector<16xf32>,
      %mul3A_1701 = vector.broadcast %scan3A_4 : f32 to vector<16xf32>
      %mul3A_1702 = arith.mulf %get3A_1700, %mul3A_1701 : vector<16xf32>
      %get3A_1703 = arith.index_cast %add3A_1667 : i32 to index
      %get3A_1704 = arith.constant 32 : index
      %get3A_1705 = tpu.vector_load %arg8[%get3A_1703, %get3A_1704] {strides = array<i32>} : memref<128x128xf32, #tpu.memory_space<vmem>>, vector<16xf32>,
      %add3A_1706 = arith.addf %mul3A_1702, %get3A_1705 : vector<16xf32>
      %swap3A_1707 = arith.index_cast %add3A_1667 : i32 to index
      %swap3A_1708 = arith.constant 32 : index
      %swap3A_1709 = tpu.vector_load %arg8[%swap3A_1707, %swap3A_1708] {strides = array<i32>} : memref<128x128xf32, #tpu.memory_space<vmem>>, vector<16xf32>,
      tpu.vector_store %arg8[%swap3A_1707, %swap3A_1708], %add3A_1706 {strides = array<i32>} : memref<128x128xf32, #tpu.memory_space<vmem>>, vector<16xf32>,
      %get3A_1710 = arith.constant 12 : i32
      %get3A_1711 = arith.index_cast %get3A_1710 : i32 to index
      %get3A_1712 = arith.index_cast %and3A_1663 : i32 to index
      %get3A_1713 = arith.constant 48 : index
      %get3A_1714 = tpu.vector_load %arg7[%get3A_1711, %get3A_1712, %get3A_1713] {strides = array<i32>} : memref<32x8x64xf32, #tpu.memory_space<vmem>>, vector<16xf32>,
      %mul3A_1715 = vector.broadcast %scan3A_4 : f32 to vector<16xf32>
      %mul3A_1716 = arith.mulf %get3A_1714, %mul3A_1715 : vector<16xf32>
      %get3A_1717 = arith.index_cast %add3A_1667 : i32 to index
      %get3A_1718 = arith.constant 48 : index
      %get3A_1719 = tpu.vector_load %arg8[%get3A_1717, %get3A_1718] {strides = array<i32>} : memref<128x128xf32, #tpu.memory_space<vmem>>, vector<16xf32>,
      %add3A_1720 = arith.addf %mul3A_1716, %get3A_1719 : vector<16xf32>
      %swap3A_1721 = arith.index_cast %add3A_1667 : i32 to index
      %swap3A_1722 = arith.constant 48 : index
      %swap3A_1723 = tpu.vector_load %arg8[%swap3A_1721, %swap3A_1722] {strides = array<i32>} : memref<128x128xf32, #tpu.memory_space<vmem>>, vector<16xf32>,
      tpu.vector_store %arg8[%swap3A_1721, %swap3A_1722], %add3A_1720 {strides = array<i32>} : memref<128x128xf32, #tpu.memory_space<vmem>>, vector<16xf32>,
      %dma_wait3A_1724 = arith.constant 13 : i32
      %dma_wait3A_1725 = arith.constant 0 : i32
      %dma_wait3A_1726 = arith.constant 0 : i32
      %dma_wait3A_1727 = tpu.memref_slice %arg7[%dma_wait3A_1724, %dma_wait3A_1725, %dma_wait3A_1726] : memref<32x8x64xf32, #tpu.memory_space<vmem>> -> memref<1x8x64xf32, #tpu.memory_space<vmem>>
      %dma_wait3A_1728 = tpu.memref_squeeze %dma_wait3A_1727 : memref<1x8x64xf32, #tpu.memory_space<vmem>> -> memref<8x64xf32, #tpu.memory_space<vmem>>
      %dma_wait3A_1729 = arith.constant 0 : i32
      %dma_wait3A_1730 = arith.constant 0 : i32
      %dma_wait3A_1731 = tpu.memref_slice %arg3[%shift_right_arithmetic3A_339, %dma_wait3A_1729, %dma_wait3A_1730] : memref<125000x8x64xf32, #tpu.memory_space<hbm>> -> memref<1x8x64xf32, #tpu.memory_space<hbm>>
      %dma_wait3A_1732 = tpu.memref_squeeze %dma_wait3A_1731 : memref<1x8x64xf32, #tpu.memory_space<hbm>> -> memref<8x64xf32, #tpu.memory_space<hbm>>
      %dma_wait3A_1733 = arith.constant 0 : i32
      %dma_wait3A_1734 = arith.constant 0 : i32
      %dma_wait3A_1735 = tpu.memref_slice %arg7[%dma_wait3A_1724, %dma_wait3A_1733, %dma_wait3A_1734] : memref<32x8x64xf32, #tpu.memory_space<vmem>> -> memref<1x8x64xf32, #tpu.memory_space<vmem>>
      %dma_wait3A_1736 = tpu.memref_squeeze %dma_wait3A_1735 : memref<1x8x64xf32, #tpu.memory_space<vmem>> -> memref<8x64xf32, #tpu.memory_space<vmem>>
      %dma_wait3A_1737 = arith.constant 0 : i32
      %dma_wait3A_1738 = arith.constant 0 : i32
      %dma_wait3A_1739 = tpu.memref_slice %arg3[%shift_right_arithmetic3A_339, %dma_wait3A_1737, %dma_wait3A_1738] : memref<125000x8x64xf32, #tpu.memory_space<hbm>> -> memref<1x8x64xf32, #tpu.memory_space<hbm>>
      %dma_wait3A_1740 = tpu.memref_squeeze %dma_wait3A_1739 : memref<1x8x64xf32, #tpu.memory_space<hbm>> -> memref<8x64xf32, #tpu.memory_space<hbm>>
      tpu.wait_dma2 semaphore(%arg9 : memref<!tpu.dma_semaphore, #tpu.memory_space<semaphore_mem>>) src(%dma_wait3A_1740 : memref<8x64xf32, #tpu.memory_space<hbm>>) dst(%dma_wait3A_1736 : memref<8x64xf32, #tpu.memory_space<vmem>>)
      %and3A_1741 = arith.constant 7 : i32
      %and3A_1742 = arith.andi %squeeze3A_50, %and3A_1741 : i32
      %mul3A_1743 = arith.constant 16 : i32
      %mul3A_1744 = arith.muli %scan3A_13, %mul3A_1743 : i32
      %add3A_1745 = arith.constant 6 : i32
      %add3A_1746 = arith.addi %mul3A_1744, %add3A_1745 : i32
      %get3A_1747 = arith.constant 13 : i32
      %get3A_1748 = arith.index_cast %get3A_1747 : i32 to index
      %get3A_1749 = arith.index_cast %and3A_1742 : i32 to index
      %get3A_1750 = arith.constant 0 : index
      %get3A_1751 = tpu.vector_load %arg7[%get3A_1748, %get3A_1749, %get3A_1750] {strides = array<i32>} : memref<32x8x64xf32, #tpu.memory_space<vmem>>, vector<16xf32>,
      %mul3A_1752 = vector.broadcast %scan3A_4 : f32 to vector<16xf32>
      %mul3A_1753 = arith.mulf %get3A_1751, %mul3A_1752 : vector<16xf32>
      %get3A_1754 = arith.index_cast %add3A_1746 : i32 to index
      %get3A_1755 = arith.constant 64 : index
      %get3A_1756 = tpu.vector_load %arg8[%get3A_1754, %get3A_1755] {strides = array<i32>} : memref<128x128xf32, #tpu.memory_space<vmem>>, vector<16xf32>,
      %add3A_1757 = arith.addf %mul3A_1753, %get3A_1756 : vector<16xf32>
      %swap3A_1758 = arith.index_cast %add3A_1746 : i32 to index
      %swap3A_1759 = arith.constant 64 : index
      %swap3A_1760 = tpu.vector_load %arg8[%swap3A_1758, %swap3A_1759] {strides = array<i32>} : memref<128x128xf32, #tpu.memory_space<vmem>>, vector<16xf32>,
      tpu.vector_store %arg8[%swap3A_1758, %swap3A_1759], %add3A_1757 {strides = array<i32>} : memref<128x128xf32, #tpu.memory_space<vmem>>, vector<16xf32>,
      %get3A_1761 = arith.constant 13 : i32
      %get3A_1762 = arith.index_cast %get3A_1761 : i32 to index
      %get3A_1763 = arith.index_cast %and3A_1742 : i32 to index
      %get3A_1764 = arith.constant 16 : index
      %get3A_1765 = tpu.vector_load %arg7[%get3A_1762, %get3A_1763, %get3A_1764] {strides = array<i32>} : memref<32x8x64xf32, #tpu.memory_space<vmem>>, vector<16xf32>,
      %mul3A_1766 = vector.broadcast %scan3A_4 : f32 to vector<16xf32>
      %mul3A_1767 = arith.mulf %get3A_1765, %mul3A_1766 : vector<16xf32>
      %get3A_1768 = arith.index_cast %add3A_1746 : i32 to index
      %get3A_1769 = arith.constant 80 : index
      %get3A_1770 = tpu.vector_load %arg8[%get3A_1768, %get3A_1769] {strides = array<i32>} : memref<128x128xf32, #tpu.memory_space<vmem>>, vector<16xf32>,
      %add3A_1771 = arith.addf %mul3A_1767, %get3A_1770 : vector<16xf32>
      %swap3A_1772 = arith.index_cast %add3A_1746 : i32 to index
      %swap3A_1773 = arith.constant 80 : index
      %swap3A_1774 = tpu.vector_load %arg8[%swap3A_1772, %swap3A_1773] {strides = array<i32>} : memref<128x128xf32, #tpu.memory_space<vmem>>, vector<16xf32>,
      tpu.vector_store %arg8[%swap3A_1772, %swap3A_1773], %add3A_1771 {strides = array<i32>} : memref<128x128xf32, #tpu.memory_space<vmem>>, vector<16xf32>,
      %get3A_1775 = arith.constant 13 : i32
      %get3A_1776 = arith.index_cast %get3A_1775 : i32 to index
      %get3A_1777 = arith.index_cast %and3A_1742 : i32 to index
      %get3A_1778 = arith.constant 32 : index
      %get3A_1779 = tpu.vector_load %arg7[%get3A_1776, %get3A_1777, %get3A_1778] {strides = array<i32>} : memref<32x8x64xf32, #tpu.memory_space<vmem>>, vector<16xf32>,
      %mul3A_1780 = vector.broadcast %scan3A_4 : f32 to vector<16xf32>
      %mul3A_1781 = arith.mulf %get3A_1779, %mul3A_1780 : vector<16xf32>
      %get3A_1782 = arith.index_cast %add3A_1746 : i32 to index
      %get3A_1783 = arith.constant 96 : index
      %get3A_1784 = tpu.vector_load %arg8[%get3A_1782, %get3A_1783] {strides = array<i32>} : memref<128x128xf32, #tpu.memory_space<vmem>>, vector<16xf32>,
      %add3A_1785 = arith.addf %mul3A_1781, %get3A_1784 : vector<16xf32>
      %swap3A_1786 = arith.index_cast %add3A_1746 : i32 to index
      %swap3A_1787 = arith.constant 96 : index
      %swap3A_1788 = tpu.vector_load %arg8[%swap3A_1786, %swap3A_1787] {strides = array<i32>} : memref<128x128xf32, #tpu.memory_space<vmem>>, vector<16xf32>,
      tpu.vector_store %arg8[%swap3A_1786, %swap3A_1787], %add3A_1785 {strides = array<i32>} : memref<128x128xf32, #tpu.memory_space<vmem>>, vector<16xf32>,
      %get3A_1789 = arith.constant 13 : i32
      %get3A_1790 = arith.index_cast %get3A_1789 : i32 to index
      %get3A_1791 = arith.index_cast %and3A_1742 : i32 to index
      %get3A_1792 = arith.constant 48 : index
      %get3A_1793 = tpu.vector_load %arg7[%get3A_1790, %get3A_1791, %get3A_1792] {strides = array<i32>} : memref<32x8x64xf32, #tpu.memory_space<vmem>>, vector<16xf32>,
      %mul3A_1794 = vector.broadcast %scan3A_4 : f32 to vector<16xf32>
      %mul3A_1795 = arith.mulf %get3A_1793, %mul3A_1794 : vector<16xf32>
      %get3A_1796 = arith.index_cast %add3A_1746 : i32 to index
      %get3A_1797 = arith.constant 112 : index
      %get3A_1798 = tpu.vector_load %arg8[%get3A_1796, %get3A_1797] {strides = array<i32>} : memref<128x128xf32, #tpu.memory_space<vmem>>, vector<16xf32>,
      %add3A_1799 = arith.addf %mul3A_1795, %get3A_1798 : vector<16xf32>
      %swap3A_1800 = arith.index_cast %add3A_1746 : i32 to index
      %swap3A_1801 = arith.constant 112 : index
      %swap3A_1802 = tpu.vector_load %arg8[%swap3A_1800, %swap3A_1801] {strides = array<i32>} : memref<128x128xf32, #tpu.memory_space<vmem>>, vector<16xf32>,
      tpu.vector_store %arg8[%swap3A_1800, %swap3A_1801], %add3A_1799 {strides = array<i32>} : memref<128x128xf32, #tpu.memory_space<vmem>>, vector<16xf32>,
      %dma_wait3A_1803 = arith.constant 14 : i32
      %dma_wait3A_1804 = arith.constant 0 : i32
      %dma_wait3A_1805 = arith.constant 0 : i32
      %dma_wait3A_1806 = tpu.memref_slice %arg7[%dma_wait3A_1803, %dma_wait3A_1804, %dma_wait3A_1805] : memref<32x8x64xf32, #tpu.memory_space<vmem>> -> memref<1x8x64xf32, #tpu.memory_space<vmem>>
      %dma_wait3A_1807 = tpu.memref_squeeze %dma_wait3A_1806 : memref<1x8x64xf32, #tpu.memory_space<vmem>> -> memref<8x64xf32, #tpu.memory_space<vmem>>
      %dma_wait3A_1808 = arith.constant 0 : i32
      %dma_wait3A_1809 = arith.constant 0 : i32
      %dma_wait3A_1810 = tpu.memref_slice %arg3[%shift_right_arithmetic3A_358, %dma_wait3A_1808, %dma_wait3A_1809] : memref<125000x8x64xf32, #tpu.memory_space<hbm>> -> memref<1x8x64xf32, #tpu.memory_space<hbm>>
      %dma_wait3A_1811 = tpu.memref_squeeze %dma_wait3A_1810 : memref<1x8x64xf32, #tpu.memory_space<hbm>> -> memref<8x64xf32, #tpu.memory_space<hbm>>
      %dma_wait3A_1812 = arith.constant 0 : i32
      %dma_wait3A_1813 = arith.constant 0 : i32
      %dma_wait3A_1814 = tpu.memref_slice %arg7[%dma_wait3A_1803, %dma_wait3A_1812, %dma_wait3A_1813] : memref<32x8x64xf32, #tpu.memory_space<vmem>> -> memref<1x8x64xf32, #tpu.memory_space<vmem>>
      %dma_wait3A_1815 = tpu.memref_squeeze %dma_wait3A_1814 : memref<1x8x64xf32, #tpu.memory_space<vmem>> -> memref<8x64xf32, #tpu.memory_space<vmem>>
      %dma_wait3A_1816 = arith.constant 0 : i32
      %dma_wait3A_1817 = arith.constant 0 : i32
      %dma_wait3A_1818 = tpu.memref_slice %arg3[%shift_right_arithmetic3A_358, %dma_wait3A_1816, %dma_wait3A_1817] : memref<125000x8x64xf32, #tpu.memory_space<hbm>> -> memref<1x8x64xf32, #tpu.memory_space<hbm>>
      %dma_wait3A_1819 = tpu.memref_squeeze %dma_wait3A_1818 : memref<1x8x64xf32, #tpu.memory_space<hbm>> -> memref<8x64xf32, #tpu.memory_space<hbm>>
      tpu.wait_dma2 semaphore(%arg9 : memref<!tpu.dma_semaphore, #tpu.memory_space<semaphore_mem>>) src(%dma_wait3A_1819 : memref<8x64xf32, #tpu.memory_space<hbm>>) dst(%dma_wait3A_1815 : memref<8x64xf32, #tpu.memory_space<vmem>>)
      %and3A_1820 = arith.constant 7 : i32
      %and3A_1821 = arith.andi %squeeze3A_52, %and3A_1820 : i32
      %mul3A_1822 = arith.constant 16 : i32
      %mul3A_1823 = arith.muli %scan3A_13, %mul3A_1822 : i32
      %add3A_1824 = arith.constant 7 : i32
      %add3A_1825 = arith.addi %mul3A_1823, %add3A_1824 : i32
      %get3A_1826 = arith.constant 14 : i32
      %get3A_1827 = arith.index_cast %get3A_1826 : i32 to index
      %get3A_1828 = arith.index_cast %and3A_1821 : i32 to index
      %get3A_1829 = arith.constant 0 : index
      %get3A_1830 = tpu.vector_load %arg7[%get3A_1827, %get3A_1828, %get3A_1829] {strides = array<i32>} : memref<32x8x64xf32, #tpu.memory_space<vmem>>, vector<16xf32>,
      %mul3A_1831 = vector.broadcast %scan3A_4 : f32 to vector<16xf32>
      %mul3A_1832 = arith.mulf %get3A_1830, %mul3A_1831 : vector<16xf32>
      %get3A_1833 = arith.index_cast %add3A_1825 : i32 to index
      %get3A_1834 = arith.constant 0 : index
      %get3A_1835 = tpu.vector_load %arg8[%get3A_1833, %get3A_1834] {strides = array<i32>} : memref<128x128xf32, #tpu.memory_space<vmem>>, vector<16xf32>,
      %add3A_1836 = arith.addf %mul3A_1832, %get3A_1835 : vector<16xf32>
      %swap3A_1837 = arith.index_cast %add3A_1825 : i32 to index
      %swap3A_1838 = arith.constant 0 : index
      %swap3A_1839 = tpu.vector_load %arg8[%swap3A_1837, %swap3A_1838] {strides = array<i32>} : memref<128x128xf32, #tpu.memory_space<vmem>>, vector<16xf32>,
      tpu.vector_store %arg8[%swap3A_1837, %swap3A_1838], %add3A_1836 {strides = array<i32>} : memref<128x128xf32, #tpu.memory_space<vmem>>, vector<16xf32>,
      %get3A_1840 = arith.constant 14 : i32
      %get3A_1841 = arith.index_cast %get3A_1840 : i32 to index
      %get3A_1842 = arith.index_cast %and3A_1821 : i32 to index
      %get3A_1843 = arith.constant 16 : index
      %get3A_1844 = tpu.vector_load %arg7[%get3A_1841, %get3A_1842, %get3A_1843] {strides = array<i32>} : memref<32x8x64xf32, #tpu.memory_space<vmem>>, vector<16xf32>,
      %mul3A_1845 = vector.broadcast %scan3A_4 : f32 to vector<16xf32>
      %mul3A_1846 = arith.mulf %get3A_1844, %mul3A_1845 : vector<16xf32>
      %get3A_1847 = arith.index_cast %add3A_1825 : i32 to index
      %get3A_1848 = arith.constant 16 : index
      %get3A_1849 = tpu.vector_load %arg8[%get3A_1847, %get3A_1848] {strides = array<i32>} : memref<128x128xf32, #tpu.memory_space<vmem>>, vector<16xf32>,
      %add3A_1850 = arith.addf %mul3A_1846, %get3A_1849 : vector<16xf32>
      %swap3A_1851 = arith.index_cast %add3A_1825 : i32 to index
      %swap3A_1852 = arith.constant 16 : index
      %swap3A_1853 = tpu.vector_load %arg8[%swap3A_1851, %swap3A_1852] {strides = array<i32>} : memref<128x128xf32, #tpu.memory_space<vmem>>, vector<16xf32>,
      tpu.vector_store %arg8[%swap3A_1851, %swap3A_1852], %add3A_1850 {strides = array<i32>} : memref<128x128xf32, #tpu.memory_space<vmem>>, vector<16xf32>,
      %get3A_1854 = arith.constant 14 : i32
      %get3A_1855 = arith.index_cast %get3A_1854 : i32 to index
      %get3A_1856 = arith.index_cast %and3A_1821 : i32 to index
      %get3A_1857 = arith.constant 32 : index
      %get3A_1858 = tpu.vector_load %arg7[%get3A_1855, %get3A_1856, %get3A_1857] {strides = array<i32>} : memref<32x8x64xf32, #tpu.memory_space<vmem>>, vector<16xf32>,
      %mul3A_1859 = vector.broadcast %scan3A_4 : f32 to vector<16xf32>
      %mul3A_1860 = arith.mulf %get3A_1858, %mul3A_1859 : vector<16xf32>
      %get3A_1861 = arith.index_cast %add3A_1825 : i32 to index
      %get3A_1862 = arith.constant 32 : index
      %get3A_1863 = tpu.vector_load %arg8[%get3A_1861, %get3A_1862] {strides = array<i32>} : memref<128x128xf32, #tpu.memory_space<vmem>>, vector<16xf32>,
      %add3A_1864 = arith.addf %mul3A_1860, %get3A_1863 : vector<16xf32>
      %swap3A_1865 = arith.index_cast %add3A_1825 : i32 to index
      %swap3A_1866 = arith.constant 32 : index
      %swap3A_1867 = tpu.vector_load %arg8[%swap3A_1865, %swap3A_1866] {strides = array<i32>} : memref<128x128xf32, #tpu.memory_space<vmem>>, vector<16xf32>,
      tpu.vector_store %arg8[%swap3A_1865, %swap3A_1866], %add3A_1864 {strides = array<i32>} : memref<128x128xf32, #tpu.memory_space<vmem>>, vector<16xf32>,
      %get3A_1868 = arith.constant 14 : i32
      %get3A_1869 = arith.index_cast %get3A_1868 : i32 to index
      %get3A_1870 = arith.index_cast %and3A_1821 : i32 to index
      %get3A_1871 = arith.constant 48 : index
      %get3A_1872 = tpu.vector_load %arg7[%get3A_1869, %get3A_1870, %get3A_1871] {strides = array<i32>} : memref<32x8x64xf32, #tpu.memory_space<vmem>>, vector<16xf32>,
      %mul3A_1873 = vector.broadcast %scan3A_4 : f32 to vector<16xf32>
      %mul3A_1874 = arith.mulf %get3A_1872, %mul3A_1873 : vector<16xf32>
      %get3A_1875 = arith.index_cast %add3A_1825 : i32 to index
      %get3A_1876 = arith.constant 48 : index
      %get3A_1877 = tpu.vector_load %arg8[%get3A_1875, %get3A_1876] {strides = array<i32>} : memref<128x128xf32, #tpu.memory_space<vmem>>, vector<16xf32>,
      %add3A_1878 = arith.addf %mul3A_1874, %get3A_1877 : vector<16xf32>
      %swap3A_1879 = arith.index_cast %add3A_1825 : i32 to index
      %swap3A_1880 = arith.constant 48 : index
      %swap3A_1881 = tpu.vector_load %arg8[%swap3A_1879, %swap3A_1880] {strides = array<i32>} : memref<128x128xf32, #tpu.memory_space<vmem>>, vector<16xf32>,
      tpu.vector_store %arg8[%swap3A_1879, %swap3A_1880], %add3A_1878 {strides = array<i32>} : memref<128x128xf32, #tpu.memory_space<vmem>>, vector<16xf32>,
      %dma_wait3A_1882 = arith.constant 15 : i32
      %dma_wait3A_1883 = arith.constant 0 : i32
      %dma_wait3A_1884 = arith.constant 0 : i32
      %dma_wait3A_1885 = tpu.memref_slice %arg7[%dma_wait3A_1882, %dma_wait3A_1883, %dma_wait3A_1884] : memref<32x8x64xf32, #tpu.memory_space<vmem>> -> memref<1x8x64xf32, #tpu.memory_space<vmem>>
      %dma_wait3A_1886 = tpu.memref_squeeze %dma_wait3A_1885 : memref<1x8x64xf32, #tpu.memory_space<vmem>> -> memref<8x64xf32, #tpu.memory_space<vmem>>
      %dma_wait3A_1887 = arith.constant 0 : i32
      %dma_wait3A_1888 = arith.constant 0 : i32
      %dma_wait3A_1889 = tpu.memref_slice %arg3[%shift_right_arithmetic3A_377, %dma_wait3A_1887, %dma_wait3A_1888] : memref<125000x8x64xf32, #tpu.memory_space<hbm>> -> memref<1x8x64xf32, #tpu.memory_space<hbm>>
      %dma_wait3A_1890 = tpu.memref_squeeze %dma_wait3A_1889 : memref<1x8x64xf32, #tpu.memory_space<hbm>> -> memref<8x64xf32, #tpu.memory_space<hbm>>
      %dma_wait3A_1891 = arith.constant 0 : i32
      %dma_wait3A_1892 = arith.constant 0 : i32
      %dma_wait3A_1893 = tpu.memref_slice %arg7[%dma_wait3A_1882, %dma_wait3A_1891, %dma_wait3A_1892] : memref<32x8x64xf32, #tpu.memory_space<vmem>> -> memref<1x8x64xf32, #tpu.memory_space<vmem>>
      %dma_wait3A_1894 = tpu.memref_squeeze %dma_wait3A_1893 : memref<1x8x64xf32, #tpu.memory_space<vmem>> -> memref<8x64xf32, #tpu.memory_space<vmem>>
      %dma_wait3A_1895 = arith.constant 0 : i32
      %dma_wait3A_1896 = arith.constant 0 : i32
      %dma_wait3A_1897 = tpu.memref_slice %arg3[%shift_right_arithmetic3A_377, %dma_wait3A_1895, %dma_wait3A_1896] : memref<125000x8x64xf32, #tpu.memory_space<hbm>> -> memref<1x8x64xf32, #tpu.memory_space<hbm>>
      %dma_wait3A_1898 = tpu.memref_squeeze %dma_wait3A_1897 : memref<1x8x64xf32, #tpu.memory_space<hbm>> -> memref<8x64xf32, #tpu.memory_space<hbm>>
      tpu.wait_dma2 semaphore(%arg9 : memref<!tpu.dma_semaphore, #tpu.memory_space<semaphore_mem>>) src(%dma_wait3A_1898 : memref<8x64xf32, #tpu.memory_space<hbm>>) dst(%dma_wait3A_1894 : memref<8x64xf32, #tpu.memory_space<vmem>>)
      %and3A_1899 = arith.constant 7 : i32
      %and3A_1900 = arith.andi %squeeze3A_54, %and3A_1899 : i32
      %mul3A_1901 = arith.constant 16 : i32
      %mul3A_1902 = arith.muli %scan3A_13, %mul3A_1901 : i32
      %add3A_1903 = arith.constant 7 : i32
      %add3A_1904 = arith.addi %mul3A_1902, %add3A_1903 : i32
      %get3A_1905 = arith.constant 15 : i32
      %get3A_1906 = arith.index_cast %get3A_1905 : i32 to index
      %get3A_1907 = arith.index_cast %and3A_1900 : i32 to index
      %get3A_1908 = arith.constant 0 : index
      %get3A_1909 = tpu.vector_load %arg7[%get3A_1906, %get3A_1907, %get3A_1908] {strides = array<i32>} : memref<32x8x64xf32, #tpu.memory_space<vmem>>, vector<16xf32>,
      %mul3A_1910 = vector.broadcast %scan3A_4 : f32 to vector<16xf32>
      %mul3A_1911 = arith.mulf %get3A_1909, %mul3A_1910 : vector<16xf32>
      %get3A_1912 = arith.index_cast %add3A_1904 : i32 to index
      %get3A_1913 = arith.constant 64 : index
      %get3A_1914 = tpu.vector_load %arg8[%get3A_1912, %get3A_1913] {strides = array<i32>} : memref<128x128xf32, #tpu.memory_space<vmem>>, vector<16xf32>,
      %add3A_1915 = arith.addf %mul3A_1911, %get3A_1914 : vector<16xf32>
      %swap3A_1916 = arith.index_cast %add3A_1904 : i32 to index
      %swap3A_1917 = arith.constant 64 : index
      %swap3A_1918 = tpu.vector_load %arg8[%swap3A_1916, %swap3A_1917] {strides = array<i32>} : memref<128x128xf32, #tpu.memory_space<vmem>>, vector<16xf32>,
      tpu.vector_store %arg8[%swap3A_1916, %swap3A_1917], %add3A_1915 {strides = array<i32>} : memref<128x128xf32, #tpu.memory_space<vmem>>, vector<16xf32>,
      %get3A_1919 = arith.constant 15 : i32
      %get3A_1920 = arith.index_cast %get3A_1919 : i32 to index
      %get3A_1921 = arith.index_cast %and3A_1900 : i32 to index
      %get3A_1922 = arith.constant 16 : index
      %get3A_1923 = tpu.vector_load %arg7[%get3A_1920, %get3A_1921, %get3A_1922] {strides = array<i32>} : memref<32x8x64xf32, #tpu.memory_space<vmem>>, vector<16xf32>,
      %mul3A_1924 = vector.broadcast %scan3A_4 : f32 to vector<16xf32>
      %mul3A_1925 = arith.mulf %get3A_1923, %mul3A_1924 : vector<16xf32>
      %get3A_1926 = arith.index_cast %add3A_1904 : i32 to index
      %get3A_1927 = arith.constant 80 : index
      %get3A_1928 = tpu.vector_load %arg8[%get3A_1926, %get3A_1927] {strides = array<i32>} : memref<128x128xf32, #tpu.memory_space<vmem>>, vector<16xf32>,
      %add3A_1929 = arith.addf %mul3A_1925, %get3A_1928 : vector<16xf32>
      %swap3A_1930 = arith.index_cast %add3A_1904 : i32 to index
      %swap3A_1931 = arith.constant 80 : index
      %swap3A_1932 = tpu.vector_load %arg8[%swap3A_1930, %swap3A_1931] {strides = array<i32>} : memref<128x128xf32, #tpu.memory_space<vmem>>, vector<16xf32>,
      tpu.vector_store %arg8[%swap3A_1930, %swap3A_1931], %add3A_1929 {strides = array<i32>} : memref<128x128xf32, #tpu.memory_space<vmem>>, vector<16xf32>,
      %get3A_1933 = arith.constant 15 : i32
      %get3A_1934 = arith.index_cast %get3A_1933 : i32 to index
      %get3A_1935 = arith.index_cast %and3A_1900 : i32 to index
      %get3A_1936 = arith.constant 32 : index
      %get3A_1937 = tpu.vector_load %arg7[%get3A_1934, %get3A_1935, %get3A_1936] {strides = array<i32>} : memref<32x8x64xf32, #tpu.memory_space<vmem>>, vector<16xf32>,
      %mul3A_1938 = vector.broadcast %scan3A_4 : f32 to vector<16xf32>
      %mul3A_1939 = arith.mulf %get3A_1937, %mul3A_1938 : vector<16xf32>
      %get3A_1940 = arith.index_cast %add3A_1904 : i32 to index
      %get3A_1941 = arith.constant 96 : index
      %get3A_1942 = tpu.vector_load %arg8[%get3A_1940, %get3A_1941] {strides = array<i32>} : memref<128x128xf32, #tpu.memory_space<vmem>>, vector<16xf32>,
      %add3A_1943 = arith.addf %mul3A_1939, %get3A_1942 : vector<16xf32>
      %swap3A_1944 = arith.index_cast %add3A_1904 : i32 to index
      %swap3A_1945 = arith.constant 96 : index
      %swap3A_1946 = tpu.vector_load %arg8[%swap3A_1944, %swap3A_1945] {strides = array<i32>} : memref<128x128xf32, #tpu.memory_space<vmem>>, vector<16xf32>,
      tpu.vector_store %arg8[%swap3A_1944, %swap3A_1945], %add3A_1943 {strides = array<i32>} : memref<128x128xf32, #tpu.memory_space<vmem>>, vector<16xf32>,
      %get3A_1947 = arith.constant 15 : i32
      %get3A_1948 = arith.index_cast %get3A_1947 : i32 to index
      %get3A_1949 = arith.index_cast %and3A_1900 : i32 to index
      %get3A_1950 = arith.constant 48 : index
      %get3A_1951 = tpu.vector_load %arg7[%get3A_1948, %get3A_1949, %get3A_1950] {strides = array<i32>} : memref<32x8x64xf32, #tpu.memory_space<vmem>>, vector<16xf32>,
      %mul3A_1952 = vector.broadcast %scan3A_4 : f32 to vector<16xf32>
      %mul3A_1953 = arith.mulf %get3A_1951, %mul3A_1952 : vector<16xf32>
      %get3A_1954 = arith.index_cast %add3A_1904 : i32 to index
      %get3A_1955 = arith.constant 112 : index
      %get3A_1956 = tpu.vector_load %arg8[%get3A_1954, %get3A_1955] {strides = array<i32>} : memref<128x128xf32, #tpu.memory_space<vmem>>, vector<16xf32>,
      %add3A_1957 = arith.addf %mul3A_1953, %get3A_1956 : vector<16xf32>
      %swap3A_1958 = arith.index_cast %add3A_1904 : i32 to index
      %swap3A_1959 = arith.constant 112 : index
      %swap3A_1960 = tpu.vector_load %arg8[%swap3A_1958, %swap3A_1959] {strides = array<i32>} : memref<128x128xf32, #tpu.memory_space<vmem>>, vector<16xf32>,
      tpu.vector_store %arg8[%swap3A_1958, %swap3A_1959], %add3A_1957 {strides = array<i32>} : memref<128x128xf32, #tpu.memory_space<vmem>>, vector<16xf32>,
      %dma_wait3A_1961 = arith.constant 16 : i32
      %dma_wait3A_1962 = arith.constant 0 : i32
      %dma_wait3A_1963 = arith.constant 0 : i32
      %dma_wait3A_1964 = tpu.memref_slice %arg7[%dma_wait3A_1961, %dma_wait3A_1962, %dma_wait3A_1963] : memref<32x8x64xf32, #tpu.memory_space<vmem>> -> memref<1x8x64xf32, #tpu.memory_space<vmem>>
      %dma_wait3A_1965 = tpu.memref_squeeze %dma_wait3A_1964 : memref<1x8x64xf32, #tpu.memory_space<vmem>> -> memref<8x64xf32, #tpu.memory_space<vmem>>
      %dma_wait3A_1966 = arith.constant 0 : i32
      %dma_wait3A_1967 = arith.constant 0 : i32
      %dma_wait3A_1968 = tpu.memref_slice %arg3[%shift_right_arithmetic3A_396, %dma_wait3A_1966, %dma_wait3A_1967] : memref<125000x8x64xf32, #tpu.memory_space<hbm>> -> memref<1x8x64xf32, #tpu.memory_space<hbm>>
      %dma_wait3A_1969 = tpu.memref_squeeze %dma_wait3A_1968 : memref<1x8x64xf32, #tpu.memory_space<hbm>> -> memref<8x64xf32, #tpu.memory_space<hbm>>
      %dma_wait3A_1970 = arith.constant 0 : i32
      %dma_wait3A_1971 = arith.constant 0 : i32
      %dma_wait3A_1972 = tpu.memref_slice %arg7[%dma_wait3A_1961, %dma_wait3A_1970, %dma_wait3A_1971] : memref<32x8x64xf32, #tpu.memory_space<vmem>> -> memref<1x8x64xf32, #tpu.memory_space<vmem>>
      %dma_wait3A_1973 = tpu.memref_squeeze %dma_wait3A_1972 : memref<1x8x64xf32, #tpu.memory_space<vmem>> -> memref<8x64xf32, #tpu.memory_space<vmem>>
      %dma_wait3A_1974 = arith.constant 0 : i32
      %dma_wait3A_1975 = arith.constant 0 : i32
      %dma_wait3A_1976 = tpu.memref_slice %arg3[%shift_right_arithmetic3A_396, %dma_wait3A_1974, %dma_wait3A_1975] : memref<125000x8x64xf32, #tpu.memory_space<hbm>> -> memref<1x8x64xf32, #tpu.memory_space<hbm>>
      %dma_wait3A_1977 = tpu.memref_squeeze %dma_wait3A_1976 : memref<1x8x64xf32, #tpu.memory_space<hbm>> -> memref<8x64xf32, #tpu.memory_space<hbm>>
      tpu.wait_dma2 semaphore(%arg9 : memref<!tpu.dma_semaphore, #tpu.memory_space<semaphore_mem>>) src(%dma_wait3A_1977 : memref<8x64xf32, #tpu.memory_space<hbm>>) dst(%dma_wait3A_1973 : memref<8x64xf32, #tpu.memory_space<vmem>>)
      %and3A_1978 = arith.constant 7 : i32
      %and3A_1979 = arith.andi %squeeze3A_61, %and3A_1978 : i32
      %mul3A_1980 = arith.constant 16 : i32
      %mul3A_1981 = arith.muli %scan3A_13, %mul3A_1980 : i32
      %add3A_1982 = arith.constant 8 : i32
      %add3A_1983 = arith.addi %mul3A_1981, %add3A_1982 : i32
      %get3A_1984 = arith.constant 16 : i32
      %get3A_1985 = arith.index_cast %get3A_1984 : i32 to index
      %get3A_1986 = arith.index_cast %and3A_1979 : i32 to index
      %get3A_1987 = arith.constant 0 : index
      %get3A_1988 = tpu.vector_load %arg7[%get3A_1985, %get3A_1986, %get3A_1987] {strides = array<i32>} : memref<32x8x64xf32, #tpu.memory_space<vmem>>, vector<16xf32>,
      %mul3A_1989 = vector.broadcast %scan3A_4 : f32 to vector<16xf32>
      %mul3A_1990 = arith.mulf %get3A_1988, %mul3A_1989 : vector<16xf32>
      %get3A_1991 = arith.index_cast %add3A_1983 : i32 to index
      %get3A_1992 = arith.constant 0 : index
      %get3A_1993 = tpu.vector_load %arg8[%get3A_1991, %get3A_1992] {strides = array<i32>} : memref<128x128xf32, #tpu.memory_space<vmem>>, vector<16xf32>,
      %add3A_1994 = arith.addf %mul3A_1990, %get3A_1993 : vector<16xf32>
      %swap3A_1995 = arith.index_cast %add3A_1983 : i32 to index
      %swap3A_1996 = arith.constant 0 : index
      %swap3A_1997 = tpu.vector_load %arg8[%swap3A_1995, %swap3A_1996] {strides = array<i32>} : memref<128x128xf32, #tpu.memory_space<vmem>>, vector<16xf32>,
      tpu.vector_store %arg8[%swap3A_1995, %swap3A_1996], %add3A_1994 {strides = array<i32>} : memref<128x128xf32, #tpu.memory_space<vmem>>, vector<16xf32>,
      %get3A_1998 = arith.constant 16 : i32
      %get3A_1999 = arith.index_cast %get3A_1998 : i32 to index
      %get3A_2000 = arith.index_cast %and3A_1979 : i32 to index
      %get3A_2001 = arith.constant 16 : index
      %get3A_2002 = tpu.vector_load %arg7[%get3A_1999, %get3A_2000, %get3A_2001] {strides = array<i32>} : memref<32x8x64xf32, #tpu.memory_space<vmem>>, vector<16xf32>,
      %mul3A_2003 = vector.broadcast %scan3A_4 : f32 to vector<16xf32>
      %mul3A_2004 = arith.mulf %get3A_2002, %mul3A_2003 : vector<16xf32>
      %get3A_2005 = arith.index_cast %add3A_1983 : i32 to index
      %get3A_2006 = arith.constant 16 : index
      %get3A_2007 = tpu.vector_load %arg8[%get3A_2005, %get3A_2006] {strides = array<i32>} : memref<128x128xf32, #tpu.memory_space<vmem>>, vector<16xf32>,
      %add3A_2008 = arith.addf %mul3A_2004, %get3A_2007 : vector<16xf32>
      %swap3A_2009 = arith.index_cast %add3A_1983 : i32 to index
      %swap3A_2010 = arith.constant 16 : index
      %swap3A_2011 = tpu.vector_load %arg8[%swap3A_2009, %swap3A_2010] {strides = array<i32>} : memref<128x128xf32, #tpu.memory_space<vmem>>, vector<16xf32>,
      tpu.vector_store %arg8[%swap3A_2009, %swap3A_2010], %add3A_2008 {strides = array<i32>} : memref<128x128xf32, #tpu.memory_space<vmem>>, vector<16xf32>,
      %get3A_2012 = arith.constant 16 : i32
      %get3A_2013 = arith.index_cast %get3A_2012 : i32 to index
      %get3A_2014 = arith.index_cast %and3A_1979 : i32 to index
      %get3A_2015 = arith.constant 32 : index
      %get3A_2016 = tpu.vector_load %arg7[%get3A_2013, %get3A_2014, %get3A_2015] {strides = array<i32>} : memref<32x8x64xf32, #tpu.memory_space<vmem>>, vector<16xf32>,
      %mul3A_2017 = vector.broadcast %scan3A_4 : f32 to vector<16xf32>
      %mul3A_2018 = arith.mulf %get3A_2016, %mul3A_2017 : vector<16xf32>
      %get3A_2019 = arith.index_cast %add3A_1983 : i32 to index
      %get3A_2020 = arith.constant 32 : index
      %get3A_2021 = tpu.vector_load %arg8[%get3A_2019, %get3A_2020] {strides = array<i32>} : memref<128x128xf32, #tpu.memory_space<vmem>>, vector<16xf32>,
      %add3A_2022 = arith.addf %mul3A_2018, %get3A_2021 : vector<16xf32>
      %swap3A_2023 = arith.index_cast %add3A_1983 : i32 to index
      %swap3A_2024 = arith.constant 32 : index
      %swap3A_2025 = tpu.vector_load %arg8[%swap3A_2023, %swap3A_2024] {strides = array<i32>} : memref<128x128xf32, #tpu.memory_space<vmem>>, vector<16xf32>,
      tpu.vector_store %arg8[%swap3A_2023, %swap3A_2024], %add3A_2022 {strides = array<i32>} : memref<128x128xf32, #tpu.memory_space<vmem>>, vector<16xf32>,
      %get3A_2026 = arith.constant 16 : i32
      %get3A_2027 = arith.index_cast %get3A_2026 : i32 to index
      %get3A_2028 = arith.index_cast %and3A_1979 : i32 to index
      %get3A_2029 = arith.constant 48 : index
      %get3A_2030 = tpu.vector_load %arg7[%get3A_2027, %get3A_2028, %get3A_2029] {strides = array<i32>} : memref<32x8x64xf32, #tpu.memory_space<vmem>>, vector<16xf32>,
      %mul3A_2031 = vector.broadcast %scan3A_4 : f32 to vector<16xf32>
      %mul3A_2032 = arith.mulf %get3A_2030, %mul3A_2031 : vector<16xf32>
      %get3A_2033 = arith.index_cast %add3A_1983 : i32 to index
      %get3A_2034 = arith.constant 48 : index
      %get3A_2035 = tpu.vector_load %arg8[%get3A_2033, %get3A_2034] {strides = array<i32>} : memref<128x128xf32, #tpu.memory_space<vmem>>, vector<16xf32>,
      %add3A_2036 = arith.addf %mul3A_2032, %get3A_2035 : vector<16xf32>
      %swap3A_2037 = arith.index_cast %add3A_1983 : i32 to index
      %swap3A_2038 = arith.constant 48 : index
      %swap3A_2039 = tpu.vector_load %arg8[%swap3A_2037, %swap3A_2038] {strides = array<i32>} : memref<128x128xf32, #tpu.memory_space<vmem>>, vector<16xf32>,
      tpu.vector_store %arg8[%swap3A_2037, %swap3A_2038], %add3A_2036 {strides = array<i32>} : memref<128x128xf32, #tpu.memory_space<vmem>>, vector<16xf32>,
      %dma_wait3A_2040 = arith.constant 17 : i32
      %dma_wait3A_2041 = arith.constant 0 : i32
      %dma_wait3A_2042 = arith.constant 0 : i32
      %dma_wait3A_2043 = tpu.memref_slice %arg7[%dma_wait3A_2040, %dma_wait3A_2041, %dma_wait3A_2042] : memref<32x8x64xf32, #tpu.memory_space<vmem>> -> memref<1x8x64xf32, #tpu.memory_space<vmem>>
      %dma_wait3A_2044 = tpu.memref_squeeze %dma_wait3A_2043 : memref<1x8x64xf32, #tpu.memory_space<vmem>> -> memref<8x64xf32, #tpu.memory_space<vmem>>
      %dma_wait3A_2045 = arith.constant 0 : i32
      %dma_wait3A_2046 = arith.constant 0 : i32
      %dma_wait3A_2047 = tpu.memref_slice %arg3[%shift_right_arithmetic3A_415, %dma_wait3A_2045, %dma_wait3A_2046] : memref<125000x8x64xf32, #tpu.memory_space<hbm>> -> memref<1x8x64xf32, #tpu.memory_space<hbm>>
      %dma_wait3A_2048 = tpu.memref_squeeze %dma_wait3A_2047 : memref<1x8x64xf32, #tpu.memory_space<hbm>> -> memref<8x64xf32, #tpu.memory_space<hbm>>
      %dma_wait3A_2049 = arith.constant 0 : i32
      %dma_wait3A_2050 = arith.constant 0 : i32
      %dma_wait3A_2051 = tpu.memref_slice %arg7[%dma_wait3A_2040, %dma_wait3A_2049, %dma_wait3A_2050] : memref<32x8x64xf32, #tpu.memory_space<vmem>> -> memref<1x8x64xf32, #tpu.memory_space<vmem>>
      %dma_wait3A_2052 = tpu.memref_squeeze %dma_wait3A_2051 : memref<1x8x64xf32, #tpu.memory_space<vmem>> -> memref<8x64xf32, #tpu.memory_space<vmem>>
      %dma_wait3A_2053 = arith.constant 0 : i32
      %dma_wait3A_2054 = arith.constant 0 : i32
      %dma_wait3A_2055 = tpu.memref_slice %arg3[%shift_right_arithmetic3A_415, %dma_wait3A_2053, %dma_wait3A_2054] : memref<125000x8x64xf32, #tpu.memory_space<hbm>> -> memref<1x8x64xf32, #tpu.memory_space<hbm>>
      %dma_wait3A_2056 = tpu.memref_squeeze %dma_wait3A_2055 : memref<1x8x64xf32, #tpu.memory_space<hbm>> -> memref<8x64xf32, #tpu.memory_space<hbm>>
      tpu.wait_dma2 semaphore(%arg9 : memref<!tpu.dma_semaphore, #tpu.memory_space<semaphore_mem>>) src(%dma_wait3A_2056 : memref<8x64xf32, #tpu.memory_space<hbm>>) dst(%dma_wait3A_2052 : memref<8x64xf32, #tpu.memory_space<vmem>>)
      %and3A_2057 = arith.constant 7 : i32
      %and3A_2058 = arith.andi %squeeze3A_63, %and3A_2057 : i32
      %mul3A_2059 = arith.constant 16 : i32
      %mul3A_2060 = arith.muli %scan3A_13, %mul3A_2059 : i32
      %add3A_2061 = arith.constant 8 : i32
      %add3A_2062 = arith.addi %mul3A_2060, %add3A_2061 : i32
      %get3A_2063 = arith.constant 17 : i32
      %get3A_2064 = arith.index_cast %get3A_2063 : i32 to index
      %get3A_2065 = arith.index_cast %and3A_2058 : i32 to index
      %get3A_2066 = arith.constant 0 : index
      %get3A_2067 = tpu.vector_load %arg7[%get3A_2064, %get3A_2065, %get3A_2066] {strides = array<i32>} : memref<32x8x64xf32, #tpu.memory_space<vmem>>, vector<16xf32>,
      %mul3A_2068 = vector.broadcast %scan3A_4 : f32 to vector<16xf32>
      %mul3A_2069 = arith.mulf %get3A_2067, %mul3A_2068 : vector<16xf32>
      %get3A_2070 = arith.index_cast %add3A_2062 : i32 to index
      %get3A_2071 = arith.constant 64 : index
      %get3A_2072 = tpu.vector_load %arg8[%get3A_2070, %get3A_2071] {strides = array<i32>} : memref<128x128xf32, #tpu.memory_space<vmem>>, vector<16xf32>,
      %add3A_2073 = arith.addf %mul3A_2069, %get3A_2072 : vector<16xf32>
      %swap3A_2074 = arith.index_cast %add3A_2062 : i32 to index
      %swap3A_2075 = arith.constant 64 : index
      %swap3A_2076 = tpu.vector_load %arg8[%swap3A_2074, %swap3A_2075] {strides = array<i32>} : memref<128x128xf32, #tpu.memory_space<vmem>>, vector<16xf32>,
      tpu.vector_store %arg8[%swap3A_2074, %swap3A_2075], %add3A_2073 {strides = array<i32>} : memref<128x128xf32, #tpu.memory_space<vmem>>, vector<16xf32>,
      %get3A_2077 = arith.constant 17 : i32
      %get3A_2078 = arith.index_cast %get3A_2077 : i32 to index
      %get3A_2079 = arith.index_cast %and3A_2058 : i32 to index
      %get3A_2080 = arith.constant 16 : index
      %get3A_2081 = tpu.vector_load %arg7[%get3A_2078, %get3A_2079, %get3A_2080] {strides = array<i32>} : memref<32x8x64xf32, #tpu.memory_space<vmem>>, vector<16xf32>,
      %mul3A_2082 = vector.broadcast %scan3A_4 : f32 to vector<16xf32>
      %mul3A_2083 = arith.mulf %get3A_2081, %mul3A_2082 : vector<16xf32>
      %get3A_2084 = arith.index_cast %add3A_2062 : i32 to index
      %get3A_2085 = arith.constant 80 : index
      %get3A_2086 = tpu.vector_load %arg8[%get3A_2084, %get3A_2085] {strides = array<i32>} : memref<128x128xf32, #tpu.memory_space<vmem>>, vector<16xf32>,
      %add3A_2087 = arith.addf %mul3A_2083, %get3A_2086 : vector<16xf32>
      %swap3A_2088 = arith.index_cast %add3A_2062 : i32 to index
      %swap3A_2089 = arith.constant 80 : index
      %swap3A_2090 = tpu.vector_load %arg8[%swap3A_2088, %swap3A_2089] {strides = array<i32>} : memref<128x128xf32, #tpu.memory_space<vmem>>, vector<16xf32>,
      tpu.vector_store %arg8[%swap3A_2088, %swap3A_2089], %add3A_2087 {strides = array<i32>} : memref<128x128xf32, #tpu.memory_space<vmem>>, vector<16xf32>,
      %get3A_2091 = arith.constant 17 : i32
      %get3A_2092 = arith.index_cast %get3A_2091 : i32 to index
      %get3A_2093 = arith.index_cast %and3A_2058 : i32 to index
      %get3A_2094 = arith.constant 32 : index
      %get3A_2095 = tpu.vector_load %arg7[%get3A_2092, %get3A_2093, %get3A_2094] {strides = array<i32>} : memref<32x8x64xf32, #tpu.memory_space<vmem>>, vector<16xf32>,
      %mul3A_2096 = vector.broadcast %scan3A_4 : f32 to vector<16xf32>
      %mul3A_2097 = arith.mulf %get3A_2095, %mul3A_2096 : vector<16xf32>
      %get3A_2098 = arith.index_cast %add3A_2062 : i32 to index
      %get3A_2099 = arith.constant 96 : index
      %get3A_2100 = tpu.vector_load %arg8[%get3A_2098, %get3A_2099] {strides = array<i32>} : memref<128x128xf32, #tpu.memory_space<vmem>>, vector<16xf32>,
      %add3A_2101 = arith.addf %mul3A_2097, %get3A_2100 : vector<16xf32>
      %swap3A_2102 = arith.index_cast %add3A_2062 : i32 to index
      %swap3A_2103 = arith.constant 96 : index
      %swap3A_2104 = tpu.vector_load %arg8[%swap3A_2102, %swap3A_2103] {strides = array<i32>} : memref<128x128xf32, #tpu.memory_space<vmem>>, vector<16xf32>,
      tpu.vector_store %arg8[%swap3A_2102, %swap3A_2103], %add3A_2101 {strides = array<i32>} : memref<128x128xf32, #tpu.memory_space<vmem>>, vector<16xf32>,
      %get3A_2105 = arith.constant 17 : i32
      %get3A_2106 = arith.index_cast %get3A_2105 : i32 to index
      %get3A_2107 = arith.index_cast %and3A_2058 : i32 to index
      %get3A_2108 = arith.constant 48 : index
      %get3A_2109 = tpu.vector_load %arg7[%get3A_2106, %get3A_2107, %get3A_2108] {strides = array<i32>} : memref<32x8x64xf32, #tpu.memory_space<vmem>>, vector<16xf32>,
      %mul3A_2110 = vector.broadcast %scan3A_4 : f32 to vector<16xf32>
      %mul3A_2111 = arith.mulf %get3A_2109, %mul3A_2110 : vector<16xf32>
      %get3A_2112 = arith.index_cast %add3A_2062 : i32 to index
      %get3A_2113 = arith.constant 112 : index
      %get3A_2114 = tpu.vector_load %arg8[%get3A_2112, %get3A_2113] {strides = array<i32>} : memref<128x128xf32, #tpu.memory_space<vmem>>, vector<16xf32>,
      %add3A_2115 = arith.addf %mul3A_2111, %get3A_2114 : vector<16xf32>
      %swap3A_2116 = arith.index_cast %add3A_2062 : i32 to index
      %swap3A_2117 = arith.constant 112 : index
      %swap3A_2118 = tpu.vector_load %arg8[%swap3A_2116, %swap3A_2117] {strides = array<i32>} : memref<128x128xf32, #tpu.memory_space<vmem>>, vector<16xf32>,
      tpu.vector_store %arg8[%swap3A_2116, %swap3A_2117], %add3A_2115 {strides = array<i32>} : memref<128x128xf32, #tpu.memory_space<vmem>>, vector<16xf32>,
      %dma_wait3A_2119 = arith.constant 18 : i32
      %dma_wait3A_2120 = arith.constant 0 : i32
      %dma_wait3A_2121 = arith.constant 0 : i32
      %dma_wait3A_2122 = tpu.memref_slice %arg7[%dma_wait3A_2119, %dma_wait3A_2120, %dma_wait3A_2121] : memref<32x8x64xf32, #tpu.memory_space<vmem>> -> memref<1x8x64xf32, #tpu.memory_space<vmem>>
      %dma_wait3A_2123 = tpu.memref_squeeze %dma_wait3A_2122 : memref<1x8x64xf32, #tpu.memory_space<vmem>> -> memref<8x64xf32, #tpu.memory_space<vmem>>
      %dma_wait3A_2124 = arith.constant 0 : i32
      %dma_wait3A_2125 = arith.constant 0 : i32
      %dma_wait3A_2126 = tpu.memref_slice %arg3[%shift_right_arithmetic3A_434, %dma_wait3A_2124, %dma_wait3A_2125] : memref<125000x8x64xf32, #tpu.memory_space<hbm>> -> memref<1x8x64xf32, #tpu.memory_space<hbm>>
      %dma_wait3A_2127 = tpu.memref_squeeze %dma_wait3A_2126 : memref<1x8x64xf32, #tpu.memory_space<hbm>> -> memref<8x64xf32, #tpu.memory_space<hbm>>
      %dma_wait3A_2128 = arith.constant 0 : i32
      %dma_wait3A_2129 = arith.constant 0 : i32
      %dma_wait3A_2130 = tpu.memref_slice %arg7[%dma_wait3A_2119, %dma_wait3A_2128, %dma_wait3A_2129] : memref<32x8x64xf32, #tpu.memory_space<vmem>> -> memref<1x8x64xf32, #tpu.memory_space<vmem>>
      %dma_wait3A_2131 = tpu.memref_squeeze %dma_wait3A_2130 : memref<1x8x64xf32, #tpu.memory_space<vmem>> -> memref<8x64xf32, #tpu.memory_space<vmem>>
      %dma_wait3A_2132 = arith.constant 0 : i32
      %dma_wait3A_2133 = arith.constant 0 : i32
      %dma_wait3A_2134 = tpu.memref_slice %arg3[%shift_right_arithmetic3A_434, %dma_wait3A_2132, %dma_wait3A_2133] : memref<125000x8x64xf32, #tpu.memory_space<hbm>> -> memref<1x8x64xf32, #tpu.memory_space<hbm>>
      %dma_wait3A_2135 = tpu.memref_squeeze %dma_wait3A_2134 : memref<1x8x64xf32, #tpu.memory_space<hbm>> -> memref<8x64xf32, #tpu.memory_space<hbm>>
      tpu.wait_dma2 semaphore(%arg9 : memref<!tpu.dma_semaphore, #tpu.memory_space<semaphore_mem>>) src(%dma_wait3A_2135 : memref<8x64xf32, #tpu.memory_space<hbm>>) dst(%dma_wait3A_2131 : memref<8x64xf32, #tpu.memory_space<vmem>>)
      %and3A_2136 = arith.constant 7 : i32
      %and3A_2137 = arith.andi %squeeze3A_65, %and3A_2136 : i32
      %mul3A_2138 = arith.constant 16 : i32
      %mul3A_2139 = arith.muli %scan3A_13, %mul3A_2138 : i32
      %add3A_2140 = arith.constant 9 : i32
      %add3A_2141 = arith.addi %mul3A_2139, %add3A_2140 : i32
      %get3A_2142 = arith.constant 18 : i32
      %get3A_2143 = arith.index_cast %get3A_2142 : i32 to index
      %get3A_2144 = arith.index_cast %and3A_2137 : i32 to index
      %get3A_2145 = arith.constant 0 : index
      %get3A_2146 = tpu.vector_load %arg7[%get3A_2143, %get3A_2144, %get3A_2145] {strides = array<i32>} : memref<32x8x64xf32, #tpu.memory_space<vmem>>, vector<16xf32>,
      %mul3A_2147 = vector.broadcast %scan3A_4 : f32 to vector<16xf32>
      %mul3A_2148 = arith.mulf %get3A_2146, %mul3A_2147 : vector<16xf32>
      %get3A_2149 = arith.index_cast %add3A_2141 : i32 to index
      %get3A_2150 = arith.constant 0 : index
      %get3A_2151 = tpu.vector_load %arg8[%get3A_2149, %get3A_2150] {strides = array<i32>} : memref<128x128xf32, #tpu.memory_space<vmem>>, vector<16xf32>,
      %add3A_2152 = arith.addf %mul3A_2148, %get3A_2151 : vector<16xf32>
      %swap3A_2153 = arith.index_cast %add3A_2141 : i32 to index
      %swap3A_2154 = arith.constant 0 : index
      %swap3A_2155 = tpu.vector_load %arg8[%swap3A_2153, %swap3A_2154] {strides = array<i32>} : memref<128x128xf32, #tpu.memory_space<vmem>>, vector<16xf32>,
      tpu.vector_store %arg8[%swap3A_2153, %swap3A_2154], %add3A_2152 {strides = array<i32>} : memref<128x128xf32, #tpu.memory_space<vmem>>, vector<16xf32>,
      %get3A_2156 = arith.constant 18 : i32
      %get3A_2157 = arith.index_cast %get3A_2156 : i32 to index
      %get3A_2158 = arith.index_cast %and3A_2137 : i32 to index
      %get3A_2159 = arith.constant 16 : index
      %get3A_2160 = tpu.vector_load %arg7[%get3A_2157, %get3A_2158, %get3A_2159] {strides = array<i32>} : memref<32x8x64xf32, #tpu.memory_space<vmem>>, vector<16xf32>,
      %mul3A_2161 = vector.broadcast %scan3A_4 : f32 to vector<16xf32>
      %mul3A_2162 = arith.mulf %get3A_2160, %mul3A_2161 : vector<16xf32>
      %get3A_2163 = arith.index_cast %add3A_2141 : i32 to index
      %get3A_2164 = arith.constant 16 : index
      %get3A_2165 = tpu.vector_load %arg8[%get3A_2163, %get3A_2164] {strides = array<i32>} : memref<128x128xf32, #tpu.memory_space<vmem>>, vector<16xf32>,
      %add3A_2166 = arith.addf %mul3A_2162, %get3A_2165 : vector<16xf32>
      %swap3A_2167 = arith.index_cast %add3A_2141 : i32 to index
      %swap3A_2168 = arith.constant 16 : index
      %swap3A_2169 = tpu.vector_load %arg8[%swap3A_2167, %swap3A_2168] {strides = array<i32>} : memref<128x128xf32, #tpu.memory_space<vmem>>, vector<16xf32>,
      tpu.vector_store %arg8[%swap3A_2167, %swap3A_2168], %add3A_2166 {strides = array<i32>} : memref<128x128xf32, #tpu.memory_space<vmem>>, vector<16xf32>,
      %get3A_2170 = arith.constant 18 : i32
      %get3A_2171 = arith.index_cast %get3A_2170 : i32 to index
      %get3A_2172 = arith.index_cast %and3A_2137 : i32 to index
      %get3A_2173 = arith.constant 32 : index
      %get3A_2174 = tpu.vector_load %arg7[%get3A_2171, %get3A_2172, %get3A_2173] {strides = array<i32>} : memref<32x8x64xf32, #tpu.memory_space<vmem>>, vector<16xf32>,
      %mul3A_2175 = vector.broadcast %scan3A_4 : f32 to vector<16xf32>
      %mul3A_2176 = arith.mulf %get3A_2174, %mul3A_2175 : vector<16xf32>
      %get3A_2177 = arith.index_cast %add3A_2141 : i32 to index
      %get3A_2178 = arith.constant 32 : index
      %get3A_2179 = tpu.vector_load %arg8[%get3A_2177, %get3A_2178] {strides = array<i32>} : memref<128x128xf32, #tpu.memory_space<vmem>>, vector<16xf32>,
      %add3A_2180 = arith.addf %mul3A_2176, %get3A_2179 : vector<16xf32>
      %swap3A_2181 = arith.index_cast %add3A_2141 : i32 to index
      %swap3A_2182 = arith.constant 32 : index
      %swap3A_2183 = tpu.vector_load %arg8[%swap3A_2181, %swap3A_2182] {strides = array<i32>} : memref<128x128xf32, #tpu.memory_space<vmem>>, vector<16xf32>,
      tpu.vector_store %arg8[%swap3A_2181, %swap3A_2182], %add3A_2180 {strides = array<i32>} : memref<128x128xf32, #tpu.memory_space<vmem>>, vector<16xf32>,
      %get3A_2184 = arith.constant 18 : i32
      %get3A_2185 = arith.index_cast %get3A_2184 : i32 to index
      %get3A_2186 = arith.index_cast %and3A_2137 : i32 to index
      %get3A_2187 = arith.constant 48 : index
      %get3A_2188 = tpu.vector_load %arg7[%get3A_2185, %get3A_2186, %get3A_2187] {strides = array<i32>} : memref<32x8x64xf32, #tpu.memory_space<vmem>>, vector<16xf32>,
      %mul3A_2189 = vector.broadcast %scan3A_4 : f32 to vector<16xf32>
      %mul3A_2190 = arith.mulf %get3A_2188, %mul3A_2189 : vector<16xf32>
      %get3A_2191 = arith.index_cast %add3A_2141 : i32 to index
      %get3A_2192 = arith.constant 48 : index
      %get3A_2193 = tpu.vector_load %arg8[%get3A_2191, %get3A_2192] {strides = array<i32>} : memref<128x128xf32, #tpu.memory_space<vmem>>, vector<16xf32>,
      %add3A_2194 = arith.addf %mul3A_2190, %get3A_2193 : vector<16xf32>
      %swap3A_2195 = arith.index_cast %add3A_2141 : i32 to index
      %swap3A_2196 = arith.constant 48 : index
      %swap3A_2197 = tpu.vector_load %arg8[%swap3A_2195, %swap3A_2196] {strides = array<i32>} : memref<128x128xf32, #tpu.memory_space<vmem>>, vector<16xf32>,
      tpu.vector_store %arg8[%swap3A_2195, %swap3A_2196], %add3A_2194 {strides = array<i32>} : memref<128x128xf32, #tpu.memory_space<vmem>>, vector<16xf32>,
      %dma_wait3A_2198 = arith.constant 19 : i32
      %dma_wait3A_2199 = arith.constant 0 : i32
      %dma_wait3A_2200 = arith.constant 0 : i32
      %dma_wait3A_2201 = tpu.memref_slice %arg7[%dma_wait3A_2198, %dma_wait3A_2199, %dma_wait3A_2200] : memref<32x8x64xf32, #tpu.memory_space<vmem>> -> memref<1x8x64xf32, #tpu.memory_space<vmem>>
      %dma_wait3A_2202 = tpu.memref_squeeze %dma_wait3A_2201 : memref<1x8x64xf32, #tpu.memory_space<vmem>> -> memref<8x64xf32, #tpu.memory_space<vmem>>
      %dma_wait3A_2203 = arith.constant 0 : i32
      %dma_wait3A_2204 = arith.constant 0 : i32
      %dma_wait3A_2205 = tpu.memref_slice %arg3[%shift_right_arithmetic3A_453, %dma_wait3A_2203, %dma_wait3A_2204] : memref<125000x8x64xf32, #tpu.memory_space<hbm>> -> memref<1x8x64xf32, #tpu.memory_space<hbm>>
      %dma_wait3A_2206 = tpu.memref_squeeze %dma_wait3A_2205 : memref<1x8x64xf32, #tpu.memory_space<hbm>> -> memref<8x64xf32, #tpu.memory_space<hbm>>
      %dma_wait3A_2207 = arith.constant 0 : i32
      %dma_wait3A_2208 = arith.constant 0 : i32
      %dma_wait3A_2209 = tpu.memref_slice %arg7[%dma_wait3A_2198, %dma_wait3A_2207, %dma_wait3A_2208] : memref<32x8x64xf32, #tpu.memory_space<vmem>> -> memref<1x8x64xf32, #tpu.memory_space<vmem>>
      %dma_wait3A_2210 = tpu.memref_squeeze %dma_wait3A_2209 : memref<1x8x64xf32, #tpu.memory_space<vmem>> -> memref<8x64xf32, #tpu.memory_space<vmem>>
      %dma_wait3A_2211 = arith.constant 0 : i32
      %dma_wait3A_2212 = arith.constant 0 : i32
      %dma_wait3A_2213 = tpu.memref_slice %arg3[%shift_right_arithmetic3A_453, %dma_wait3A_2211, %dma_wait3A_2212] : memref<125000x8x64xf32, #tpu.memory_space<hbm>> -> memref<1x8x64xf32, #tpu.memory_space<hbm>>
      %dma_wait3A_2214 = tpu.memref_squeeze %dma_wait3A_2213 : memref<1x8x64xf32, #tpu.memory_space<hbm>> -> memref<8x64xf32, #tpu.memory_space<hbm>>
      tpu.wait_dma2 semaphore(%arg9 : memref<!tpu.dma_semaphore, #tpu.memory_space<semaphore_mem>>) src(%dma_wait3A_2214 : memref<8x64xf32, #tpu.memory_space<hbm>>) dst(%dma_wait3A_2210 : memref<8x64xf32, #tpu.memory_space<vmem>>)
      %and3A_2215 = arith.constant 7 : i32
      %and3A_2216 = arith.andi %squeeze3A_67, %and3A_2215 : i32
      %mul3A_2217 = arith.constant 16 : i32
      %mul3A_2218 = arith.muli %scan3A_13, %mul3A_2217 : i32
      %add3A_2219 = arith.constant 9 : i32
      %add3A_2220 = arith.addi %mul3A_2218, %add3A_2219 : i32
      %get3A_2221 = arith.constant 19 : i32
      %get3A_2222 = arith.index_cast %get3A_2221 : i32 to index
      %get3A_2223 = arith.index_cast %and3A_2216 : i32 to index
      %get3A_2224 = arith.constant 0 : index
      %get3A_2225 = tpu.vector_load %arg7[%get3A_2222, %get3A_2223, %get3A_2224] {strides = array<i32>} : memref<32x8x64xf32, #tpu.memory_space<vmem>>, vector<16xf32>,
      %mul3A_2226 = vector.broadcast %scan3A_4 : f32 to vector<16xf32>
      %mul3A_2227 = arith.mulf %get3A_2225, %mul3A_2226 : vector<16xf32>
      %get3A_2228 = arith.index_cast %add3A_2220 : i32 to index
      %get3A_2229 = arith.constant 64 : index
      %get3A_2230 = tpu.vector_load %arg8[%get3A_2228, %get3A_2229] {strides = array<i32>} : memref<128x128xf32, #tpu.memory_space<vmem>>, vector<16xf32>,
      %add3A_2231 = arith.addf %mul3A_2227, %get3A_2230 : vector<16xf32>
      %swap3A_2232 = arith.index_cast %add3A_2220 : i32 to index
      %swap3A_2233 = arith.constant 64 : index
      %swap3A_2234 = tpu.vector_load %arg8[%swap3A_2232, %swap3A_2233] {strides = array<i32>} : memref<128x128xf32, #tpu.memory_space<vmem>>, vector<16xf32>,
      tpu.vector_store %arg8[%swap3A_2232, %swap3A_2233], %add3A_2231 {strides = array<i32>} : memref<128x128xf32, #tpu.memory_space<vmem>>, vector<16xf32>,
      %get3A_2235 = arith.constant 19 : i32
      %get3A_2236 = arith.index_cast %get3A_2235 : i32 to index
      %get3A_2237 = arith.index_cast %and3A_2216 : i32 to index
      %get3A_2238 = arith.constant 16 : index
      %get3A_2239 = tpu.vector_load %arg7[%get3A_2236, %get3A_2237, %get3A_2238] {strides = array<i32>} : memref<32x8x64xf32, #tpu.memory_space<vmem>>, vector<16xf32>,
      %mul3A_2240 = vector.broadcast %scan3A_4 : f32 to vector<16xf32>
      %mul3A_2241 = arith.mulf %get3A_2239, %mul3A_2240 : vector<16xf32>
      %get3A_2242 = arith.index_cast %add3A_2220 : i32 to index
      %get3A_2243 = arith.constant 80 : index
      %get3A_2244 = tpu.vector_load %arg8[%get3A_2242, %get3A_2243] {strides = array<i32>} : memref<128x128xf32, #tpu.memory_space<vmem>>, vector<16xf32>,
      %add3A_2245 = arith.addf %mul3A_2241, %get3A_2244 : vector<16xf32>
      %swap3A_2246 = arith.index_cast %add3A_2220 : i32 to index
      %swap3A_2247 = arith.constant 80 : index
      %swap3A_2248 = tpu.vector_load %arg8[%swap3A_2246, %swap3A_2247] {strides = array<i32>} : memref<128x128xf32, #tpu.memory_space<vmem>>, vector<16xf32>,
      tpu.vector_store %arg8[%swap3A_2246, %swap3A_2247], %add3A_2245 {strides = array<i32>} : memref<128x128xf32, #tpu.memory_space<vmem>>, vector<16xf32>,
      %get3A_2249 = arith.constant 19 : i32
      %get3A_2250 = arith.index_cast %get3A_2249 : i32 to index
      %get3A_2251 = arith.index_cast %and3A_2216 : i32 to index
      %get3A_2252 = arith.constant 32 : index
      %get3A_2253 = tpu.vector_load %arg7[%get3A_2250, %get3A_2251, %get3A_2252] {strides = array<i32>} : memref<32x8x64xf32, #tpu.memory_space<vmem>>, vector<16xf32>,
      %mul3A_2254 = vector.broadcast %scan3A_4 : f32 to vector<16xf32>
      %mul3A_2255 = arith.mulf %get3A_2253, %mul3A_2254 : vector<16xf32>
      %get3A_2256 = arith.index_cast %add3A_2220 : i32 to index
      %get3A_2257 = arith.constant 96 : index
      %get3A_2258 = tpu.vector_load %arg8[%get3A_2256, %get3A_2257] {strides = array<i32>} : memref<128x128xf32, #tpu.memory_space<vmem>>, vector<16xf32>,
      %add3A_2259 = arith.addf %mul3A_2255, %get3A_2258 : vector<16xf32>
      %swap3A_2260 = arith.index_cast %add3A_2220 : i32 to index
      %swap3A_2261 = arith.constant 96 : index
      %swap3A_2262 = tpu.vector_load %arg8[%swap3A_2260, %swap3A_2261] {strides = array<i32>} : memref<128x128xf32, #tpu.memory_space<vmem>>, vector<16xf32>,
      tpu.vector_store %arg8[%swap3A_2260, %swap3A_2261], %add3A_2259 {strides = array<i32>} : memref<128x128xf32, #tpu.memory_space<vmem>>, vector<16xf32>,
      %get3A_2263 = arith.constant 19 : i32
      %get3A_2264 = arith.index_cast %get3A_2263 : i32 to index
      %get3A_2265 = arith.index_cast %and3A_2216 : i32 to index
      %get3A_2266 = arith.constant 48 : index
      %get3A_2267 = tpu.vector_load %arg7[%get3A_2264, %get3A_2265, %get3A_2266] {strides = array<i32>} : memref<32x8x64xf32, #tpu.memory_space<vmem>>, vector<16xf32>,
      %mul3A_2268 = vector.broadcast %scan3A_4 : f32 to vector<16xf32>
      %mul3A_2269 = arith.mulf %get3A_2267, %mul3A_2268 : vector<16xf32>
      %get3A_2270 = arith.index_cast %add3A_2220 : i32 to index
      %get3A_2271 = arith.constant 112 : index
      %get3A_2272 = tpu.vector_load %arg8[%get3A_2270, %get3A_2271] {strides = array<i32>} : memref<128x128xf32, #tpu.memory_space<vmem>>, vector<16xf32>,
      %add3A_2273 = arith.addf %mul3A_2269, %get3A_2272 : vector<16xf32>
      %swap3A_2274 = arith.index_cast %add3A_2220 : i32 to index
      %swap3A_2275 = arith.constant 112 : index
      %swap3A_2276 = tpu.vector_load %arg8[%swap3A_2274, %swap3A_2275] {strides = array<i32>} : memref<128x128xf32, #tpu.memory_space<vmem>>, vector<16xf32>,
      tpu.vector_store %arg8[%swap3A_2274, %swap3A_2275], %add3A_2273 {strides = array<i32>} : memref<128x128xf32, #tpu.memory_space<vmem>>, vector<16xf32>,
      %dma_wait3A_2277 = arith.constant 20 : i32
      %dma_wait3A_2278 = arith.constant 0 : i32
      %dma_wait3A_2279 = arith.constant 0 : i32
      %dma_wait3A_2280 = tpu.memref_slice %arg7[%dma_wait3A_2277, %dma_wait3A_2278, %dma_wait3A_2279] : memref<32x8x64xf32, #tpu.memory_space<vmem>> -> memref<1x8x64xf32, #tpu.memory_space<vmem>>
      %dma_wait3A_2281 = tpu.memref_squeeze %dma_wait3A_2280 : memref<1x8x64xf32, #tpu.memory_space<vmem>> -> memref<8x64xf32, #tpu.memory_space<vmem>>
      %dma_wait3A_2282 = arith.constant 0 : i32
      %dma_wait3A_2283 = arith.constant 0 : i32
      %dma_wait3A_2284 = tpu.memref_slice %arg3[%shift_right_arithmetic3A_472, %dma_wait3A_2282, %dma_wait3A_2283] : memref<125000x8x64xf32, #tpu.memory_space<hbm>> -> memref<1x8x64xf32, #tpu.memory_space<hbm>>
      %dma_wait3A_2285 = tpu.memref_squeeze %dma_wait3A_2284 : memref<1x8x64xf32, #tpu.memory_space<hbm>> -> memref<8x64xf32, #tpu.memory_space<hbm>>
      %dma_wait3A_2286 = arith.constant 0 : i32
      %dma_wait3A_2287 = arith.constant 0 : i32
      %dma_wait3A_2288 = tpu.memref_slice %arg7[%dma_wait3A_2277, %dma_wait3A_2286, %dma_wait3A_2287] : memref<32x8x64xf32, #tpu.memory_space<vmem>> -> memref<1x8x64xf32, #tpu.memory_space<vmem>>
      %dma_wait3A_2289 = tpu.memref_squeeze %dma_wait3A_2288 : memref<1x8x64xf32, #tpu.memory_space<vmem>> -> memref<8x64xf32, #tpu.memory_space<vmem>>
      %dma_wait3A_2290 = arith.constant 0 : i32
      %dma_wait3A_2291 = arith.constant 0 : i32
      %dma_wait3A_2292 = tpu.memref_slice %arg3[%shift_right_arithmetic3A_472, %dma_wait3A_2290, %dma_wait3A_2291] : memref<125000x8x64xf32, #tpu.memory_space<hbm>> -> memref<1x8x64xf32, #tpu.memory_space<hbm>>
      %dma_wait3A_2293 = tpu.memref_squeeze %dma_wait3A_2292 : memref<1x8x64xf32, #tpu.memory_space<hbm>> -> memref<8x64xf32, #tpu.memory_space<hbm>>
      tpu.wait_dma2 semaphore(%arg9 : memref<!tpu.dma_semaphore, #tpu.memory_space<semaphore_mem>>) src(%dma_wait3A_2293 : memref<8x64xf32, #tpu.memory_space<hbm>>) dst(%dma_wait3A_2289 : memref<8x64xf32, #tpu.memory_space<vmem>>)
      %and3A_2294 = arith.constant 7 : i32
      %and3A_2295 = arith.andi %squeeze3A_69, %and3A_2294 : i32
      %mul3A_2296 = arith.constant 16 : i32
      %mul3A_2297 = arith.muli %scan3A_13, %mul3A_2296 : i32
      %add3A_2298 = arith.constant 10 : i32
      %add3A_2299 = arith.addi %mul3A_2297, %add3A_2298 : i32
      %get3A_2300 = arith.constant 20 : i32
      %get3A_2301 = arith.index_cast %get3A_2300 : i32 to index
      %get3A_2302 = arith.index_cast %and3A_2295 : i32 to index
      %get3A_2303 = arith.constant 0 : index
      %get3A_2304 = tpu.vector_load %arg7[%get3A_2301, %get3A_2302, %get3A_2303] {strides = array<i32>} : memref<32x8x64xf32, #tpu.memory_space<vmem>>, vector<16xf32>,
      %mul3A_2305 = vector.broadcast %scan3A_4 : f32 to vector<16xf32>
      %mul3A_2306 = arith.mulf %get3A_2304, %mul3A_2305 : vector<16xf32>
      %get3A_2307 = arith.index_cast %add3A_2299 : i32 to index
      %get3A_2308 = arith.constant 0 : index
      %get3A_2309 = tpu.vector_load %arg8[%get3A_2307, %get3A_2308] {strides = array<i32>} : memref<128x128xf32, #tpu.memory_space<vmem>>, vector<16xf32>,
      %add3A_2310 = arith.addf %mul3A_2306, %get3A_2309 : vector<16xf32>
      %swap3A_2311 = arith.index_cast %add3A_2299 : i32 to index
      %swap3A_2312 = arith.constant 0 : index
      %swap3A_2313 = tpu.vector_load %arg8[%swap3A_2311, %swap3A_2312] {strides = array<i32>} : memref<128x128xf32, #tpu.memory_space<vmem>>, vector<16xf32>,
      tpu.vector_store %arg8[%swap3A_2311, %swap3A_2312], %add3A_2310 {strides = array<i32>} : memref<128x128xf32, #tpu.memory_space<vmem>>, vector<16xf32>,
      %get3A_2314 = arith.constant 20 : i32
      %get3A_2315 = arith.index_cast %get3A_2314 : i32 to index
      %get3A_2316 = arith.index_cast %and3A_2295 : i32 to index
      %get3A_2317 = arith.constant 16 : index
      %get3A_2318 = tpu.vector_load %arg7[%get3A_2315, %get3A_2316, %get3A_2317] {strides = array<i32>} : memref<32x8x64xf32, #tpu.memory_space<vmem>>, vector<16xf32>,
      %mul3A_2319 = vector.broadcast %scan3A_4 : f32 to vector<16xf32>
      %mul3A_2320 = arith.mulf %get3A_2318, %mul3A_2319 : vector<16xf32>
      %get3A_2321 = arith.index_cast %add3A_2299 : i32 to index
      %get3A_2322 = arith.constant 16 : index
      %get3A_2323 = tpu.vector_load %arg8[%get3A_2321, %get3A_2322] {strides = array<i32>} : memref<128x128xf32, #tpu.memory_space<vmem>>, vector<16xf32>,
      %add3A_2324 = arith.addf %mul3A_2320, %get3A_2323 : vector<16xf32>
      %swap3A_2325 = arith.index_cast %add3A_2299 : i32 to index
      %swap3A_2326 = arith.constant 16 : index
      %swap3A_2327 = tpu.vector_load %arg8[%swap3A_2325, %swap3A_2326] {strides = array<i32>} : memref<128x128xf32, #tpu.memory_space<vmem>>, vector<16xf32>,
      tpu.vector_store %arg8[%swap3A_2325, %swap3A_2326], %add3A_2324 {strides = array<i32>} : memref<128x128xf32, #tpu.memory_space<vmem>>, vector<16xf32>,
      %get3A_2328 = arith.constant 20 : i32
      %get3A_2329 = arith.index_cast %get3A_2328 : i32 to index
      %get3A_2330 = arith.index_cast %and3A_2295 : i32 to index
      %get3A_2331 = arith.constant 32 : index
      %get3A_2332 = tpu.vector_load %arg7[%get3A_2329, %get3A_2330, %get3A_2331] {strides = array<i32>} : memref<32x8x64xf32, #tpu.memory_space<vmem>>, vector<16xf32>,
      %mul3A_2333 = vector.broadcast %scan3A_4 : f32 to vector<16xf32>
      %mul3A_2334 = arith.mulf %get3A_2332, %mul3A_2333 : vector<16xf32>
      %get3A_2335 = arith.index_cast %add3A_2299 : i32 to index
      %get3A_2336 = arith.constant 32 : index
      %get3A_2337 = tpu.vector_load %arg8[%get3A_2335, %get3A_2336] {strides = array<i32>} : memref<128x128xf32, #tpu.memory_space<vmem>>, vector<16xf32>,
      %add3A_2338 = arith.addf %mul3A_2334, %get3A_2337 : vector<16xf32>
      %swap3A_2339 = arith.index_cast %add3A_2299 : i32 to index
      %swap3A_2340 = arith.constant 32 : index
      %swap3A_2341 = tpu.vector_load %arg8[%swap3A_2339, %swap3A_2340] {strides = array<i32>} : memref<128x128xf32, #tpu.memory_space<vmem>>, vector<16xf32>,
      tpu.vector_store %arg8[%swap3A_2339, %swap3A_2340], %add3A_2338 {strides = array<i32>} : memref<128x128xf32, #tpu.memory_space<vmem>>, vector<16xf32>,
      %get3A_2342 = arith.constant 20 : i32
      %get3A_2343 = arith.index_cast %get3A_2342 : i32 to index
      %get3A_2344 = arith.index_cast %and3A_2295 : i32 to index
      %get3A_2345 = arith.constant 48 : index
      %get3A_2346 = tpu.vector_load %arg7[%get3A_2343, %get3A_2344, %get3A_2345] {strides = array<i32>} : memref<32x8x64xf32, #tpu.memory_space<vmem>>, vector<16xf32>,
      %mul3A_2347 = vector.broadcast %scan3A_4 : f32 to vector<16xf32>
      %mul3A_2348 = arith.mulf %get3A_2346, %mul3A_2347 : vector<16xf32>
      %get3A_2349 = arith.index_cast %add3A_2299 : i32 to index
      %get3A_2350 = arith.constant 48 : index
      %get3A_2351 = tpu.vector_load %arg8[%get3A_2349, %get3A_2350] {strides = array<i32>} : memref<128x128xf32, #tpu.memory_space<vmem>>, vector<16xf32>,
      %add3A_2352 = arith.addf %mul3A_2348, %get3A_2351 : vector<16xf32>
      %swap3A_2353 = arith.index_cast %add3A_2299 : i32 to index
      %swap3A_2354 = arith.constant 48 : index
      %swap3A_2355 = tpu.vector_load %arg8[%swap3A_2353, %swap3A_2354] {strides = array<i32>} : memref<128x128xf32, #tpu.memory_space<vmem>>, vector<16xf32>,
      tpu.vector_store %arg8[%swap3A_2353, %swap3A_2354], %add3A_2352 {strides = array<i32>} : memref<128x128xf32, #tpu.memory_space<vmem>>, vector<16xf32>,
      %dma_wait3A_2356 = arith.constant 21 : i32
      %dma_wait3A_2357 = arith.constant 0 : i32
      %dma_wait3A_2358 = arith.constant 0 : i32
      %dma_wait3A_2359 = tpu.memref_slice %arg7[%dma_wait3A_2356, %dma_wait3A_2357, %dma_wait3A_2358] : memref<32x8x64xf32, #tpu.memory_space<vmem>> -> memref<1x8x64xf32, #tpu.memory_space<vmem>>
      %dma_wait3A_2360 = tpu.memref_squeeze %dma_wait3A_2359 : memref<1x8x64xf32, #tpu.memory_space<vmem>> -> memref<8x64xf32, #tpu.memory_space<vmem>>
      %dma_wait3A_2361 = arith.constant 0 : i32
      %dma_wait3A_2362 = arith.constant 0 : i32
      %dma_wait3A_2363 = tpu.memref_slice %arg3[%shift_right_arithmetic3A_491, %dma_wait3A_2361, %dma_wait3A_2362] : memref<125000x8x64xf32, #tpu.memory_space<hbm>> -> memref<1x8x64xf32, #tpu.memory_space<hbm>>
      %dma_wait3A_2364 = tpu.memref_squeeze %dma_wait3A_2363 : memref<1x8x64xf32, #tpu.memory_space<hbm>> -> memref<8x64xf32, #tpu.memory_space<hbm>>
      %dma_wait3A_2365 = arith.constant 0 : i32
      %dma_wait3A_2366 = arith.constant 0 : i32
      %dma_wait3A_2367 = tpu.memref_slice %arg7[%dma_wait3A_2356, %dma_wait3A_2365, %dma_wait3A_2366] : memref<32x8x64xf32, #tpu.memory_space<vmem>> -> memref<1x8x64xf32, #tpu.memory_space<vmem>>
      %dma_wait3A_2368 = tpu.memref_squeeze %dma_wait3A_2367 : memref<1x8x64xf32, #tpu.memory_space<vmem>> -> memref<8x64xf32, #tpu.memory_space<vmem>>
      %dma_wait3A_2369 = arith.constant 0 : i32
      %dma_wait3A_2370 = arith.constant 0 : i32
      %dma_wait3A_2371 = tpu.memref_slice %arg3[%shift_right_arithmetic3A_491, %dma_wait3A_2369, %dma_wait3A_2370] : memref<125000x8x64xf32, #tpu.memory_space<hbm>> -> memref<1x8x64xf32, #tpu.memory_space<hbm>>
      %dma_wait3A_2372 = tpu.memref_squeeze %dma_wait3A_2371 : memref<1x8x64xf32, #tpu.memory_space<hbm>> -> memref<8x64xf32, #tpu.memory_space<hbm>>
      tpu.wait_dma2 semaphore(%arg9 : memref<!tpu.dma_semaphore, #tpu.memory_space<semaphore_mem>>) src(%dma_wait3A_2372 : memref<8x64xf32, #tpu.memory_space<hbm>>) dst(%dma_wait3A_2368 : memref<8x64xf32, #tpu.memory_space<vmem>>)
      %and3A_2373 = arith.constant 7 : i32
      %and3A_2374 = arith.andi %squeeze3A_71, %and3A_2373 : i32
      %mul3A_2375 = arith.constant 16 : i32
      %mul3A_2376 = arith.muli %scan3A_13, %mul3A_2375 : i32
      %add3A_2377 = arith.constant 10 : i32
      %add3A_2378 = arith.addi %mul3A_2376, %add3A_2377 : i32
      %get3A_2379 = arith.constant 21 : i32
      %get3A_2380 = arith.index_cast %get3A_2379 : i32 to index
      %get3A_2381 = arith.index_cast %and3A_2374 : i32 to index
      %get3A_2382 = arith.constant 0 : index
      %get3A_2383 = tpu.vector_load %arg7[%get3A_2380, %get3A_2381, %get3A_2382] {strides = array<i32>} : memref<32x8x64xf32, #tpu.memory_space<vmem>>, vector<16xf32>,
      %mul3A_2384 = vector.broadcast %scan3A_4 : f32 to vector<16xf32>
      %mul3A_2385 = arith.mulf %get3A_2383, %mul3A_2384 : vector<16xf32>
      %get3A_2386 = arith.index_cast %add3A_2378 : i32 to index
      %get3A_2387 = arith.constant 64 : index
      %get3A_2388 = tpu.vector_load %arg8[%get3A_2386, %get3A_2387] {strides = array<i32>} : memref<128x128xf32, #tpu.memory_space<vmem>>, vector<16xf32>,
      %add3A_2389 = arith.addf %mul3A_2385, %get3A_2388 : vector<16xf32>
      %swap3A_2390 = arith.index_cast %add3A_2378 : i32 to index
      %swap3A_2391 = arith.constant 64 : index
      %swap3A_2392 = tpu.vector_load %arg8[%swap3A_2390, %swap3A_2391] {strides = array<i32>} : memref<128x128xf32, #tpu.memory_space<vmem>>, vector<16xf32>,
      tpu.vector_store %arg8[%swap3A_2390, %swap3A_2391], %add3A_2389 {strides = array<i32>} : memref<128x128xf32, #tpu.memory_space<vmem>>, vector<16xf32>,
      %get3A_2393 = arith.constant 21 : i32
      %get3A_2394 = arith.index_cast %get3A_2393 : i32 to index
      %get3A_2395 = arith.index_cast %and3A_2374 : i32 to index
      %get3A_2396 = arith.constant 16 : index
      %get3A_2397 = tpu.vector_load %arg7[%get3A_2394, %get3A_2395, %get3A_2396] {strides = array<i32>} : memref<32x8x64xf32, #tpu.memory_space<vmem>>, vector<16xf32>,
      %mul3A_2398 = vector.broadcast %scan3A_4 : f32 to vector<16xf32>
      %mul3A_2399 = arith.mulf %get3A_2397, %mul3A_2398 : vector<16xf32>
      %get3A_2400 = arith.index_cast %add3A_2378 : i32 to index
      %get3A_2401 = arith.constant 80 : index
      %get3A_2402 = tpu.vector_load %arg8[%get3A_2400, %get3A_2401] {strides = array<i32>} : memref<128x128xf32, #tpu.memory_space<vmem>>, vector<16xf32>,
      %add3A_2403 = arith.addf %mul3A_2399, %get3A_2402 : vector<16xf32>
      %swap3A_2404 = arith.index_cast %add3A_2378 : i32 to index
      %swap3A_2405 = arith.constant 80 : index
      %swap3A_2406 = tpu.vector_load %arg8[%swap3A_2404, %swap3A_2405] {strides = array<i32>} : memref<128x128xf32, #tpu.memory_space<vmem>>, vector<16xf32>,
      tpu.vector_store %arg8[%swap3A_2404, %swap3A_2405], %add3A_2403 {strides = array<i32>} : memref<128x128xf32, #tpu.memory_space<vmem>>, vector<16xf32>,
      %get3A_2407 = arith.constant 21 : i32
      %get3A_2408 = arith.index_cast %get3A_2407 : i32 to index
      %get3A_2409 = arith.index_cast %and3A_2374 : i32 to index
      %get3A_2410 = arith.constant 32 : index
      %get3A_2411 = tpu.vector_load %arg7[%get3A_2408, %get3A_2409, %get3A_2410] {strides = array<i32>} : memref<32x8x64xf32, #tpu.memory_space<vmem>>, vector<16xf32>,
      %mul3A_2412 = vector.broadcast %scan3A_4 : f32 to vector<16xf32>
      %mul3A_2413 = arith.mulf %get3A_2411, %mul3A_2412 : vector<16xf32>
      %get3A_2414 = arith.index_cast %add3A_2378 : i32 to index
      %get3A_2415 = arith.constant 96 : index
      %get3A_2416 = tpu.vector_load %arg8[%get3A_2414, %get3A_2415] {strides = array<i32>} : memref<128x128xf32, #tpu.memory_space<vmem>>, vector<16xf32>,
      %add3A_2417 = arith.addf %mul3A_2413, %get3A_2416 : vector<16xf32>
      %swap3A_2418 = arith.index_cast %add3A_2378 : i32 to index
      %swap3A_2419 = arith.constant 96 : index
      %swap3A_2420 = tpu.vector_load %arg8[%swap3A_2418, %swap3A_2419] {strides = array<i32>} : memref<128x128xf32, #tpu.memory_space<vmem>>, vector<16xf32>,
      tpu.vector_store %arg8[%swap3A_2418, %swap3A_2419], %add3A_2417 {strides = array<i32>} : memref<128x128xf32, #tpu.memory_space<vmem>>, vector<16xf32>,
      %get3A_2421 = arith.constant 21 : i32
      %get3A_2422 = arith.index_cast %get3A_2421 : i32 to index
      %get3A_2423 = arith.index_cast %and3A_2374 : i32 to index
      %get3A_2424 = arith.constant 48 : index
      %get3A_2425 = tpu.vector_load %arg7[%get3A_2422, %get3A_2423, %get3A_2424] {strides = array<i32>} : memref<32x8x64xf32, #tpu.memory_space<vmem>>, vector<16xf32>,
      %mul3A_2426 = vector.broadcast %scan3A_4 : f32 to vector<16xf32>
      %mul3A_2427 = arith.mulf %get3A_2425, %mul3A_2426 : vector<16xf32>
      %get3A_2428 = arith.index_cast %add3A_2378 : i32 to index
      %get3A_2429 = arith.constant 112 : index
      %get3A_2430 = tpu.vector_load %arg8[%get3A_2428, %get3A_2429] {strides = array<i32>} : memref<128x128xf32, #tpu.memory_space<vmem>>, vector<16xf32>,
      %add3A_2431 = arith.addf %mul3A_2427, %get3A_2430 : vector<16xf32>
      %swap3A_2432 = arith.index_cast %add3A_2378 : i32 to index
      %swap3A_2433 = arith.constant 112 : index
      %swap3A_2434 = tpu.vector_load %arg8[%swap3A_2432, %swap3A_2433] {strides = array<i32>} : memref<128x128xf32, #tpu.memory_space<vmem>>, vector<16xf32>,
      tpu.vector_store %arg8[%swap3A_2432, %swap3A_2433], %add3A_2431 {strides = array<i32>} : memref<128x128xf32, #tpu.memory_space<vmem>>, vector<16xf32>,
      %dma_wait3A_2435 = arith.constant 22 : i32
      %dma_wait3A_2436 = arith.constant 0 : i32
      %dma_wait3A_2437 = arith.constant 0 : i32
      %dma_wait3A_2438 = tpu.memref_slice %arg7[%dma_wait3A_2435, %dma_wait3A_2436, %dma_wait3A_2437] : memref<32x8x64xf32, #tpu.memory_space<vmem>> -> memref<1x8x64xf32, #tpu.memory_space<vmem>>
      %dma_wait3A_2439 = tpu.memref_squeeze %dma_wait3A_2438 : memref<1x8x64xf32, #tpu.memory_space<vmem>> -> memref<8x64xf32, #tpu.memory_space<vmem>>
      %dma_wait3A_2440 = arith.constant 0 : i32
      %dma_wait3A_2441 = arith.constant 0 : i32
      %dma_wait3A_2442 = tpu.memref_slice %arg3[%shift_right_arithmetic3A_510, %dma_wait3A_2440, %dma_wait3A_2441] : memref<125000x8x64xf32, #tpu.memory_space<hbm>> -> memref<1x8x64xf32, #tpu.memory_space<hbm>>
      %dma_wait3A_2443 = tpu.memref_squeeze %dma_wait3A_2442 : memref<1x8x64xf32, #tpu.memory_space<hbm>> -> memref<8x64xf32, #tpu.memory_space<hbm>>
      %dma_wait3A_2444 = arith.constant 0 : i32
      %dma_wait3A_2445 = arith.constant 0 : i32
      %dma_wait3A_2446 = tpu.memref_slice %arg7[%dma_wait3A_2435, %dma_wait3A_2444, %dma_wait3A_2445] : memref<32x8x64xf32, #tpu.memory_space<vmem>> -> memref<1x8x64xf32, #tpu.memory_space<vmem>>
      %dma_wait3A_2447 = tpu.memref_squeeze %dma_wait3A_2446 : memref<1x8x64xf32, #tpu.memory_space<vmem>> -> memref<8x64xf32, #tpu.memory_space<vmem>>
      %dma_wait3A_2448 = arith.constant 0 : i32
      %dma_wait3A_2449 = arith.constant 0 : i32
      %dma_wait3A_2450 = tpu.memref_slice %arg3[%shift_right_arithmetic3A_510, %dma_wait3A_2448, %dma_wait3A_2449] : memref<125000x8x64xf32, #tpu.memory_space<hbm>> -> memref<1x8x64xf32, #tpu.memory_space<hbm>>
      %dma_wait3A_2451 = tpu.memref_squeeze %dma_wait3A_2450 : memref<1x8x64xf32, #tpu.memory_space<hbm>> -> memref<8x64xf32, #tpu.memory_space<hbm>>
      tpu.wait_dma2 semaphore(%arg9 : memref<!tpu.dma_semaphore, #tpu.memory_space<semaphore_mem>>) src(%dma_wait3A_2451 : memref<8x64xf32, #tpu.memory_space<hbm>>) dst(%dma_wait3A_2447 : memref<8x64xf32, #tpu.memory_space<vmem>>)
      %and3A_2452 = arith.constant 7 : i32
      %and3A_2453 = arith.andi %squeeze3A_73, %and3A_2452 : i32
      %mul3A_2454 = arith.constant 16 : i32
      %mul3A_2455 = arith.muli %scan3A_13, %mul3A_2454 : i32
      %add3A_2456 = arith.constant 11 : i32
      %add3A_2457 = arith.addi %mul3A_2455, %add3A_2456 : i32
      %get3A_2458 = arith.constant 22 : i32
      %get3A_2459 = arith.index_cast %get3A_2458 : i32 to index
      %get3A_2460 = arith.index_cast %and3A_2453 : i32 to index
      %get3A_2461 = arith.constant 0 : index
      %get3A_2462 = tpu.vector_load %arg7[%get3A_2459, %get3A_2460, %get3A_2461] {strides = array<i32>} : memref<32x8x64xf32, #tpu.memory_space<vmem>>, vector<16xf32>,
      %mul3A_2463 = vector.broadcast %scan3A_4 : f32 to vector<16xf32>
      %mul3A_2464 = arith.mulf %get3A_2462, %mul3A_2463 : vector<16xf32>
      %get3A_2465 = arith.index_cast %add3A_2457 : i32 to index
      %get3A_2466 = arith.constant 0 : index
      %get3A_2467 = tpu.vector_load %arg8[%get3A_2465, %get3A_2466] {strides = array<i32>} : memref<128x128xf32, #tpu.memory_space<vmem>>, vector<16xf32>,
      %add3A_2468 = arith.addf %mul3A_2464, %get3A_2467 : vector<16xf32>
      %swap3A_2469 = arith.index_cast %add3A_2457 : i32 to index
      %swap3A_2470 = arith.constant 0 : index
      %swap3A_2471 = tpu.vector_load %arg8[%swap3A_2469, %swap3A_2470] {strides = array<i32>} : memref<128x128xf32, #tpu.memory_space<vmem>>, vector<16xf32>,
      tpu.vector_store %arg8[%swap3A_2469, %swap3A_2470], %add3A_2468 {strides = array<i32>} : memref<128x128xf32, #tpu.memory_space<vmem>>, vector<16xf32>,
      %get3A_2472 = arith.constant 22 : i32
      %get3A_2473 = arith.index_cast %get3A_2472 : i32 to index
      %get3A_2474 = arith.index_cast %and3A_2453 : i32 to index
      %get3A_2475 = arith.constant 16 : index
      %get3A_2476 = tpu.vector_load %arg7[%get3A_2473, %get3A_2474, %get3A_2475] {strides = array<i32>} : memref<32x8x64xf32, #tpu.memory_space<vmem>>, vector<16xf32>,
      %mul3A_2477 = vector.broadcast %scan3A_4 : f32 to vector<16xf32>
      %mul3A_2478 = arith.mulf %get3A_2476, %mul3A_2477 : vector<16xf32>
      %get3A_2479 = arith.index_cast %add3A_2457 : i32 to index
      %get3A_2480 = arith.constant 16 : index
      %get3A_2481 = tpu.vector_load %arg8[%get3A_2479, %get3A_2480] {strides = array<i32>} : memref<128x128xf32, #tpu.memory_space<vmem>>, vector<16xf32>,
      %add3A_2482 = arith.addf %mul3A_2478, %get3A_2481 : vector<16xf32>
      %swap3A_2483 = arith.index_cast %add3A_2457 : i32 to index
      %swap3A_2484 = arith.constant 16 : index
      %swap3A_2485 = tpu.vector_load %arg8[%swap3A_2483, %swap3A_2484] {strides = array<i32>} : memref<128x128xf32, #tpu.memory_space<vmem>>, vector<16xf32>,
      tpu.vector_store %arg8[%swap3A_2483, %swap3A_2484], %add3A_2482 {strides = array<i32>} : memref<128x128xf32, #tpu.memory_space<vmem>>, vector<16xf32>,
      %get3A_2486 = arith.constant 22 : i32
      %get3A_2487 = arith.index_cast %get3A_2486 : i32 to index
      %get3A_2488 = arith.index_cast %and3A_2453 : i32 to index
      %get3A_2489 = arith.constant 32 : index
      %get3A_2490 = tpu.vector_load %arg7[%get3A_2487, %get3A_2488, %get3A_2489] {strides = array<i32>} : memref<32x8x64xf32, #tpu.memory_space<vmem>>, vector<16xf32>,
      %mul3A_2491 = vector.broadcast %scan3A_4 : f32 to vector<16xf32>
      %mul3A_2492 = arith.mulf %get3A_2490, %mul3A_2491 : vector<16xf32>
      %get3A_2493 = arith.index_cast %add3A_2457 : i32 to index
      %get3A_2494 = arith.constant 32 : index
      %get3A_2495 = tpu.vector_load %arg8[%get3A_2493, %get3A_2494] {strides = array<i32>} : memref<128x128xf32, #tpu.memory_space<vmem>>, vector<16xf32>,
      %add3A_2496 = arith.addf %mul3A_2492, %get3A_2495 : vector<16xf32>
      %swap3A_2497 = arith.index_cast %add3A_2457 : i32 to index
      %swap3A_2498 = arith.constant 32 : index
      %swap3A_2499 = tpu.vector_load %arg8[%swap3A_2497, %swap3A_2498] {strides = array<i32>} : memref<128x128xf32, #tpu.memory_space<vmem>>, vector<16xf32>,
      tpu.vector_store %arg8[%swap3A_2497, %swap3A_2498], %add3A_2496 {strides = array<i32>} : memref<128x128xf32, #tpu.memory_space<vmem>>, vector<16xf32>,
      %get3A_2500 = arith.constant 22 : i32
      %get3A_2501 = arith.index_cast %get3A_2500 : i32 to index
      %get3A_2502 = arith.index_cast %and3A_2453 : i32 to index
      %get3A_2503 = arith.constant 48 : index
      %get3A_2504 = tpu.vector_load %arg7[%get3A_2501, %get3A_2502, %get3A_2503] {strides = array<i32>} : memref<32x8x64xf32, #tpu.memory_space<vmem>>, vector<16xf32>,
      %mul3A_2505 = vector.broadcast %scan3A_4 : f32 to vector<16xf32>
      %mul3A_2506 = arith.mulf %get3A_2504, %mul3A_2505 : vector<16xf32>
      %get3A_2507 = arith.index_cast %add3A_2457 : i32 to index
      %get3A_2508 = arith.constant 48 : index
      %get3A_2509 = tpu.vector_load %arg8[%get3A_2507, %get3A_2508] {strides = array<i32>} : memref<128x128xf32, #tpu.memory_space<vmem>>, vector<16xf32>,
      %add3A_2510 = arith.addf %mul3A_2506, %get3A_2509 : vector<16xf32>
      %swap3A_2511 = arith.index_cast %add3A_2457 : i32 to index
      %swap3A_2512 = arith.constant 48 : index
      %swap3A_2513 = tpu.vector_load %arg8[%swap3A_2511, %swap3A_2512] {strides = array<i32>} : memref<128x128xf32, #tpu.memory_space<vmem>>, vector<16xf32>,
      tpu.vector_store %arg8[%swap3A_2511, %swap3A_2512], %add3A_2510 {strides = array<i32>} : memref<128x128xf32, #tpu.memory_space<vmem>>, vector<16xf32>,
      %dma_wait3A_2514 = arith.constant 23 : i32
      %dma_wait3A_2515 = arith.constant 0 : i32
      %dma_wait3A_2516 = arith.constant 0 : i32
      %dma_wait3A_2517 = tpu.memref_slice %arg7[%dma_wait3A_2514, %dma_wait3A_2515, %dma_wait3A_2516] : memref<32x8x64xf32, #tpu.memory_space<vmem>> -> memref<1x8x64xf32, #tpu.memory_space<vmem>>
      %dma_wait3A_2518 = tpu.memref_squeeze %dma_wait3A_2517 : memref<1x8x64xf32, #tpu.memory_space<vmem>> -> memref<8x64xf32, #tpu.memory_space<vmem>>
      %dma_wait3A_2519 = arith.constant 0 : i32
      %dma_wait3A_2520 = arith.constant 0 : i32
      %dma_wait3A_2521 = tpu.memref_slice %arg3[%shift_right_arithmetic3A_529, %dma_wait3A_2519, %dma_wait3A_2520] : memref<125000x8x64xf32, #tpu.memory_space<hbm>> -> memref<1x8x64xf32, #tpu.memory_space<hbm>>
      %dma_wait3A_2522 = tpu.memref_squeeze %dma_wait3A_2521 : memref<1x8x64xf32, #tpu.memory_space<hbm>> -> memref<8x64xf32, #tpu.memory_space<hbm>>
      %dma_wait3A_2523 = arith.constant 0 : i32
      %dma_wait3A_2524 = arith.constant 0 : i32
      %dma_wait3A_2525 = tpu.memref_slice %arg7[%dma_wait3A_2514, %dma_wait3A_2523, %dma_wait3A_2524] : memref<32x8x64xf32, #tpu.memory_space<vmem>> -> memref<1x8x64xf32, #tpu.memory_space<vmem>>
      %dma_wait3A_2526 = tpu.memref_squeeze %dma_wait3A_2525 : memref<1x8x64xf32, #tpu.memory_space<vmem>> -> memref<8x64xf32, #tpu.memory_space<vmem>>
      %dma_wait3A_2527 = arith.constant 0 : i32
      %dma_wait3A_2528 = arith.constant 0 : i32
      %dma_wait3A_2529 = tpu.memref_slice %arg3[%shift_right_arithmetic3A_529, %dma_wait3A_2527, %dma_wait3A_2528] : memref<125000x8x64xf32, #tpu.memory_space<hbm>> -> memref<1x8x64xf32, #tpu.memory_space<hbm>>
      %dma_wait3A_2530 = tpu.memref_squeeze %dma_wait3A_2529 : memref<1x8x64xf32, #tpu.memory_space<hbm>> -> memref<8x64xf32, #tpu.memory_space<hbm>>
      tpu.wait_dma2 semaphore(%arg9 : memref<!tpu.dma_semaphore, #tpu.memory_space<semaphore_mem>>) src(%dma_wait3A_2530 : memref<8x64xf32, #tpu.memory_space<hbm>>) dst(%dma_wait3A_2526 : memref<8x64xf32, #tpu.memory_space<vmem>>)
      %and3A_2531 = arith.constant 7 : i32
      %and3A_2532 = arith.andi %squeeze3A_75, %and3A_2531 : i32
      %mul3A_2533 = arith.constant 16 : i32
      %mul3A_2534 = arith.muli %scan3A_13, %mul3A_2533 : i32
      %add3A_2535 = arith.constant 11 : i32
      %add3A_2536 = arith.addi %mul3A_2534, %add3A_2535 : i32
      %get3A_2537 = arith.constant 23 : i32
      %get3A_2538 = arith.index_cast %get3A_2537 : i32 to index
      %get3A_2539 = arith.index_cast %and3A_2532 : i32 to index
      %get3A_2540 = arith.constant 0 : index
      %get3A_2541 = tpu.vector_load %arg7[%get3A_2538, %get3A_2539, %get3A_2540] {strides = array<i32>} : memref<32x8x64xf32, #tpu.memory_space<vmem>>, vector<16xf32>,
      %mul3A_2542 = vector.broadcast %scan3A_4 : f32 to vector<16xf32>
      %mul3A_2543 = arith.mulf %get3A_2541, %mul3A_2542 : vector<16xf32>
      %get3A_2544 = arith.index_cast %add3A_2536 : i32 to index
      %get3A_2545 = arith.constant 64 : index
      %get3A_2546 = tpu.vector_load %arg8[%get3A_2544, %get3A_2545] {strides = array<i32>} : memref<128x128xf32, #tpu.memory_space<vmem>>, vector<16xf32>,
      %add3A_2547 = arith.addf %mul3A_2543, %get3A_2546 : vector<16xf32>
      %swap3A_2548 = arith.index_cast %add3A_2536 : i32 to index
      %swap3A_2549 = arith.constant 64 : index
      %swap3A_2550 = tpu.vector_load %arg8[%swap3A_2548, %swap3A_2549] {strides = array<i32>} : memref<128x128xf32, #tpu.memory_space<vmem>>, vector<16xf32>,
      tpu.vector_store %arg8[%swap3A_2548, %swap3A_2549], %add3A_2547 {strides = array<i32>} : memref<128x128xf32, #tpu.memory_space<vmem>>, vector<16xf32>,
      %get3A_2551 = arith.constant 23 : i32
      %get3A_2552 = arith.index_cast %get3A_2551 : i32 to index
      %get3A_2553 = arith.index_cast %and3A_2532 : i32 to index
      %get3A_2554 = arith.constant 16 : index
      %get3A_2555 = tpu.vector_load %arg7[%get3A_2552, %get3A_2553, %get3A_2554] {strides = array<i32>} : memref<32x8x64xf32, #tpu.memory_space<vmem>>, vector<16xf32>,
      %mul3A_2556 = vector.broadcast %scan3A_4 : f32 to vector<16xf32>
      %mul3A_2557 = arith.mulf %get3A_2555, %mul3A_2556 : vector<16xf32>
      %get3A_2558 = arith.index_cast %add3A_2536 : i32 to index
      %get3A_2559 = arith.constant 80 : index
      %get3A_2560 = tpu.vector_load %arg8[%get3A_2558, %get3A_2559] {strides = array<i32>} : memref<128x128xf32, #tpu.memory_space<vmem>>, vector<16xf32>,
      %add3A_2561 = arith.addf %mul3A_2557, %get3A_2560 : vector<16xf32>
      %swap3A_2562 = arith.index_cast %add3A_2536 : i32 to index
      %swap3A_2563 = arith.constant 80 : index
      %swap3A_2564 = tpu.vector_load %arg8[%swap3A_2562, %swap3A_2563] {strides = array<i32>} : memref<128x128xf32, #tpu.memory_space<vmem>>, vector<16xf32>,
      tpu.vector_store %arg8[%swap3A_2562, %swap3A_2563], %add3A_2561 {strides = array<i32>} : memref<128x128xf32, #tpu.memory_space<vmem>>, vector<16xf32>,
      %get3A_2565 = arith.constant 23 : i32
      %get3A_2566 = arith.index_cast %get3A_2565 : i32 to index
      %get3A_2567 = arith.index_cast %and3A_2532 : i32 to index
      %get3A_2568 = arith.constant 32 : index
      %get3A_2569 = tpu.vector_load %arg7[%get3A_2566, %get3A_2567, %get3A_2568] {strides = array<i32>} : memref<32x8x64xf32, #tpu.memory_space<vmem>>, vector<16xf32>,
      %mul3A_2570 = vector.broadcast %scan3A_4 : f32 to vector<16xf32>
      %mul3A_2571 = arith.mulf %get3A_2569, %mul3A_2570 : vector<16xf32>
      %get3A_2572 = arith.index_cast %add3A_2536 : i32 to index
      %get3A_2573 = arith.constant 96 : index
      %get3A_2574 = tpu.vector_load %arg8[%get3A_2572, %get3A_2573] {strides = array<i32>} : memref<128x128xf32, #tpu.memory_space<vmem>>, vector<16xf32>,
      %add3A_2575 = arith.addf %mul3A_2571, %get3A_2574 : vector<16xf32>
      %swap3A_2576 = arith.index_cast %add3A_2536 : i32 to index
      %swap3A_2577 = arith.constant 96 : index
      %swap3A_2578 = tpu.vector_load %arg8[%swap3A_2576, %swap3A_2577] {strides = array<i32>} : memref<128x128xf32, #tpu.memory_space<vmem>>, vector<16xf32>,
      tpu.vector_store %arg8[%swap3A_2576, %swap3A_2577], %add3A_2575 {strides = array<i32>} : memref<128x128xf32, #tpu.memory_space<vmem>>, vector<16xf32>,
      %get3A_2579 = arith.constant 23 : i32
      %get3A_2580 = arith.index_cast %get3A_2579 : i32 to index
      %get3A_2581 = arith.index_cast %and3A_2532 : i32 to index
      %get3A_2582 = arith.constant 48 : index
      %get3A_2583 = tpu.vector_load %arg7[%get3A_2580, %get3A_2581, %get3A_2582] {strides = array<i32>} : memref<32x8x64xf32, #tpu.memory_space<vmem>>, vector<16xf32>,
      %mul3A_2584 = vector.broadcast %scan3A_4 : f32 to vector<16xf32>
      %mul3A_2585 = arith.mulf %get3A_2583, %mul3A_2584 : vector<16xf32>
      %get3A_2586 = arith.index_cast %add3A_2536 : i32 to index
      %get3A_2587 = arith.constant 112 : index
      %get3A_2588 = tpu.vector_load %arg8[%get3A_2586, %get3A_2587] {strides = array<i32>} : memref<128x128xf32, #tpu.memory_space<vmem>>, vector<16xf32>,
      %add3A_2589 = arith.addf %mul3A_2585, %get3A_2588 : vector<16xf32>
      %swap3A_2590 = arith.index_cast %add3A_2536 : i32 to index
      %swap3A_2591 = arith.constant 112 : index
      %swap3A_2592 = tpu.vector_load %arg8[%swap3A_2590, %swap3A_2591] {strides = array<i32>} : memref<128x128xf32, #tpu.memory_space<vmem>>, vector<16xf32>,
      tpu.vector_store %arg8[%swap3A_2590, %swap3A_2591], %add3A_2589 {strides = array<i32>} : memref<128x128xf32, #tpu.memory_space<vmem>>, vector<16xf32>,
      %dma_wait3A_2593 = arith.constant 24 : i32
      %dma_wait3A_2594 = arith.constant 0 : i32
      %dma_wait3A_2595 = arith.constant 0 : i32
      %dma_wait3A_2596 = tpu.memref_slice %arg7[%dma_wait3A_2593, %dma_wait3A_2594, %dma_wait3A_2595] : memref<32x8x64xf32, #tpu.memory_space<vmem>> -> memref<1x8x64xf32, #tpu.memory_space<vmem>>
      %dma_wait3A_2597 = tpu.memref_squeeze %dma_wait3A_2596 : memref<1x8x64xf32, #tpu.memory_space<vmem>> -> memref<8x64xf32, #tpu.memory_space<vmem>>
      %dma_wait3A_2598 = arith.constant 0 : i32
      %dma_wait3A_2599 = arith.constant 0 : i32
      %dma_wait3A_2600 = tpu.memref_slice %arg3[%shift_right_arithmetic3A_548, %dma_wait3A_2598, %dma_wait3A_2599] : memref<125000x8x64xf32, #tpu.memory_space<hbm>> -> memref<1x8x64xf32, #tpu.memory_space<hbm>>
      %dma_wait3A_2601 = tpu.memref_squeeze %dma_wait3A_2600 : memref<1x8x64xf32, #tpu.memory_space<hbm>> -> memref<8x64xf32, #tpu.memory_space<hbm>>
      %dma_wait3A_2602 = arith.constant 0 : i32
      %dma_wait3A_2603 = arith.constant 0 : i32
      %dma_wait3A_2604 = tpu.memref_slice %arg7[%dma_wait3A_2593, %dma_wait3A_2602, %dma_wait3A_2603] : memref<32x8x64xf32, #tpu.memory_space<vmem>> -> memref<1x8x64xf32, #tpu.memory_space<vmem>>
      %dma_wait3A_2605 = tpu.memref_squeeze %dma_wait3A_2604 : memref<1x8x64xf32, #tpu.memory_space<vmem>> -> memref<8x64xf32, #tpu.memory_space<vmem>>
      %dma_wait3A_2606 = arith.constant 0 : i32
      %dma_wait3A_2607 = arith.constant 0 : i32
      %dma_wait3A_2608 = tpu.memref_slice %arg3[%shift_right_arithmetic3A_548, %dma_wait3A_2606, %dma_wait3A_2607] : memref<125000x8x64xf32, #tpu.memory_space<hbm>> -> memref<1x8x64xf32, #tpu.memory_space<hbm>>
      %dma_wait3A_2609 = tpu.memref_squeeze %dma_wait3A_2608 : memref<1x8x64xf32, #tpu.memory_space<hbm>> -> memref<8x64xf32, #tpu.memory_space<hbm>>
      tpu.wait_dma2 semaphore(%arg9 : memref<!tpu.dma_semaphore, #tpu.memory_space<semaphore_mem>>) src(%dma_wait3A_2609 : memref<8x64xf32, #tpu.memory_space<hbm>>) dst(%dma_wait3A_2605 : memref<8x64xf32, #tpu.memory_space<vmem>>)
      %and3A_2610 = arith.constant 7 : i32
      %and3A_2611 = arith.andi %squeeze3A_77, %and3A_2610 : i32
      %mul3A_2612 = arith.constant 16 : i32
      %mul3A_2613 = arith.muli %scan3A_13, %mul3A_2612 : i32
      %add3A_2614 = arith.constant 12 : i32
      %add3A_2615 = arith.addi %mul3A_2613, %add3A_2614 : i32
      %get3A_2616 = arith.constant 24 : i32
      %get3A_2617 = arith.index_cast %get3A_2616 : i32 to index
      %get3A_2618 = arith.index_cast %and3A_2611 : i32 to index
      %get3A_2619 = arith.constant 0 : index
      %get3A_2620 = tpu.vector_load %arg7[%get3A_2617, %get3A_2618, %get3A_2619] {strides = array<i32>} : memref<32x8x64xf32, #tpu.memory_space<vmem>>, vector<16xf32>,
      %mul3A_2621 = vector.broadcast %scan3A_4 : f32 to vector<16xf32>
      %mul3A_2622 = arith.mulf %get3A_2620, %mul3A_2621 : vector<16xf32>
      %get3A_2623 = arith.index_cast %add3A_2615 : i32 to index
      %get3A_2624 = arith.constant 0 : index
      %get3A_2625 = tpu.vector_load %arg8[%get3A_2623, %get3A_2624] {strides = array<i32>} : memref<128x128xf32, #tpu.memory_space<vmem>>, vector<16xf32>,
      %add3A_2626 = arith.addf %mul3A_2622, %get3A_2625 : vector<16xf32>
      %swap3A_2627 = arith.index_cast %add3A_2615 : i32 to index
      %swap3A_2628 = arith.constant 0 : index
      %swap3A_2629 = tpu.vector_load %arg8[%swap3A_2627, %swap3A_2628] {strides = array<i32>} : memref<128x128xf32, #tpu.memory_space<vmem>>, vector<16xf32>,
      tpu.vector_store %arg8[%swap3A_2627, %swap3A_2628], %add3A_2626 {strides = array<i32>} : memref<128x128xf32, #tpu.memory_space<vmem>>, vector<16xf32>,
      %get3A_2630 = arith.constant 24 : i32
      %get3A_2631 = arith.index_cast %get3A_2630 : i32 to index
      %get3A_2632 = arith.index_cast %and3A_2611 : i32 to index
      %get3A_2633 = arith.constant 16 : index
      %get3A_2634 = tpu.vector_load %arg7[%get3A_2631, %get3A_2632, %get3A_2633] {strides = array<i32>} : memref<32x8x64xf32, #tpu.memory_space<vmem>>, vector<16xf32>,
      %mul3A_2635 = vector.broadcast %scan3A_4 : f32 to vector<16xf32>
      %mul3A_2636 = arith.mulf %get3A_2634, %mul3A_2635 : vector<16xf32>
      %get3A_2637 = arith.index_cast %add3A_2615 : i32 to index
      %get3A_2638 = arith.constant 16 : index
      %get3A_2639 = tpu.vector_load %arg8[%get3A_2637, %get3A_2638] {strides = array<i32>} : memref<128x128xf32, #tpu.memory_space<vmem>>, vector<16xf32>,
      %add3A_2640 = arith.addf %mul3A_2636, %get3A_2639 : vector<16xf32>
      %swap3A_2641 = arith.index_cast %add3A_2615 : i32 to index
      %swap3A_2642 = arith.constant 16 : index
      %swap3A_2643 = tpu.vector_load %arg8[%swap3A_2641, %swap3A_2642] {strides = array<i32>} : memref<128x128xf32, #tpu.memory_space<vmem>>, vector<16xf32>,
      tpu.vector_store %arg8[%swap3A_2641, %swap3A_2642], %add3A_2640 {strides = array<i32>} : memref<128x128xf32, #tpu.memory_space<vmem>>, vector<16xf32>,
      %get3A_2644 = arith.constant 24 : i32
      %get3A_2645 = arith.index_cast %get3A_2644 : i32 to index
      %get3A_2646 = arith.index_cast %and3A_2611 : i32 to index
      %get3A_2647 = arith.constant 32 : index
      %get3A_2648 = tpu.vector_load %arg7[%get3A_2645, %get3A_2646, %get3A_2647] {strides = array<i32>} : memref<32x8x64xf32, #tpu.memory_space<vmem>>, vector<16xf32>,
      %mul3A_2649 = vector.broadcast %scan3A_4 : f32 to vector<16xf32>
      %mul3A_2650 = arith.mulf %get3A_2648, %mul3A_2649 : vector<16xf32>
      %get3A_2651 = arith.index_cast %add3A_2615 : i32 to index
      %get3A_2652 = arith.constant 32 : index
      %get3A_2653 = tpu.vector_load %arg8[%get3A_2651, %get3A_2652] {strides = array<i32>} : memref<128x128xf32, #tpu.memory_space<vmem>>, vector<16xf32>,
      %add3A_2654 = arith.addf %mul3A_2650, %get3A_2653 : vector<16xf32>
      %swap3A_2655 = arith.index_cast %add3A_2615 : i32 to index
      %swap3A_2656 = arith.constant 32 : index
      %swap3A_2657 = tpu.vector_load %arg8[%swap3A_2655, %swap3A_2656] {strides = array<i32>} : memref<128x128xf32, #tpu.memory_space<vmem>>, vector<16xf32>,
      tpu.vector_store %arg8[%swap3A_2655, %swap3A_2656], %add3A_2654 {strides = array<i32>} : memref<128x128xf32, #tpu.memory_space<vmem>>, vector<16xf32>,
      %get3A_2658 = arith.constant 24 : i32
      %get3A_2659 = arith.index_cast %get3A_2658 : i32 to index
      %get3A_2660 = arith.index_cast %and3A_2611 : i32 to index
      %get3A_2661 = arith.constant 48 : index
      %get3A_2662 = tpu.vector_load %arg7[%get3A_2659, %get3A_2660, %get3A_2661] {strides = array<i32>} : memref<32x8x64xf32, #tpu.memory_space<vmem>>, vector<16xf32>,
      %mul3A_2663 = vector.broadcast %scan3A_4 : f32 to vector<16xf32>
      %mul3A_2664 = arith.mulf %get3A_2662, %mul3A_2663 : vector<16xf32>
      %get3A_2665 = arith.index_cast %add3A_2615 : i32 to index
      %get3A_2666 = arith.constant 48 : index
      %get3A_2667 = tpu.vector_load %arg8[%get3A_2665, %get3A_2666] {strides = array<i32>} : memref<128x128xf32, #tpu.memory_space<vmem>>, vector<16xf32>,
      %add3A_2668 = arith.addf %mul3A_2664, %get3A_2667 : vector<16xf32>
      %swap3A_2669 = arith.index_cast %add3A_2615 : i32 to index
      %swap3A_2670 = arith.constant 48 : index
      %swap3A_2671 = tpu.vector_load %arg8[%swap3A_2669, %swap3A_2670] {strides = array<i32>} : memref<128x128xf32, #tpu.memory_space<vmem>>, vector<16xf32>,
      tpu.vector_store %arg8[%swap3A_2669, %swap3A_2670], %add3A_2668 {strides = array<i32>} : memref<128x128xf32, #tpu.memory_space<vmem>>, vector<16xf32>,
      %dma_wait3A_2672 = arith.constant 25 : i32
      %dma_wait3A_2673 = arith.constant 0 : i32
      %dma_wait3A_2674 = arith.constant 0 : i32
      %dma_wait3A_2675 = tpu.memref_slice %arg7[%dma_wait3A_2672, %dma_wait3A_2673, %dma_wait3A_2674] : memref<32x8x64xf32, #tpu.memory_space<vmem>> -> memref<1x8x64xf32, #tpu.memory_space<vmem>>
      %dma_wait3A_2676 = tpu.memref_squeeze %dma_wait3A_2675 : memref<1x8x64xf32, #tpu.memory_space<vmem>> -> memref<8x64xf32, #tpu.memory_space<vmem>>
      %dma_wait3A_2677 = arith.constant 0 : i32
      %dma_wait3A_2678 = arith.constant 0 : i32
      %dma_wait3A_2679 = tpu.memref_slice %arg3[%shift_right_arithmetic3A_567, %dma_wait3A_2677, %dma_wait3A_2678] : memref<125000x8x64xf32, #tpu.memory_space<hbm>> -> memref<1x8x64xf32, #tpu.memory_space<hbm>>
      %dma_wait3A_2680 = tpu.memref_squeeze %dma_wait3A_2679 : memref<1x8x64xf32, #tpu.memory_space<hbm>> -> memref<8x64xf32, #tpu.memory_space<hbm>>
      %dma_wait3A_2681 = arith.constant 0 : i32
      %dma_wait3A_2682 = arith.constant 0 : i32
      %dma_wait3A_2683 = tpu.memref_slice %arg7[%dma_wait3A_2672, %dma_wait3A_2681, %dma_wait3A_2682] : memref<32x8x64xf32, #tpu.memory_space<vmem>> -> memref<1x8x64xf32, #tpu.memory_space<vmem>>
      %dma_wait3A_2684 = tpu.memref_squeeze %dma_wait3A_2683 : memref<1x8x64xf32, #tpu.memory_space<vmem>> -> memref<8x64xf32, #tpu.memory_space<vmem>>
      %dma_wait3A_2685 = arith.constant 0 : i32
      %dma_wait3A_2686 = arith.constant 0 : i32
      %dma_wait3A_2687 = tpu.memref_slice %arg3[%shift_right_arithmetic3A_567, %dma_wait3A_2685, %dma_wait3A_2686] : memref<125000x8x64xf32, #tpu.memory_space<hbm>> -> memref<1x8x64xf32, #tpu.memory_space<hbm>>
      %dma_wait3A_2688 = tpu.memref_squeeze %dma_wait3A_2687 : memref<1x8x64xf32, #tpu.memory_space<hbm>> -> memref<8x64xf32, #tpu.memory_space<hbm>>
      tpu.wait_dma2 semaphore(%arg9 : memref<!tpu.dma_semaphore, #tpu.memory_space<semaphore_mem>>) src(%dma_wait3A_2688 : memref<8x64xf32, #tpu.memory_space<hbm>>) dst(%dma_wait3A_2684 : memref<8x64xf32, #tpu.memory_space<vmem>>)
      %and3A_2689 = arith.constant 7 : i32
      %and3A_2690 = arith.andi %squeeze3A_79, %and3A_2689 : i32
      %mul3A_2691 = arith.constant 16 : i32
      %mul3A_2692 = arith.muli %scan3A_13, %mul3A_2691 : i32
      %add3A_2693 = arith.constant 12 : i32
      %add3A_2694 = arith.addi %mul3A_2692, %add3A_2693 : i32
      %get3A_2695 = arith.constant 25 : i32
      %get3A_2696 = arith.index_cast %get3A_2695 : i32 to index
      %get3A_2697 = arith.index_cast %and3A_2690 : i32 to index
      %get3A_2698 = arith.constant 0 : index
      %get3A_2699 = tpu.vector_load %arg7[%get3A_2696, %get3A_2697, %get3A_2698] {strides = array<i32>} : memref<32x8x64xf32, #tpu.memory_space<vmem>>, vector<16xf32>,
      %mul3A_2700 = vector.broadcast %scan3A_4 : f32 to vector<16xf32>
      %mul3A_2701 = arith.mulf %get3A_2699, %mul3A_2700 : vector<16xf32>
      %get3A_2702 = arith.index_cast %add3A_2694 : i32 to index
      %get3A_2703 = arith.constant 64 : index
      %get3A_2704 = tpu.vector_load %arg8[%get3A_2702, %get3A_2703] {strides = array<i32>} : memref<128x128xf32, #tpu.memory_space<vmem>>, vector<16xf32>,
      %add3A_2705 = arith.addf %mul3A_2701, %get3A_2704 : vector<16xf32>
      %swap3A_2706 = arith.index_cast %add3A_2694 : i32 to index
      %swap3A_2707 = arith.constant 64 : index
      %swap3A_2708 = tpu.vector_load %arg8[%swap3A_2706, %swap3A_2707] {strides = array<i32>} : memref<128x128xf32, #tpu.memory_space<vmem>>, vector<16xf32>,
      tpu.vector_store %arg8[%swap3A_2706, %swap3A_2707], %add3A_2705 {strides = array<i32>} : memref<128x128xf32, #tpu.memory_space<vmem>>, vector<16xf32>,
      %get3A_2709 = arith.constant 25 : i32
      %get3A_2710 = arith.index_cast %get3A_2709 : i32 to index
      %get3A_2711 = arith.index_cast %and3A_2690 : i32 to index
      %get3A_2712 = arith.constant 16 : index
      %get3A_2713 = tpu.vector_load %arg7[%get3A_2710, %get3A_2711, %get3A_2712] {strides = array<i32>} : memref<32x8x64xf32, #tpu.memory_space<vmem>>, vector<16xf32>,
      %mul3A_2714 = vector.broadcast %scan3A_4 : f32 to vector<16xf32>
      %mul3A_2715 = arith.mulf %get3A_2713, %mul3A_2714 : vector<16xf32>
      %get3A_2716 = arith.index_cast %add3A_2694 : i32 to index
      %get3A_2717 = arith.constant 80 : index
      %get3A_2718 = tpu.vector_load %arg8[%get3A_2716, %get3A_2717] {strides = array<i32>} : memref<128x128xf32, #tpu.memory_space<vmem>>, vector<16xf32>,
      %add3A_2719 = arith.addf %mul3A_2715, %get3A_2718 : vector<16xf32>
      %swap3A_2720 = arith.index_cast %add3A_2694 : i32 to index
      %swap3A_2721 = arith.constant 80 : index
      %swap3A_2722 = tpu.vector_load %arg8[%swap3A_2720, %swap3A_2721] {strides = array<i32>} : memref<128x128xf32, #tpu.memory_space<vmem>>, vector<16xf32>,
      tpu.vector_store %arg8[%swap3A_2720, %swap3A_2721], %add3A_2719 {strides = array<i32>} : memref<128x128xf32, #tpu.memory_space<vmem>>, vector<16xf32>,
      %get3A_2723 = arith.constant 25 : i32
      %get3A_2724 = arith.index_cast %get3A_2723 : i32 to index
      %get3A_2725 = arith.index_cast %and3A_2690 : i32 to index
      %get3A_2726 = arith.constant 32 : index
      %get3A_2727 = tpu.vector_load %arg7[%get3A_2724, %get3A_2725, %get3A_2726] {strides = array<i32>} : memref<32x8x64xf32, #tpu.memory_space<vmem>>, vector<16xf32>,
      %mul3A_2728 = vector.broadcast %scan3A_4 : f32 to vector<16xf32>
      %mul3A_2729 = arith.mulf %get3A_2727, %mul3A_2728 : vector<16xf32>
      %get3A_2730 = arith.index_cast %add3A_2694 : i32 to index
      %get3A_2731 = arith.constant 96 : index
      %get3A_2732 = tpu.vector_load %arg8[%get3A_2730, %get3A_2731] {strides = array<i32>} : memref<128x128xf32, #tpu.memory_space<vmem>>, vector<16xf32>,
      %add3A_2733 = arith.addf %mul3A_2729, %get3A_2732 : vector<16xf32>
      %swap3A_2734 = arith.index_cast %add3A_2694 : i32 to index
      %swap3A_2735 = arith.constant 96 : index
      %swap3A_2736 = tpu.vector_load %arg8[%swap3A_2734, %swap3A_2735] {strides = array<i32>} : memref<128x128xf32, #tpu.memory_space<vmem>>, vector<16xf32>,
      tpu.vector_store %arg8[%swap3A_2734, %swap3A_2735], %add3A_2733 {strides = array<i32>} : memref<128x128xf32, #tpu.memory_space<vmem>>, vector<16xf32>,
      %get3A_2737 = arith.constant 25 : i32
      %get3A_2738 = arith.index_cast %get3A_2737 : i32 to index
      %get3A_2739 = arith.index_cast %and3A_2690 : i32 to index
      %get3A_2740 = arith.constant 48 : index
      %get3A_2741 = tpu.vector_load %arg7[%get3A_2738, %get3A_2739, %get3A_2740] {strides = array<i32>} : memref<32x8x64xf32, #tpu.memory_space<vmem>>, vector<16xf32>,
      %mul3A_2742 = vector.broadcast %scan3A_4 : f32 to vector<16xf32>
      %mul3A_2743 = arith.mulf %get3A_2741, %mul3A_2742 : vector<16xf32>
      %get3A_2744 = arith.index_cast %add3A_2694 : i32 to index
      %get3A_2745 = arith.constant 112 : index
      %get3A_2746 = tpu.vector_load %arg8[%get3A_2744, %get3A_2745] {strides = array<i32>} : memref<128x128xf32, #tpu.memory_space<vmem>>, vector<16xf32>,
      %add3A_2747 = arith.addf %mul3A_2743, %get3A_2746 : vector<16xf32>
      %swap3A_2748 = arith.index_cast %add3A_2694 : i32 to index
      %swap3A_2749 = arith.constant 112 : index
      %swap3A_2750 = tpu.vector_load %arg8[%swap3A_2748, %swap3A_2749] {strides = array<i32>} : memref<128x128xf32, #tpu.memory_space<vmem>>, vector<16xf32>,
      tpu.vector_store %arg8[%swap3A_2748, %swap3A_2749], %add3A_2747 {strides = array<i32>} : memref<128x128xf32, #tpu.memory_space<vmem>>, vector<16xf32>,
      %dma_wait3A_2751 = arith.constant 26 : i32
      %dma_wait3A_2752 = arith.constant 0 : i32
      %dma_wait3A_2753 = arith.constant 0 : i32
      %dma_wait3A_2754 = tpu.memref_slice %arg7[%dma_wait3A_2751, %dma_wait3A_2752, %dma_wait3A_2753] : memref<32x8x64xf32, #tpu.memory_space<vmem>> -> memref<1x8x64xf32, #tpu.memory_space<vmem>>
      %dma_wait3A_2755 = tpu.memref_squeeze %dma_wait3A_2754 : memref<1x8x64xf32, #tpu.memory_space<vmem>> -> memref<8x64xf32, #tpu.memory_space<vmem>>
      %dma_wait3A_2756 = arith.constant 0 : i32
      %dma_wait3A_2757 = arith.constant 0 : i32
      %dma_wait3A_2758 = tpu.memref_slice %arg3[%shift_right_arithmetic3A_586, %dma_wait3A_2756, %dma_wait3A_2757] : memref<125000x8x64xf32, #tpu.memory_space<hbm>> -> memref<1x8x64xf32, #tpu.memory_space<hbm>>
      %dma_wait3A_2759 = tpu.memref_squeeze %dma_wait3A_2758 : memref<1x8x64xf32, #tpu.memory_space<hbm>> -> memref<8x64xf32, #tpu.memory_space<hbm>>
      %dma_wait3A_2760 = arith.constant 0 : i32
      %dma_wait3A_2761 = arith.constant 0 : i32
      %dma_wait3A_2762 = tpu.memref_slice %arg7[%dma_wait3A_2751, %dma_wait3A_2760, %dma_wait3A_2761] : memref<32x8x64xf32, #tpu.memory_space<vmem>> -> memref<1x8x64xf32, #tpu.memory_space<vmem>>
      %dma_wait3A_2763 = tpu.memref_squeeze %dma_wait3A_2762 : memref<1x8x64xf32, #tpu.memory_space<vmem>> -> memref<8x64xf32, #tpu.memory_space<vmem>>
      %dma_wait3A_2764 = arith.constant 0 : i32
      %dma_wait3A_2765 = arith.constant 0 : i32
      %dma_wait3A_2766 = tpu.memref_slice %arg3[%shift_right_arithmetic3A_586, %dma_wait3A_2764, %dma_wait3A_2765] : memref<125000x8x64xf32, #tpu.memory_space<hbm>> -> memref<1x8x64xf32, #tpu.memory_space<hbm>>
      %dma_wait3A_2767 = tpu.memref_squeeze %dma_wait3A_2766 : memref<1x8x64xf32, #tpu.memory_space<hbm>> -> memref<8x64xf32, #tpu.memory_space<hbm>>
      tpu.wait_dma2 semaphore(%arg9 : memref<!tpu.dma_semaphore, #tpu.memory_space<semaphore_mem>>) src(%dma_wait3A_2767 : memref<8x64xf32, #tpu.memory_space<hbm>>) dst(%dma_wait3A_2763 : memref<8x64xf32, #tpu.memory_space<vmem>>)
      %and3A_2768 = arith.constant 7 : i32
      %and3A_2769 = arith.andi %squeeze3A_81, %and3A_2768 : i32
      %mul3A_2770 = arith.constant 16 : i32
      %mul3A_2771 = arith.muli %scan3A_13, %mul3A_2770 : i32
      %add3A_2772 = arith.constant 13 : i32
      %add3A_2773 = arith.addi %mul3A_2771, %add3A_2772 : i32
      %get3A_2774 = arith.constant 26 : i32
      %get3A_2775 = arith.index_cast %get3A_2774 : i32 to index
      %get3A_2776 = arith.index_cast %and3A_2769 : i32 to index
      %get3A_2777 = arith.constant 0 : index
      %get3A_2778 = tpu.vector_load %arg7[%get3A_2775, %get3A_2776, %get3A_2777] {strides = array<i32>} : memref<32x8x64xf32, #tpu.memory_space<vmem>>, vector<16xf32>,
      %mul3A_2779 = vector.broadcast %scan3A_4 : f32 to vector<16xf32>
      %mul3A_2780 = arith.mulf %get3A_2778, %mul3A_2779 : vector<16xf32>
      %get3A_2781 = arith.index_cast %add3A_2773 : i32 to index
      %get3A_2782 = arith.constant 0 : index
      %get3A_2783 = tpu.vector_load %arg8[%get3A_2781, %get3A_2782] {strides = array<i32>} : memref<128x128xf32, #tpu.memory_space<vmem>>, vector<16xf32>,
      %add3A_2784 = arith.addf %mul3A_2780, %get3A_2783 : vector<16xf32>
      %swap3A_2785 = arith.index_cast %add3A_2773 : i32 to index
      %swap3A_2786 = arith.constant 0 : index
      %swap3A_2787 = tpu.vector_load %arg8[%swap3A_2785, %swap3A_2786] {strides = array<i32>} : memref<128x128xf32, #tpu.memory_space<vmem>>, vector<16xf32>,
      tpu.vector_store %arg8[%swap3A_2785, %swap3A_2786], %add3A_2784 {strides = array<i32>} : memref<128x128xf32, #tpu.memory_space<vmem>>, vector<16xf32>,
      %get3A_2788 = arith.constant 26 : i32
      %get3A_2789 = arith.index_cast %get3A_2788 : i32 to index
      %get3A_2790 = arith.index_cast %and3A_2769 : i32 to index
      %get3A_2791 = arith.constant 16 : index
      %get3A_2792 = tpu.vector_load %arg7[%get3A_2789, %get3A_2790, %get3A_2791] {strides = array<i32>} : memref<32x8x64xf32, #tpu.memory_space<vmem>>, vector<16xf32>,
      %mul3A_2793 = vector.broadcast %scan3A_4 : f32 to vector<16xf32>
      %mul3A_2794 = arith.mulf %get3A_2792, %mul3A_2793 : vector<16xf32>
      %get3A_2795 = arith.index_cast %add3A_2773 : i32 to index
      %get3A_2796 = arith.constant 16 : index
      %get3A_2797 = tpu.vector_load %arg8[%get3A_2795, %get3A_2796] {strides = array<i32>} : memref<128x128xf32, #tpu.memory_space<vmem>>, vector<16xf32>,
      %add3A_2798 = arith.addf %mul3A_2794, %get3A_2797 : vector<16xf32>
      %swap3A_2799 = arith.index_cast %add3A_2773 : i32 to index
      %swap3A_2800 = arith.constant 16 : index
      %swap3A_2801 = tpu.vector_load %arg8[%swap3A_2799, %swap3A_2800] {strides = array<i32>} : memref<128x128xf32, #tpu.memory_space<vmem>>, vector<16xf32>,
      tpu.vector_store %arg8[%swap3A_2799, %swap3A_2800], %add3A_2798 {strides = array<i32>} : memref<128x128xf32, #tpu.memory_space<vmem>>, vector<16xf32>,
      %get3A_2802 = arith.constant 26 : i32
      %get3A_2803 = arith.index_cast %get3A_2802 : i32 to index
      %get3A_2804 = arith.index_cast %and3A_2769 : i32 to index
      %get3A_2805 = arith.constant 32 : index
      %get3A_2806 = tpu.vector_load %arg7[%get3A_2803, %get3A_2804, %get3A_2805] {strides = array<i32>} : memref<32x8x64xf32, #tpu.memory_space<vmem>>, vector<16xf32>,
      %mul3A_2807 = vector.broadcast %scan3A_4 : f32 to vector<16xf32>
      %mul3A_2808 = arith.mulf %get3A_2806, %mul3A_2807 : vector<16xf32>
      %get3A_2809 = arith.index_cast %add3A_2773 : i32 to index
      %get3A_2810 = arith.constant 32 : index
      %get3A_2811 = tpu.vector_load %arg8[%get3A_2809, %get3A_2810] {strides = array<i32>} : memref<128x128xf32, #tpu.memory_space<vmem>>, vector<16xf32>,
      %add3A_2812 = arith.addf %mul3A_2808, %get3A_2811 : vector<16xf32>
      %swap3A_2813 = arith.index_cast %add3A_2773 : i32 to index
      %swap3A_2814 = arith.constant 32 : index
      %swap3A_2815 = tpu.vector_load %arg8[%swap3A_2813, %swap3A_2814] {strides = array<i32>} : memref<128x128xf32, #tpu.memory_space<vmem>>, vector<16xf32>,
      tpu.vector_store %arg8[%swap3A_2813, %swap3A_2814], %add3A_2812 {strides = array<i32>} : memref<128x128xf32, #tpu.memory_space<vmem>>, vector<16xf32>,
      %get3A_2816 = arith.constant 26 : i32
      %get3A_2817 = arith.index_cast %get3A_2816 : i32 to index
      %get3A_2818 = arith.index_cast %and3A_2769 : i32 to index
      %get3A_2819 = arith.constant 48 : index
      %get3A_2820 = tpu.vector_load %arg7[%get3A_2817, %get3A_2818, %get3A_2819] {strides = array<i32>} : memref<32x8x64xf32, #tpu.memory_space<vmem>>, vector<16xf32>,
      %mul3A_2821 = vector.broadcast %scan3A_4 : f32 to vector<16xf32>
      %mul3A_2822 = arith.mulf %get3A_2820, %mul3A_2821 : vector<16xf32>
      %get3A_2823 = arith.index_cast %add3A_2773 : i32 to index
      %get3A_2824 = arith.constant 48 : index
      %get3A_2825 = tpu.vector_load %arg8[%get3A_2823, %get3A_2824] {strides = array<i32>} : memref<128x128xf32, #tpu.memory_space<vmem>>, vector<16xf32>,
      %add3A_2826 = arith.addf %mul3A_2822, %get3A_2825 : vector<16xf32>
      %swap3A_2827 = arith.index_cast %add3A_2773 : i32 to index
      %swap3A_2828 = arith.constant 48 : index
      %swap3A_2829 = tpu.vector_load %arg8[%swap3A_2827, %swap3A_2828] {strides = array<i32>} : memref<128x128xf32, #tpu.memory_space<vmem>>, vector<16xf32>,
      tpu.vector_store %arg8[%swap3A_2827, %swap3A_2828], %add3A_2826 {strides = array<i32>} : memref<128x128xf32, #tpu.memory_space<vmem>>, vector<16xf32>,
      %dma_wait3A_2830 = arith.constant 27 : i32
      %dma_wait3A_2831 = arith.constant 0 : i32
      %dma_wait3A_2832 = arith.constant 0 : i32
      %dma_wait3A_2833 = tpu.memref_slice %arg7[%dma_wait3A_2830, %dma_wait3A_2831, %dma_wait3A_2832] : memref<32x8x64xf32, #tpu.memory_space<vmem>> -> memref<1x8x64xf32, #tpu.memory_space<vmem>>
      %dma_wait3A_2834 = tpu.memref_squeeze %dma_wait3A_2833 : memref<1x8x64xf32, #tpu.memory_space<vmem>> -> memref<8x64xf32, #tpu.memory_space<vmem>>
      %dma_wait3A_2835 = arith.constant 0 : i32
      %dma_wait3A_2836 = arith.constant 0 : i32
      %dma_wait3A_2837 = tpu.memref_slice %arg3[%shift_right_arithmetic3A_605, %dma_wait3A_2835, %dma_wait3A_2836] : memref<125000x8x64xf32, #tpu.memory_space<hbm>> -> memref<1x8x64xf32, #tpu.memory_space<hbm>>
      %dma_wait3A_2838 = tpu.memref_squeeze %dma_wait3A_2837 : memref<1x8x64xf32, #tpu.memory_space<hbm>> -> memref<8x64xf32, #tpu.memory_space<hbm>>
      %dma_wait3A_2839 = arith.constant 0 : i32
      %dma_wait3A_2840 = arith.constant 0 : i32
      %dma_wait3A_2841 = tpu.memref_slice %arg7[%dma_wait3A_2830, %dma_wait3A_2839, %dma_wait3A_2840] : memref<32x8x64xf32, #tpu.memory_space<vmem>> -> memref<1x8x64xf32, #tpu.memory_space<vmem>>
      %dma_wait3A_2842 = tpu.memref_squeeze %dma_wait3A_2841 : memref<1x8x64xf32, #tpu.memory_space<vmem>> -> memref<8x64xf32, #tpu.memory_space<vmem>>
      %dma_wait3A_2843 = arith.constant 0 : i32
      %dma_wait3A_2844 = arith.constant 0 : i32
      %dma_wait3A_2845 = tpu.memref_slice %arg3[%shift_right_arithmetic3A_605, %dma_wait3A_2843, %dma_wait3A_2844] : memref<125000x8x64xf32, #tpu.memory_space<hbm>> -> memref<1x8x64xf32, #tpu.memory_space<hbm>>
      %dma_wait3A_2846 = tpu.memref_squeeze %dma_wait3A_2845 : memref<1x8x64xf32, #tpu.memory_space<hbm>> -> memref<8x64xf32, #tpu.memory_space<hbm>>
      tpu.wait_dma2 semaphore(%arg9 : memref<!tpu.dma_semaphore, #tpu.memory_space<semaphore_mem>>) src(%dma_wait3A_2846 : memref<8x64xf32, #tpu.memory_space<hbm>>) dst(%dma_wait3A_2842 : memref<8x64xf32, #tpu.memory_space<vmem>>)
      %and3A_2847 = arith.constant 7 : i32
      %and3A_2848 = arith.andi %squeeze3A_83, %and3A_2847 : i32
      %mul3A_2849 = arith.constant 16 : i32
      %mul3A_2850 = arith.muli %scan3A_13, %mul3A_2849 : i32
      %add3A_2851 = arith.constant 13 : i32
      %add3A_2852 = arith.addi %mul3A_2850, %add3A_2851 : i32
      %get3A_2853 = arith.constant 27 : i32
      %get3A_2854 = arith.index_cast %get3A_2853 : i32 to index
      %get3A_2855 = arith.index_cast %and3A_2848 : i32 to index
      %get3A_2856 = arith.constant 0 : index
      %get3A_2857 = tpu.vector_load %arg7[%get3A_2854, %get3A_2855, %get3A_2856] {strides = array<i32>} : memref<32x8x64xf32, #tpu.memory_space<vmem>>, vector<16xf32>,
      %mul3A_2858 = vector.broadcast %scan3A_4 : f32 to vector<16xf32>
      %mul3A_2859 = arith.mulf %get3A_2857, %mul3A_2858 : vector<16xf32>
      %get3A_2860 = arith.index_cast %add3A_2852 : i32 to index
      %get3A_2861 = arith.constant 64 : index
      %get3A_2862 = tpu.vector_load %arg8[%get3A_2860, %get3A_2861] {strides = array<i32>} : memref<128x128xf32, #tpu.memory_space<vmem>>, vector<16xf32>,
      %add3A_2863 = arith.addf %mul3A_2859, %get3A_2862 : vector<16xf32>
      %swap3A_2864 = arith.index_cast %add3A_2852 : i32 to index
      %swap3A_2865 = arith.constant 64 : index
      %swap3A_2866 = tpu.vector_load %arg8[%swap3A_2864, %swap3A_2865] {strides = array<i32>} : memref<128x128xf32, #tpu.memory_space<vmem>>, vector<16xf32>,
      tpu.vector_store %arg8[%swap3A_2864, %swap3A_2865], %add3A_2863 {strides = array<i32>} : memref<128x128xf32, #tpu.memory_space<vmem>>, vector<16xf32>,
      %get3A_2867 = arith.constant 27 : i32
      %get3A_2868 = arith.index_cast %get3A_2867 : i32 to index
      %get3A_2869 = arith.index_cast %and3A_2848 : i32 to index
      %get3A_2870 = arith.constant 16 : index
      %get3A_2871 = tpu.vector_load %arg7[%get3A_2868, %get3A_2869, %get3A_2870] {strides = array<i32>} : memref<32x8x64xf32, #tpu.memory_space<vmem>>, vector<16xf32>,
      %mul3A_2872 = vector.broadcast %scan3A_4 : f32 to vector<16xf32>
      %mul3A_2873 = arith.mulf %get3A_2871, %mul3A_2872 : vector<16xf32>
      %get3A_2874 = arith.index_cast %add3A_2852 : i32 to index
      %get3A_2875 = arith.constant 80 : index
      %get3A_2876 = tpu.vector_load %arg8[%get3A_2874, %get3A_2875] {strides = array<i32>} : memref<128x128xf32, #tpu.memory_space<vmem>>, vector<16xf32>,
      %add3A_2877 = arith.addf %mul3A_2873, %get3A_2876 : vector<16xf32>
      %swap3A_2878 = arith.index_cast %add3A_2852 : i32 to index
      %swap3A_2879 = arith.constant 80 : index
      %swap3A_2880 = tpu.vector_load %arg8[%swap3A_2878, %swap3A_2879] {strides = array<i32>} : memref<128x128xf32, #tpu.memory_space<vmem>>, vector<16xf32>,
      tpu.vector_store %arg8[%swap3A_2878, %swap3A_2879], %add3A_2877 {strides = array<i32>} : memref<128x128xf32, #tpu.memory_space<vmem>>, vector<16xf32>,
      %get3A_2881 = arith.constant 27 : i32
      %get3A_2882 = arith.index_cast %get3A_2881 : i32 to index
      %get3A_2883 = arith.index_cast %and3A_2848 : i32 to index
      %get3A_2884 = arith.constant 32 : index
      %get3A_2885 = tpu.vector_load %arg7[%get3A_2882, %get3A_2883, %get3A_2884] {strides = array<i32>} : memref<32x8x64xf32, #tpu.memory_space<vmem>>, vector<16xf32>,
      %mul3A_2886 = vector.broadcast %scan3A_4 : f32 to vector<16xf32>
      %mul3A_2887 = arith.mulf %get3A_2885, %mul3A_2886 : vector<16xf32>
      %get3A_2888 = arith.index_cast %add3A_2852 : i32 to index
      %get3A_2889 = arith.constant 96 : index
      %get3A_2890 = tpu.vector_load %arg8[%get3A_2888, %get3A_2889] {strides = array<i32>} : memref<128x128xf32, #tpu.memory_space<vmem>>, vector<16xf32>,
      %add3A_2891 = arith.addf %mul3A_2887, %get3A_2890 : vector<16xf32>
      %swap3A_2892 = arith.index_cast %add3A_2852 : i32 to index
      %swap3A_2893 = arith.constant 96 : index
      %swap3A_2894 = tpu.vector_load %arg8[%swap3A_2892, %swap3A_2893] {strides = array<i32>} : memref<128x128xf32, #tpu.memory_space<vmem>>, vector<16xf32>,
      tpu.vector_store %arg8[%swap3A_2892, %swap3A_2893], %add3A_2891 {strides = array<i32>} : memref<128x128xf32, #tpu.memory_space<vmem>>, vector<16xf32>,
      %get3A_2895 = arith.constant 27 : i32
      %get3A_2896 = arith.index_cast %get3A_2895 : i32 to index
      %get3A_2897 = arith.index_cast %and3A_2848 : i32 to index
      %get3A_2898 = arith.constant 48 : index
      %get3A_2899 = tpu.vector_load %arg7[%get3A_2896, %get3A_2897, %get3A_2898] {strides = array<i32>} : memref<32x8x64xf32, #tpu.memory_space<vmem>>, vector<16xf32>,
      %mul3A_2900 = vector.broadcast %scan3A_4 : f32 to vector<16xf32>
      %mul3A_2901 = arith.mulf %get3A_2899, %mul3A_2900 : vector<16xf32>
      %get3A_2902 = arith.index_cast %add3A_2852 : i32 to index
      %get3A_2903 = arith.constant 112 : index
      %get3A_2904 = tpu.vector_load %arg8[%get3A_2902, %get3A_2903] {strides = array<i32>} : memref<128x128xf32, #tpu.memory_space<vmem>>, vector<16xf32>,
      %add3A_2905 = arith.addf %mul3A_2901, %get3A_2904 : vector<16xf32>
      %swap3A_2906 = arith.index_cast %add3A_2852 : i32 to index
      %swap3A_2907 = arith.constant 112 : index
      %swap3A_2908 = tpu.vector_load %arg8[%swap3A_2906, %swap3A_2907] {strides = array<i32>} : memref<128x128xf32, #tpu.memory_space<vmem>>, vector<16xf32>,
      tpu.vector_store %arg8[%swap3A_2906, %swap3A_2907], %add3A_2905 {strides = array<i32>} : memref<128x128xf32, #tpu.memory_space<vmem>>, vector<16xf32>,
      %dma_wait3A_2909 = arith.constant 28 : i32
      %dma_wait3A_2910 = arith.constant 0 : i32
      %dma_wait3A_2911 = arith.constant 0 : i32
      %dma_wait3A_2912 = tpu.memref_slice %arg7[%dma_wait3A_2909, %dma_wait3A_2910, %dma_wait3A_2911] : memref<32x8x64xf32, #tpu.memory_space<vmem>> -> memref<1x8x64xf32, #tpu.memory_space<vmem>>
      %dma_wait3A_2913 = tpu.memref_squeeze %dma_wait3A_2912 : memref<1x8x64xf32, #tpu.memory_space<vmem>> -> memref<8x64xf32, #tpu.memory_space<vmem>>
      %dma_wait3A_2914 = arith.constant 0 : i32
      %dma_wait3A_2915 = arith.constant 0 : i32
      %dma_wait3A_2916 = tpu.memref_slice %arg3[%shift_right_arithmetic3A_624, %dma_wait3A_2914, %dma_wait3A_2915] : memref<125000x8x64xf32, #tpu.memory_space<hbm>> -> memref<1x8x64xf32, #tpu.memory_space<hbm>>
      %dma_wait3A_2917 = tpu.memref_squeeze %dma_wait3A_2916 : memref<1x8x64xf32, #tpu.memory_space<hbm>> -> memref<8x64xf32, #tpu.memory_space<hbm>>
      %dma_wait3A_2918 = arith.constant 0 : i32
      %dma_wait3A_2919 = arith.constant 0 : i32
      %dma_wait3A_2920 = tpu.memref_slice %arg7[%dma_wait3A_2909, %dma_wait3A_2918, %dma_wait3A_2919] : memref<32x8x64xf32, #tpu.memory_space<vmem>> -> memref<1x8x64xf32, #tpu.memory_space<vmem>>
      %dma_wait3A_2921 = tpu.memref_squeeze %dma_wait3A_2920 : memref<1x8x64xf32, #tpu.memory_space<vmem>> -> memref<8x64xf32, #tpu.memory_space<vmem>>
      %dma_wait3A_2922 = arith.constant 0 : i32
      %dma_wait3A_2923 = arith.constant 0 : i32
      %dma_wait3A_2924 = tpu.memref_slice %arg3[%shift_right_arithmetic3A_624, %dma_wait3A_2922, %dma_wait3A_2923] : memref<125000x8x64xf32, #tpu.memory_space<hbm>> -> memref<1x8x64xf32, #tpu.memory_space<hbm>>
      %dma_wait3A_2925 = tpu.memref_squeeze %dma_wait3A_2924 : memref<1x8x64xf32, #tpu.memory_space<hbm>> -> memref<8x64xf32, #tpu.memory_space<hbm>>
      tpu.wait_dma2 semaphore(%arg9 : memref<!tpu.dma_semaphore, #tpu.memory_space<semaphore_mem>>) src(%dma_wait3A_2925 : memref<8x64xf32, #tpu.memory_space<hbm>>) dst(%dma_wait3A_2921 : memref<8x64xf32, #tpu.memory_space<vmem>>)
      %and3A_2926 = arith.constant 7 : i32
      %and3A_2927 = arith.andi %squeeze3A_85, %and3A_2926 : i32
      %mul3A_2928 = arith.constant 16 : i32
      %mul3A_2929 = arith.muli %scan3A_13, %mul3A_2928 : i32
      %add3A_2930 = arith.constant 14 : i32
      %add3A_2931 = arith.addi %mul3A_2929, %add3A_2930 : i32
      %get3A_2932 = arith.constant 28 : i32
      %get3A_2933 = arith.index_cast %get3A_2932 : i32 to index
      %get3A_2934 = arith.index_cast %and3A_2927 : i32 to index
      %get3A_2935 = arith.constant 0 : index
      %get3A_2936 = tpu.vector_load %arg7[%get3A_2933, %get3A_2934, %get3A_2935] {strides = array<i32>} : memref<32x8x64xf32, #tpu.memory_space<vmem>>, vector<16xf32>,
      %mul3A_2937 = vector.broadcast %scan3A_4 : f32 to vector<16xf32>
      %mul3A_2938 = arith.mulf %get3A_2936, %mul3A_2937 : vector<16xf32>
      %get3A_2939 = arith.index_cast %add3A_2931 : i32 to index
      %get3A_2940 = arith.constant 0 : index
      %get3A_2941 = tpu.vector_load %arg8[%get3A_2939, %get3A_2940] {strides = array<i32>} : memref<128x128xf32, #tpu.memory_space<vmem>>, vector<16xf32>,
      %add3A_2942 = arith.addf %mul3A_2938, %get3A_2941 : vector<16xf32>
      %swap3A_2943 = arith.index_cast %add3A_2931 : i32 to index
      %swap3A_2944 = arith.constant 0 : index
      %swap3A_2945 = tpu.vector_load %arg8[%swap3A_2943, %swap3A_2944] {strides = array<i32>} : memref<128x128xf32, #tpu.memory_space<vmem>>, vector<16xf32>,
      tpu.vector_store %arg8[%swap3A_2943, %swap3A_2944], %add3A_2942 {strides = array<i32>} : memref<128x128xf32, #tpu.memory_space<vmem>>, vector<16xf32>,
      %get3A_2946 = arith.constant 28 : i32
      %get3A_2947 = arith.index_cast %get3A_2946 : i32 to index
      %get3A_2948 = arith.index_cast %and3A_2927 : i32 to index
      %get3A_2949 = arith.constant 16 : index
      %get3A_2950 = tpu.vector_load %arg7[%get3A_2947, %get3A_2948, %get3A_2949] {strides = array<i32>} : memref<32x8x64xf32, #tpu.memory_space<vmem>>, vector<16xf32>,
      %mul3A_2951 = vector.broadcast %scan3A_4 : f32 to vector<16xf32>
      %mul3A_2952 = arith.mulf %get3A_2950, %mul3A_2951 : vector<16xf32>
      %get3A_2953 = arith.index_cast %add3A_2931 : i32 to index
      %get3A_2954 = arith.constant 16 : index
      %get3A_2955 = tpu.vector_load %arg8[%get3A_2953, %get3A_2954] {strides = array<i32>} : memref<128x128xf32, #tpu.memory_space<vmem>>, vector<16xf32>,
      %add3A_2956 = arith.addf %mul3A_2952, %get3A_2955 : vector<16xf32>
      %swap3A_2957 = arith.index_cast %add3A_2931 : i32 to index
      %swap3A_2958 = arith.constant 16 : index
      %swap3A_2959 = tpu.vector_load %arg8[%swap3A_2957, %swap3A_2958] {strides = array<i32>} : memref<128x128xf32, #tpu.memory_space<vmem>>, vector<16xf32>,
      tpu.vector_store %arg8[%swap3A_2957, %swap3A_2958], %add3A_2956 {strides = array<i32>} : memref<128x128xf32, #tpu.memory_space<vmem>>, vector<16xf32>,
      %get3A_2960 = arith.constant 28 : i32
      %get3A_2961 = arith.index_cast %get3A_2960 : i32 to index
      %get3A_2962 = arith.index_cast %and3A_2927 : i32 to index
      %get3A_2963 = arith.constant 32 : index
      %get3A_2964 = tpu.vector_load %arg7[%get3A_2961, %get3A_2962, %get3A_2963] {strides = array<i32>} : memref<32x8x64xf32, #tpu.memory_space<vmem>>, vector<16xf32>,
      %mul3A_2965 = vector.broadcast %scan3A_4 : f32 to vector<16xf32>
      %mul3A_2966 = arith.mulf %get3A_2964, %mul3A_2965 : vector<16xf32>
      %get3A_2967 = arith.index_cast %add3A_2931 : i32 to index
      %get3A_2968 = arith.constant 32 : index
      %get3A_2969 = tpu.vector_load %arg8[%get3A_2967, %get3A_2968] {strides = array<i32>} : memref<128x128xf32, #tpu.memory_space<vmem>>, vector<16xf32>,
      %add3A_2970 = arith.addf %mul3A_2966, %get3A_2969 : vector<16xf32>
      %swap3A_2971 = arith.index_cast %add3A_2931 : i32 to index
      %swap3A_2972 = arith.constant 32 : index
      %swap3A_2973 = tpu.vector_load %arg8[%swap3A_2971, %swap3A_2972] {strides = array<i32>} : memref<128x128xf32, #tpu.memory_space<vmem>>, vector<16xf32>,
      tpu.vector_store %arg8[%swap3A_2971, %swap3A_2972], %add3A_2970 {strides = array<i32>} : memref<128x128xf32, #tpu.memory_space<vmem>>, vector<16xf32>,
      %get3A_2974 = arith.constant 28 : i32
      %get3A_2975 = arith.index_cast %get3A_2974 : i32 to index
      %get3A_2976 = arith.index_cast %and3A_2927 : i32 to index
      %get3A_2977 = arith.constant 48 : index
      %get3A_2978 = tpu.vector_load %arg7[%get3A_2975, %get3A_2976, %get3A_2977] {strides = array<i32>} : memref<32x8x64xf32, #tpu.memory_space<vmem>>, vector<16xf32>,
      %mul3A_2979 = vector.broadcast %scan3A_4 : f32 to vector<16xf32>
      %mul3A_2980 = arith.mulf %get3A_2978, %mul3A_2979 : vector<16xf32>
      %get3A_2981 = arith.index_cast %add3A_2931 : i32 to index
      %get3A_2982 = arith.constant 48 : index
      %get3A_2983 = tpu.vector_load %arg8[%get3A_2981, %get3A_2982] {strides = array<i32>} : memref<128x128xf32, #tpu.memory_space<vmem>>, vector<16xf32>,
      %add3A_2984 = arith.addf %mul3A_2980, %get3A_2983 : vector<16xf32>
      %swap3A_2985 = arith.index_cast %add3A_2931 : i32 to index
      %swap3A_2986 = arith.constant 48 : index
      %swap3A_2987 = tpu.vector_load %arg8[%swap3A_2985, %swap3A_2986] {strides = array<i32>} : memref<128x128xf32, #tpu.memory_space<vmem>>, vector<16xf32>,
      tpu.vector_store %arg8[%swap3A_2985, %swap3A_2986], %add3A_2984 {strides = array<i32>} : memref<128x128xf32, #tpu.memory_space<vmem>>, vector<16xf32>,
      %dma_wait3A_2988 = arith.constant 29 : i32
      %dma_wait3A_2989 = arith.constant 0 : i32
      %dma_wait3A_2990 = arith.constant 0 : i32
      %dma_wait3A_2991 = tpu.memref_slice %arg7[%dma_wait3A_2988, %dma_wait3A_2989, %dma_wait3A_2990] : memref<32x8x64xf32, #tpu.memory_space<vmem>> -> memref<1x8x64xf32, #tpu.memory_space<vmem>>
      %dma_wait3A_2992 = tpu.memref_squeeze %dma_wait3A_2991 : memref<1x8x64xf32, #tpu.memory_space<vmem>> -> memref<8x64xf32, #tpu.memory_space<vmem>>
      %dma_wait3A_2993 = arith.constant 0 : i32
      %dma_wait3A_2994 = arith.constant 0 : i32
      %dma_wait3A_2995 = tpu.memref_slice %arg3[%shift_right_arithmetic3A_643, %dma_wait3A_2993, %dma_wait3A_2994] : memref<125000x8x64xf32, #tpu.memory_space<hbm>> -> memref<1x8x64xf32, #tpu.memory_space<hbm>>
      %dma_wait3A_2996 = tpu.memref_squeeze %dma_wait3A_2995 : memref<1x8x64xf32, #tpu.memory_space<hbm>> -> memref<8x64xf32, #tpu.memory_space<hbm>>
      %dma_wait3A_2997 = arith.constant 0 : i32
      %dma_wait3A_2998 = arith.constant 0 : i32
      %dma_wait3A_2999 = tpu.memref_slice %arg7[%dma_wait3A_2988, %dma_wait3A_2997, %dma_wait3A_2998] : memref<32x8x64xf32, #tpu.memory_space<vmem>> -> memref<1x8x64xf32, #tpu.memory_space<vmem>>
      %dma_wait3A_3000 = tpu.memref_squeeze %dma_wait3A_2999 : memref<1x8x64xf32, #tpu.memory_space<vmem>> -> memref<8x64xf32, #tpu.memory_space<vmem>>
      %dma_wait3A_3001 = arith.constant 0 : i32
      %dma_wait3A_3002 = arith.constant 0 : i32
      %dma_wait3A_3003 = tpu.memref_slice %arg3[%shift_right_arithmetic3A_643, %dma_wait3A_3001, %dma_wait3A_3002] : memref<125000x8x64xf32, #tpu.memory_space<hbm>> -> memref<1x8x64xf32, #tpu.memory_space<hbm>>
      %dma_wait3A_3004 = tpu.memref_squeeze %dma_wait3A_3003 : memref<1x8x64xf32, #tpu.memory_space<hbm>> -> memref<8x64xf32, #tpu.memory_space<hbm>>
      tpu.wait_dma2 semaphore(%arg9 : memref<!tpu.dma_semaphore, #tpu.memory_space<semaphore_mem>>) src(%dma_wait3A_3004 : memref<8x64xf32, #tpu.memory_space<hbm>>) dst(%dma_wait3A_3000 : memref<8x64xf32, #tpu.memory_space<vmem>>)
      %and3A_3005 = arith.constant 7 : i32
      %and3A_3006 = arith.andi %squeeze3A_87, %and3A_3005 : i32
      %mul3A_3007 = arith.constant 16 : i32
      %mul3A_3008 = arith.muli %scan3A_13, %mul3A_3007 : i32
      %add3A_3009 = arith.constant 14 : i32
      %add3A_3010 = arith.addi %mul3A_3008, %add3A_3009 : i32
      %get3A_3011 = arith.constant 29 : i32
      %get3A_3012 = arith.index_cast %get3A_3011 : i32 to index
      %get3A_3013 = arith.index_cast %and3A_3006 : i32 to index
      %get3A_3014 = arith.constant 0 : index
      %get3A_3015 = tpu.vector_load %arg7[%get3A_3012, %get3A_3013, %get3A_3014] {strides = array<i32>} : memref<32x8x64xf32, #tpu.memory_space<vmem>>, vector<16xf32>,
      %mul3A_3016 = vector.broadcast %scan3A_4 : f32 to vector<16xf32>
      %mul3A_3017 = arith.mulf %get3A_3015, %mul3A_3016 : vector<16xf32>
      %get3A_3018 = arith.index_cast %add3A_3010 : i32 to index
      %get3A_3019 = arith.constant 64 : index
      %get3A_3020 = tpu.vector_load %arg8[%get3A_3018, %get3A_3019] {strides = array<i32>} : memref<128x128xf32, #tpu.memory_space<vmem>>, vector<16xf32>,
      %add3A_3021 = arith.addf %mul3A_3017, %get3A_3020 : vector<16xf32>
      %swap3A_3022 = arith.index_cast %add3A_3010 : i32 to index
      %swap3A_3023 = arith.constant 64 : index
      %swap3A_3024 = tpu.vector_load %arg8[%swap3A_3022, %swap3A_3023] {strides = array<i32>} : memref<128x128xf32, #tpu.memory_space<vmem>>, vector<16xf32>,
      tpu.vector_store %arg8[%swap3A_3022, %swap3A_3023], %add3A_3021 {strides = array<i32>} : memref<128x128xf32, #tpu.memory_space<vmem>>, vector<16xf32>,
      %get3A_3025 = arith.constant 29 : i32
      %get3A_3026 = arith.index_cast %get3A_3025 : i32 to index
      %get3A_3027 = arith.index_cast %and3A_3006 : i32 to index
      %get3A_3028 = arith.constant 16 : index
      %get3A_3029 = tpu.vector_load %arg7[%get3A_3026, %get3A_3027, %get3A_3028] {strides = array<i32>} : memref<32x8x64xf32, #tpu.memory_space<vmem>>, vector<16xf32>,
      %mul3A_3030 = vector.broadcast %scan3A_4 : f32 to vector<16xf32>
      %mul3A_3031 = arith.mulf %get3A_3029, %mul3A_3030 : vector<16xf32>
      %get3A_3032 = arith.index_cast %add3A_3010 : i32 to index
      %get3A_3033 = arith.constant 80 : index
      %get3A_3034 = tpu.vector_load %arg8[%get3A_3032, %get3A_3033] {strides = array<i32>} : memref<128x128xf32, #tpu.memory_space<vmem>>, vector<16xf32>,
      %add3A_3035 = arith.addf %mul3A_3031, %get3A_3034 : vector<16xf32>
      %swap3A_3036 = arith.index_cast %add3A_3010 : i32 to index
      %swap3A_3037 = arith.constant 80 : index
      %swap3A_3038 = tpu.vector_load %arg8[%swap3A_3036, %swap3A_3037] {strides = array<i32>} : memref<128x128xf32, #tpu.memory_space<vmem>>, vector<16xf32>,
      tpu.vector_store %arg8[%swap3A_3036, %swap3A_3037], %add3A_3035 {strides = array<i32>} : memref<128x128xf32, #tpu.memory_space<vmem>>, vector<16xf32>,
      %get3A_3039 = arith.constant 29 : i32
      %get3A_3040 = arith.index_cast %get3A_3039 : i32 to index
      %get3A_3041 = arith.index_cast %and3A_3006 : i32 to index
      %get3A_3042 = arith.constant 32 : index
      %get3A_3043 = tpu.vector_load %arg7[%get3A_3040, %get3A_3041, %get3A_3042] {strides = array<i32>} : memref<32x8x64xf32, #tpu.memory_space<vmem>>, vector<16xf32>,
      %mul3A_3044 = vector.broadcast %scan3A_4 : f32 to vector<16xf32>
      %mul3A_3045 = arith.mulf %get3A_3043, %mul3A_3044 : vector<16xf32>
      %get3A_3046 = arith.index_cast %add3A_3010 : i32 to index
      %get3A_3047 = arith.constant 96 : index
      %get3A_3048 = tpu.vector_load %arg8[%get3A_3046, %get3A_3047] {strides = array<i32>} : memref<128x128xf32, #tpu.memory_space<vmem>>, vector<16xf32>,
      %add3A_3049 = arith.addf %mul3A_3045, %get3A_3048 : vector<16xf32>
      %swap3A_3050 = arith.index_cast %add3A_3010 : i32 to index
      %swap3A_3051 = arith.constant 96 : index
      %swap3A_3052 = tpu.vector_load %arg8[%swap3A_3050, %swap3A_3051] {strides = array<i32>} : memref<128x128xf32, #tpu.memory_space<vmem>>, vector<16xf32>,
      tpu.vector_store %arg8[%swap3A_3050, %swap3A_3051], %add3A_3049 {strides = array<i32>} : memref<128x128xf32, #tpu.memory_space<vmem>>, vector<16xf32>,
      %get3A_3053 = arith.constant 29 : i32
      %get3A_3054 = arith.index_cast %get3A_3053 : i32 to index
      %get3A_3055 = arith.index_cast %and3A_3006 : i32 to index
      %get3A_3056 = arith.constant 48 : index
      %get3A_3057 = tpu.vector_load %arg7[%get3A_3054, %get3A_3055, %get3A_3056] {strides = array<i32>} : memref<32x8x64xf32, #tpu.memory_space<vmem>>, vector<16xf32>,
      %mul3A_3058 = vector.broadcast %scan3A_4 : f32 to vector<16xf32>
      %mul3A_3059 = arith.mulf %get3A_3057, %mul3A_3058 : vector<16xf32>
      %get3A_3060 = arith.index_cast %add3A_3010 : i32 to index
      %get3A_3061 = arith.constant 112 : index
      %get3A_3062 = tpu.vector_load %arg8[%get3A_3060, %get3A_3061] {strides = array<i32>} : memref<128x128xf32, #tpu.memory_space<vmem>>, vector<16xf32>,
      %add3A_3063 = arith.addf %mul3A_3059, %get3A_3062 : vector<16xf32>
      %swap3A_3064 = arith.index_cast %add3A_3010 : i32 to index
      %swap3A_3065 = arith.constant 112 : index
      %swap3A_3066 = tpu.vector_load %arg8[%swap3A_3064, %swap3A_3065] {strides = array<i32>} : memref<128x128xf32, #tpu.memory_space<vmem>>, vector<16xf32>,
      tpu.vector_store %arg8[%swap3A_3064, %swap3A_3065], %add3A_3063 {strides = array<i32>} : memref<128x128xf32, #tpu.memory_space<vmem>>, vector<16xf32>,
      %dma_wait3A_3067 = arith.constant 30 : i32
      %dma_wait3A_3068 = arith.constant 0 : i32
      %dma_wait3A_3069 = arith.constant 0 : i32
      %dma_wait3A_3070 = tpu.memref_slice %arg7[%dma_wait3A_3067, %dma_wait3A_3068, %dma_wait3A_3069] : memref<32x8x64xf32, #tpu.memory_space<vmem>> -> memref<1x8x64xf32, #tpu.memory_space<vmem>>
      %dma_wait3A_3071 = tpu.memref_squeeze %dma_wait3A_3070 : memref<1x8x64xf32, #tpu.memory_space<vmem>> -> memref<8x64xf32, #tpu.memory_space<vmem>>
      %dma_wait3A_3072 = arith.constant 0 : i32
      %dma_wait3A_3073 = arith.constant 0 : i32
      %dma_wait3A_3074 = tpu.memref_slice %arg3[%shift_right_arithmetic3A_662, %dma_wait3A_3072, %dma_wait3A_3073] : memref<125000x8x64xf32, #tpu.memory_space<hbm>> -> memref<1x8x64xf32, #tpu.memory_space<hbm>>
      %dma_wait3A_3075 = tpu.memref_squeeze %dma_wait3A_3074 : memref<1x8x64xf32, #tpu.memory_space<hbm>> -> memref<8x64xf32, #tpu.memory_space<hbm>>
      %dma_wait3A_3076 = arith.constant 0 : i32
      %dma_wait3A_3077 = arith.constant 0 : i32
      %dma_wait3A_3078 = tpu.memref_slice %arg7[%dma_wait3A_3067, %dma_wait3A_3076, %dma_wait3A_3077] : memref<32x8x64xf32, #tpu.memory_space<vmem>> -> memref<1x8x64xf32, #tpu.memory_space<vmem>>
      %dma_wait3A_3079 = tpu.memref_squeeze %dma_wait3A_3078 : memref<1x8x64xf32, #tpu.memory_space<vmem>> -> memref<8x64xf32, #tpu.memory_space<vmem>>
      %dma_wait3A_3080 = arith.constant 0 : i32
      %dma_wait3A_3081 = arith.constant 0 : i32
      %dma_wait3A_3082 = tpu.memref_slice %arg3[%shift_right_arithmetic3A_662, %dma_wait3A_3080, %dma_wait3A_3081] : memref<125000x8x64xf32, #tpu.memory_space<hbm>> -> memref<1x8x64xf32, #tpu.memory_space<hbm>>
      %dma_wait3A_3083 = tpu.memref_squeeze %dma_wait3A_3082 : memref<1x8x64xf32, #tpu.memory_space<hbm>> -> memref<8x64xf32, #tpu.memory_space<hbm>>
      tpu.wait_dma2 semaphore(%arg9 : memref<!tpu.dma_semaphore, #tpu.memory_space<semaphore_mem>>) src(%dma_wait3A_3083 : memref<8x64xf32, #tpu.memory_space<hbm>>) dst(%dma_wait3A_3079 : memref<8x64xf32, #tpu.memory_space<vmem>>)
      %and3A_3084 = arith.constant 7 : i32
      %and3A_3085 = arith.andi %squeeze3A_89, %and3A_3084 : i32
      %mul3A_3086 = arith.constant 16 : i32
      %mul3A_3087 = arith.muli %scan3A_13, %mul3A_3086 : i32
      %add3A_3088 = arith.constant 15 : i32
      %add3A_3089 = arith.addi %mul3A_3087, %add3A_3088 : i32
      %get3A_3090 = arith.constant 30 : i32
      %get3A_3091 = arith.index_cast %get3A_3090 : i32 to index
      %get3A_3092 = arith.index_cast %and3A_3085 : i32 to index
      %get3A_3093 = arith.constant 0 : index
      %get3A_3094 = tpu.vector_load %arg7[%get3A_3091, %get3A_3092, %get3A_3093] {strides = array<i32>} : memref<32x8x64xf32, #tpu.memory_space<vmem>>, vector<16xf32>,
      %mul3A_3095 = vector.broadcast %scan3A_4 : f32 to vector<16xf32>
      %mul3A_3096 = arith.mulf %get3A_3094, %mul3A_3095 : vector<16xf32>
      %get3A_3097 = arith.index_cast %add3A_3089 : i32 to index
      %get3A_3098 = arith.constant 0 : index
      %get3A_3099 = tpu.vector_load %arg8[%get3A_3097, %get3A_3098] {strides = array<i32>} : memref<128x128xf32, #tpu.memory_space<vmem>>, vector<16xf32>,
      %add3A_3100 = arith.addf %mul3A_3096, %get3A_3099 : vector<16xf32>
      %swap3A_3101 = arith.index_cast %add3A_3089 : i32 to index
      %swap3A_3102 = arith.constant 0 : index
      %swap3A_3103 = tpu.vector_load %arg8[%swap3A_3101, %swap3A_3102] {strides = array<i32>} : memref<128x128xf32, #tpu.memory_space<vmem>>, vector<16xf32>,
      tpu.vector_store %arg8[%swap3A_3101, %swap3A_3102], %add3A_3100 {strides = array<i32>} : memref<128x128xf32, #tpu.memory_space<vmem>>, vector<16xf32>,
      %get3A_3104 = arith.constant 30 : i32
      %get3A_3105 = arith.index_cast %get3A_3104 : i32 to index
      %get3A_3106 = arith.index_cast %and3A_3085 : i32 to index
      %get3A_3107 = arith.constant 16 : index
      %get3A_3108 = tpu.vector_load %arg7[%get3A_3105, %get3A_3106, %get3A_3107] {strides = array<i32>} : memref<32x8x64xf32, #tpu.memory_space<vmem>>, vector<16xf32>,
      %mul3A_3109 = vector.broadcast %scan3A_4 : f32 to vector<16xf32>
      %mul3A_3110 = arith.mulf %get3A_3108, %mul3A_3109 : vector<16xf32>
      %get3A_3111 = arith.index_cast %add3A_3089 : i32 to index
      %get3A_3112 = arith.constant 16 : index
      %get3A_3113 = tpu.vector_load %arg8[%get3A_3111, %get3A_3112] {strides = array<i32>} : memref<128x128xf32, #tpu.memory_space<vmem>>, vector<16xf32>,
      %add3A_3114 = arith.addf %mul3A_3110, %get3A_3113 : vector<16xf32>
      %swap3A_3115 = arith.index_cast %add3A_3089 : i32 to index
      %swap3A_3116 = arith.constant 16 : index
      %swap3A_3117 = tpu.vector_load %arg8[%swap3A_3115, %swap3A_3116] {strides = array<i32>} : memref<128x128xf32, #tpu.memory_space<vmem>>, vector<16xf32>,
      tpu.vector_store %arg8[%swap3A_3115, %swap3A_3116], %add3A_3114 {strides = array<i32>} : memref<128x128xf32, #tpu.memory_space<vmem>>, vector<16xf32>,
      %get3A_3118 = arith.constant 30 : i32
      %get3A_3119 = arith.index_cast %get3A_3118 : i32 to index
      %get3A_3120 = arith.index_cast %and3A_3085 : i32 to index
      %get3A_3121 = arith.constant 32 : index
      %get3A_3122 = tpu.vector_load %arg7[%get3A_3119, %get3A_3120, %get3A_3121] {strides = array<i32>} : memref<32x8x64xf32, #tpu.memory_space<vmem>>, vector<16xf32>,
      %mul3A_3123 = vector.broadcast %scan3A_4 : f32 to vector<16xf32>
      %mul3A_3124 = arith.mulf %get3A_3122, %mul3A_3123 : vector<16xf32>
      %get3A_3125 = arith.index_cast %add3A_3089 : i32 to index
      %get3A_3126 = arith.constant 32 : index
      %get3A_3127 = tpu.vector_load %arg8[%get3A_3125, %get3A_3126] {strides = array<i32>} : memref<128x128xf32, #tpu.memory_space<vmem>>, vector<16xf32>,
      %add3A_3128 = arith.addf %mul3A_3124, %get3A_3127 : vector<16xf32>
      %swap3A_3129 = arith.index_cast %add3A_3089 : i32 to index
      %swap3A_3130 = arith.constant 32 : index
      %swap3A_3131 = tpu.vector_load %arg8[%swap3A_3129, %swap3A_3130] {strides = array<i32>} : memref<128x128xf32, #tpu.memory_space<vmem>>, vector<16xf32>,
      tpu.vector_store %arg8[%swap3A_3129, %swap3A_3130], %add3A_3128 {strides = array<i32>} : memref<128x128xf32, #tpu.memory_space<vmem>>, vector<16xf32>,
      %get3A_3132 = arith.constant 30 : i32
      %get3A_3133 = arith.index_cast %get3A_3132 : i32 to index
      %get3A_3134 = arith.index_cast %and3A_3085 : i32 to index
      %get3A_3135 = arith.constant 48 : index
      %get3A_3136 = tpu.vector_load %arg7[%get3A_3133, %get3A_3134, %get3A_3135] {strides = array<i32>} : memref<32x8x64xf32, #tpu.memory_space<vmem>>, vector<16xf32>,
      %mul3A_3137 = vector.broadcast %scan3A_4 : f32 to vector<16xf32>
      %mul3A_3138 = arith.mulf %get3A_3136, %mul3A_3137 : vector<16xf32>
      %get3A_3139 = arith.index_cast %add3A_3089 : i32 to index
      %get3A_3140 = arith.constant 48 : index
      %get3A_3141 = tpu.vector_load %arg8[%get3A_3139, %get3A_3140] {strides = array<i32>} : memref<128x128xf32, #tpu.memory_space<vmem>>, vector<16xf32>,
      %add3A_3142 = arith.addf %mul3A_3138, %get3A_3141 : vector<16xf32>
      %swap3A_3143 = arith.index_cast %add3A_3089 : i32 to index
      %swap3A_3144 = arith.constant 48 : index
      %swap3A_3145 = tpu.vector_load %arg8[%swap3A_3143, %swap3A_3144] {strides = array<i32>} : memref<128x128xf32, #tpu.memory_space<vmem>>, vector<16xf32>,
      tpu.vector_store %arg8[%swap3A_3143, %swap3A_3144], %add3A_3142 {strides = array<i32>} : memref<128x128xf32, #tpu.memory_space<vmem>>, vector<16xf32>,
      %dma_wait3A_3146 = arith.constant 31 : i32
      %dma_wait3A_3147 = arith.constant 0 : i32
      %dma_wait3A_3148 = arith.constant 0 : i32
      %dma_wait3A_3149 = tpu.memref_slice %arg7[%dma_wait3A_3146, %dma_wait3A_3147, %dma_wait3A_3148] : memref<32x8x64xf32, #tpu.memory_space<vmem>> -> memref<1x8x64xf32, #tpu.memory_space<vmem>>
      %dma_wait3A_3150 = tpu.memref_squeeze %dma_wait3A_3149 : memref<1x8x64xf32, #tpu.memory_space<vmem>> -> memref<8x64xf32, #tpu.memory_space<vmem>>
      %dma_wait3A_3151 = arith.constant 0 : i32
      %dma_wait3A_3152 = arith.constant 0 : i32
      %dma_wait3A_3153 = tpu.memref_slice %arg3[%shift_right_arithmetic3A_681, %dma_wait3A_3151, %dma_wait3A_3152] : memref<125000x8x64xf32, #tpu.memory_space<hbm>> -> memref<1x8x64xf32, #tpu.memory_space<hbm>>
      %dma_wait3A_3154 = tpu.memref_squeeze %dma_wait3A_3153 : memref<1x8x64xf32, #tpu.memory_space<hbm>> -> memref<8x64xf32, #tpu.memory_space<hbm>>
      %dma_wait3A_3155 = arith.constant 0 : i32
      %dma_wait3A_3156 = arith.constant 0 : i32
      %dma_wait3A_3157 = tpu.memref_slice %arg7[%dma_wait3A_3146, %dma_wait3A_3155, %dma_wait3A_3156] : memref<32x8x64xf32, #tpu.memory_space<vmem>> -> memref<1x8x64xf32, #tpu.memory_space<vmem>>
      %dma_wait3A_3158 = tpu.memref_squeeze %dma_wait3A_3157 : memref<1x8x64xf32, #tpu.memory_space<vmem>> -> memref<8x64xf32, #tpu.memory_space<vmem>>
      %dma_wait3A_3159 = arith.constant 0 : i32
      %dma_wait3A_3160 = arith.constant 0 : i32
      %dma_wait3A_3161 = tpu.memref_slice %arg3[%shift_right_arithmetic3A_681, %dma_wait3A_3159, %dma_wait3A_3160] : memref<125000x8x64xf32, #tpu.memory_space<hbm>> -> memref<1x8x64xf32, #tpu.memory_space<hbm>>
      %dma_wait3A_3162 = tpu.memref_squeeze %dma_wait3A_3161 : memref<1x8x64xf32, #tpu.memory_space<hbm>> -> memref<8x64xf32, #tpu.memory_space<hbm>>
      tpu.wait_dma2 semaphore(%arg9 : memref<!tpu.dma_semaphore, #tpu.memory_space<semaphore_mem>>) src(%dma_wait3A_3162 : memref<8x64xf32, #tpu.memory_space<hbm>>) dst(%dma_wait3A_3158 : memref<8x64xf32, #tpu.memory_space<vmem>>)
      %and3A_3163 = arith.constant 7 : i32
      %and3A_3164 = arith.andi %squeeze3A_91, %and3A_3163 : i32
      %mul3A_3165 = arith.constant 16 : i32
      %mul3A_3166 = arith.muli %scan3A_13, %mul3A_3165 : i32
      %add3A_3167 = arith.constant 15 : i32
      %add3A_3168 = arith.addi %mul3A_3166, %add3A_3167 : i32
      %get3A_3169 = arith.constant 31 : i32
      %get3A_3170 = arith.index_cast %get3A_3169 : i32 to index
      %get3A_3171 = arith.index_cast %and3A_3164 : i32 to index
      %get3A_3172 = arith.constant 0 : index
      %get3A_3173 = tpu.vector_load %arg7[%get3A_3170, %get3A_3171, %get3A_3172] {strides = array<i32>} : memref<32x8x64xf32, #tpu.memory_space<vmem>>, vector<16xf32>,
      %mul3A_3174 = vector.broadcast %scan3A_4 : f32 to vector<16xf32>
      %mul3A_3175 = arith.mulf %get3A_3173, %mul3A_3174 : vector<16xf32>
      %get3A_3176 = arith.index_cast %add3A_3168 : i32 to index
      %get3A_3177 = arith.constant 64 : index
      %get3A_3178 = tpu.vector_load %arg8[%get3A_3176, %get3A_3177] {strides = array<i32>} : memref<128x128xf32, #tpu.memory_space<vmem>>, vector<16xf32>,
      %add3A_3179 = arith.addf %mul3A_3175, %get3A_3178 : vector<16xf32>
      %swap3A_3180 = arith.index_cast %add3A_3168 : i32 to index
      %swap3A_3181 = arith.constant 64 : index
      %swap3A_3182 = tpu.vector_load %arg8[%swap3A_3180, %swap3A_3181] {strides = array<i32>} : memref<128x128xf32, #tpu.memory_space<vmem>>, vector<16xf32>,
      tpu.vector_store %arg8[%swap3A_3180, %swap3A_3181], %add3A_3179 {strides = array<i32>} : memref<128x128xf32, #tpu.memory_space<vmem>>, vector<16xf32>,
      %get3A_3183 = arith.constant 31 : i32
      %get3A_3184 = arith.index_cast %get3A_3183 : i32 to index
      %get3A_3185 = arith.index_cast %and3A_3164 : i32 to index
      %get3A_3186 = arith.constant 16 : index
      %get3A_3187 = tpu.vector_load %arg7[%get3A_3184, %get3A_3185, %get3A_3186] {strides = array<i32>} : memref<32x8x64xf32, #tpu.memory_space<vmem>>, vector<16xf32>,
      %mul3A_3188 = vector.broadcast %scan3A_4 : f32 to vector<16xf32>
      %mul3A_3189 = arith.mulf %get3A_3187, %mul3A_3188 : vector<16xf32>
      %get3A_3190 = arith.index_cast %add3A_3168 : i32 to index
      %get3A_3191 = arith.constant 80 : index
      %get3A_3192 = tpu.vector_load %arg8[%get3A_3190, %get3A_3191] {strides = array<i32>} : memref<128x128xf32, #tpu.memory_space<vmem>>, vector<16xf32>,
      %add3A_3193 = arith.addf %mul3A_3189, %get3A_3192 : vector<16xf32>
      %swap3A_3194 = arith.index_cast %add3A_3168 : i32 to index
      %swap3A_3195 = arith.constant 80 : index
      %swap3A_3196 = tpu.vector_load %arg8[%swap3A_3194, %swap3A_3195] {strides = array<i32>} : memref<128x128xf32, #tpu.memory_space<vmem>>, vector<16xf32>,
      tpu.vector_store %arg8[%swap3A_3194, %swap3A_3195], %add3A_3193 {strides = array<i32>} : memref<128x128xf32, #tpu.memory_space<vmem>>, vector<16xf32>,
      %get3A_3197 = arith.constant 31 : i32
      %get3A_3198 = arith.index_cast %get3A_3197 : i32 to index
      %get3A_3199 = arith.index_cast %and3A_3164 : i32 to index
      %get3A_3200 = arith.constant 32 : index
      %get3A_3201 = tpu.vector_load %arg7[%get3A_3198, %get3A_3199, %get3A_3200] {strides = array<i32>} : memref<32x8x64xf32, #tpu.memory_space<vmem>>, vector<16xf32>,
      %mul3A_3202 = vector.broadcast %scan3A_4 : f32 to vector<16xf32>
      %mul3A_3203 = arith.mulf %get3A_3201, %mul3A_3202 : vector<16xf32>
      %get3A_3204 = arith.index_cast %add3A_3168 : i32 to index
      %get3A_3205 = arith.constant 96 : index
      %get3A_3206 = tpu.vector_load %arg8[%get3A_3204, %get3A_3205] {strides = array<i32>} : memref<128x128xf32, #tpu.memory_space<vmem>>, vector<16xf32>,
      %add3A_3207 = arith.addf %mul3A_3203, %get3A_3206 : vector<16xf32>
      %swap3A_3208 = arith.index_cast %add3A_3168 : i32 to index
      %swap3A_3209 = arith.constant 96 : index
      %swap3A_3210 = tpu.vector_load %arg8[%swap3A_3208, %swap3A_3209] {strides = array<i32>} : memref<128x128xf32, #tpu.memory_space<vmem>>, vector<16xf32>,
      tpu.vector_store %arg8[%swap3A_3208, %swap3A_3209], %add3A_3207 {strides = array<i32>} : memref<128x128xf32, #tpu.memory_space<vmem>>, vector<16xf32>,
      %get3A_3211 = arith.constant 31 : i32
      %get3A_3212 = arith.index_cast %get3A_3211 : i32 to index
      %get3A_3213 = arith.index_cast %and3A_3164 : i32 to index
      %get3A_3214 = arith.constant 48 : index
      %get3A_3215 = tpu.vector_load %arg7[%get3A_3212, %get3A_3213, %get3A_3214] {strides = array<i32>} : memref<32x8x64xf32, #tpu.memory_space<vmem>>, vector<16xf32>,
      %mul3A_3216 = vector.broadcast %scan3A_4 : f32 to vector<16xf32>
      %mul3A_3217 = arith.mulf %get3A_3215, %mul3A_3216 : vector<16xf32>
      %get3A_3218 = arith.index_cast %add3A_3168 : i32 to index
      %get3A_3219 = arith.constant 112 : index
      %get3A_3220 = tpu.vector_load %arg8[%get3A_3218, %get3A_3219] {strides = array<i32>} : memref<128x128xf32, #tpu.memory_space<vmem>>, vector<16xf32>,
      %add3A_3221 = arith.addf %mul3A_3217, %get3A_3220 : vector<16xf32>
      %swap3A_3222 = arith.index_cast %add3A_3168 : i32 to index
      %swap3A_3223 = arith.constant 112 : index
      %swap3A_3224 = tpu.vector_load %arg8[%swap3A_3222, %swap3A_3223] {strides = array<i32>} : memref<128x128xf32, #tpu.memory_space<vmem>>, vector<16xf32>,
      tpu.vector_store %arg8[%swap3A_3222, %swap3A_3223], %add3A_3221 {strides = array<i32>} : memref<128x128xf32, #tpu.memory_space<vmem>>, vector<16xf32>,
    }
    %scan3A_9 = arith.constant 8 : i32
    %mul3A_10 = arith.constant 128 : i32
    %mul3A_11 = arith.muli %add3A, %mul3A_10 : i32
    %multiple_of3A_12 = tpu.assume_multiple %mul3A_11, 128 : i32
    "tpu.region"() ({
      %run_scoped3A = tpu.sem_alloc : memref<!tpu.dma_semaphore, #tpu.memory_space<semaphore_mem>>
      %dma_start3A = arith.constant 0 : i32
      %dma_start3A_13 = tpu.memref_slice %arg5[%multiple_of3A_12, %dma_start3A] : memref<4096x128xf32, #tpu.memory_space<hbm>> -> memref<128x128xf32, #tpu.memory_space<hbm>>
      %dma_start3A_14 = arith.constant 0 : i32
      %dma_start3A_15 = tpu.memref_slice %arg5[%multiple_of3A_12, %dma_start3A_14] : memref<4096x128xf32, #tpu.memory_space<hbm>> -> memref<128x128xf32, #tpu.memory_space<hbm>>
      tpu.enqueue_dma source(%arg8 : memref<128x128xf32, #tpu.memory_space<vmem>>) target(%dma_start3A_15 : memref<128x128xf32, #tpu.memory_space<hbm>>) target_semaphore(%run_scoped3A : memref<!tpu.dma_semaphore, #tpu.memory_space<semaphore_mem>>)
      %dma_wait3A = arith.constant 0 : i32
      %dma_wait3A_16 = tpu.memref_slice %arg5[%multiple_of3A_12, %dma_wait3A] : memref<4096x128xf32, #tpu.memory_space<hbm>> -> memref<128x128xf32, #tpu.memory_space<hbm>>
      %dma_wait3A_17 = arith.constant 0 : i32
      %dma_wait3A_18 = tpu.memref_slice %arg5[%multiple_of3A_12, %dma_wait3A_17] : memref<4096x128xf32, #tpu.memory_space<hbm>> -> memref<128x128xf32, #tpu.memory_space<hbm>>
      tpu.wait_dma2 semaphore(%run_scoped3A : memref<!tpu.dma_semaphore, #tpu.memory_space<semaphore_mem>>) src(%arg8 : memref<128x128xf32, #tpu.memory_space<vmem>>) dst(%dma_wait3A_18 : memref<128x128xf32, #tpu.memory_space<hbm>>)
      tpu.yield
    }) : () -> ()
    return
  }
}

</mosaic_0001>

<sc_bundles>
// kernel: kernel.3.cloned.1.call-start
scs
__scs_entry_jumppad:
0x0: {  	(pc) =	sbr.rel $0x88, $3  }
0x1: {  	(tag) =	ssettag $0x0;
	lr =	simm.s32 $0x1  }
0x2: {  	[smem:$0x3F9E] =	sst lr;
	_ =	strace $0xD0000000  }
0x3: {  	_ = 	snop  }
0x4: {  	_ = 	snop  }
0x5: {  	_ = 	snop  }
0x6: {  	_ = 	snop  }
0x7: {  	_ = 	snop  }
__scs_overlays_trampoline_lowered:
0x8: {  	[smem:$0x3FAD] =	sst s0  }
0x9: {  	[smem:$0x3FAE] =	sst s1  }
0xa: {  	[smem:$0x3FAF] =	sst s2  }
0xb: {  	[smem:$0x3FB0] =	sst s3  }
0xc: {  	[smem:$0x3FB1] =	sst s4  }
0xd: {  	[smem:$0x3FB2] =	sst s5  }
0xe: {  	[smem:$0x3FB3] =	sst s6  }
0xf: {  	[smem:$0x3FB4] =	sst s7  }
0x10: {  	[smem:$0x3FB5] =	sst s8  }
0x11: {  	[smem:$0x3FB6] =	sst s9;
	s0 =	simm.s32 @!p0 $0x0  }
0x12: {  	s1 =	sld [smem:$0x3F9C];
	s0 =	simm.s32 @p0 $0x1  }
0x13: {  	[smem:$0x3FB7] =	sst s0;
	s0 =	simm.s32 @!p1 $0x0  }
0x14: {  	s2 =	sld [smem:$0x3F9B];
	s0 =	simm.s32 @p1 $0x1  }
0x15: {  	[smem:$0x3FB8] =	sst s0;
	s0 =	simm.s32 @!p2 $0x0  }
0x16: {  	s3 =	sld [smem:$0x3FDB];
	s0 =	simm.s32 @p2 $0x1  }
0x17: {  	s4 =	simm.s32 $0x1BF5;
	[smem:$0x3FBA] =	sst s0  }
0x18: {  	s0 =	sld [smem:$0x3F9D];
	_ =	swait.ge [sflag:s4], $0x0  }
0x19: {  	s7 =	sld [smem:$0x3F9E]  }
0x1a: {  	s8 =	sadd.s32 $0xFFFFE003, lr  }
0x1b: {  	s9 =	sadd.s32 $0xFFFFFEF7, lr;
	s5 =	simm.s32 $0xFFFFFFFF;
	p2 =	slt.u32 s8, $0xFFFFF086  }
0x1c: {  	p1 =	slt.u32 s9, $0xF7A;
	s5 =	simm.s32 @!p2 $0x0  }
0x1d: {  	s5 =	simm.s32 @p1 $0x1;
	p0 =	seq.s32 s7, s2  }
0x1e: {  	s7 =	smul.u32 @!p0 $0xF7A, s2;
	p2 =	seq.s32 @!p0 s5, $0x0  }
0x1f: {  	s9 =	smul.u32 $0xF7A, s1;
	s8 =	simm.s32 @!p0 $0x1BF5;
	p2 =	por !p2, p0  }
0x20: {  	[sflag:s8] =	ssyncset.s32 @!p0 $0xFFFFF086;
	s6 =	sadd.s32 @!p0 s3, s7;
	s7 =	simm.s32 @!p0 $0x108  }
0x21: {  	s3 =	sadd.s32 s3, s9;
	s6 =	sadd.s32 @!p0 $0x88, s6;
	s7 =	simm.s32 @p2 $0x1082  }
0x22: {  	[simem:s7], [sflag:s8] =	dma.local @!p0 [hbm:s6], $0xF7A  }
0x23: {  	s9 =	sor.u32 $0xD0000000, s2;
	s6 =	simm.s32 $0x108;
	_ =	swait.ge @!p0 [sflag:s8], $0x0  }
0x24: {  	s3 =	sadd.s32 $0x88, s3;
	s6 =	simm.s32 @!p1 $0x1082;
	[sflag:s4] =	ssyncset.s32 $0xFFFFF086  }
0x25: {  	[simem:s6], [sflag:s4] =	dma.local [hbm:s3], $0xF7A  }
0x26: {  	[smem:$0x3F9E] =	sst s1;
	(tag) =	ssettag s2;
	_ =	strace s9  }
0x27: {  	s1 =	sld [smem:$0x3FAE]  }
0x28: {  	s2 =	sld [smem:$0x3FAF]  }
0x29: {  	s4 =	sld [smem:$0x3FB1]  }
0x2a: {  	p0 =	seq.s32 s5, $0x0;
	s5 =	sld [smem:$0x3FB2]  }
0x2b: {  	s6 =	sld [smem:$0x3FB3]  }
0x2c: {  	s7 =	sld [smem:$0x3FB4]  }
0x2d: {  	s3 =	simm.s32 $0x108;
	s8 =	sld [smem:$0x3FB5]  }
0x2e: {  	s3 =	simm.s32 @!p0 $0x1082;
	s9 =	sld [smem:$0x3FB6]  }
0x2f: {  	lr =	sadd.s32 s0, s3;
	s0 =	sld [smem:$0x3FAD]  }
0x30: {  	s3 =	sld [smem:$0x3FB0]  }
0x31: {  	[smem:$0x3FB9] =	sst s10  }
0x32: {  	s10 =	sld [smem:$0x3FB7];
	_ =	sdelay $0x3  }
0x33: {  	p0 =	seq.s32 s10, $0x1;
	s10 =	sld [smem:$0x3FB9];
	_ =	sdelay $0x3  }
0x34: {  	[smem:$0x3FB9] =	sst s10  }
0x35: {  	s10 =	sld [smem:$0x3FB8];
	_ =	sdelay $0x3  }
0x36: {  	p1 =	seq.s32 s10, $0x1;
	s10 =	sld [smem:$0x3FB9];
	_ =	sdelay $0x3  }
0x37: {  	[smem:$0x3FB9] =	sst s10  }
0x38: {  	s10 =	sld [smem:$0x3FBA]  }
0x39: {  	_ = 	snop;
	(pc) =	sbr.ind lr, $3  }
0x3a: {  	_ = 	snop  }
0x3b: {  	_ = 	snop  }
0x3c: {  	p2 =	seq.s32 s10, $0x1;
	s10 =	sld [smem:$0x3FB9]  }
0x3d: {  	_ =	shalt  }
0x3e: {  	_ =	shalt  }
0x3f: {  	_ =	shalt  }
0x40: {  	_ =	shalt  }
0x41: {  	_ =	shalt  }
0x42: {  	_ =	shalt  }
0x43: {  	_ =	shalt  }
0x44: {  	_ =	shalt  }
0x45: {  	_ =	shalt  }
0x46: {  	_ =	shalt  }
0x47: {  	_ =	shalt  }
0x48: {  	_ =	shalt  }
0x49: {  	_ =	shalt  }
0x4a: {  	_ =	shalt  }
0x4b: {  	_ =	shalt  }
0x4c: {  	_ =	shalt  }
0x4d: {  	_ =	shalt  }
0x4e: {  	_ =	shalt  }
0x4f: {  	_ =	shalt  }
0x50: {  	_ =	shalt  }
0x51: {  	_ =	shalt  }
0x52: {  	_ =	shalt  }
0x53: {  	_ =	shalt  }
0x54: {  	_ =	shalt  }
0x55: {  	_ =	shalt  }
0x56: {  	_ =	shalt  }
0x57: {  	_ =	shalt  }
0x58: {  	_ =	shalt  }
0x59: {  	_ =	shalt  }
0x5a: {  	_ =	shalt  }
0x5b: {  	_ =	shalt  }
0x5c: {  	_ =	shalt  }
0x5d: {  	_ =	shalt  }
0x5e: {  	_ =	shalt  }
0x5f: {  	_ =	shalt  }
0x60: {  	_ =	shalt  }
0x61: {  	_ =	shalt  }
0x62: {  	_ =	shalt  }
0x63: {  	_ =	shalt  }
0x64: {  	_ =	shalt  }
0x65: {  	_ =	shalt  }
0x66: {  	_ =	shalt  }
0x67: {  	_ =	shalt  }
0x68: {  	_ =	shalt  }
0x69: {  	_ =	shalt  }
0x6a: {  	_ =	shalt  }
0x6b: {  	_ =	shalt  }
0x6c: {  	_ =	shalt  }
0x6d: {  	_ =	shalt  }
0x6e: {  	_ =	shalt  }
0x6f: {  	_ =	shalt  }
0x70: {  	_ =	shalt  }
0x71: {  	_ =	shalt  }
0x72: {  	_ =	shalt  }
0x73: {  	_ =	shalt  }
0x74: {  	_ =	shalt  }
0x75: {  	_ =	shalt  }
0x76: {  	_ =	shalt  }
0x77: {  	_ =	shalt  }
0x78: {  	_ =	shalt  }
0x79: {  	_ =	shalt  }
0x7a: {  	_ =	shalt  }
0x7b: {  	_ =	shalt  }
0x7c: {  	_ =	shalt  }
0x7d: {  	_ =	shalt  }
0x7e: {  	_ =	shalt  }
0x7f: {  	_ =	shalt  }
0x80: {  	_ =	shalt  }
0x81: {  	_ =	shalt  }
0x82: {  	_ =	shalt  }
0x83: {  	_ =	shalt  }
0x84: {  	_ =	shalt  }
0x85: {  	_ =	shalt  }
0x86: {  	_ =	shalt  }
0x87: {  	_ =	shalt  }
.Lfunc_end0:
.L_simem_size_0:
called_computation_lowered:
.L_overlay_start_0:
0x88: {  	s2 =	sld [smem:$0x3FD9]  }
0x89: {  	s3 =	sld [smem:$0x3FFE];
	_ =	sdelay $0x1  }
0x8a: {  	s1 =	srdreg.scid  }
0x8b: {  	s0 =	sand.u32 $0x1, s1  }
0x8c: {  	s17 =	sshll.u32 s0, $0xA;
	s2 =	sadd.s32 s3, s2  }
0x8d: {  	s2 =	sadd.s32 s2, s17  }
0x8e: {  	[smem:$0x3FC5] =	sst s2  }
0x8f: {  	_ = 	snop  }
0x90: {  	s2 =	sld [smem:$0x3FD0];
	(tm) =	ssettm $0x1  }
0x91: {  	s18 =	sld [smem:$0x3FFB];
	_ =	sdelay $0x3  }
0x92: {  	_ =	strace s18  }
0x93: {  	s3 =	sld [smem:$0x3FFC];
	_ =	sdelay $0x3  }
0x94: {  	_ =	strace s3  }
0x95: {  	s3 =	sld [smem:$0x3FFD];
	_ =	sdelay $0x3  }
0x96: {  	_ =	strace s3  }
0x97: {  	_ =	strace $0x8FFFFFFF  }
0x98: {  	s19 =	sld [smem:$0x3FDB];
	_ =	sdelay $0x1  }
0x99: {  	s4 =	simm.s32 $_scs_section_size  }
0x9a: {  	s5 =	simm.s32 $_size__tile_overlayer_lowered;
	s6 =	simm.s32 $_tile_overlayer_lowered  }
0x9b: {  	s22 =	simm.s32 $0x1BFF;
	s21 =	sshll.u32 s6, $0x1;
	s3 =	sadd.s32 s4, s19  }
0x9c: {  	s7 =	simm.s32 $0x0;
	s20 =	sshll.u32 s5, $0x1;
	s5 =	sadd.s32 s21, s3  }
0x9d: {  	[timem:s7], [sflag:s22] =	dma.local [hbm:s5], s20  }
0x9e: {  	_ =	swait.ge [sflag:s22], s20  }
0x9f: {  	s4 =	ssub.s32 $0x0, s20;
	[sflag:s22] =	ssyncset.done $0x0  }
0xa0: {  	[sflag:s22] =	ssyncadd.s32 s4;
	_ =	sdelay $0x1  }
0xa1: {  	s23 =	simm.s32 $0x1B8B  }
0xa2: {  	_ =	swait.ge [sflag:s23], $0x1  }
0xa3: {  	[sflag:s23] =	ssyncset.done $0x0  }
0xa4: {  	s25 =	simm.s32 $0x1B8E;
	s24 =	sld [smem:$0x3FFE];
	[sflag:s23] =	ssyncadd.s32 $0xFFFFFFFF  }
0xa5: {  	s26 =	simm.s32 $execute0_lowered;
	[smem:$0x3FD2] =	sst s25  }
0xa6: {  	s5 =	sshll.u32 s26, $0x1;
	_ =	strace $0x80000046;
	[dreg:$0x1] =	wrdreg $0xFFFFFFFF  }
0xa7: {  	s28 =	simm.s32 $_size_execute0_lowered;
	s3 =	sadd.s32 s3, s5;
	[dreg:$0x0] =	wrdreg $0x0  }
0xa8: {  	s5 =	sshll.u32 s28, $0x1;
	[dreg:$0x2] =	wrdreg s3  }
0xa9: {  	[dreg:$0x3] =	wrdreg s5  }
0xaa: {  	[dreg:$0x4] =	wrdreg $0xC0  }
0xab: {  	_ =	task [dreg:s7], $0x5FFFF  }
0xac: {  	[dreg:$0x1] =	wrdreg $0xFFFFFFFF  }
0xad: {  	[dreg:$0x0] =	wrdreg $0x60  }
0xae: {  	[dreg:$0x2] =	wrdreg s24  }
0xaf: {  	[dreg:$0x3] =	wrdreg s2  }
0xb0: {  	[dreg:$0x4] =	wrdreg $0x9  }
0xb1: {  	_ =	task.clear_ibuf [dreg:s7], $0x5FFFF;
	_ =	strace $0x90000046  }
0xb2: {  	s29 =	simm.s32 $0x9;
	_ =	strace $0x80000048  }
0xb3: {  	_ =	swait.ge [sflag:s29], $0x1  }
0xb4: {  	[sflag:s29] =	ssyncadd.s32 $0xFFFFFFFF  }
0xb5: {  	_ =	strace $0x90000048  }
0xb6: {  	_ =	sfence  }
0xb7: {  	s30 =	sld [smem:$0x0];
	_ =	sdelay $0x2  }
0xb8: {  	s31 =	sshll.u32 s1, $0xD;
	s1 =	sshrl.u32 s1, $0x2  }
0xb9: {  	s3 =	sand.u32 $0x4000, s31;
	s1 =	sadd.s32 s1, s30  }
0xba: {  	s0 =	sor.u32 s3, s0;
	s1 =	sshll.u32 s1, $0x11  }
0xbb: {  	s0 =	sor.u32 s1, s0  }
0xbc: {  	s0 =	sadd.s32 $0x8F2B, s0  }
0xbd: {  	[sflag:s0] =	ssyncadd.remote.s32 $0x1  }
0xbe: {  	_ =	sfence.sel $0xFFFF  }
0xbf: {  	[dreg:$0x0] =	wrdreg $0xFFFFFFFF;
	(pc) =	sbr.abs _section_cstart, $3  }
0xc0: {  	[dreg:$0x1] =	wrdreg $0xFFFFFFFF  }
0xc1: {  	_ =	task.clear_ibuf [dreg:s7], $0x2FFFF;
	_ =	strace $0x9FFFFFFF  }
0xc2: {  	(tm) =	ssettm $0x7FFFFFFF  }
0xc3: {  	_ =	shalt  }
tec
execute0_lowered:
.L_overlay_start_1:
0x0: {  	(tag) =	ssettag $0x1  }
0x1: {  	s1 =	rddreg [dreg:$0x0]  }
0x2: {  	s0 =	rddreg [dreg:$0x1];
	s2 =	simm.s32 $0x0  }
0x3: {  	s22 =	simm.s32 $0x2000;
	[smem:$0x7FF] =	sst s2  }
0x4: {  	s23 =	simm.s32 $0x2400;
	_ =	strace $0x80000047;
	[dreg:$0x4] =	wrdreg s22  }
0x5: {  	s24 =	simm.s32 $0x2800;
	[dreg:$0x5] =	wrdreg s23  }
0x6: {  	s25 =	simm.s32 $0x2C00;
	[dreg:$0x6] =	wrdreg s24  }
0x7: {  	s26 =	simm.s32 $0x3000;
	[dreg:$0x7] =	wrdreg s25  }
0x8: {  	s28 =	simm.s32 $0x3400;
	[dreg:$0x8] =	wrdreg s26  }
0x9: {  	s29 =	simm.s32 $0x3800;
	[dreg:$0x9] =	wrdreg s28  }
0xa: {  	s30 =	simm.s32 $0x3C00;
	[dreg:$0xa] =	wrdreg s29  }
0xb: {  	s31 =	simm.s32 $0x4000;
	[dreg:$0xb] =	wrdreg s30  }
0xc: {  	s2 =	simm.s32 $0x4400;
	[dreg:$0xc] =	wrdreg s31  }
0xd: {  	s6 =	simm.s32 $0x4800;
	[dreg:$0xd] =	wrdreg s2  }
0xe: {  	s7 =	simm.s32 $0x4C00;
	[dreg:$0xe] =	wrdreg s6  }
0xf: {  	s8 =	simm.s32 $0x5000;
	[dreg:$0xf] =	wrdreg s7  }
0x10: {  	s9 =	simm.s32 $0x5400;
	[dreg:$0x10] =	wrdreg s8  }
0x11: {  	s10 =	simm.s32 $0x5800;
	[dreg:$0x11] =	wrdreg s9  }
0x12: {  	s11 =	simm.s32 $0x5C00;
	[dreg:$0x12] =	wrdreg s10  }
0x13: {  	s12 =	simm.s32 $0x6000;
	[dreg:$0x13] =	wrdreg s11  }
0x14: {  	s13 =	simm.s32 $0x6400;
	[dreg:$0x14] =	wrdreg s12  }
0x15: {  	s14 =	simm.s32 $0x6800;
	[dreg:$0x15] =	wrdreg s13  }
0x16: {  	s15 =	simm.s32 $0x6C00;
	[dreg:$0x16] =	wrdreg s14  }
0x17: {  	s16 =	simm.s32 $0x7000;
	[dreg:$0x17] =	wrdreg s15  }
0x18: {  	s17 =	simm.s32 $0x7400;
	[dreg:$0x18] =	wrdreg s16  }
0x19: {  	s18 =	simm.s32 $0x7800;
	[dreg:$0x19] =	wrdreg s17  }
0x1a: {  	s19 =	simm.s32 $0x7C00;
	[dreg:$0x1a] =	wrdreg s18  }
0x1b: {  	s20 =	simm.s32 $0x8000;
	[dreg:$0x1b] =	wrdreg s19  }
0x1c: {  	s6 =	sadd.s32 $0x400, s1;
	[dreg:$0x1c] =	wrdreg s20  }
0x1d: {  	s3 =	srdreg.scid;
	s22 =	simm.s32 $0x8400;
	[smem:$0x7F6] =	sst s6  }
0x1e: {  	s4 =	stileid.u32;
	s23 =	simm.s32 $0x8800;
	[dreg:$0x1d] =	wrdreg s22  }
0x1f: {  	s3 =	sand.u32 $0x1, s3;
	s25 =	simm.s32 $0x8C00;
	[dreg:$0x1e] =	wrdreg s23  }
0x20: {  	s4 =	sshll.u32 s4, $0x1;
	s26 =	simm.s32 $0x9000;
	[dreg:$0x1f] =	wrdreg s25  }
0x21: {  	s5 =	sor.u32 s3, s4;
	s29 =	simm.s32 $0x9400;
	[smem:$0x7FA] =	sst s26  }
0x22: {  	s24 =	sadd.s32 $0x4800, s1;
	s30 =	simm.s32 $0x9800;
	[smem:$0x7FB] =	sst s29  }
0x23: {  	s3 =	ssub.s32 $0x2, s3;
	s31 =	simm.s32 $0x9C00;
	[smem:$0x7FC] =	sst s30  }
0x24: {  	s10 =	simm.s32 $0x1;
	s4 =	sshll.u32 s5, $0x8;
	[smem:$0x7FD] =	sst s31  }
0x25: {  	s5 =	sshll.u32 s5, $0xB;
	s21 =	sshrl.u32 s3, $0x1;
	[dreg:$0x3] =	wrdreg s4  }
0x26: {  	s7 =	sand.u32 $0x3800, s5;
	s3 =	ssub.s32 s3, s21;
	s0 =	sadd.s32 s0, s5  }
0x27: {  	s1 =	sadd.s32 s7, s1;
	[smem:$0x7F8] =	sst s0;
	s28 =	smax.u32 s3, $0x1  }
0x28: {  	s5 =	simm.s32 $0x0;
	s1 =	sadd.s32 $0x800, s1;
	[smem:$0x7F9] =	sst s28  }
0x29: {  	s3 =	simm.s32 $0xA000;
	[smem:$0x7F7] =	sst s1;
	s1 =	simm.s32 $0x2  }
.LBB2_1:
0x2a: {  	s0 =	sld [smem:$0x7F6];
	_ =	sdelay $0x1  }
0x2b: {  	[smem:$0x7F5] =	sst s5;
	s2 =	simm.s32 $0x0  }
0x2c: {  	[tilespmem:s2], [sflag:$0x2] =	stream.linear.gather [hbm4b:s0+s2], $0x2000, $0x38;
	[tilespmem:$0xE000] =	vst v63  }
0x2d: {  	_ =	swait.ge [sflag:s1], $0x2000  }
0x2e: {  	s31 =	sld [smem:$0x7F7]  }
0x2f: {  	[sflag:s1] =	ssyncset.done $0x0  }
0x30: {  	[sflag:s1] =	ssyncadd.s32 $0xFFFFE000  }
0x31: {  	[tilespmem:s3], [sflag:$0x2] =	stream.linear.gather [hbm4b:s31+s2], $0x4000, $0x38;
	[tilespmem:$0xE000] =	vst v63  }
0x32: {  	_ =	swait.ge [sflag:s1], $0x4000  }
0x33: {  	[sflag:s1] =	ssyncset.done $0x0  }
0x34: {  	[sflag:s1] =	ssyncadd.s32 $0xFFFFC000;
	s1 =	simm.s32 $0x0  }
.LBB2_2:
0x35: {  	[smem:$0x7EC] =	sst s1  }
0x36: {  	s1 =	sld [smem:$0x7EC];
	_ =	sdelay $0x2  }
0x37: {  	s1 =	sshll.u32 s1, $0x5  }
0x38: {  	s0 =	rddreg [dreg:$0x3];
	s3 =	sand.u32 $0x80, s1  }
0x39: {  	s1 =	sand.u32 $0x60, s1;
	s0 =	sadd.s32 s3, s0  }
0x3a: {  	s0 =	sadd.s32 s1, s0  }
0x3b: {  	v0 =	vld [tilespmem:s0+$0x0];
	_ =	sdelay $0x4  }
0x3c: {  	(v2sf) =	vpush v0, $0x0  }
0x3d: {  	(v2sf) =	vpush v0, $0x1  }
0x3e: {  	(v2sf) =	vpush v0, $0x2  }
0x3f: {  	(v2sf) =	vpush v0, $0x3;
	_ =	sdelay $0x1  }
0x40: {  	(v2sf) =	vpush v0, $0x4;
	_ =	sdelay $0x2  }
0x41: {  	(v2sf) =	vpush v0, $0x5;
	_ =	sdelay $0x1  }
0x42: {  	s5 =	rddreg [dreg:$0x4];
	(v2sf) =	vpush v0, $0x6  }
0x43: {  	s13 =	rddreg [dreg:$0x5];
	(v2sf) =	vpush v0, $0x7  }
0x44: {  	s19 =	rddreg [dreg:$0x6]  }
0x45: {  	s30 =	rddreg [dreg:$0x7];
	(v2sf) =	vpush v0, $0x8  }
0x46: {  	s16 =	rddreg [dreg:$0x9];
	(v2sf) =	vpush v0, $0x9  }
0x47: {  	s21 =	rddreg [dreg:$0xa];
	s18 =	spop (v2sf)  }
0x48: {  	v1 =	vld [tilespmem:s0+$0x10];
	s0 =	simm.s32 $0x0;
	(v2sf) =	vpush v0, $0xA;
	s25 =	spop (v2sf);
	s26 =	sshll.u32 s18, $0x4  }
0x49: {  	(v2sf) =	vpush v0, $0xB;
	s6 =	spop (v2sf);
	s3 =	sand.u32 $0x1FFFFF80, s26;
	s28 =	sshll.u32 s25, $0x4  }
0x4a: {  	[smem:$0x7E8] =	sst s6;
	s7 =	spop (v2sf);
	s3 =	sadd.s32 s24, s3  }
0x4b: {  	(v2sf) =	vpush v0, $0xC;
	[tilespmem:s5], [sflag:$0x1] =	stream.linear.gather [hbm4b:s3+s0], $0x400, $0x38;
	[tilespmem:$0xE000] =	vst v63  }
0x4c: {  	s14 =	sshll.u32 s6, $0x4;
	s12 =	spop (v2sf);
	s3 =	sand.u32 $0x1FFFFF80, s28  }
0x4d: {  	(v2sf) =	vpush v0, $0xD;
	s20 =	sand.u32 $0x1FFFFF80, s14;
	s29 =	sshll.u32 s7, $0x4;
	s3 =	sadd.s32 s24, s3  }
0x4e: {  	(v2sf) =	vpush v0, $0xE;
	[tilespmem:s13], [sflag:$0x1] =	stream.linear.gather [hbm4b:s3+s0], $0x400, $0x38;
	[tilespmem:$0xE000] =	vst v63  }
0x4f: {  	(v2sf) =	vpush v0, $0xF;
	s15 =	spop (v2sf);
	s20 =	sadd.s32 s24, s20;
	s31 =	sshll.u32 s12, $0x4  }
0x50: {  	[tilespmem:s19], [sflag:$0x1] =	stream.linear.gather [hbm4b:s20+s0], $0x400, $0x38;
	[tilespmem:$0xE000] =	vst v63  }
0x51: {  	(v2sf) =	vpush v1, $0x0;
	[smem:$0x7EB] =	sst s15;
	s17 =	spop (v2sf);
	s19 =	sand.u32 $0x1FFFFF80, s29  }
0x52: {  	(v2sf) =	vpush v1, $0x1;
	s13 =	rddreg [dreg:$0x8];
	s23 =	spop (v2sf);
	s19 =	sadd.s32 s24, s19  }
0x53: {  	[tilespmem:s30], [sflag:$0x1] =	stream.linear.gather [hbm4b:s19+s0], $0x400, $0x38;
	[tilespmem:$0xE000] =	vst v63  }
0x54: {  	s15 =	sshll.u32 s15, $0x4;
	s9 =	spop (v2sf);
	s19 =	sand.u32 $0x1FFFFF80, s31  }
0x55: {  	(v2sf) =	vpush v1, $0x2;
	[smem:$0x7ED] =	sst s17;
	s4 =	spop (v2sf);
	s19 =	sadd.s32 s24, s19  }
0x56: {  	(v2sf) =	vpush v1, $0x3;
	[tilespmem:s13], [sflag:$0x1] =	stream.linear.gather [hbm4b:s19+s0], $0x400, $0x38;
	[tilespmem:$0xE000] =	vst v63  }
0x57: {  	s17 =	sshll.u32 s17, $0x4;
	s1 =	spop (v2sf);
	s19 =	sand.u32 $0x1FFFFF80, s15  }
0x58: {  	(v2sf) =	vpush v1, $0x4;
	s17 =	sand.u32 $0x1FFFFF80, s17;
	s2 =	spop (v2sf);
	s19 =	sadd.s32 s24, s19  }
0x59: {  	[tilespmem:s16], [sflag:$0x1] =	stream.linear.gather [hbm4b:s19+s0], $0x400, $0x38;
	[tilespmem:$0xE000] =	vst v63  }
0x5a: {  	[smem:$0x7E9] =	sst s7;
	s17 =	sadd.s32 s24, s17;
	s22 =	spop (v2sf)  }
0x5b: {  	(v2sf) =	vpush v1, $0x5;
	[tilespmem:s21], [sflag:$0x1] =	stream.linear.gather [hbm4b:s17+s0], $0x400, $0x38;
	[tilespmem:$0xE000] =	vst v63  }
0x5c: {  	[smem:$0x7EA] =	sst s12;
	(v2sf) =	vpush v1, $0x6;
	s3 =	spop (v2sf);
	s21 =	sshll.u32 s23, $0x4  }
0x5d: {  	[smem:$0x7EE] =	sst s23;
	s6 =	spop (v2sf);
	s17 =	sand.u32 $0x1FFFFF80, s21  }
0x5e: {  	(v2sf) =	vpush v1, $0x7;
	s23 =	rddreg [dreg:$0xb];
	s5 =	spop (v2sf);
	s17 =	sadd.s32 s24, s17  }
0x5f: {  	(v2sf) =	vpush v1, $0x8;
	[tilespmem:s23], [sflag:$0x1] =	stream.linear.gather [hbm4b:s17+s0], $0x400, $0x38;
	[tilespmem:$0xE000] =	vst v63  }
0x60: {  	[smem:$0x7EF] =	sst s9;
	s11 =	spop (v2sf);
	s23 =	sshll.u32 s9, $0x4  }
0x61: {  	[smem:$0x7F0] =	sst s2;
	(v2sf) =	vpush v1, $0x9;
	s8 =	spop (v2sf);
	s17 =	sand.u32 $0x1FFFFF80, s23  }
0x62: {  	(v2sf) =	vpush v1, $0xA;
	s9 =	rddreg [dreg:$0xc];
	s23 =	sshll.u32 s4, $0x4;
	s17 =	sadd.s32 s24, s17  }
0x63: {  	(v2sf) =	vpush v1, $0xB;
	[tilespmem:s9], [sflag:$0x1] =	stream.linear.gather [hbm4b:s17+s0], $0x400, $0x38;
	[tilespmem:$0xE000] =	vst v63  }
0x64: {  	s21 =	sshll.u32 s1, $0x4;
	(v2sf) =	vpush v1, $0xC;
	s7 =	spop (v2sf);
	s17 =	sand.u32 $0x1FFFFF80, s23  }
0x65: {  	(v2sf) =	vpush v1, $0xD;
	s12 =	spop (v2sf);
	s9 =	rddreg [dreg:$0xd];
	s17 =	sadd.s32 s24, s17  }
0x66: {  	(v2sf) =	vpush v1, $0xE;
	[tilespmem:s9], [sflag:$0x1] =	stream.linear.gather [hbm4b:s17+s0], $0x400, $0x38;
	[tilespmem:$0xE000] =	vst v63  }
0x67: {  	(v2sf) =	vpush v1, $0xF;
	s14 =	spop (v2sf);
	s23 =	smov.u32 s1;
	s17 =	sand.u32 $0x1FFFFF80, s21  }
0x68: {  	s9 =	rddreg [dreg:$0xe];
	s21 =	sshll.u32 s2, $0x4;
	s17 =	sadd.s32 s24, s17  }
0x69: {  	[tilespmem:s9], [sflag:$0x1] =	stream.linear.gather [hbm4b:s17+s0], $0x400, $0x38;
	[tilespmem:$0xE000] =	vst v63  }
0x6a: {  	s1 =	rddreg [dreg:$0xf];
	s31 =	spop (v2sf);
	s17 =	sand.u32 $0x1FFFFF80, s21  }
0x6b: {  	s30 =	spop (v2sf);
	s2 =	sshll.u32 s22, $0x4;
	s17 =	sadd.s32 s24, s17  }
0x6c: {  	[tilespmem:s1], [sflag:$0x1] =	stream.linear.gather [hbm4b:s17+s0], $0x400, $0x38;
	[tilespmem:$0xE000] =	vst v63  }
0x6d: {  	[smem:$0x7E7] =	sst s25;
	s29 =	spop (v2sf);
	s17 =	sand.u32 $0x1FFFFF80, s2  }
0x6e: {  	s9 =	rddreg [dreg:$0x10];
	s17 =	sadd.s32 s24, s17;
	s19 =	spop (v2sf)  }
0x6f: {  	[tilespmem:s9], [sflag:$0x1] =	stream.linear.gather [hbm4b:s17+s0], $0x400, $0x38;
	[tilespmem:$0xE000] =	vst v63  }
0x70: {  	[smem:$0x7F1] =	sst s5;
	s20 =	spop (v2sf)  }
0x71: {  	[smem:$0x7F2] =	sst s7;
	s28 =	spop (v2sf)  }
0x72: {  	[smem:$0x7F3] =	sst s12;
	s26 =	spop (v2sf)  }
0x73: {  	[smem:$0x7F4] =	sst s14;
	s25 =	spop (v2sf)  }
0x74: {  	s1 =	sshll.u32 s3, $0x4;
	s2 =	smov.u32 s3;
	s13 =	spop (v2sf)  }
0x75: {  	s3 =	rddreg [dreg:$0x11];
	s17 =	sand.u32 $0x1FFFFF80, s1;
	s15 =	spop (v2sf)  }
0x76: {  	s9 =	sshll.u32 s6, $0x4;
	s17 =	sadd.s32 s24, s17;
	s16 =	spop (v2sf)  }
0x77: {  	[tilespmem:s3], [sflag:$0x1] =	stream.linear.gather [hbm4b:s17+s0], $0x400, $0x38;
	[tilespmem:$0xE000] =	vst v63  }
0x78: {  	s17 =	sand.u32 $0x1FFFFF80, s9  }
0x79: {  	s1 =	sshll.u32 s5, $0x4;
	s21 =	rddreg [dreg:$0x12];
	s17 =	sadd.s32 s24, s17  }
0x7a: {  	[tilespmem:s21], [sflag:$0x1] =	stream.linear.gather [hbm4b:s17+s0], $0x400, $0x38;
	[tilespmem:$0xE000] =	vst v63  }
0x7b: {  	s3 =	smov.u32 s6;
	s17 =	sand.u32 $0x1FFFFF80, s1  }
0x7c: {  	s6 =	sshll.u32 s11, $0x4;
	s5 =	rddreg [dreg:$0x13];
	s17 =	sadd.s32 s24, s17  }
0x7d: {  	[tilespmem:s5], [sflag:$0x1] =	stream.linear.gather [hbm4b:s17+s0], $0x400, $0x38;
	[tilespmem:$0xE000] =	vst v63  }
0x7e: {  	s17 =	sand.u32 $0x1FFFFF80, s6  }
0x7f: {  	s9 =	rddreg [dreg:$0x14];
	s1 =	sshll.u32 s8, $0x4;
	s17 =	sadd.s32 s24, s17  }
0x80: {  	[tilespmem:s9], [sflag:$0x1] =	stream.linear.gather [hbm4b:s17+s0], $0x400, $0x38;
	[tilespmem:$0xE000] =	vst v63  }
0x81: {  	s17 =	sand.u32 $0x1FFFFF80, s1  }
0x82: {  	s5 =	rddreg [dreg:$0x15];
	s6 =	sshll.u32 s7, $0x4;
	s17 =	sadd.s32 s24, s17  }
0x83: {  	[tilespmem:s5], [sflag:$0x1] =	stream.linear.gather [hbm4b:s17+s0], $0x400, $0x38;
	[tilespmem:$0xE000] =	vst v63  }
0x84: {  	s17 =	sand.u32 $0x1FFFFF80, s6  }
0x85: {  	s7 =	rddreg [dreg:$0x16];
	s9 =	sshll.u32 s12, $0x4;
	s17 =	sadd.s32 s24, s17  }
0x86: {  	[tilespmem:s7], [sflag:$0x1] =	stream.linear.gather [hbm4b:s17+s0], $0x400, $0x38;
	[tilespmem:$0xE000] =	vst v63  }
0x87: {  	s17 =	sand.u32 $0x1FFFFF80, s9  }
0x88: {  	s21 =	sshll.u32 s14, $0x4;
	s12 =	rddreg [dreg:$0x17];
	s17 =	sadd.s32 s24, s17  }
0x89: {  	[tilespmem:s12], [sflag:$0x1] =	stream.linear.gather [hbm4b:s17+s0], $0x400, $0x38;
	[tilespmem:$0xE000] =	vst v63  }
0x8a: {  	s17 =	sand.u32 $0x1FFFFF80, s21  }
0x8b: {  	s1 =	rddreg [dreg:$0x18];
	s5 =	sshll.u32 s31, $0x4;
	s17 =	sadd.s32 s24, s17  }
0x8c: {  	[tilespmem:s1], [sflag:$0x1] =	stream.linear.gather [hbm4b:s17+s0], $0x400, $0x38;
	[tilespmem:$0xE000] =	vst v63  }
0x8d: {  	s17 =	sand.u32 $0x1FFFFF80, s5  }
0x8e: {  	s6 =	rddreg [dreg:$0x19];
	s7 =	sshll.u32 s30, $0x4;
	s17 =	sadd.s32 s24, s17  }
0x8f: {  	[tilespmem:s6], [sflag:$0x1] =	stream.linear.gather [hbm4b:s17+s0], $0x400, $0x38;
	[tilespmem:$0xE000] =	vst v63  }
0x90: {  	s17 =	sand.u32 $0x1FFFFF80, s7  }
0x91: {  	s9 =	rddreg [dreg:$0x1a];
	s12 =	sshll.u32 s29, $0x4;
	s17 =	sadd.s32 s24, s17  }
0x92: {  	[tilespmem:s9], [sflag:$0x1] =	stream.linear.gather [hbm4b:s17+s0], $0x400, $0x38;
	[tilespmem:$0xE000] =	vst v63  }
0x93: {  	s17 =	sand.u32 $0x1FFFFF80, s12  }
0x94: {  	s14 =	rddreg [dreg:$0x1b];
	s1 =	sshll.u32 s19, $0x4;
	s17 =	sadd.s32 s24, s17  }
0x95: {  	[tilespmem:s14], [sflag:$0x1] =	stream.linear.gather [hbm4b:s17+s0], $0x400, $0x38;
	[tilespmem:$0xE000] =	vst v63  }
0x96: {  	s17 =	sand.u32 $0x1FFFFF80, s1  }
0x97: {  	s6 =	rddreg [dreg:$0x1c];
	s7 =	sshll.u32 s20, $0x4;
	s17 =	sadd.s32 s24, s17  }
0x98: {  	[tilespmem:s6], [sflag:$0x1] =	stream.linear.gather [hbm4b:s17+s0], $0x400, $0x38;
	[tilespmem:$0xE000] =	vst v63  }
0x99: {  	s17 =	sand.u32 $0x1FFFFF80, s7  }
0x9a: {  	s9 =	rddreg [dreg:$0x1d];
	s12 =	sshll.u32 s28, $0x4;
	s17 =	sadd.s32 s24, s17  }
0x9b: {  	[tilespmem:s9], [sflag:$0x1] =	stream.linear.gather [hbm4b:s17+s0], $0x400, $0x38;
	[tilespmem:$0xE000] =	vst v63  }
0x9c: {  	s5 =	smov.u32 s19;
	s17 =	sand.u32 $0x1FFFFF80, s12  }
0x9d: {  	s19 =	sshll.u32 s26, $0x4;
	s14 =	rddreg [dreg:$0x1e];
	s17 =	sadd.s32 s24, s17  }
0x9e: {  	[tilespmem:s14], [sflag:$0x1] =	stream.linear.gather [hbm4b:s17+s0], $0x400, $0x38;
	[tilespmem:$0xE000] =	vst v63  }
0x9f: {  	s21 =	sshll.u32 s25, $0x4;
	s1 =	sld [smem:$0x7FA];
	s17 =	sand.u32 $0x1FFFFF80, s19  }
0xa0: {  	s6 =	smov.u32 s20;
	s20 =	rddreg [dreg:$0x1f];
	s17 =	sadd.s32 s24, s17  }
0xa1: {  	[tilespmem:s20], [sflag:$0x1] =	stream.linear.gather [hbm4b:s17+s0], $0x400, $0x38;
	[tilespmem:$0xE000] =	vst v63  }
0xa2: {  	s17 =	sand.u32 $0x1FFFFF80, s21  }
0xa3: {  	s7 =	sshll.u32 s13, $0x4;
	s9 =	sld [smem:$0x7FB];
	s17 =	sadd.s32 s24, s17  }
0xa4: {  	[tilespmem:s1], [sflag:$0x1] =	stream.linear.gather [hbm4b:s17+s0], $0x400, $0x38;
	[tilespmem:$0xE000] =	vst v63  }
0xa5: {  	s12 =	sshll.u32 s15, $0x4;
	s17 =	sand.u32 $0x1FFFFF80, s7  }
0xa6: {  	s20 =	smov.u32 s13;
	s13 =	sld [smem:$0x7FC];
	s17 =	sadd.s32 s24, s17  }
0xa7: {  	[tilespmem:s9], [sflag:$0x1] =	stream.linear.gather [hbm4b:s17+s0], $0x400, $0x38;
	[tilespmem:$0xE000] =	vst v63  }
0xa8: {  	s17 =	sand.u32 $0x1FFFFF80, s12  }
0xa9: {  	s14 =	smov.u32 s15;
	s17 =	sadd.s32 s24, s17  }
0xaa: {  	[tilespmem:s13], [sflag:$0x1] =	stream.linear.gather [hbm4b:s17+s0], $0x400, $0x38;
	[tilespmem:$0xE000] =	vst v63  }
0xab: {  	s15 =	sshll.u32 s16, $0x4;
	s13 =	smov.u32 s16;
	s16 =	sld [smem:$0x7FD]  }
0xac: {  	s17 =	sand.u32 $0x1FFFFF80, s15  }
0xad: {  	s17 =	sadd.s32 s24, s17  }
0xae: {  	[tilespmem:s16], [sflag:$0x1] =	stream.linear.gather [hbm4b:s17+s0], $0x400, $0x38;
	[tilespmem:$0xE000] =	vst v63  }
0xaf: {  	_ =	swait.ge [sflag:s10], $0x400  }
0xb0: {  	s1 =	sld [smem:$0x7EC]  }
0xb1: {  	s0 =	sshll.u32 s18, $0x7;
	[sflag:s10] =	ssyncset.done $0x0  }
0xb2: {  	s17 =	sand.u32 $0x380, s0;
	[sflag:s10] =	ssyncadd.s32 $0xFFFFFC00  }
0xb3: {  	v24 =	vld [tilespmem:s17+$0x2000];
	s9 =	sshll.u32 s1, $0xB  }
0xb4: {  	s18 =	sand.u32 $0x3FFFF800, s9  }
0xb5: {  	v25 =	vld [tilespmem:s18+$0xA000];
	_ =	sdelay $0x2  }
0xb6: {  	v0 =	vmul.f32 $8.000000000e+00, v24;
	_ =	sdelay $0x1  }
0xb7: {  	v0 =	vadd.f32 v25, v0;
	_ =	sdelay $0x1  }
0xb8: {  	[tilespmem:s18+$0xA000] =	vst v0  }
0xb9: {  	v0 =	vld [tilespmem:s17+$0x2010];
	_ =	sdelay $0x1  }
0xba: {  	v26 =	vld [tilespmem:s18+$0xA010];
	_ =	sdelay $0x2  }
0xbb: {  	v0 =	vmul.f32 $8.000000000e+00, v0;
	_ =	sdelay $0x1  }
0xbc: {  	v0 =	vadd.f32 v26, v0;
	_ =	sdelay $0x1  }
0xbd: {  	[tilespmem:s18+$0xA010] =	vst v0  }
0xbe: {  	v0 =	vld [tilespmem:s17+$0x2020];
	_ =	sdelay $0x1  }
0xbf: {  	v27 =	vld [tilespmem:s18+$0xA020];
	_ =	sdelay $0x2  }
0xc0: {  	v0 =	vmul.f32 $8.000000000e+00, v0;
	_ =	sdelay $0x1  }
0xc1: {  	v0 =	vadd.f32 v27, v0;
	_ =	sdelay $0x1  }
0xc2: {  	[tilespmem:s18+$0xA020] =	vst v0  }
0xc3: {  	v0 =	vld [tilespmem:s17+$0x2030];
	_ =	sdelay $0x1  }
0xc4: {  	v28 =	vld [tilespmem:s18+$0xA030];
	_ =	sdelay $0x2  }
0xc5: {  	v0 =	vmul.f32 $8.000000000e+00, v0;
	_ =	sdelay $0x1  }
0xc6: {  	v0 =	vadd.f32 v28, v0;
	_ =	sdelay $0x1  }
0xc7: {  	[tilespmem:s18+$0xA030] =	vst v0  }
0xc8: {  	_ =	swait.ge [sflag:s10], $0x400  }
0xc9: {  	s12 =	sld [smem:$0x7E7];
	_ =	sdelay $0x2  }
0xca: {  	[sflag:s10] =	ssyncset.done $0x0;
	s15 =	sshll.u32 s12, $0x7  }
0xcb: {  	[sflag:s10] =	ssyncadd.s32 $0xFFFFFC00;
	s16 =	sand.u32 $0x380, s15  }
0xcc: {  	v29 =	vld [tilespmem:s16+$0x2400];
	_ =	sdelay $0x1  }
0xcd: {  	v30 =	vld [tilespmem:s18+$0xA040];
	_ =	sdelay $0x2  }
0xce: {  	v0 =	vmul.f32 $8.000000000e+00, v29;
	_ =	sdelay $0x1  }
0xcf: {  	v0 =	vadd.f32 v30, v0;
	_ =	sdelay $0x1  }
0xd0: {  	[tilespmem:s18+$0xA040] =	vst v0  }
0xd1: {  	v0 =	vld [tilespmem:s16+$0x2410];
	_ =	sdelay $0x1  }
0xd2: {  	v31 =	vld [tilespmem:s18+$0xA050];
	_ =	sdelay $0x2  }
0xd3: {  	v0 =	vmul.f32 $8.000000000e+00, v0;
	_ =	sdelay $0x1  }
0xd4: {  	v0 =	vadd.f32 v31, v0;
	_ =	sdelay $0x1  }
0xd5: {  	[tilespmem:s18+$0xA050] =	vst v0  }
0xd6: {  	v0 =	vld [tilespmem:s16+$0x2420];
	_ =	sdelay $0x1  }
0xd7: {  	v32 =	vld [tilespmem:s18+$0xA060];
	_ =	sdelay $0x2  }
0xd8: {  	v0 =	vmul.f32 $8.000000000e+00, v0;
	_ =	sdelay $0x1  }
0xd9: {  	v0 =	vadd.f32 v32, v0;
	_ =	sdelay $0x1  }
0xda: {  	[tilespmem:s18+$0xA060] =	vst v0  }
0xdb: {  	v0 =	vld [tilespmem:s16+$0x2430];
	_ =	sdelay $0x1  }
0xdc: {  	v33 =	vld [tilespmem:s18+$0xA070];
	_ =	sdelay $0x2  }
0xdd: {  	v0 =	vmul.f32 $8.000000000e+00, v0;
	_ =	sdelay $0x1  }
0xde: {  	v0 =	vadd.f32 v33, v0;
	_ =	sdelay $0x1  }
0xdf: {  	[tilespmem:s18+$0xA070] =	vst v0  }
0xe0: {  	_ =	swait.ge [sflag:s10], $0x400  }
0xe1: {  	s16 =	sld [smem:$0x7E8];
	_ =	sdelay $0x2  }
0xe2: {  	[sflag:s10] =	ssyncset.done $0x0;
	s17 =	sshll.u32 s16, $0x7  }
0xe3: {  	[sflag:s10] =	ssyncadd.s32 $0xFFFFFC00;
	s15 =	sand.u32 $0x380, s17  }
0xe4: {  	v34 =	vld [tilespmem:s15+$0x2800];
	_ =	sdelay $0x1  }
0xe5: {  	v35 =	vld [tilespmem:s18+$0xA080];
	_ =	sdelay $0x2  }
0xe6: {  	v0 =	vmul.f32 $8.000000000e+00, v34;
	_ =	sdelay $0x1  }
0xe7: {  	v0 =	vadd.f32 v35, v0;
	_ =	sdelay $0x1  }
0xe8: {  	[tilespmem:s18+$0xA080] =	vst v0  }
0xe9: {  	v0 =	vld [tilespmem:s15+$0x2810];
	_ =	sdelay $0x1  }
0xea: {  	v36 =	vld [tilespmem:s18+$0xA090];
	_ =	sdelay $0x2  }
0xeb: {  	v0 =	vmul.f32 $8.000000000e+00, v0;
	_ =	sdelay $0x1  }
0xec: {  	v0 =	vadd.f32 v36, v0;
	_ =	sdelay $0x1  }
0xed: {  	[tilespmem:s18+$0xA090] =	vst v0  }
0xee: {  	v0 =	vld [tilespmem:s15+$0x2820];
	_ =	sdelay $0x1  }
0xef: {  	v37 =	vld [tilespmem:s18+$0xA0A0];
	_ =	sdelay $0x2  }
0xf0: {  	v0 =	vmul.f32 $8.000000000e+00, v0;
	_ =	sdelay $0x1  }
0xf1: {  	v0 =	vadd.f32 v37, v0;
	_ =	sdelay $0x1  }
0xf2: {  	[tilespmem:s18+$0xA0A0] =	vst v0  }
0xf3: {  	v0 =	vld [tilespmem:s15+$0x2830];
	_ =	sdelay $0x1  }
0xf4: {  	v38 =	vld [tilespmem:s18+$0xA0B0];
	_ =	sdelay $0x2  }
0xf5: {  	v0 =	vmul.f32 $8.000000000e+00, v0;
	_ =	sdelay $0x1  }
0xf6: {  	v0 =	vadd.f32 v38, v0;
	_ =	sdelay $0x1  }
0xf7: {  	[tilespmem:s18+$0xA0B0] =	vst v0  }
0xf8: {  	_ =	swait.ge [sflag:s10], $0x400  }
0xf9: {  	s21 =	sld [smem:$0x7E9];
	_ =	sdelay $0x2  }
0xfa: {  	[sflag:s10] =	ssyncset.done $0x0;
	s0 =	sshll.u32 s21, $0x7  }
0xfb: {  	[sflag:s10] =	ssyncadd.s32 $0xFFFFFC00;
	s12 =	sand.u32 $0x380, s0  }
0xfc: {  	v39 =	vld [tilespmem:s12+$0x2C00];
	_ =	sdelay $0x1  }
0xfd: {  	v40 =	vld [tilespmem:s18+$0xA0C0];
	_ =	sdelay $0x2  }
0xfe: {  	v0 =	vmul.f32 $8.000000000e+00, v39;
	_ =	sdelay $0x1  }
0xff: {  	v0 =	vadd.f32 v40, v0;
	_ =	sdelay $0x1  }
0x100: {  	[tilespmem:s18+$0xA0C0] =	vst v0  }
0x101: {  	v0 =	vld [tilespmem:s12+$0x2C10];
	_ =	sdelay $0x1  }
0x102: {  	v41 =	vld [tilespmem:s18+$0xA0D0];
	_ =	sdelay $0x2  }
0x103: {  	v0 =	vmul.f32 $8.000000000e+00, v0;
	_ =	sdelay $0x1  }
0x104: {  	v0 =	vadd.f32 v41, v0;
	_ =	sdelay $0x1  }
0x105: {  	[tilespmem:s18+$0xA0D0] =	vst v0  }
0x106: {  	v0 =	vld [tilespmem:s12+$0x2C20];
	_ =	sdelay $0x1  }
0x107: {  	v42 =	vld [tilespmem:s18+$0xA0E0];
	_ =	sdelay $0x2  }
0x108: {  	v0 =	vmul.f32 $8.000000000e+00, v0;
	_ =	sdelay $0x1  }
0x109: {  	v0 =	vadd.f32 v42, v0;
	_ =	sdelay $0x1  }
0x10a: {  	[tilespmem:s18+$0xA0E0] =	vst v0  }
0x10b: {  	v0 =	vld [tilespmem:s12+$0x2C30];
	_ =	sdelay $0x1  }
0x10c: {  	v43 =	vld [tilespmem:s18+$0xA0F0];
	_ =	sdelay $0x2  }
0x10d: {  	v0 =	vmul.f32 $8.000000000e+00, v0;
	_ =	sdelay $0x1  }
0x10e: {  	v0 =	vadd.f32 v43, v0;
	_ =	sdelay $0x1  }
0x10f: {  	[tilespmem:s18+$0xA0F0] =	vst v0  }
0x110: {  	_ =	swait.ge [sflag:s10], $0x400  }
0x111: {  	s1 =	sld [smem:$0x7EA];
	_ =	sdelay $0x2  }
0x112: {  	[sflag:s10] =	ssyncset.done $0x0;
	s0 =	sshll.u32 s1, $0x7  }
0x113: {  	[sflag:s10] =	ssyncadd.s32 $0xFFFFFC00;
	s0 =	sand.u32 $0x380, s0  }
0x114: {  	v44 =	vld [tilespmem:s0+$0x3000];
	_ =	sdelay $0x1  }
0x115: {  	v45 =	vld [tilespmem:s18+$0xA100];
	_ =	sdelay $0x2  }
0x116: {  	v0 =	vmul.f32 $8.000000000e+00, v44;
	_ =	sdelay $0x1  }
0x117: {  	v0 =	vadd.f32 v45, v0;
	_ =	sdelay $0x1  }
0x118: {  	[tilespmem:s18+$0xA100] =	vst v0  }
0x119: {  	v0 =	vld [tilespmem:s0+$0x3010];
	_ =	sdelay $0x1  }
0x11a: {  	v46 =	vld [tilespmem:s18+$0xA110];
	_ =	sdelay $0x2  }
0x11b: {  	v0 =	vmul.f32 $8.000000000e+00, v0;
	_ =	sdelay $0x1  }
0x11c: {  	v0 =	vadd.f32 v46, v0;
	_ =	sdelay $0x1  }
0x11d: {  	[tilespmem:s18+$0xA110] =	vst v0  }
0x11e: {  	v0 =	vld [tilespmem:s0+$0x3020];
	_ =	sdelay $0x1  }
0x11f: {  	v47 =	vld [tilespmem:s18+$0xA120];
	_ =	sdelay $0x2  }
0x120: {  	v0 =	vmul.f32 $8.000000000e+00, v0;
	_ =	sdelay $0x1  }
0x121: {  	v0 =	vadd.f32 v47, v0;
	_ =	sdelay $0x1  }
0x122: {  	[tilespmem:s18+$0xA120] =	vst v0  }
0x123: {  	v0 =	vld [tilespmem:s0+$0x3030];
	_ =	sdelay $0x1  }
0x124: {  	v48 =	vld [tilespmem:s18+$0xA130];
	_ =	sdelay $0x2  }
0x125: {  	v0 =	vmul.f32 $8.000000000e+00, v0;
	_ =	sdelay $0x1  }
0x126: {  	v0 =	vadd.f32 v48, v0;
	_ =	sdelay $0x1  }
0x127: {  	[tilespmem:s18+$0xA130] =	vst v0  }
0x128: {  	_ =	swait.ge [sflag:s10], $0x400  }
0x129: {  	s7 =	sld [smem:$0x7EB];
	_ =	sdelay $0x2  }
0x12a: {  	[sflag:s10] =	ssyncset.done $0x0;
	s0 =	sshll.u32 s7, $0x7  }
0x12b: {  	[sflag:s10] =	ssyncadd.s32 $0xFFFFFC00;
	s0 =	sand.u32 $0x380, s0  }
0x12c: {  	v49 =	vld [tilespmem:s0+$0x3400];
	_ =	sdelay $0x1  }
0x12d: {  	v50 =	vld [tilespmem:s18+$0xA140];
	_ =	sdelay $0x2  }
0x12e: {  	v0 =	vmul.f32 $8.000000000e+00, v49;
	_ =	sdelay $0x1  }
0x12f: {  	v0 =	vadd.f32 v50, v0;
	_ =	sdelay $0x1  }
0x130: {  	[tilespmem:s18+$0xA140] =	vst v0  }
0x131: {  	v0 =	vld [tilespmem:s0+$0x3410];
	_ =	sdelay $0x1  }
0x132: {  	v51 =	vld [tilespmem:s18+$0xA150];
	_ =	sdelay $0x2  }
0x133: {  	v0 =	vmul.f32 $8.000000000e+00, v0;
	_ =	sdelay $0x1  }
0x134: {  	v0 =	vadd.f32 v51, v0;
	_ =	sdelay $0x1  }
0x135: {  	[tilespmem:s18+$0xA150] =	vst v0  }
0x136: {  	v0 =	vld [tilespmem:s0+$0x3420];
	_ =	sdelay $0x1  }
0x137: {  	v52 =	vld [tilespmem:s18+$0xA160];
	_ =	sdelay $0x2  }
0x138: {  	v0 =	vmul.f32 $8.000000000e+00, v0;
	_ =	sdelay $0x1  }
0x139: {  	v0 =	vadd.f32 v52, v0;
	_ =	sdelay $0x1  }
0x13a: {  	[tilespmem:s18+$0xA160] =	vst v0  }
0x13b: {  	v0 =	vld [tilespmem:s0+$0x3430];
	_ =	sdelay $0x1  }
0x13c: {  	v53 =	vld [tilespmem:s18+$0xA170];
	_ =	sdelay $0x2  }
0x13d: {  	v0 =	vmul.f32 $8.000000000e+00, v0;
	_ =	sdelay $0x1  }
0x13e: {  	v0 =	vadd.f32 v53, v0;
	_ =	sdelay $0x1  }
0x13f: {  	[tilespmem:s18+$0xA170] =	vst v0  }
0x140: {  	s1 =	sld [smem:$0x7EC];
	_ =	swait.ge [sflag:s10], $0x400  }
0x141: {  	s9 =	sld [smem:$0x7ED];
	_ =	sdelay $0x2  }
0x142: {  	[sflag:s10] =	ssyncset.done $0x0;
	s0 =	sshll.u32 s9, $0x7  }
0x143: {  	[sflag:s10] =	ssyncadd.s32 $0xFFFFFC00;
	s0 =	sand.u32 $0x380, s0  }
0x144: {  	v54 =	vld [tilespmem:s0+$0x3800];
	_ =	sdelay $0x1  }
0x145: {  	v55 =	vld [tilespmem:s18+$0xA180];
	_ =	sdelay $0x2  }
0x146: {  	v0 =	vmul.f32 $8.000000000e+00, v54;
	_ =	sdelay $0x1  }
0x147: {  	v0 =	vadd.f32 v55, v0;
	_ =	sdelay $0x1  }
0x148: {  	[tilespmem:s18+$0xA180] =	vst v0  }
0x149: {  	v0 =	vld [tilespmem:s0+$0x3810];
	_ =	sdelay $0x1  }
0x14a: {  	v56 =	vld [tilespmem:s18+$0xA190];
	_ =	sdelay $0x2  }
0x14b: {  	v0 =	vmul.f32 $8.000000000e+00, v0;
	_ =	sdelay $0x1  }
0x14c: {  	v0 =	vadd.f32 v56, v0;
	_ =	sdelay $0x1  }
0x14d: {  	[tilespmem:s18+$0xA190] =	vst v0  }
0x14e: {  	v0 =	vld [tilespmem:s0+$0x3820];
	_ =	sdelay $0x1  }
0x14f: {  	v57 =	vld [tilespmem:s18+$0xA1A0];
	_ =	sdelay $0x2  }
0x150: {  	v0 =	vmul.f32 $8.000000000e+00, v0;
	_ =	sdelay $0x1  }
0x151: {  	v0 =	vadd.f32 v57, v0;
	_ =	sdelay $0x1  }
0x152: {  	[tilespmem:s18+$0xA1A0] =	vst v0  }
0x153: {  	v0 =	vld [tilespmem:s0+$0x3830];
	_ =	sdelay $0x1  }
0x154: {  	v58 =	vld [tilespmem:s18+$0xA1B0];
	_ =	sdelay $0x2  }
0x155: {  	v0 =	vmul.f32 $8.000000000e+00, v0;
	_ =	sdelay $0x1  }
0x156: {  	v0 =	vadd.f32 v58, v0;
	_ =	sdelay $0x1  }
0x157: {  	[tilespmem:s18+$0xA1B0] =	vst v0  }
0x158: {  	_ =	swait.ge [sflag:s10], $0x400  }
0x159: {  	s12 =	sld [smem:$0x7EE];
	_ =	sdelay $0x2  }
0x15a: {  	[sflag:s10] =	ssyncset.done $0x0;
	s0 =	sshll.u32 s12, $0x7  }
0x15b: {  	[sflag:s10] =	ssyncadd.s32 $0xFFFFFC00;
	s0 =	sand.u32 $0x380, s0  }
0x15c: {  	v59 =	vld [tilespmem:s0+$0x3C00];
	_ =	sdelay $0x1  }
0x15d: {  	v60 =	vld [tilespmem:s18+$0xA1C0];
	_ =	sdelay $0x2  }
0x15e: {  	v0 =	vmul.f32 $8.000000000e+00, v59;
	_ =	sdelay $0x1  }
0x15f: {  	v0 =	vadd.f32 v60, v0;
	_ =	sdelay $0x1  }
0x160: {  	[tilespmem:s18+$0xA1C0] =	vst v0  }
0x161: {  	v0 =	vld [tilespmem:s0+$0x3C10];
	_ =	sdelay $0x1  }
0x162: {  	v61 =	vld [tilespmem:s18+$0xA1D0];
	_ =	sdelay $0x2  }
0x163: {  	v0 =	vmul.f32 $8.000000000e+00, v0;
	_ =	sdelay $0x1  }
0x164: {  	v0 =	vadd.f32 v61, v0;
	_ =	sdelay $0x1  }
0x165: {  	[tilespmem:s18+$0xA1D0] =	vst v0  }
0x166: {  	v0 =	vld [tilespmem:s0+$0x3C20];
	_ =	sdelay $0x1  }
0x167: {  	v62 =	vld [tilespmem:s18+$0xA1E0];
	_ =	sdelay $0x2  }
0x168: {  	v0 =	vmul.f32 $8.000000000e+00, v0;
	_ =	sdelay $0x1  }
0x169: {  	v0 =	vadd.f32 v62, v0;
	_ =	sdelay $0x1  }
0x16a: {  	[tilespmem:s18+$0xA1E0] =	vst v0  }
0x16b: {  	v0 =	vld [tilespmem:s0+$0x3C30];
	_ =	sdelay $0x1  }
0x16c: {  	v63 =	vld [tilespmem:s18+$0xA1F0];
	_ =	sdelay $0x2  }
0x16d: {  	v0 =	vmul.f32 $8.000000000e+00, v0;
	_ =	sdelay $0x1  }
0x16e: {  	v0 =	vadd.f32 v63, v0;
	_ =	sdelay $0x1  }
0x16f: {  	[tilespmem:s18+$0xA1F0] =	vst v0  }
0x170: {  	_ =	swait.ge [sflag:s10], $0x400  }
0x171: {  	s15 =	sld [smem:$0x7EF];
	_ =	sdelay $0x2  }
0x172: {  	[sflag:s10] =	ssyncset.done $0x0;
	s0 =	sshll.u32 s15, $0x7  }
0x173: {  	[sflag:s10] =	ssyncadd.s32 $0xFFFFFC00;
	s0 =	sand.u32 $0x380, s0  }
0x174: {  	v4 =	vld [tilespmem:s0+$0x4000];
	_ =	sdelay $0x1  }
0x175: {  	v5 =	vld [tilespmem:s18+$0xA200];
	_ =	sdelay $0x2  }
0x176: {  	v0 =	vmul.f32 $8.000000000e+00, v4;
	_ =	sdelay $0x1  }
0x177: {  	v0 =	vadd.f32 v5, v0;
	_ =	sdelay $0x1  }
0x178: {  	[tilespmem:s18+$0xA200] =	vst v0  }
0x179: {  	v0 =	vld [tilespmem:s0+$0x4010];
	_ =	sdelay $0x1  }
0x17a: {  	v6 =	vld [tilespmem:s18+$0xA210];
	_ =	sdelay $0x2  }
0x17b: {  	v0 =	vmul.f32 $8.000000000e+00, v0;
	_ =	sdelay $0x1  }
0x17c: {  	v0 =	vadd.f32 v6, v0;
	_ =	sdelay $0x1  }
0x17d: {  	[tilespmem:s18+$0xA210] =	vst v0  }
0x17e: {  	v0 =	vld [tilespmem:s0+$0x4020];
	_ =	sdelay $0x1  }
0x17f: {  	v7 =	vld [tilespmem:s18+$0xA220];
	_ =	sdelay $0x2  }
0x180: {  	v0 =	vmul.f32 $8.000000000e+00, v0;
	_ =	sdelay $0x1  }
0x181: {  	v0 =	vadd.f32 v7, v0;
	_ =	sdelay $0x1  }
0x182: {  	[tilespmem:s18+$0xA220] =	vst v0  }
0x183: {  	v0 =	vld [tilespmem:s0+$0x4030];
	_ =	sdelay $0x1  }
0x184: {  	v8 =	vld [tilespmem:s18+$0xA230];
	_ =	sdelay $0x2  }
0x185: {  	v0 =	vmul.f32 $8.000000000e+00, v0;
	_ =	sdelay $0x1  }
0x186: {  	v0 =	vadd.f32 v8, v0;
	_ =	sdelay $0x1  }
0x187: {  	[tilespmem:s18+$0xA230] =	vst v0  }
0x188: {  	_ =	swait.ge [sflag:s10], $0x400  }
0x189: {  	s16 =	sshll.u32 s4, $0x7;
	[sflag:s10] =	ssyncset.done $0x0  }
0x18a: {  	s0 =	sand.u32 $0x380, s16;
	[sflag:s10] =	ssyncadd.s32 $0xFFFFFC00  }
0x18b: {  	v9 =	vld [tilespmem:s0+$0x4400];
	_ =	sdelay $0x1  }
0x18c: {  	v10 =	vld [tilespmem:s18+$0xA240];
	_ =	sdelay $0x2  }
0x18d: {  	v0 =	vmul.f32 $8.000000000e+00, v9;
	_ =	sdelay $0x1  }
0x18e: {  	v0 =	vadd.f32 v10, v0;
	_ =	sdelay $0x1  }
0x18f: {  	[tilespmem:s18+$0xA240] =	vst v0  }
0x190: {  	v0 =	vld [tilespmem:s0+$0x4410];
	_ =	sdelay $0x1  }
0x191: {  	v11 =	vld [tilespmem:s18+$0xA250];
	_ =	sdelay $0x2  }
0x192: {  	v0 =	vmul.f32 $8.000000000e+00, v0;
	_ =	sdelay $0x1  }
0x193: {  	v0 =	vadd.f32 v11, v0;
	_ =	sdelay $0x1  }
0x194: {  	[tilespmem:s18+$0xA250] =	vst v0  }
0x195: {  	v0 =	vld [tilespmem:s0+$0x4420];
	_ =	sdelay $0x1  }
0x196: {  	v12 =	vld [tilespmem:s18+$0xA260];
	_ =	sdelay $0x2  }
0x197: {  	v0 =	vmul.f32 $8.000000000e+00, v0;
	_ =	sdelay $0x1  }
0x198: {  	v0 =	vadd.f32 v12, v0;
	_ =	sdelay $0x1  }
0x199: {  	[tilespmem:s18+$0xA260] =	vst v0  }
0x19a: {  	v0 =	vld [tilespmem:s0+$0x4430];
	_ =	sdelay $0x1  }
0x19b: {  	v13 =	vld [tilespmem:s18+$0xA270];
	_ =	sdelay $0x2  }
0x19c: {  	v0 =	vmul.f32 $8.000000000e+00, v0;
	_ =	sdelay $0x1  }
0x19d: {  	v0 =	vadd.f32 v13, v0;
	_ =	sdelay $0x1  }
0x19e: {  	[tilespmem:s18+$0xA270] =	vst v0  }
0x19f: {  	_ =	swait.ge [sflag:s10], $0x400  }
0x1a0: {  	s17 =	sshll.u32 s23, $0x7;
	[sflag:s10] =	ssyncset.done $0x0  }
0x1a1: {  	s0 =	sand.u32 $0x380, s17;
	[sflag:s10] =	ssyncadd.s32 $0xFFFFFC00  }
0x1a2: {  	v14 =	vld [tilespmem:s0+$0x4800];
	_ =	sdelay $0x1  }
0x1a3: {  	v15 =	vld [tilespmem:s18+$0xA280];
	_ =	sdelay $0x2  }
0x1a4: {  	v0 =	vmul.f32 $8.000000000e+00, v14;
	_ =	sdelay $0x1  }
0x1a5: {  	v0 =	vadd.f32 v15, v0;
	_ =	sdelay $0x1  }
0x1a6: {  	[tilespmem:s18+$0xA280] =	vst v0  }
0x1a7: {  	v0 =	vld [tilespmem:s0+$0x4810];
	_ =	sdelay $0x1  }
0x1a8: {  	v16 =	vld [tilespmem:s18+$0xA290];
	_ =	sdelay $0x2  }
0x1a9: {  	v0 =	vmul.f32 $8.000000000e+00, v0;
	_ =	sdelay $0x1  }
0x1aa: {  	v0 =	vadd.f32 v16, v0;
	_ =	sdelay $0x1  }
0x1ab: {  	[tilespmem:s18+$0xA290] =	vst v0  }
0x1ac: {  	v0 =	vld [tilespmem:s0+$0x4820];
	_ =	sdelay $0x1  }
0x1ad: {  	v17 =	vld [tilespmem:s18+$0xA2A0];
	_ =	sdelay $0x2  }
0x1ae: {  	v0 =	vmul.f32 $8.000000000e+00, v0;
	_ =	sdelay $0x1  }
0x1af: {  	v0 =	vadd.f32 v17, v0;
	_ =	sdelay $0x1  }
0x1b0: {  	[tilespmem:s18+$0xA2A0] =	vst v0  }
0x1b1: {  	v0 =	vld [tilespmem:s0+$0x4830];
	_ =	sdelay $0x1  }
0x1b2: {  	v18 =	vld [tilespmem:s18+$0xA2B0];
	_ =	sdelay $0x2  }
0x1b3: {  	v0 =	vmul.f32 $8.000000000e+00, v0;
	_ =	sdelay $0x1  }
0x1b4: {  	v0 =	vadd.f32 v18, v0;
	_ =	sdelay $0x1  }
0x1b5: {  	[tilespmem:s18+$0xA2B0] =	vst v0  }
0x1b6: {  	_ =	swait.ge [sflag:s10], $0x400  }
0x1b7: {  	s21 =	sld [smem:$0x7F0];
	_ =	sdelay $0x2  }
0x1b8: {  	[sflag:s10] =	ssyncset.done $0x0;
	s0 =	sshll.u32 s21, $0x7  }
0x1b9: {  	[sflag:s10] =	ssyncadd.s32 $0xFFFFFC00;
	s0 =	sand.u32 $0x380, s0  }
0x1ba: {  	v19 =	vld [tilespmem:s0+$0x4C00];
	_ =	sdelay $0x1  }
0x1bb: {  	v20 =	vld [tilespmem:s18+$0xA2C0];
	_ =	sdelay $0x2  }
0x1bc: {  	v0 =	vmul.f32 $8.000000000e+00, v19;
	_ =	sdelay $0x1  }
0x1bd: {  	v0 =	vadd.f32 v20, v0;
	_ =	sdelay $0x1  }
0x1be: {  	[tilespmem:s18+$0xA2C0] =	vst v0  }
0x1bf: {  	v0 =	vld [tilespmem:s0+$0x4C10];
	_ =	sdelay $0x1  }
0x1c0: {  	v21 =	vld [tilespmem:s18+$0xA2D0];
	_ =	sdelay $0x2  }
0x1c1: {  	v0 =	vmul.f32 $8.000000000e+00, v0;
	_ =	sdelay $0x1  }
0x1c2: {  	v0 =	vadd.f32 v21, v0;
	_ =	sdelay $0x1  }
0x1c3: {  	[tilespmem:s18+$0xA2D0] =	vst v0  }
0x1c4: {  	v0 =	vld [tilespmem:s0+$0x4C20];
	_ =	sdelay $0x1  }
0x1c5: {  	v22 =	vld [tilespmem:s18+$0xA2E0];
	_ =	sdelay $0x2  }
0x1c6: {  	v0 =	vmul.f32 $8.000000000e+00, v0;
	_ =	sdelay $0x1  }
0x1c7: {  	v0 =	vadd.f32 v22, v0;
	_ =	sdelay $0x1  }
0x1c8: {  	[tilespmem:s18+$0xA2E0] =	vst v0  }
0x1c9: {  	v0 =	vld [tilespmem:s0+$0x4C30];
	_ =	sdelay $0x1  }
0x1ca: {  	v23 =	vld [tilespmem:s18+$0xA2F0];
	_ =	sdelay $0x2  }
0x1cb: {  	v0 =	vmul.f32 $8.000000000e+00, v0;
	_ =	sdelay $0x1  }
0x1cc: {  	v0 =	vadd.f32 v23, v0;
	_ =	sdelay $0x1  }
0x1cd: {  	[tilespmem:s18+$0xA2F0] =	vst v0  }
0x1ce: {  	_ =	swait.ge [sflag:s10], $0x400  }
0x1cf: {  	s23 =	sshll.u32 s22, $0x7;
	[sflag:s10] =	ssyncset.done $0x0  }
0x1d0: {  	s0 =	sand.u32 $0x380, s23;
	[sflag:s10] =	ssyncadd.s32 $0xFFFFFC00  }
0x1d1: {  	v24 =	vld [tilespmem:s0+$0x5000];
	_ =	sdelay $0x1  }
0x1d2: {  	v25 =	vld [tilespmem:s18+$0xA300];
	_ =	sdelay $0x2  }
0x1d3: {  	v0 =	vmul.f32 $8.000000000e+00, v24;
	_ =	sdelay $0x1  }
0x1d4: {  	v0 =	vadd.f32 v25, v0;
	_ =	sdelay $0x1  }
0x1d5: {  	[tilespmem:s18+$0xA300] =	vst v0  }
0x1d6: {  	v0 =	vld [tilespmem:s0+$0x5010];
	_ =	sdelay $0x1  }
0x1d7: {  	v26 =	vld [tilespmem:s18+$0xA310];
	_ =	sdelay $0x2  }
0x1d8: {  	v0 =	vmul.f32 $8.000000000e+00, v0;
	_ =	sdelay $0x1  }
0x1d9: {  	v0 =	vadd.f32 v26, v0;
	_ =	sdelay $0x1  }
0x1da: {  	[tilespmem:s18+$0xA310] =	vst v0  }
0x1db: {  	v0 =	vld [tilespmem:s0+$0x5020];
	_ =	sdelay $0x1  }
0x1dc: {  	v27 =	vld [tilespmem:s18+$0xA320];
	_ =	sdelay $0x2  }
0x1dd: {  	v0 =	vmul.f32 $8.000000000e+00, v0;
	_ =	sdelay $0x1  }
0x1de: {  	v0 =	vadd.f32 v27, v0;
	_ =	sdelay $0x1  }
0x1df: {  	[tilespmem:s18+$0xA320] =	vst v0  }
0x1e0: {  	v0 =	vld [tilespmem:s0+$0x5030];
	_ =	sdelay $0x1  }
0x1e1: {  	v28 =	vld [tilespmem:s18+$0xA330];
	_ =	sdelay $0x2  }
0x1e2: {  	v0 =	vmul.f32 $8.000000000e+00, v0;
	_ =	sdelay $0x1  }
0x1e3: {  	v0 =	vadd.f32 v28, v0;
	_ =	sdelay $0x1  }
0x1e4: {  	[tilespmem:s18+$0xA330] =	vst v0  }
0x1e5: {  	_ =	swait.ge [sflag:s10], $0x400  }
0x1e6: {  	s2 =	sshll.u32 s2, $0x7;
	[sflag:s10] =	ssyncset.done $0x0  }
0x1e7: {  	s0 =	sand.u32 $0x380, s2;
	[sflag:s10] =	ssyncadd.s32 $0xFFFFFC00  }
0x1e8: {  	v29 =	vld [tilespmem:s0+$0x5400];
	_ =	sdelay $0x1  }
0x1e9: {  	v30 =	vld [tilespmem:s18+$0xA340];
	_ =	sdelay $0x2  }
0x1ea: {  	v0 =	vmul.f32 $8.000000000e+00, v29;
	_ =	sdelay $0x1  }
0x1eb: {  	v0 =	vadd.f32 v30, v0;
	_ =	sdelay $0x1  }
0x1ec: {  	[tilespmem:s18+$0xA340] =	vst v0  }
0x1ed: {  	v0 =	vld [tilespmem:s0+$0x5410];
	_ =	sdelay $0x1  }
0x1ee: {  	v31 =	vld [tilespmem:s18+$0xA350];
	_ =	sdelay $0x2  }
0x1ef: {  	v0 =	vmul.f32 $8.000000000e+00, v0;
	_ =	sdelay $0x1  }
0x1f0: {  	v0 =	vadd.f32 v31, v0;
	_ =	sdelay $0x1  }
0x1f1: {  	[tilespmem:s18+$0xA350] =	vst v0  }
0x1f2: {  	v0 =	vld [tilespmem:s0+$0x5420];
	_ =	sdelay $0x1  }
0x1f3: {  	v32 =	vld [tilespmem:s18+$0xA360];
	_ =	sdelay $0x2  }
0x1f4: {  	v0 =	vmul.f32 $8.000000000e+00, v0;
	_ =	sdelay $0x1  }
0x1f5: {  	v0 =	vadd.f32 v32, v0;
	_ =	sdelay $0x1  }
0x1f6: {  	[tilespmem:s18+$0xA360] =	vst v0  }
0x1f7: {  	v0 =	vld [tilespmem:s0+$0x5430];
	_ =	sdelay $0x1  }
0x1f8: {  	v33 =	vld [tilespmem:s18+$0xA370];
	_ =	sdelay $0x2  }
0x1f9: {  	v0 =	vmul.f32 $8.000000000e+00, v0;
	_ =	sdelay $0x1  }
0x1fa: {  	v0 =	vadd.f32 v33, v0;
	_ =	sdelay $0x1  }
0x1fb: {  	[tilespmem:s18+$0xA370] =	vst v0  }
0x1fc: {  	_ =	swait.ge [sflag:s10], $0x400  }
0x1fd: {  	s3 =	sshll.u32 s3, $0x7;
	[sflag:s10] =	ssyncset.done $0x0  }
0x1fe: {  	s0 =	sand.u32 $0x380, s3;
	[sflag:s10] =	ssyncadd.s32 $0xFFFFFC00  }
0x1ff: {  	v34 =	vld [tilespmem:s0+$0x5800];
	_ =	sdelay $0x1  }
0x200: {  	v35 =	vld [tilespmem:s18+$0xA380];
	_ =	sdelay $0x2  }
0x201: {  	v0 =	vmul.f32 $8.000000000e+00, v34;
	_ =	sdelay $0x1  }
0x202: {  	v0 =	vadd.f32 v35, v0;
	_ =	sdelay $0x1  }
0x203: {  	[tilespmem:s18+$0xA380] =	vst v0  }
0x204: {  	v0 =	vld [tilespmem:s0+$0x5810];
	_ =	sdelay $0x1  }
0x205: {  	v36 =	vld [tilespmem:s18+$0xA390];
	_ =	sdelay $0x2  }
0x206: {  	v0 =	vmul.f32 $8.000000000e+00, v0;
	_ =	sdelay $0x1  }
0x207: {  	v0 =	vadd.f32 v36, v0;
	_ =	sdelay $0x1  }
0x208: {  	[tilespmem:s18+$0xA390] =	vst v0  }
0x209: {  	v0 =	vld [tilespmem:s0+$0x5820];
	_ =	sdelay $0x1  }
0x20a: {  	v37 =	vld [tilespmem:s18+$0xA3A0];
	_ =	sdelay $0x2  }
0x20b: {  	v0 =	vmul.f32 $8.000000000e+00, v0;
	_ =	sdelay $0x1  }
0x20c: {  	v0 =	vadd.f32 v37, v0;
	_ =	sdelay $0x1  }
0x20d: {  	[tilespmem:s18+$0xA3A0] =	vst v0  }
0x20e: {  	v0 =	vld [tilespmem:s0+$0x5830];
	_ =	sdelay $0x1  }
0x20f: {  	v38 =	vld [tilespmem:s18+$0xA3B0];
	_ =	sdelay $0x2  }
0x210: {  	v0 =	vmul.f32 $8.000000000e+00, v0;
	_ =	sdelay $0x1  }
0x211: {  	v0 =	vadd.f32 v38, v0;
	_ =	sdelay $0x1  }
0x212: {  	[tilespmem:s18+$0xA3B0] =	vst v0  }
0x213: {  	_ =	swait.ge [sflag:s10], $0x400  }
0x214: {  	s4 =	sld [smem:$0x7F1];
	_ =	sdelay $0x2  }
0x215: {  	[sflag:s10] =	ssyncset.done $0x0;
	s0 =	sshll.u32 s4, $0x7  }
0x216: {  	[sflag:s10] =	ssyncadd.s32 $0xFFFFFC00;
	s0 =	sand.u32 $0x380, s0  }
0x217: {  	v39 =	vld [tilespmem:s0+$0x5C00];
	_ =	sdelay $0x1  }
0x218: {  	v40 =	vld [tilespmem:s18+$0xA3C0];
	_ =	sdelay $0x2  }
0x219: {  	v0 =	vmul.f32 $8.000000000e+00, v39;
	_ =	sdelay $0x1  }
0x21a: {  	v0 =	vadd.f32 v40, v0;
	_ =	sdelay $0x1  }
0x21b: {  	[tilespmem:s18+$0xA3C0] =	vst v0  }
0x21c: {  	v0 =	vld [tilespmem:s0+$0x5C10];
	_ =	sdelay $0x1  }
0x21d: {  	v41 =	vld [tilespmem:s18+$0xA3D0];
	_ =	sdelay $0x2  }
0x21e: {  	v0 =	vmul.f32 $8.000000000e+00, v0;
	_ =	sdelay $0x1  }
0x21f: {  	v0 =	vadd.f32 v41, v0;
	_ =	sdelay $0x1  }
0x220: {  	[tilespmem:s18+$0xA3D0] =	vst v0  }
0x221: {  	v0 =	vld [tilespmem:s0+$0x5C20];
	_ =	sdelay $0x1  }
0x222: {  	v42 =	vld [tilespmem:s18+$0xA3E0];
	_ =	sdelay $0x2  }
0x223: {  	v0 =	vmul.f32 $8.000000000e+00, v0;
	_ =	sdelay $0x1  }
0x224: {  	v0 =	vadd.f32 v42, v0;
	_ =	sdelay $0x1  }
0x225: {  	[tilespmem:s18+$0xA3E0] =	vst v0  }
0x226: {  	v0 =	vld [tilespmem:s0+$0x5C30];
	_ =	sdelay $0x1  }
0x227: {  	v43 =	vld [tilespmem:s18+$0xA3F0];
	_ =	sdelay $0x2  }
0x228: {  	v0 =	vmul.f32 $8.000000000e+00, v0;
	_ =	sdelay $0x1  }
0x229: {  	v0 =	vadd.f32 v43, v0;
	_ =	sdelay $0x1  }
0x22a: {  	[tilespmem:s18+$0xA3F0] =	vst v0  }
0x22b: {  	_ =	swait.ge [sflag:s10], $0x400  }
0x22c: {  	s7 =	sshll.u32 s11, $0x7;
	[sflag:s10] =	ssyncset.done $0x0  }
0x22d: {  	s0 =	sand.u32 $0x380, s7;
	[sflag:s10] =	ssyncadd.s32 $0xFFFFFC00  }
0x22e: {  	v44 =	vld [tilespmem:s0+$0x6000];
	_ =	sdelay $0x1  }
0x22f: {  	v45 =	vld [tilespmem:s18+$0xA400];
	_ =	sdelay $0x2  }
0x230: {  	v0 =	vmul.f32 $8.000000000e+00, v44;
	_ =	sdelay $0x1  }
0x231: {  	v0 =	vadd.f32 v45, v0;
	_ =	sdelay $0x1  }
0x232: {  	[tilespmem:s18+$0xA400] =	vst v0  }
0x233: {  	v0 =	vld [tilespmem:s0+$0x6010];
	_ =	sdelay $0x1  }
0x234: {  	v46 =	vld [tilespmem:s18+$0xA410];
	_ =	sdelay $0x2  }
0x235: {  	v0 =	vmul.f32 $8.000000000e+00, v0;
	_ =	sdelay $0x1  }
0x236: {  	v0 =	vadd.f32 v46, v0;
	_ =	sdelay $0x1  }
0x237: {  	[tilespmem:s18+$0xA410] =	vst v0  }
0x238: {  	v0 =	vld [tilespmem:s0+$0x6020];
	_ =	sdelay $0x1  }
0x239: {  	v47 =	vld [tilespmem:s18+$0xA420];
	_ =	sdelay $0x2  }
0x23a: {  	v0 =	vmul.f32 $8.000000000e+00, v0;
	_ =	sdelay $0x1  }
0x23b: {  	v0 =	vadd.f32 v47, v0;
	_ =	sdelay $0x1  }
0x23c: {  	[tilespmem:s18+$0xA420] =	vst v0  }
0x23d: {  	v0 =	vld [tilespmem:s0+$0x6030];
	_ =	sdelay $0x1  }
0x23e: {  	v48 =	vld [tilespmem:s18+$0xA430];
	_ =	sdelay $0x2  }
0x23f: {  	v0 =	vmul.f32 $8.000000000e+00, v0;
	_ =	sdelay $0x1  }
0x240: {  	v0 =	vadd.f32 v48, v0;
	_ =	sdelay $0x1  }
0x241: {  	[tilespmem:s18+$0xA430] =	vst v0  }
0x242: {  	_ =	swait.ge [sflag:s10], $0x400  }
0x243: {  	s8 =	sshll.u32 s8, $0x7;
	[sflag:s10] =	ssyncset.done $0x0  }
0x244: {  	s0 =	sand.u32 $0x380, s8;
	[sflag:s10] =	ssyncadd.s32 $0xFFFFFC00  }
0x245: {  	v49 =	vld [tilespmem:s0+$0x6400];
	_ =	sdelay $0x1  }
0x246: {  	v50 =	vld [tilespmem:s18+$0xA440];
	_ =	sdelay $0x2  }
0x247: {  	v0 =	vmul.f32 $8.000000000e+00, v49;
	_ =	sdelay $0x1  }
0x248: {  	v0 =	vadd.f32 v50, v0;
	_ =	sdelay $0x1  }
0x249: {  	[tilespmem:s18+$0xA440] =	vst v0  }
0x24a: {  	v0 =	vld [tilespmem:s0+$0x6410];
	_ =	sdelay $0x1  }
0x24b: {  	v51 =	vld [tilespmem:s18+$0xA450];
	_ =	sdelay $0x2  }
0x24c: {  	v0 =	vmul.f32 $8.000000000e+00, v0;
	_ =	sdelay $0x1  }
0x24d: {  	v0 =	vadd.f32 v51, v0;
	_ =	sdelay $0x1  }
0x24e: {  	[tilespmem:s18+$0xA450] =	vst v0  }
0x24f: {  	v0 =	vld [tilespmem:s0+$0x6420];
	_ =	sdelay $0x1  }
0x250: {  	v52 =	vld [tilespmem:s18+$0xA460];
	_ =	sdelay $0x2  }
0x251: {  	v0 =	vmul.f32 $8.000000000e+00, v0;
	_ =	sdelay $0x1  }
0x252: {  	v0 =	vadd.f32 v52, v0;
	_ =	sdelay $0x1  }
0x253: {  	[tilespmem:s18+$0xA460] =	vst v0  }
0x254: {  	v0 =	vld [tilespmem:s0+$0x6430];
	_ =	sdelay $0x1  }
0x255: {  	v53 =	vld [tilespmem:s18+$0xA470];
	_ =	sdelay $0x2  }
0x256: {  	v0 =	vmul.f32 $8.000000000e+00, v0;
	_ =	sdelay $0x1  }
0x257: {  	v0 =	vadd.f32 v53, v0;
	_ =	sdelay $0x1  }
0x258: {  	[tilespmem:s18+$0xA470] =	vst v0  }
0x259: {  	_ =	swait.ge [sflag:s10], $0x400  }
0x25a: {  	s9 =	sld [smem:$0x7F2];
	_ =	sdelay $0x2  }
0x25b: {  	[sflag:s10] =	ssyncset.done $0x0;
	s0 =	sshll.u32 s9, $0x7  }
0x25c: {  	[sflag:s10] =	ssyncadd.s32 $0xFFFFFC00;
	s0 =	sand.u32 $0x380, s0  }
0x25d: {  	v54 =	vld [tilespmem:s0+$0x6800];
	_ =	sdelay $0x1  }
0x25e: {  	v55 =	vld [tilespmem:s18+$0xA480];
	_ =	sdelay $0x2  }
0x25f: {  	v0 =	vmul.f32 $8.000000000e+00, v54;
	_ =	sdelay $0x1  }
0x260: {  	v0 =	vadd.f32 v55, v0;
	_ =	sdelay $0x1  }
0x261: {  	[tilespmem:s18+$0xA480] =	vst v0  }
0x262: {  	v0 =	vld [tilespmem:s0+$0x6810];
	_ =	sdelay $0x1  }
0x263: {  	v56 =	vld [tilespmem:s18+$0xA490];
	_ =	sdelay $0x2  }
0x264: {  	v0 =	vmul.f32 $8.000000000e+00, v0;
	_ =	sdelay $0x1  }
0x265: {  	v0 =	vadd.f32 v56, v0;
	_ =	sdelay $0x1  }
0x266: {  	[tilespmem:s18+$0xA490] =	vst v0  }
0x267: {  	v0 =	vld [tilespmem:s0+$0x6820];
	_ =	sdelay $0x1  }
0x268: {  	v57 =	vld [tilespmem:s18+$0xA4A0];
	_ =	sdelay $0x2  }
0x269: {  	v0 =	vmul.f32 $8.000000000e+00, v0;
	_ =	sdelay $0x1  }
0x26a: {  	v0 =	vadd.f32 v57, v0;
	_ =	sdelay $0x1  }
0x26b: {  	[tilespmem:s18+$0xA4A0] =	vst v0  }
0x26c: {  	v0 =	vld [tilespmem:s0+$0x6830];
	_ =	sdelay $0x1  }
0x26d: {  	v58 =	vld [tilespmem:s18+$0xA4B0];
	_ =	sdelay $0x2  }
0x26e: {  	v0 =	vmul.f32 $8.000000000e+00, v0;
	_ =	sdelay $0x1  }
0x26f: {  	v0 =	vadd.f32 v58, v0;
	_ =	sdelay $0x1  }
0x270: {  	[tilespmem:s18+$0xA4B0] =	vst v0  }
0x271: {  	_ =	swait.ge [sflag:s10], $0x400  }
0x272: {  	s11 =	sld [smem:$0x7F3];
	_ =	sdelay $0x2  }
0x273: {  	[sflag:s10] =	ssyncset.done $0x0;
	s0 =	sshll.u32 s11, $0x7  }
0x274: {  	[sflag:s10] =	ssyncadd.s32 $0xFFFFFC00;
	s0 =	sand.u32 $0x380, s0  }
0x275: {  	v59 =	vld [tilespmem:s0+$0x6C00];
	_ =	sdelay $0x1  }
0x276: {  	v60 =	vld [tilespmem:s18+$0xA4C0];
	_ =	sdelay $0x2  }
0x277: {  	v0 =	vmul.f32 $8.000000000e+00, v59;
	_ =	sdelay $0x1  }
0x278: {  	v0 =	vadd.f32 v60, v0;
	_ =	sdelay $0x1  }
0x279: {  	[tilespmem:s18+$0xA4C0] =	vst v0  }
0x27a: {  	v0 =	vld [tilespmem:s0+$0x6C10];
	_ =	sdelay $0x1  }
0x27b: {  	v61 =	vld [tilespmem:s18+$0xA4D0];
	_ =	sdelay $0x2  }
0x27c: {  	v0 =	vmul.f32 $8.000000000e+00, v0;
	_ =	sdelay $0x1  }
0x27d: {  	v0 =	vadd.f32 v61, v0;
	_ =	sdelay $0x1  }
0x27e: {  	[tilespmem:s18+$0xA4D0] =	vst v0  }
0x27f: {  	v0 =	vld [tilespmem:s0+$0x6C20];
	_ =	sdelay $0x1  }
0x280: {  	v62 =	vld [tilespmem:s18+$0xA4E0];
	_ =	sdelay $0x2  }
0x281: {  	v0 =	vmul.f32 $8.000000000e+00, v0;
	_ =	sdelay $0x1  }
0x282: {  	v0 =	vadd.f32 v62, v0;
	_ =	sdelay $0x1  }
0x283: {  	[tilespmem:s18+$0xA4E0] =	vst v0  }
0x284: {  	v0 =	vld [tilespmem:s0+$0x6C30];
	_ =	sdelay $0x1  }
0x285: {  	v63 =	vld [tilespmem:s18+$0xA4F0];
	_ =	sdelay $0x2  }
0x286: {  	v0 =	vmul.f32 $8.000000000e+00, v0;
	_ =	sdelay $0x1  }
0x287: {  	v0 =	vadd.f32 v63, v0;
	_ =	sdelay $0x1  }
0x288: {  	[tilespmem:s18+$0xA4F0] =	vst v0  }
0x289: {  	_ =	swait.ge [sflag:s10], $0x400  }
0x28a: {  	s12 =	sld [smem:$0x7F4];
	_ =	sdelay $0x2  }
0x28b: {  	[sflag:s10] =	ssyncset.done $0x0;
	s0 =	sshll.u32 s12, $0x7  }
0x28c: {  	[sflag:s10] =	ssyncadd.s32 $0xFFFFFC00;
	s0 =	sand.u32 $0x380, s0  }
0x28d: {  	v4 =	vld [tilespmem:s0+$0x7000];
	_ =	sdelay $0x1  }
0x28e: {  	v5 =	vld [tilespmem:s18+$0xA500];
	_ =	sdelay $0x2  }
0x28f: {  	v0 =	vmul.f32 $8.000000000e+00, v4;
	_ =	sdelay $0x1  }
0x290: {  	v0 =	vadd.f32 v5, v0;
	_ =	sdelay $0x1  }
0x291: {  	[tilespmem:s18+$0xA500] =	vst v0  }
0x292: {  	v0 =	vld [tilespmem:s0+$0x7010];
	_ =	sdelay $0x1  }
0x293: {  	v6 =	vld [tilespmem:s18+$0xA510];
	_ =	sdelay $0x2  }
0x294: {  	v0 =	vmul.f32 $8.000000000e+00, v0;
	_ =	sdelay $0x1  }
0x295: {  	v0 =	vadd.f32 v6, v0;
	_ =	sdelay $0x1  }
0x296: {  	[tilespmem:s18+$0xA510] =	vst v0  }
0x297: {  	v0 =	vld [tilespmem:s0+$0x7020];
	_ =	sdelay $0x1  }
0x298: {  	v7 =	vld [tilespmem:s18+$0xA520];
	_ =	sdelay $0x2  }
0x299: {  	v0 =	vmul.f32 $8.000000000e+00, v0;
	_ =	sdelay $0x1  }
0x29a: {  	v0 =	vadd.f32 v7, v0;
	_ =	sdelay $0x1  }
0x29b: {  	[tilespmem:s18+$0xA520] =	vst v0  }
0x29c: {  	v0 =	vld [tilespmem:s0+$0x7030];
	_ =	sdelay $0x1  }
0x29d: {  	v8 =	vld [tilespmem:s18+$0xA530];
	_ =	sdelay $0x2  }
0x29e: {  	v0 =	vmul.f32 $8.000000000e+00, v0;
	_ =	sdelay $0x1  }
0x29f: {  	v0 =	vadd.f32 v8, v0;
	_ =	sdelay $0x1  }
0x2a0: {  	[tilespmem:s18+$0xA530] =	vst v0  }
0x2a1: {  	_ =	swait.ge [sflag:s10], $0x400  }
0x2a2: {  	s15 =	sshll.u32 s31, $0x7;
	[sflag:s10] =	ssyncset.done $0x0  }
0x2a3: {  	s0 =	sand.u32 $0x380, s15;
	[sflag:s10] =	ssyncadd.s32 $0xFFFFFC00  }
0x2a4: {  	v9 =	vld [tilespmem:s0+$0x7400];
	_ =	sdelay $0x1  }
0x2a5: {  	v10 =	vld [tilespmem:s18+$0xA540];
	_ =	sdelay $0x2  }
0x2a6: {  	v0 =	vmul.f32 $8.000000000e+00, v9;
	_ =	sdelay $0x1  }
0x2a7: {  	v0 =	vadd.f32 v10, v0;
	_ =	sdelay $0x1  }
0x2a8: {  	[tilespmem:s18+$0xA540] =	vst v0  }
0x2a9: {  	v0 =	vld [tilespmem:s0+$0x7410];
	_ =	sdelay $0x1  }
0x2aa: {  	v11 =	vld [tilespmem:s18+$0xA550];
	_ =	sdelay $0x2  }
0x2ab: {  	v0 =	vmul.f32 $8.000000000e+00, v0;
	_ =	sdelay $0x1  }
0x2ac: {  	v0 =	vadd.f32 v11, v0;
	_ =	sdelay $0x1  }
0x2ad: {  	[tilespmem:s18+$0xA550] =	vst v0  }
0x2ae: {  	v0 =	vld [tilespmem:s0+$0x7420];
	_ =	sdelay $0x1  }
0x2af: {  	v12 =	vld [tilespmem:s18+$0xA560];
	_ =	sdelay $0x2  }
0x2b0: {  	v0 =	vmul.f32 $8.000000000e+00, v0;
	_ =	sdelay $0x1  }
0x2b1: {  	v0 =	vadd.f32 v12, v0;
	_ =	sdelay $0x1  }
0x2b2: {  	[tilespmem:s18+$0xA560] =	vst v0  }
0x2b3: {  	v0 =	vld [tilespmem:s0+$0x7430];
	_ =	sdelay $0x1  }
0x2b4: {  	v13 =	vld [tilespmem:s18+$0xA570];
	_ =	sdelay $0x2  }
0x2b5: {  	v0 =	vmul.f32 $8.000000000e+00, v0;
	_ =	sdelay $0x1  }
0x2b6: {  	v0 =	vadd.f32 v13, v0;
	_ =	sdelay $0x1  }
0x2b7: {  	[tilespmem:s18+$0xA570] =	vst v0  }
0x2b8: {  	_ =	swait.ge [sflag:s10], $0x400  }
0x2b9: {  	s16 =	sshll.u32 s30, $0x7;
	[sflag:s10] =	ssyncset.done $0x0  }
0x2ba: {  	s0 =	sand.u32 $0x380, s16;
	[sflag:s10] =	ssyncadd.s32 $0xFFFFFC00  }
0x2bb: {  	v14 =	vld [tilespmem:s0+$0x7800];
	_ =	sdelay $0x1  }
0x2bc: {  	v15 =	vld [tilespmem:s18+$0xA580];
	_ =	sdelay $0x2  }
0x2bd: {  	v0 =	vmul.f32 $8.000000000e+00, v14;
	_ =	sdelay $0x1  }
0x2be: {  	v0 =	vadd.f32 v15, v0;
	_ =	sdelay $0x1  }
0x2bf: {  	[tilespmem:s18+$0xA580] =	vst v0  }
0x2c0: {  	v0 =	vld [tilespmem:s0+$0x7810];
	_ =	sdelay $0x1  }
0x2c1: {  	v16 =	vld [tilespmem:s18+$0xA590];
	_ =	sdelay $0x2  }
0x2c2: {  	v0 =	vmul.f32 $8.000000000e+00, v0;
	_ =	sdelay $0x1  }
0x2c3: {  	v0 =	vadd.f32 v16, v0;
	_ =	sdelay $0x1  }
0x2c4: {  	[tilespmem:s18+$0xA590] =	vst v0  }
0x2c5: {  	v0 =	vld [tilespmem:s0+$0x7820];
	_ =	sdelay $0x1  }
0x2c6: {  	v17 =	vld [tilespmem:s18+$0xA5A0];
	_ =	sdelay $0x2  }
0x2c7: {  	v0 =	vmul.f32 $8.000000000e+00, v0;
	_ =	sdelay $0x1  }
0x2c8: {  	v0 =	vadd.f32 v17, v0;
	_ =	sdelay $0x1  }
0x2c9: {  	[tilespmem:s18+$0xA5A0] =	vst v0  }
0x2ca: {  	v0 =	vld [tilespmem:s0+$0x7830];
	_ =	sdelay $0x1  }
0x2cb: {  	v18 =	vld [tilespmem:s18+$0xA5B0];
	_ =	sdelay $0x2  }
0x2cc: {  	v0 =	vmul.f32 $8.000000000e+00, v0;
	_ =	sdelay $0x1  }
0x2cd: {  	v0 =	vadd.f32 v18, v0;
	_ =	sdelay $0x1  }
0x2ce: {  	[tilespmem:s18+$0xA5B0] =	vst v0  }
0x2cf: {  	_ =	swait.ge [sflag:s10], $0x400  }
0x2d0: {  	s17 =	sshll.u32 s29, $0x7;
	[sflag:s10] =	ssyncset.done $0x0  }
0x2d1: {  	s0 =	sand.u32 $0x380, s17;
	[sflag:s10] =	ssyncadd.s32 $0xFFFFFC00  }
0x2d2: {  	v19 =	vld [tilespmem:s0+$0x7C00];
	_ =	sdelay $0x1  }
0x2d3: {  	v20 =	vld [tilespmem:s18+$0xA5C0];
	_ =	sdelay $0x2  }
0x2d4: {  	v0 =	vmul.f32 $8.000000000e+00, v19;
	_ =	sdelay $0x1  }
0x2d5: {  	v0 =	vadd.f32 v20, v0;
	_ =	sdelay $0x1  }
0x2d6: {  	[tilespmem:s18+$0xA5C0] =	vst v0  }
0x2d7: {  	v0 =	vld [tilespmem:s0+$0x7C10];
	_ =	sdelay $0x1  }
0x2d8: {  	v21 =	vld [tilespmem:s18+$0xA5D0];
	_ =	sdelay $0x2  }
0x2d9: {  	v0 =	vmul.f32 $8.000000000e+00, v0;
	_ =	sdelay $0x1  }
0x2da: {  	v0 =	vadd.f32 v21, v0;
	_ =	sdelay $0x1  }
0x2db: {  	[tilespmem:s18+$0xA5D0] =	vst v0  }
0x2dc: {  	v0 =	vld [tilespmem:s0+$0x7C20];
	_ =	sdelay $0x1  }
0x2dd: {  	v22 =	vld [tilespmem:s18+$0xA5E0];
	_ =	sdelay $0x2  }
0x2de: {  	v0 =	vmul.f32 $8.000000000e+00, v0;
	_ =	sdelay $0x1  }
0x2df: {  	v0 =	vadd.f32 v22, v0;
	_ =	sdelay $0x1  }
0x2e0: {  	[tilespmem:s18+$0xA5E0] =	vst v0  }
0x2e1: {  	v0 =	vld [tilespmem:s0+$0x7C30];
	_ =	sdelay $0x1  }
0x2e2: {  	v23 =	vld [tilespmem:s18+$0xA5F0];
	_ =	sdelay $0x2  }
0x2e3: {  	v0 =	vmul.f32 $8.000000000e+00, v0;
	_ =	sdelay $0x1  }
0x2e4: {  	v0 =	vadd.f32 v23, v0;
	_ =	sdelay $0x1  }
0x2e5: {  	[tilespmem:s18+$0xA5F0] =	vst v0  }
0x2e6: {  	_ =	swait.ge [sflag:s10], $0x400  }
0x2e7: {  	s21 =	sshll.u32 s5, $0x7;
	[sflag:s10] =	ssyncset.done $0x0  }
0x2e8: {  	s0 =	sand.u32 $0x380, s21;
	[sflag:s10] =	ssyncadd.s32 $0xFFFFFC00  }
0x2e9: {  	v24 =	vld [tilespmem:s0+$0x8000];
	_ =	sdelay $0x1  }
0x2ea: {  	v25 =	vld [tilespmem:s18+$0xA600];
	_ =	sdelay $0x2  }
0x2eb: {  	v0 =	vmul.f32 $8.000000000e+00, v24;
	_ =	sdelay $0x1  }
0x2ec: {  	v0 =	vadd.f32 v25, v0;
	_ =	sdelay $0x1  }
0x2ed: {  	[tilespmem:s18+$0xA600] =	vst v0  }
0x2ee: {  	v0 =	vld [tilespmem:s0+$0x8010];
	_ =	sdelay $0x1  }
0x2ef: {  	v26 =	vld [tilespmem:s18+$0xA610];
	_ =	sdelay $0x2  }
0x2f0: {  	v0 =	vmul.f32 $8.000000000e+00, v0;
	_ =	sdelay $0x1  }
0x2f1: {  	v0 =	vadd.f32 v26, v0;
	_ =	sdelay $0x1  }
0x2f2: {  	[tilespmem:s18+$0xA610] =	vst v0  }
0x2f3: {  	v0 =	vld [tilespmem:s0+$0x8020];
	_ =	sdelay $0x1  }
0x2f4: {  	v27 =	vld [tilespmem:s18+$0xA620];
	_ =	sdelay $0x2  }
0x2f5: {  	v0 =	vmul.f32 $8.000000000e+00, v0;
	_ =	sdelay $0x1  }
0x2f6: {  	v0 =	vadd.f32 v27, v0;
	_ =	sdelay $0x1  }
0x2f7: {  	[tilespmem:s18+$0xA620] =	vst v0  }
0x2f8: {  	v0 =	vld [tilespmem:s0+$0x8030];
	_ =	sdelay $0x1  }
0x2f9: {  	v28 =	vld [tilespmem:s18+$0xA630];
	_ =	sdelay $0x2  }
0x2fa: {  	v0 =	vmul.f32 $8.000000000e+00, v0;
	_ =	sdelay $0x1  }
0x2fb: {  	v0 =	vadd.f32 v28, v0;
	_ =	sdelay $0x1  }
0x2fc: {  	[tilespmem:s18+$0xA630] =	vst v0  }
0x2fd: {  	_ =	swait.ge [sflag:s10], $0x400  }
0x2fe: {  	s22 =	sshll.u32 s6, $0x7;
	[sflag:s10] =	ssyncset.done $0x0  }
0x2ff: {  	s0 =	sand.u32 $0x380, s22;
	[sflag:s10] =	ssyncadd.s32 $0xFFFFFC00  }
0x300: {  	v29 =	vld [tilespmem:s0+$0x8400];
	_ =	sdelay $0x1  }
0x301: {  	v30 =	vld [tilespmem:s18+$0xA640];
	_ =	sdelay $0x2  }
0x302: {  	v0 =	vmul.f32 $8.000000000e+00, v29;
	_ =	sdelay $0x1  }
0x303: {  	v0 =	vadd.f32 v30, v0;
	_ =	sdelay $0x1  }
0x304: {  	[tilespmem:s18+$0xA640] =	vst v0  }
0x305: {  	v0 =	vld [tilespmem:s0+$0x8410];
	_ =	sdelay $0x1  }
0x306: {  	v31 =	vld [tilespmem:s18+$0xA650];
	_ =	sdelay $0x2  }
0x307: {  	v0 =	vmul.f32 $8.000000000e+00, v0;
	_ =	sdelay $0x1  }
0x308: {  	v0 =	vadd.f32 v31, v0;
	_ =	sdelay $0x1  }
0x309: {  	[tilespmem:s18+$0xA650] =	vst v0  }
0x30a: {  	v0 =	vld [tilespmem:s0+$0x8420];
	_ =	sdelay $0x1  }
0x30b: {  	v32 =	vld [tilespmem:s18+$0xA660];
	_ =	sdelay $0x2  }
0x30c: {  	v0 =	vmul.f32 $8.000000000e+00, v0;
	_ =	sdelay $0x1  }
0x30d: {  	v0 =	vadd.f32 v32, v0;
	_ =	sdelay $0x1  }
0x30e: {  	[tilespmem:s18+$0xA660] =	vst v0  }
0x30f: {  	v0 =	vld [tilespmem:s0+$0x8430];
	_ =	sdelay $0x1  }
0x310: {  	v33 =	vld [tilespmem:s18+$0xA670];
	_ =	sdelay $0x2  }
0x311: {  	v0 =	vmul.f32 $8.000000000e+00, v0;
	_ =	sdelay $0x1  }
0x312: {  	v0 =	vadd.f32 v33, v0;
	_ =	sdelay $0x1  }
0x313: {  	[tilespmem:s18+$0xA670] =	vst v0  }
0x314: {  	_ =	swait.ge [sflag:s10], $0x400  }
0x315: {  	s23 =	sshll.u32 s28, $0x7;
	[sflag:s10] =	ssyncset.done $0x0  }
0x316: {  	s0 =	sand.u32 $0x380, s23;
	[sflag:s10] =	ssyncadd.s32 $0xFFFFFC00  }
0x317: {  	v34 =	vld [tilespmem:s0+$0x8800];
	_ =	sdelay $0x1  }
0x318: {  	v35 =	vld [tilespmem:s18+$0xA680];
	_ =	sdelay $0x2  }
0x319: {  	v0 =	vmul.f32 $8.000000000e+00, v34;
	_ =	sdelay $0x1  }
0x31a: {  	v0 =	vadd.f32 v35, v0;
	_ =	sdelay $0x1  }
0x31b: {  	[tilespmem:s18+$0xA680] =	vst v0  }
0x31c: {  	v0 =	vld [tilespmem:s0+$0x8810];
	_ =	sdelay $0x1  }
0x31d: {  	v36 =	vld [tilespmem:s18+$0xA690];
	_ =	sdelay $0x2  }
0x31e: {  	v0 =	vmul.f32 $8.000000000e+00, v0;
	_ =	sdelay $0x1  }
0x31f: {  	v0 =	vadd.f32 v36, v0;
	_ =	sdelay $0x1  }
0x320: {  	[tilespmem:s18+$0xA690] =	vst v0  }
0x321: {  	v0 =	vld [tilespmem:s0+$0x8820];
	_ =	sdelay $0x1  }
0x322: {  	v37 =	vld [tilespmem:s18+$0xA6A0];
	_ =	sdelay $0x2  }
0x323: {  	v0 =	vmul.f32 $8.000000000e+00, v0;
	_ =	sdelay $0x1  }
0x324: {  	v0 =	vadd.f32 v37, v0;
	_ =	sdelay $0x1  }
0x325: {  	[tilespmem:s18+$0xA6A0] =	vst v0  }
0x326: {  	v0 =	vld [tilespmem:s0+$0x8830];
	_ =	sdelay $0x1  }
0x327: {  	v38 =	vld [tilespmem:s18+$0xA6B0];
	_ =	sdelay $0x2  }
0x328: {  	v0 =	vmul.f32 $8.000000000e+00, v0;
	_ =	sdelay $0x1  }
0x329: {  	v0 =	vadd.f32 v38, v0;
	_ =	sdelay $0x1  }
0x32a: {  	[tilespmem:s18+$0xA6B0] =	vst v0  }
0x32b: {  	_ =	swait.ge [sflag:s10], $0x400  }
0x32c: {  	s26 =	sshll.u32 s26, $0x7;
	[sflag:s10] =	ssyncset.done $0x0  }
0x32d: {  	s0 =	sand.u32 $0x380, s26;
	[sflag:s10] =	ssyncadd.s32 $0xFFFFFC00  }
0x32e: {  	v39 =	vld [tilespmem:s0+$0x8C00];
	_ =	sdelay $0x1  }
0x32f: {  	v40 =	vld [tilespmem:s18+$0xA6C0];
	_ =	sdelay $0x2  }
0x330: {  	v0 =	vmul.f32 $8.000000000e+00, v39;
	_ =	sdelay $0x1  }
0x331: {  	v0 =	vadd.f32 v40, v0;
	_ =	sdelay $0x1  }
0x332: {  	[tilespmem:s18+$0xA6C0] =	vst v0  }
0x333: {  	v0 =	vld [tilespmem:s0+$0x8C10];
	_ =	sdelay $0x1  }
0x334: {  	v41 =	vld [tilespmem:s18+$0xA6D0];
	_ =	sdelay $0x2  }
0x335: {  	v0 =	vmul.f32 $8.000000000e+00, v0;
	_ =	sdelay $0x1  }
0x336: {  	v0 =	vadd.f32 v41, v0;
	_ =	sdelay $0x1  }
0x337: {  	[tilespmem:s18+$0xA6D0] =	vst v0  }
0x338: {  	v0 =	vld [tilespmem:s0+$0x8C20];
	_ =	sdelay $0x1  }
0x339: {  	v42 =	vld [tilespmem:s18+$0xA6E0];
	_ =	sdelay $0x2  }
0x33a: {  	v0 =	vmul.f32 $8.000000000e+00, v0;
	_ =	sdelay $0x1  }
0x33b: {  	v0 =	vadd.f32 v42, v0;
	_ =	sdelay $0x1  }
0x33c: {  	[tilespmem:s18+$0xA6E0] =	vst v0  }
0x33d: {  	v0 =	vld [tilespmem:s0+$0x8C30];
	_ =	sdelay $0x1  }
0x33e: {  	v43 =	vld [tilespmem:s18+$0xA6F0];
	_ =	sdelay $0x2  }
0x33f: {  	v0 =	vmul.f32 $8.000000000e+00, v0;
	_ =	sdelay $0x1  }
0x340: {  	v0 =	vadd.f32 v43, v0;
	_ =	sdelay $0x1  }
0x341: {  	[tilespmem:s18+$0xA6F0] =	vst v0  }
0x342: {  	_ =	swait.ge [sflag:s10], $0x400  }
0x343: {  	s28 =	sshll.u32 s25, $0x7;
	[sflag:s10] =	ssyncset.done $0x0  }
0x344: {  	s0 =	sand.u32 $0x380, s28;
	[sflag:s10] =	ssyncadd.s32 $0xFFFFFC00  }
0x345: {  	v44 =	vld [tilespmem:s0+$0x9000];
	_ =	sdelay $0x1  }
0x346: {  	v45 =	vld [tilespmem:s18+$0xA700];
	_ =	sdelay $0x2  }
0x347: {  	v0 =	vmul.f32 $8.000000000e+00, v44;
	_ =	sdelay $0x1  }
0x348: {  	v0 =	vadd.f32 v45, v0;
	_ =	sdelay $0x1  }
0x349: {  	[tilespmem:s18+$0xA700] =	vst v0  }
0x34a: {  	v0 =	vld [tilespmem:s0+$0x9010];
	_ =	sdelay $0x1  }
0x34b: {  	v46 =	vld [tilespmem:s18+$0xA710];
	_ =	sdelay $0x2  }
0x34c: {  	v0 =	vmul.f32 $8.000000000e+00, v0;
	_ =	sdelay $0x1  }
0x34d: {  	v0 =	vadd.f32 v46, v0;
	_ =	sdelay $0x1  }
0x34e: {  	[tilespmem:s18+$0xA710] =	vst v0  }
0x34f: {  	v0 =	vld [tilespmem:s0+$0x9020];
	_ =	sdelay $0x1  }
0x350: {  	v47 =	vld [tilespmem:s18+$0xA720];
	_ =	sdelay $0x2  }
0x351: {  	v0 =	vmul.f32 $8.000000000e+00, v0;
	_ =	sdelay $0x1  }
0x352: {  	v0 =	vadd.f32 v47, v0;
	_ =	sdelay $0x1  }
0x353: {  	[tilespmem:s18+$0xA720] =	vst v0  }
0x354: {  	v0 =	vld [tilespmem:s0+$0x9030];
	_ =	sdelay $0x1  }
0x355: {  	v48 =	vld [tilespmem:s18+$0xA730];
	_ =	sdelay $0x2  }
0x356: {  	v0 =	vmul.f32 $8.000000000e+00, v0;
	_ =	sdelay $0x1  }
0x357: {  	v0 =	vadd.f32 v48, v0;
	_ =	sdelay $0x1  }
0x358: {  	[tilespmem:s18+$0xA730] =	vst v0  }
0x359: {  	_ =	swait.ge [sflag:s10], $0x400  }
0x35a: {  	s29 =	sshll.u32 s20, $0x7;
	[sflag:s10] =	ssyncset.done $0x0  }
0x35b: {  	s0 =	sand.u32 $0x380, s29;
	[sflag:s10] =	ssyncadd.s32 $0xFFFFFC00  }
0x35c: {  	v49 =	vld [tilespmem:s0+$0x9400];
	_ =	sdelay $0x1  }
0x35d: {  	v50 =	vld [tilespmem:s18+$0xA740];
	_ =	sdelay $0x2  }
0x35e: {  	v0 =	vmul.f32 $8.000000000e+00, v49;
	_ =	sdelay $0x1  }
0x35f: {  	v0 =	vadd.f32 v50, v0;
	_ =	sdelay $0x1  }
0x360: {  	[tilespmem:s18+$0xA740] =	vst v0  }
0x361: {  	v0 =	vld [tilespmem:s0+$0x9410];
	_ =	sdelay $0x1  }
0x362: {  	v51 =	vld [tilespmem:s18+$0xA750];
	_ =	sdelay $0x2  }
0x363: {  	v0 =	vmul.f32 $8.000000000e+00, v0;
	_ =	sdelay $0x1  }
0x364: {  	v0 =	vadd.f32 v51, v0;
	_ =	sdelay $0x1  }
0x365: {  	[tilespmem:s18+$0xA750] =	vst v0  }
0x366: {  	v0 =	vld [tilespmem:s0+$0x9420];
	_ =	sdelay $0x1  }
0x367: {  	v52 =	vld [tilespmem:s18+$0xA760];
	_ =	sdelay $0x2  }
0x368: {  	v0 =	vmul.f32 $8.000000000e+00, v0;
	_ =	sdelay $0x1  }
0x369: {  	v0 =	vadd.f32 v52, v0;
	_ =	sdelay $0x1  }
0x36a: {  	[tilespmem:s18+$0xA760] =	vst v0  }
0x36b: {  	v0 =	vld [tilespmem:s0+$0x9430];
	_ =	sdelay $0x1  }
0x36c: {  	v53 =	vld [tilespmem:s18+$0xA770];
	_ =	sdelay $0x2  }
0x36d: {  	v0 =	vmul.f32 $8.000000000e+00, v0;
	_ =	sdelay $0x1  }
0x36e: {  	v0 =	vadd.f32 v53, v0;
	_ =	sdelay $0x1  }
0x36f: {  	[tilespmem:s18+$0xA770] =	vst v0  }
0x370: {  	_ =	swait.ge [sflag:s10], $0x400  }
0x371: {  	s30 =	sshll.u32 s14, $0x7;
	[sflag:s10] =	ssyncset.done $0x0  }
0x372: {  	s0 =	sand.u32 $0x380, s30;
	[sflag:s10] =	ssyncadd.s32 $0xFFFFFC00  }
0x373: {  	v54 =	vld [tilespmem:s0+$0x9800];
	_ =	sdelay $0x1  }
0x374: {  	v55 =	vld [tilespmem:s18+$0xA780];
	_ =	sdelay $0x2  }
0x375: {  	v0 =	vmul.f32 $8.000000000e+00, v54;
	_ =	sdelay $0x1  }
0x376: {  	v0 =	vadd.f32 v55, v0;
	_ =	sdelay $0x1  }
0x377: {  	[tilespmem:s18+$0xA780] =	vst v0  }
0x378: {  	v0 =	vld [tilespmem:s0+$0x9810];
	_ =	sdelay $0x1  }
0x379: {  	v56 =	vld [tilespmem:s18+$0xA790];
	_ =	sdelay $0x2  }
0x37a: {  	v0 =	vmul.f32 $8.000000000e+00, v0;
	_ =	sdelay $0x1  }
0x37b: {  	v0 =	vadd.f32 v56, v0;
	_ =	sdelay $0x1  }
0x37c: {  	[tilespmem:s18+$0xA790] =	vst v0  }
0x37d: {  	v0 =	vld [tilespmem:s0+$0x9820];
	_ =	sdelay $0x1  }
0x37e: {  	v57 =	vld [tilespmem:s18+$0xA7A0];
	_ =	sdelay $0x2  }
0x37f: {  	v0 =	vmul.f32 $8.000000000e+00, v0;
	_ =	sdelay $0x1  }
0x380: {  	v0 =	vadd.f32 v57, v0;
	_ =	sdelay $0x1  }
0x381: {  	[tilespmem:s18+$0xA7A0] =	vst v0  }
0x382: {  	v0 =	vld [tilespmem:s0+$0x9830];
	_ =	sdelay $0x1  }
0x383: {  	v58 =	vld [tilespmem:s18+$0xA7B0];
	_ =	sdelay $0x2  }
0x384: {  	v0 =	vmul.f32 $8.000000000e+00, v0;
	_ =	sdelay $0x1  }
0x385: {  	v0 =	vadd.f32 v58, v0;
	_ =	sdelay $0x1  }
0x386: {  	[tilespmem:s18+$0xA7B0] =	vst v0  }
0x387: {  	_ =	swait.ge [sflag:s10], $0x400  }
0x388: {  	s31 =	sshll.u32 s13, $0x7;
	[sflag:s10] =	ssyncset.done $0x0  }
0x389: {  	s0 =	sand.u32 $0x380, s31;
	[sflag:s10] =	ssyncadd.s32 $0xFFFFFC00  }
0x38a: {  	v59 =	vld [tilespmem:s0+$0x9C00];
	_ =	sdelay $0x1  }
0x38b: {  	v60 =	vld [tilespmem:s18+$0xA7C0];
	_ =	sdelay $0x2  }
0x38c: {  	v0 =	vmul.f32 $8.000000000e+00, v59;
	_ =	sdelay $0x1  }
0x38d: {  	v0 =	vadd.f32 v60, v0;
	_ =	sdelay $0x1  }
0x38e: {  	[tilespmem:s18+$0xA7C0] =	vst v0  }
0x38f: {  	v0 =	vld [tilespmem:s0+$0x9C10];
	_ =	sdelay $0x1  }
0x390: {  	v61 =	vld [tilespmem:s18+$0xA7D0];
	_ =	sdelay $0x2  }
0x391: {  	v0 =	vmul.f32 $8.000000000e+00, v0;
	_ =	sdelay $0x1  }
0x392: {  	v0 =	vadd.f32 v61, v0;
	_ =	sdelay $0x1  }
0x393: {  	[tilespmem:s18+$0xA7D0] =	vst v0  }
0x394: {  	v0 =	vld [tilespmem:s0+$0x9C20];
	_ =	sdelay $0x1  }
0x395: {  	v62 =	vld [tilespmem:s18+$0xA7E0];
	_ =	sdelay $0x2  }
0x396: {  	v0 =	vmul.f32 $8.000000000e+00, v0;
	_ =	sdelay $0x1  }
0x397: {  	v0 =	vadd.f32 v62, v0;
	_ =	sdelay $0x1  }
0x398: {  	[tilespmem:s18+$0xA7E0] =	vst v0  }
0x399: {  	v0 =	vld [tilespmem:s0+$0x9C30];
	_ =	sdelay $0x1  }
0x39a: {  	v63 =	vld [tilespmem:s18+$0xA7F0];
	_ =	sdelay $0x1  }
0x39b: {  	p0 =	sne.s32 s1, $0x7  }
.Ltmp0:
0x39c: {  	v0 =	vmul.f32 $8.000000000e+00, v0;
	(pc) =	sbr.rel @p0 .LBB2_2-.Ltmp0, $3  }
0x39d: {  	_ = 	snop  }
0x39e: {  	v0 =	vadd.f32 v63, v0;
	_ =	sdelay $0x1  }
0x39f: {  	s19 =	simm.s32 $0x0;
	s1 =	sadd.s32 $0x1, s1;
	[tilespmem:s18+$0xA7F0] =	vst v0  }
0x3a0: {  	s0 =	sld [smem:$0x7F8];
	_ =	sdelay $0x1  }
0x3a1: {  	s3 =	simm.s32 $0xA000;
	s1 =	simm.s32 $0x2  }
0x3a2: {  	[hbm4b:s0+s19] =	stream.linear.scatter [tilespmem:s3], [sflag:$0x2], $0x4000, $0x38;
	[tilespmem:$0xE000] =	vst v63  }
0x3a3: {  	_ =	swait.ge [sflag:s1], $0x4000  }
0x3a4: {  	s5 =	sld [smem:$0x7F5]  }
0x3a5: {  	s31 =	sld [smem:$0x7F9];
	_ =	sdelay $0x1  }
0x3a6: {  	s5 =	sadd.s32 $0x1, s5  }
0x3a7: {  	p0 =	sne.s32 s5, s31  }
.Ltmp1:
0x3a8: {  	_ = 	snop;
	(pc) =	sbr.rel @p0 .LBB2_1-.Ltmp1, $3  }
0x3a9: {  	_ =	sdelay $0x1  }
0x3aa: {  	[sflag:s1] =	ssyncset.done $0x0  }
0x3ab: {  	[sflag:s1] =	ssyncadd.s32 $0xFFFFC000  }
0x3ac: {  	_ =	sfence.sel $0x180000  }
0x3ad: {  	[bflag:$0x0] =	sbarrier.arrive $0xFFFF  }
0x3ae: {  	_ =	strace $0x90000047  }
0x3af: {  	s0 =	stileid.u32;
	[bflag:$0x2] =	sbarrier.arrive $0xFFFF  }
0x3b0: {  	p0 =	sne.s32 s0, $0x0;
	s0 =	rddreg [dreg:$0x2]  }
0x3b1: {  	s0 =	sadd.s32 @!p0 $0x100000, s0  }
0x3b2: {  	[sflag:s0] =	ssyncadd.tile.s32 @!p0 $0x1;
	_ =	shalt  }
.Lfunc_end2:
_tile_overlayer_lowered:
.L_overlay_start_2:
0x3b3: {  	(tag) =	ssettag $0x2  }
0x3b4: {  	s0 =	rddreg [dreg:$0x0];
	s2 =	stileid.u32  }
0x3b5: {  	s1 =	rddreg [dreg:$0x1];
	p0 =	sne.s32 s2, $0x0  }
0x3b6: {  	s3 =	rddreg [dreg:$0x2];
	[bflag:$0x3] =	sbarrier.arrive $0xFFFF;
	s2 =	simm.s32 @!p0 $0x1C02  }
0x3b7: {  	[timem:s3], [sflag:s2] =	dma.local @!p0 [hbm:s0], s1  }
0x3b8: {  	s0 =	simm.s32 @!p0 $0x2  }
0x3b9: {  	_ =	swait.ge @!p0 [sflag:s0], s1  }
0x3ba: {  	s1 =	ssub.s32 @!p0 $0x0, s1;
	[sflag:s0] =	ssyncset.done @!p0 $0x0  }
0x3bb: {  	[sflag:s0] =	ssyncadd.s32 @!p0 s1  }
0x3bc: {  	[bflag:$0x3] =	sbarrier.arrive $0xFFFF  }
0x3bd: {  	_ =	shalt  }

</sc_bundles>
